<compile_context>
chip_gen: v7x
topology: tpu7x:2x2x1
jax: 0.10.2.dev20260603
libtpu: 0.0.44.dev20260713+nightly
codegen_flags: <defaults>
</compile_context>

<pallas_src>
import jax
import jax.numpy as jnp
from jax import lax
from jax.experimental import pallas as pl
from jax.experimental.pallas import tpu as pltpu
from jax.experimental.pallas import tpu_sc as plsc

_N = 10000
_E = 320000
_D = 128
_FE = 4
_FE16 = 16
_G = 64
_OUT = 64

_NC = 2
_NS = 16
_NW = _NC * _NS
_EPW = _E // _NW
_B = 128
_CPW = _EPW // _B
_TB = _EPW - _CPW * _B
_RPT = 640
_NPAD = _NS * _RPT


def _edges_body(ea_hbm, src_hbm, ze_hbm, eout_hbm, idx_s, erows, idx_t, erows_t,
                acce, ssem):
    cid = lax.axis_index("c")
    sid = lax.axis_index("s")
    wid = sid * _NC + cid
    r0 = sid * _RPT
    pltpu.sync_copy(ze_hbm, erows.at[0])
    for k in range(_RPT // _B):
        pltpu.sync_copy(erows.at[0], acce.at[pl.ds(r0 + k * _B, _B)])
    plsc.subcore_barrier()
    base = wid * _EPW

    def ld(c, b):
        pltpu.sync_copy(src_hbm.at[pl.ds(base + c * _B, _B)], idx_s.at[b])
        pltpu.sync_copy(ea_hbm.at[pl.ds(base + c * _B, _B)], erows.at[b])

    def wait_s(b):
        pltpu.make_async_copy(ea_hbm.at[pl.ds(0, _B)], erows.at[b], ssem).wait()

    ld(0, 0)
    pltpu.async_copy(erows.at[0], acce.at[idx_s.at[0]], ssem, add=True)
    ld(1, 1)

    def step(c, carry):
        b = lax.rem(c, 2)
        wait_s(1 - b)
        pltpu.async_copy(erows.at[b], acce.at[idx_s.at[b]], ssem, add=True)
        ld(c + 1, 1 - b)
        return carry

    lax.fori_loop(1, _CPW - 1, step, 0)

    c = _CPW - 1
    wait_s(1 - c % 2)
    pltpu.async_copy(erows.at[c % 2], acce.at[idx_s.at[c % 2]], ssem, add=True)
    wait_s(c % 2)
    t0 = base + _CPW * _B
    pltpu.sync_copy(src_hbm.at[pl.ds(t0, _TB)], idx_t)
    pltpu.sync_copy(ea_hbm.at[pl.ds(t0, _TB)], erows_t)
    pltpu.sync_copy(erows_t, acce.at[idx_t], add=True)
    plsc.subcore_barrier()
    for k in range(_RPT // _B):
        pltpu.sync_copy(acce.at[pl.ds(r0 + k * _B, _B)], erows.at[0])
        pltpu.sync_copy(erows.at[0], eout_hbm.at[cid, pl.ds(r0 + k * _B, _B)])


def _spmm_body(h_hbm, src_hbm, dst_hbm, z_hbm, out_hbm,
               idx_s, idx_d, rows, idx_st, idx_dt, rows_t, acc, gsem, ssem):
    cid = lax.axis_index("c")
    sid = lax.axis_index("s")
    wid = sid * _NC + cid
    r0 = sid * _RPT
    pltpu.sync_copy(z_hbm, rows.at[0])
    for k in range(_RPT // _B):
        pltpu.sync_copy(rows.at[0], acc.at[pl.ds(r0 + k * _B, _B)])
    plsc.subcore_barrier()
    base = wid * _EPW

    def ld_idx(c, slot):
        e0 = base + c * _B
        pltpu.sync_copy(src_hbm.at[pl.ds(e0, _B)], idx_s.at[slot])
        pltpu.sync_copy(dst_hbm.at[pl.ds(e0, _B)], idx_d.at[slot])

    def wait_g(b):
        pltpu.make_async_copy(h_hbm.at[pl.ds(0, _B)], rows.at[b], gsem).wait()

    def wait_s(b):
        pltpu.make_async_copy(h_hbm.at[pl.ds(0, _B)], rows.at[b], ssem).wait()

    ld_idx(0, 0)
    ld_idx(1, 1)
    pltpu.async_copy(h_hbm.at[idx_d.at[0]], rows.at[0], gsem)
    wait_g(0)
    pltpu.async_copy(h_hbm.at[idx_d.at[1]], rows.at[1], gsem)
    pltpu.async_copy(rows.at[0], acc.at[idx_s.at[0]], ssem, add=True)
    ld_idx(2, 2)

    def step(c, carry):
        b = lax.rem(c, 2)
        wait_g(b)
        wait_s(1 - b)
        pltpu.async_copy(h_hbm.at[idx_d.at[lax.rem(c + 1, 4)]],
                         rows.at[1 - b], gsem)
        pltpu.async_copy(rows.at[b], acc.at[idx_s.at[lax.rem(c, 4)]], ssem,
                         add=True)
        ld_idx(c + 2, lax.rem(c + 2, 4))
        return carry

    lax.fori_loop(1, _CPW - 2, step, 0)

    c = _CPW - 2
    wait_g(c % 2)
    wait_s(1 - c % 2)
    pltpu.async_copy(h_hbm.at[idx_d.at[(c + 1) % 4]], rows.at[1 - c % 2], gsem)
    pltpu.async_copy(rows.at[c % 2], acc.at[idx_s.at[c % 4]], ssem, add=True)
    c = _CPW - 1
    wait_g(c % 2)
    wait_s(1 - c % 2)
    pltpu.async_copy(rows.at[c % 2], acc.at[idx_s.at[c % 4]], ssem, add=True)
    wait_s(c % 2)
    t0 = base + _CPW * _B
    pltpu.sync_copy(src_hbm.at[pl.ds(t0, _TB)], idx_st)
    pltpu.sync_copy(dst_hbm.at[pl.ds(t0, _TB)], idx_dt)
    pltpu.async_copy(h_hbm.at[idx_dt], rows_t, gsem).wait()
    pltpu.sync_copy(rows_t, acc.at[idx_st], add=True)
    plsc.subcore_barrier()
    nk = _RPT // _B
    pltpu.sync_copy(acc.at[pl.ds(r0, _B)], rows.at[0])
    pltpu.async_copy(rows.at[0], out_hbm.at[cid, pl.ds(r0, _B)], gsem)
    for k in range(1, nk):
        pltpu.sync_copy(acc.at[pl.ds(r0 + k * _B, _B)], rows.at[k % 2])
        pltpu.make_async_copy(h_hbm.at[pl.ds(0, _B)], rows.at[1 - k % 2], gsem).wait()
        pltpu.async_copy(rows.at[k % 2], out_hbm.at[cid, pl.ds(r0 + k * _B, _B)],
                         gsem)
    pltpu.make_async_copy(h_hbm.at[pl.ds(0, _B)], rows.at[(nk - 1) % 2], gsem).wait()


_sc_mesh = plsc.VectorSubcoreMesh(core_axis_name="c", subcore_axis_name="s",
                                  num_cores=_NC, num_subcores=_NS)

_edges = pl.kernel(
    _edges_body,
    out_type=[jax.ShapeDtypeStruct((_NC, _NPAD, _FE16), jnp.float32)],
    mesh=_sc_mesh,
    scratch_types=[
        pltpu.VMEM((2, _B), jnp.int32),
        pltpu.VMEM((2, _B, _FE16), jnp.float32),
        pltpu.VMEM((_TB,), jnp.int32),
        pltpu.VMEM((_TB, _FE16), jnp.float32),
        pltpu.VMEM_SHARED((_NPAD, _FE16), jnp.float32),
        pltpu.SemaphoreType.DMA,
    ],
    compiler_params=pltpu.CompilerParams(use_tc_tiling_on_sc=False),
    name="edges_sc",
)

_spmm = pl.kernel(
    _spmm_body,
    out_type=[jax.ShapeDtypeStruct((_NC, _NPAD, _D), jnp.float32)],
    mesh=_sc_mesh,
    scratch_types=[
        pltpu.VMEM((4, _B), jnp.int32),
        pltpu.VMEM((4, _B), jnp.int32),
        pltpu.VMEM((2, _B, _D), jnp.float32),
        pltpu.VMEM((_TB,), jnp.int32),
        pltpu.VMEM((_TB,), jnp.int32),
        pltpu.VMEM((_TB, _D), jnp.float32),
        pltpu.VMEM_SHARED((_NPAD, _D), jnp.float32),
        pltpu.SemaphoreType.DMA,
        pltpu.SemaphoreType.DMA,
    ],
    name="spmm_sc",
)


def _bn_relu(y, g, b):
    m = jnp.mean(y, axis=0, keepdims=True)
    d = y - m
    v = jnp.mean(d * d, axis=0, keepdims=True)
    return jnp.maximum(g * d * lax.rsqrt(v + 1e-5) + b, 0.0)


def _mlp_body(h_ref, s_ref, e_ref, w1a_ref, w1b_ref, b1_ref, g1_ref, be1_ref,
              w2_ref, b2_ref, go_ref, bo_ref, out_ref):
    agg = h_ref[...] + s_ref[0, :_N] + s_ref[1, :_N]
    er = e_ref[0, :_N] + e_ref[1, :_N] + 1.0
    y = (jnp.dot(agg, w1a_ref[...], preferred_element_type=jnp.float32,
                 precision=lax.Precision.HIGHEST)
         + jnp.dot(er, w1b_ref[...], preferred_element_type=jnp.float32,
                   precision=lax.Precision.HIGHEST)
         + b1_ref[...])
    y = _bn_relu(y, g1_ref[...], be1_ref[...])
    y = jnp.dot(y, w2_ref[...], preferred_element_type=jnp.float32,
                precision=lax.Precision.HIGHEST) + b2_ref[...]
    out_ref[...] = _bn_relu(y, go_ref[...], bo_ref[...])


_mlp = pl.pallas_call(
    _mlp_body,
    out_shape=jax.ShapeDtypeStruct((_N, _D), jnp.float32),
)


def _pool_body(ids_ref, x_ref, h1_ref, h2_ref, w0_ref, w1_ref, w2_ref,
               b0_ref, b1_ref, b2_ref, out_ref):
    ids = ids_ref[...]
    gi = lax.broadcasted_iota(jnp.int32, (_G, _N), 0)
    mask = jnp.where(gi == ids[None, :], 1.0, 0.0)
    p0 = jnp.dot(mask, x_ref[...], preferred_element_type=jnp.float32,
                 precision=lax.Precision.HIGHEST)
    p1 = jnp.dot(mask, h1_ref[...], preferred_element_type=jnp.float32,
                 precision=lax.Precision.HIGHEST)
    p2 = jnp.dot(mask, h2_ref[...], preferred_element_type=jnp.float32,
                 precision=lax.Precision.HIGHEST)
    out_ref[...] = (
        jnp.dot(p0, w0_ref[...], preferred_element_type=jnp.float32,
                precision=lax.Precision.HIGHEST)
        + jnp.dot(p1, w1_ref[...], preferred_element_type=jnp.float32,
                  precision=lax.Precision.HIGHEST)
        + jnp.dot(p2, w2_ref[...], preferred_element_type=jnp.float32,
                  precision=lax.Precision.HIGHEST)
        + b0_ref[...] + b1_ref[...] + b2_ref[...])


_pool = pl.pallas_call(
    _pool_body,
    out_shape=jax.ShapeDtypeStruct((_G, _OUT), jnp.float32),
)


def kernel(x, edge_index, edge_attr, batch_ids,
           l0_W1, l0_b1, l0_g1, l0_be1, l0_W2, l0_b2, l0_go, l0_bo,
           l1_W1, l1_b1, l1_g1, l1_be1, l1_W2, l1_b2, l1_go, l1_bo,
           p_W0, p_b0, p_W1, p_b1, p_W2, p_b2):
    z = jnp.zeros((_B, _D), jnp.float32)
    ze = jnp.zeros((_B, _FE16), jnp.float32)
    src = edge_index[0]
    dst = edge_index[1]
    ea16 = jnp.pad(edge_attr, ((0, 0), (0, _FE16 - _FE)))

    (ev,) = _edges(ea16, src, ze)
    (s0,) = _spmm(x, src, dst, z)
    w1b0 = jnp.pad(l0_W1[_D:], ((0, _FE16 - _FE), (0, 0)))
    h1 = _mlp(x, s0, ev, l0_W1[:_D], w1b0, l0_b1, l0_g1, l0_be1,
              l0_W2, l0_b2, l0_go, l0_bo)

    (s1,) = _spmm(h1, src, dst, z)
    w1b1 = jnp.pad(l1_W1[_D:], ((0, _FE16 - _FE), (0, 0)))
    h2 = _mlp(h1, s1, ev, l1_W1[:_D], w1b1, l1_b1, l1_g1, l1_be1,
              l1_W2, l1_b2, l1_go, l1_bo)

    return _pool(batch_ids, x, h1, h2, p_W0, p_W1, p_W2, p_b0, p_b1, p_b2)

# --- scband reference (transcript-rebuilt; emitter-appended) ---
"""Pipeline reference for scband-graph-egin-14233521619241 (READ-ONLY COPY).

The authoritative reference and input builder live on the scoring server;
editing this copy changes nothing except your own understanding.
"""

import jax, jax.numpy as jnp
import numpy as np

N = 10000
E = 320000
D = 128
FE = 4
H = 128
OUT = 64
G = 64

def _w(key, shape, scale=0.05):
    return jax.random.normal(key, shape, dtype=jnp.float32) * scale

def setup_inputs(seed: int = 0):
    key = jax.random.key(seed)
    ks = jax.random.split(key, 32)
    inp = {}
    inp['x'] = jax.random.normal(ks[0], (N, D), dtype=jnp.float32)
    src = jax.random.randint(ks[1], (E,), 0, N, dtype=jnp.int32)
    off = jax.random.randint(ks[2], (E,), 1, N, dtype=jnp.int32)
    dst = (src + off) % N  # guarantees no self-loops so the identity diagonal stays intact
    inp['edge_index'] = jnp.stack([src, dst], axis=0)
    inp['edge_attr'] = jax.random.uniform(ks[3], (E, FE), dtype=jnp.float32)
    inp['batch_ids'] = jnp.sort(jax.random.randint(ks[4], (N,), 0, G, dtype=jnp.int32))
    i = 5
    for l in range(2):
        in_dim = (D if l == 0 else H) + FE
        inp['l%d_W1' % l] = _w(ks[i], (in_dim, H)); i += 1
        inp['l%d_b1' % l] = jnp.zeros((H,), dtype=jnp.float32)
        inp['l%d_g1' % l] = jnp.ones((H,), dtype=jnp.float32)
        inp['l%d_be1' % l] = jnp.zeros((H,), dtype=jnp.float32)
        inp['l%d_W2' % l] = _w(ks[i], (H, H)); i += 1
        inp['l%d_b2' % l] = jnp.zeros((H,), dtype=jnp.float32)
        inp['l%d_go' % l] = jnp.ones((H,), dtype=jnp.float32)
        inp['l%d_bo' % l] = jnp.zeros((H,), dtype=jnp.float32)
    for l in range(3):
        in_dim = D if l == 0 else H
        inp['p_W%d' % l] = _w(ks[i], (in_dim, OUT)); i += 1
        inp['p_b%d' % l] = jnp.zeros((OUT,), dtype=jnp.float32)
    return inp

def _bn(h, g, b):
    # training-mode batch norm (biased batch statistics), as in nn.BatchNorm1d
    m = jnp.mean(h, axis=0)
    v = jnp.var(h, axis=0)
    return g * (h - m) / jnp.sqrt(v + 1e-5) + b

def reference(x, edge_index, edge_attr, batch_ids, l0_W1, l0_b1, l0_g1, l0_be1, l0_W2, l0_b2, l0_go, l0_bo, l1_W1, l1_b1, l1_g1, l1_be1, l1_W2, l1_b2, l1_go, l1_bo, p_W0, p_b0, p_W1, p_b1, p_W2, p_b2):
    src = edge_index[0]
    dst = edge_index[1]
    n = x.shape[0]
    # edge_rep = row-sum of the dense [N, N, FE] embed-adjacency whose diagonal is ones(FE)
    edge_rep = jnp.ones((n, FE), dtype=x.dtype) + jax.ops.segment_sum(edge_attr, src, num_segments=n)
    def gin_layer(h, W1, b1, g1, be1, W2, b2, go, bo):
        # spmm(I + A, h) rewritten as gather + scatter-add
        agg = h + jax.ops.segment_sum(h[dst], src, num_segments=n)
        pooled = jnp.concatenate([agg, edge_rep], axis=1)
        # inner GIN MLP: Linear -> BN -> ReLU -> Linear
        m = jnp.maximum(_bn(pooled @ W1 + b1, g1, be1), 0.0)
        m = m @ W2 + b2
        # outer BN + ReLU
        return jnp.maximum(_bn(m, go, bo), 0.0)
    h1 = gin_layer(x, l0_W1, l0_b1, l0_g1, l0_be1, l0_W2, l0_b2, l0_go, l0_bo)
    h2 = gin_layer(h1, l1_W1, l1_b1, l1_g1, l1_be1, l1_W2, l1_b2, l1_go, l1_bo)
    score = jnp.zeros((G, OUT), dtype=x.dtype)
    for h, W, b in ((x, p_W0, p_b0), (h1, p_W1, p_b1), (h2, p_W2, p_b2)):
        pooled_h = jax.ops.segment_sum(h, batch_ids, num_segments=G)  # global_add_pool
        score = score + pooled_h @ W + b
    return score

if __name__ == "__main__":
    import jax
    _d = setup_inputs()
    print(jax.jit(kernel)(*tuple(_d.values())))

</pallas_src>

<mosaic_0001>
#map = affine_map<(d0, d1) -> (0, 0)>
#map1 = affine_map<(d0, d1) -> (0)>
#map2 = affine_map<(d0, d1) -> (0, 0, 0)>
module attributes {stable_mosaic.version = 14 : i64} {
  func.func @edges_sc(%arg0: i32, %arg1: i32, %arg2: memref<320000x16xf32, #tpu.memory_space<hbm>>, %arg3: memref<320000xi32, #tpu.memory_space<hbm>>, %arg4: memref<128x16xf32, #tpu.memory_space<hbm>>, %arg5: memref<2x10240x16xf32, #tpu.memory_space<hbm>>, %arg6: memref<2x128xi32, #tpu.memory_space<vmem>>, %arg7: memref<2x128x16xf32, #tpu.memory_space<vmem>>, %arg8: memref<16xi32, #tpu.memory_space<vmem>>, %arg9: memref<16x16xf32, #tpu.memory_space<vmem>>, %arg10: memref<10240x16xf32, #tpu.memory_space<vmem_shared>>, %arg11: memref<!tpu.dma_semaphore, #tpu.memory_space<semaphore_mem>>) attributes {dimension_semantics = [#tpu.dimension_semantics<core_parallel>, #tpu.dimension_semantics<subcore_parallel>], iteration_bounds = array<i64: 2, 16>, scalar_prefetch = 0 : i64, scratch_operands = 6 : i64, tpu.core_type = #tpu.core_type<sc_vector_subcore>, window_params = [{transform_indices = #map}, {transform_indices = #map1}, {transform_indices = #map}, {transform_indices = #map2}]} {
    %mul3A = arith.constant 2 : i32
    %mul3A_0 = arith.muli %arg1, %mul3A : i32
    %add3A = arith.addi %mul3A_0, %arg0 : i32
    %mul3A_1 = arith.constant 640 : i32
    %mul3A_2 = arith.muli %arg1, %mul3A_1 : i32
    %run_scoped3A = arith.constant 0 : i32
    "tpu.region"() ({
      %run_scoped3A_122 = tpu.sem_alloc : memref<!tpu.dma_semaphore, #tpu.memory_space<semaphore_mem>>
      %dma_start3A_123 = arith.constant 0 : i32
      %dma_start3A_124 = arith.constant 0 : i32
      %dma_start3A_125 = tpu.memref_slice %arg7[%run_scoped3A, %dma_start3A_123, %dma_start3A_124] : memref<2x128x16xf32, #tpu.memory_space<vmem>> -> memref<1x128x16xf32, #tpu.memory_space<vmem>>
      %dma_start3A_126 = tpu.memref_squeeze %dma_start3A_125 : memref<1x128x16xf32, #tpu.memory_space<vmem>> -> memref<128x16xf32, #tpu.memory_space<vmem>>
      %dma_start3A_127 = arith.constant 0 : i32
      %dma_start3A_128 = arith.constant 0 : i32
      %dma_start3A_129 = tpu.memref_slice %arg7[%run_scoped3A, %dma_start3A_127, %dma_start3A_128] : memref<2x128x16xf32, #tpu.memory_space<vmem>> -> memref<1x128x16xf32, #tpu.memory_space<vmem>>
      %dma_start3A_130 = tpu.memref_squeeze %dma_start3A_129 : memref<1x128x16xf32, #tpu.memory_space<vmem>> -> memref<128x16xf32, #tpu.memory_space<vmem>>
      tpu.enqueue_dma source(%arg4 : memref<128x16xf32, #tpu.memory_space<hbm>>) target(%dma_start3A_130 : memref<128x16xf32, #tpu.memory_space<vmem>>) target_semaphore(%run_scoped3A_122 : memref<!tpu.dma_semaphore, #tpu.memory_space<semaphore_mem>>)
      %dma_wait3A_131 = arith.constant 0 : i32
      %dma_wait3A_132 = arith.constant 0 : i32
      %dma_wait3A_133 = tpu.memref_slice %arg7[%run_scoped3A, %dma_wait3A_131, %dma_wait3A_132] : memref<2x128x16xf32, #tpu.memory_space<vmem>> -> memref<1x128x16xf32, #tpu.memory_space<vmem>>
      %dma_wait3A_134 = tpu.memref_squeeze %dma_wait3A_133 : memref<1x128x16xf32, #tpu.memory_space<vmem>> -> memref<128x16xf32, #tpu.memory_space<vmem>>
      %dma_wait3A_135 = arith.constant 0 : i32
      %dma_wait3A_136 = arith.constant 0 : i32
      %dma_wait3A_137 = tpu.memref_slice %arg7[%run_scoped3A, %dma_wait3A_135, %dma_wait3A_136] : memref<2x128x16xf32, #tpu.memory_space<vmem>> -> memref<1x128x16xf32, #tpu.memory_space<vmem>>
      %dma_wait3A_138 = tpu.memref_squeeze %dma_wait3A_137 : memref<1x128x16xf32, #tpu.memory_space<vmem>> -> memref<128x16xf32, #tpu.memory_space<vmem>>
      tpu.wait_dma2 semaphore(%run_scoped3A_122 : memref<!tpu.dma_semaphore, #tpu.memory_space<semaphore_mem>>) src(%arg4 : memref<128x16xf32, #tpu.memory_space<hbm>>) dst(%dma_wait3A_138 : memref<128x16xf32, #tpu.memory_space<vmem>>)
      tpu.yield
    }) : () -> ()
    %add3A_3 = arith.constant 0 : i32
    %add3A_4 = arith.addi %mul3A_2, %add3A_3 : i32
    %run_scoped3A_5 = arith.constant 0 : i32
    "tpu.region"() ({
      %run_scoped3A_122 = tpu.sem_alloc : memref<!tpu.dma_semaphore, #tpu.memory_space<semaphore_mem>>
      %dma_start3A_123 = arith.constant 0 : i32
      %dma_start3A_124 = arith.constant 0 : i32
      %dma_start3A_125 = tpu.memref_slice %arg7[%run_scoped3A_5, %dma_start3A_123, %dma_start3A_124] : memref<2x128x16xf32, #tpu.memory_space<vmem>> -> memref<1x128x16xf32, #tpu.memory_space<vmem>>
      %dma_start3A_126 = tpu.memref_squeeze %dma_start3A_125 : memref<1x128x16xf32, #tpu.memory_space<vmem>> -> memref<128x16xf32, #tpu.memory_space<vmem>>
      %dma_start3A_127 = arith.constant 0 : i32
      %dma_start3A_128 = tpu.memref_slice %arg10[%add3A_4, %dma_start3A_127] : memref<10240x16xf32, #tpu.memory_space<vmem_shared>> -> memref<128x16xf32, #tpu.memory_space<vmem_shared>>
      %dma_start3A_129 = arith.constant 0 : i32
      %dma_start3A_130 = tpu.memref_slice %arg10[%add3A_4, %dma_start3A_129] : memref<10240x16xf32, #tpu.memory_space<vmem_shared>> -> memref<128x16xf32, #tpu.memory_space<vmem_shared>>
      %dma_start3A_131 = arith.constant 0 : i32
      %dma_start3A_132 = arith.constant 0 : i32
      %dma_start3A_133 = tpu.memref_slice %arg7[%run_scoped3A_5, %dma_start3A_131, %dma_start3A_132] : memref<2x128x16xf32, #tpu.memory_space<vmem>> -> memref<1x128x16xf32, #tpu.memory_space<vmem>>
      %dma_start3A_134 = tpu.memref_squeeze %dma_start3A_133 : memref<1x128x16xf32, #tpu.memory_space<vmem>> -> memref<128x16xf32, #tpu.memory_space<vmem>>
      tpu.enqueue_dma source(%dma_start3A_134 : memref<128x16xf32, #tpu.memory_space<vmem>>) target(%dma_start3A_130 : memref<128x16xf32, #tpu.memory_space<vmem_shared>>) target_semaphore(%run_scoped3A_122 : memref<!tpu.dma_semaphore, #tpu.memory_space<semaphore_mem>>)
      %dma_wait3A_135 = arith.constant 0 : i32
      %dma_wait3A_136 = arith.constant 0 : i32
      %dma_wait3A_137 = tpu.memref_slice %arg7[%run_scoped3A_5, %dma_wait3A_135, %dma_wait3A_136] : memref<2x128x16xf32, #tpu.memory_space<vmem>> -> memref<1x128x16xf32, #tpu.memory_space<vmem>>
      %dma_wait3A_138 = tpu.memref_squeeze %dma_wait3A_137 : memref<1x128x16xf32, #tpu.memory_space<vmem>> -> memref<128x16xf32, #tpu.memory_space<vmem>>
      %dma_wait3A_139 = arith.constant 0 : i32
      %dma_wait3A_140 = tpu.memref_slice %arg10[%add3A_4, %dma_wait3A_139] : memref<10240x16xf32, #tpu.memory_space<vmem_shared>> -> memref<128x16xf32, #tpu.memory_space<vmem_shared>>
      %dma_wait3A_141 = arith.constant 0 : i32
      %dma_wait3A_142 = tpu.memref_slice %arg10[%add3A_4, %dma_wait3A_141] : memref<10240x16xf32, #tpu.memory_space<vmem_shared>> -> memref<128x16xf32, #tpu.memory_space<vmem_shared>>
      %dma_wait3A_143 = arith.constant 0 : i32
      %dma_wait3A_144 = arith.constant 0 : i32
      %dma_wait3A_145 = tpu.memref_slice %arg7[%run_scoped3A_5, %dma_wait3A_143, %dma_wait3A_144] : memref<2x128x16xf32, #tpu.memory_space<vmem>> -> memref<1x128x16xf32, #tpu.memory_space<vmem>>
      %dma_wait3A_146 = tpu.memref_squeeze %dma_wait3A_145 : memref<1x128x16xf32, #tpu.memory_space<vmem>> -> memref<128x16xf32, #tpu.memory_space<vmem>>
      tpu.wait_dma2 semaphore(%run_scoped3A_122 : memref<!tpu.dma_semaphore, #tpu.memory_space<semaphore_mem>>) src(%dma_wait3A_146 : memref<128x16xf32, #tpu.memory_space<vmem>>) dst(%dma_wait3A_142 : memref<128x16xf32, #tpu.memory_space<vmem_shared>>)
      tpu.yield
    }) : () -> ()
    %add3A_6 = arith.constant 128 : i32
    %add3A_7 = arith.addi %mul3A_2, %add3A_6 : i32
    %run_scoped3A_8 = arith.constant 0 : i32
    "tpu.region"() ({
      %run_scoped3A_122 = tpu.sem_alloc : memref<!tpu.dma_semaphore, #tpu.memory_space<semaphore_mem>>
      %dma_start3A_123 = arith.constant 0 : i32
      %dma_start3A_124 = arith.constant 0 : i32
      %dma_start3A_125 = tpu.memref_slice %arg7[%run_scoped3A_8, %dma_start3A_123, %dma_start3A_124] : memref<2x128x16xf32, #tpu.memory_space<vmem>> -> memref<1x128x16xf32, #tpu.memory_space<vmem>>
      %dma_start3A_126 = tpu.memref_squeeze %dma_start3A_125 : memref<1x128x16xf32, #tpu.memory_space<vmem>> -> memref<128x16xf32, #tpu.memory_space<vmem>>
      %dma_start3A_127 = arith.constant 0 : i32
      %dma_start3A_128 = tpu.memref_slice %arg10[%add3A_7, %dma_start3A_127] : memref<10240x16xf32, #tpu.memory_space<vmem_shared>> -> memref<128x16xf32, #tpu.memory_space<vmem_shared>>
      %dma_start3A_129 = arith.constant 0 : i32
      %dma_start3A_130 = tpu.memref_slice %arg10[%add3A_7, %dma_start3A_129] : memref<10240x16xf32, #tpu.memory_space<vmem_shared>> -> memref<128x16xf32, #tpu.memory_space<vmem_shared>>
      %dma_start3A_131 = arith.constant 0 : i32
      %dma_start3A_132 = arith.constant 0 : i32
      %dma_start3A_133 = tpu.memref_slice %arg7[%run_scoped3A_8, %dma_start3A_131, %dma_start3A_132] : memref<2x128x16xf32, #tpu.memory_space<vmem>> -> memref<1x128x16xf32, #tpu.memory_space<vmem>>
      %dma_start3A_134 = tpu.memref_squeeze %dma_start3A_133 : memref<1x128x16xf32, #tpu.memory_space<vmem>> -> memref<128x16xf32, #tpu.memory_space<vmem>>
      tpu.enqueue_dma source(%dma_start3A_134 : memref<128x16xf32, #tpu.memory_space<vmem>>) target(%dma_start3A_130 : memref<128x16xf32, #tpu.memory_space<vmem_shared>>) target_semaphore(%run_scoped3A_122 : memref<!tpu.dma_semaphore, #tpu.memory_space<semaphore_mem>>)
      %dma_wait3A_135 = arith.constant 0 : i32
      %dma_wait3A_136 = arith.constant 0 : i32
      %dma_wait3A_137 = tpu.memref_slice %arg7[%run_scoped3A_8, %dma_wait3A_135, %dma_wait3A_136] : memref<2x128x16xf32, #tpu.memory_space<vmem>> -> memref<1x128x16xf32, #tpu.memory_space<vmem>>
      %dma_wait3A_138 = tpu.memref_squeeze %dma_wait3A_137 : memref<1x128x16xf32, #tpu.memory_space<vmem>> -> memref<128x16xf32, #tpu.memory_space<vmem>>
      %dma_wait3A_139 = arith.constant 0 : i32
      %dma_wait3A_140 = tpu.memref_slice %arg10[%add3A_7, %dma_wait3A_139] : memref<10240x16xf32, #tpu.memory_space<vmem_shared>> -> memref<128x16xf32, #tpu.memory_space<vmem_shared>>
      %dma_wait3A_141 = arith.constant 0 : i32
      %dma_wait3A_142 = tpu.memref_slice %arg10[%add3A_7, %dma_wait3A_141] : memref<10240x16xf32, #tpu.memory_space<vmem_shared>> -> memref<128x16xf32, #tpu.memory_space<vmem_shared>>
      %dma_wait3A_143 = arith.constant 0 : i32
      %dma_wait3A_144 = arith.constant 0 : i32
      %dma_wait3A_145 = tpu.memref_slice %arg7[%run_scoped3A_8, %dma_wait3A_143, %dma_wait3A_144] : memref<2x128x16xf32, #tpu.memory_space<vmem>> -> memref<1x128x16xf32, #tpu.memory_space<vmem>>
      %dma_wait3A_146 = tpu.memref_squeeze %dma_wait3A_145 : memref<1x128x16xf32, #tpu.memory_space<vmem>> -> memref<128x16xf32, #tpu.memory_space<vmem>>
      tpu.wait_dma2 semaphore(%run_scoped3A_122 : memref<!tpu.dma_semaphore, #tpu.memory_space<semaphore_mem>>) src(%dma_wait3A_146 : memref<128x16xf32, #tpu.memory_space<vmem>>) dst(%dma_wait3A_142 : memref<128x16xf32, #tpu.memory_space<vmem_shared>>)
      tpu.yield
    }) : () -> ()
    %add3A_9 = arith.constant 256 : i32
    %add3A_10 = arith.addi %mul3A_2, %add3A_9 : i32
    %run_scoped3A_11 = arith.constant 0 : i32
    "tpu.region"() ({
      %run_scoped3A_122 = tpu.sem_alloc : memref<!tpu.dma_semaphore, #tpu.memory_space<semaphore_mem>>
      %dma_start3A_123 = arith.constant 0 : i32
      %dma_start3A_124 = arith.constant 0 : i32
      %dma_start3A_125 = tpu.memref_slice %arg7[%run_scoped3A_11, %dma_start3A_123, %dma_start3A_124] : memref<2x128x16xf32, #tpu.memory_space<vmem>> -> memref<1x128x16xf32, #tpu.memory_space<vmem>>
      %dma_start3A_126 = tpu.memref_squeeze %dma_start3A_125 : memref<1x128x16xf32, #tpu.memory_space<vmem>> -> memref<128x16xf32, #tpu.memory_space<vmem>>
      %dma_start3A_127 = arith.constant 0 : i32
      %dma_start3A_128 = tpu.memref_slice %arg10[%add3A_10, %dma_start3A_127] : memref<10240x16xf32, #tpu.memory_space<vmem_shared>> -> memref<128x16xf32, #tpu.memory_space<vmem_shared>>
      %dma_start3A_129 = arith.constant 0 : i32
      %dma_start3A_130 = tpu.memref_slice %arg10[%add3A_10, %dma_start3A_129] : memref<10240x16xf32, #tpu.memory_space<vmem_shared>> -> memref<128x16xf32, #tpu.memory_space<vmem_shared>>
      %dma_start3A_131 = arith.constant 0 : i32
      %dma_start3A_132 = arith.constant 0 : i32
      %dma_start3A_133 = tpu.memref_slice %arg7[%run_scoped3A_11, %dma_start3A_131, %dma_start3A_132] : memref<2x128x16xf32, #tpu.memory_space<vmem>> -> memref<1x128x16xf32, #tpu.memory_space<vmem>>
      %dma_start3A_134 = tpu.memref_squeeze %dma_start3A_133 : memref<1x128x16xf32, #tpu.memory_space<vmem>> -> memref<128x16xf32, #tpu.memory_space<vmem>>
      tpu.enqueue_dma source(%dma_start3A_134 : memref<128x16xf32, #tpu.memory_space<vmem>>) target(%dma_start3A_130 : memref<128x16xf32, #tpu.memory_space<vmem_shared>>) target_semaphore(%run_scoped3A_122 : memref<!tpu.dma_semaphore, #tpu.memory_space<semaphore_mem>>)
      %dma_wait3A_135 = arith.constant 0 : i32
      %dma_wait3A_136 = arith.constant 0 : i32
      %dma_wait3A_137 = tpu.memref_slice %arg7[%run_scoped3A_11, %dma_wait3A_135, %dma_wait3A_136] : memref<2x128x16xf32, #tpu.memory_space<vmem>> -> memref<1x128x16xf32, #tpu.memory_space<vmem>>
      %dma_wait3A_138 = tpu.memref_squeeze %dma_wait3A_137 : memref<1x128x16xf32, #tpu.memory_space<vmem>> -> memref<128x16xf32, #tpu.memory_space<vmem>>
      %dma_wait3A_139 = arith.constant 0 : i32
      %dma_wait3A_140 = tpu.memref_slice %arg10[%add3A_10, %dma_wait3A_139] : memref<10240x16xf32, #tpu.memory_space<vmem_shared>> -> memref<128x16xf32, #tpu.memory_space<vmem_shared>>
      %dma_wait3A_141 = arith.constant 0 : i32
      %dma_wait3A_142 = tpu.memref_slice %arg10[%add3A_10, %dma_wait3A_141] : memref<10240x16xf32, #tpu.memory_space<vmem_shared>> -> memref<128x16xf32, #tpu.memory_space<vmem_shared>>
      %dma_wait3A_143 = arith.constant 0 : i32
      %dma_wait3A_144 = arith.constant 0 : i32
      %dma_wait3A_145 = tpu.memref_slice %arg7[%run_scoped3A_11, %dma_wait3A_143, %dma_wait3A_144] : memref<2x128x16xf32, #tpu.memory_space<vmem>> -> memref<1x128x16xf32, #tpu.memory_space<vmem>>
      %dma_wait3A_146 = tpu.memref_squeeze %dma_wait3A_145 : memref<1x128x16xf32, #tpu.memory_space<vmem>> -> memref<128x16xf32, #tpu.memory_space<vmem>>
      tpu.wait_dma2 semaphore(%run_scoped3A_122 : memref<!tpu.dma_semaphore, #tpu.memory_space<semaphore_mem>>) src(%dma_wait3A_146 : memref<128x16xf32, #tpu.memory_space<vmem>>) dst(%dma_wait3A_142 : memref<128x16xf32, #tpu.memory_space<vmem_shared>>)
      tpu.yield
    }) : () -> ()
    %add3A_12 = arith.constant 384 : i32
    %add3A_13 = arith.addi %mul3A_2, %add3A_12 : i32
    %run_scoped3A_14 = arith.constant 0 : i32
    "tpu.region"() ({
      %run_scoped3A_122 = tpu.sem_alloc : memref<!tpu.dma_semaphore, #tpu.memory_space<semaphore_mem>>
      %dma_start3A_123 = arith.constant 0 : i32
      %dma_start3A_124 = arith.constant 0 : i32
      %dma_start3A_125 = tpu.memref_slice %arg7[%run_scoped3A_14, %dma_start3A_123, %dma_start3A_124] : memref<2x128x16xf32, #tpu.memory_space<vmem>> -> memref<1x128x16xf32, #tpu.memory_space<vmem>>
      %dma_start3A_126 = tpu.memref_squeeze %dma_start3A_125 : memref<1x128x16xf32, #tpu.memory_space<vmem>> -> memref<128x16xf32, #tpu.memory_space<vmem>>
      %dma_start3A_127 = arith.constant 0 : i32
      %dma_start3A_128 = tpu.memref_slice %arg10[%add3A_13, %dma_start3A_127] : memref<10240x16xf32, #tpu.memory_space<vmem_shared>> -> memref<128x16xf32, #tpu.memory_space<vmem_shared>>
      %dma_start3A_129 = arith.constant 0 : i32
      %dma_start3A_130 = tpu.memref_slice %arg10[%add3A_13, %dma_start3A_129] : memref<10240x16xf32, #tpu.memory_space<vmem_shared>> -> memref<128x16xf32, #tpu.memory_space<vmem_shared>>
      %dma_start3A_131 = arith.constant 0 : i32
      %dma_start3A_132 = arith.constant 0 : i32
      %dma_start3A_133 = tpu.memref_slice %arg7[%run_scoped3A_14, %dma_start3A_131, %dma_start3A_132] : memref<2x128x16xf32, #tpu.memory_space<vmem>> -> memref<1x128x16xf32, #tpu.memory_space<vmem>>
      %dma_start3A_134 = tpu.memref_squeeze %dma_start3A_133 : memref<1x128x16xf32, #tpu.memory_space<vmem>> -> memref<128x16xf32, #tpu.memory_space<vmem>>
      tpu.enqueue_dma source(%dma_start3A_134 : memref<128x16xf32, #tpu.memory_space<vmem>>) target(%dma_start3A_130 : memref<128x16xf32, #tpu.memory_space<vmem_shared>>) target_semaphore(%run_scoped3A_122 : memref<!tpu.dma_semaphore, #tpu.memory_space<semaphore_mem>>)
      %dma_wait3A_135 = arith.constant 0 : i32
      %dma_wait3A_136 = arith.constant 0 : i32
      %dma_wait3A_137 = tpu.memref_slice %arg7[%run_scoped3A_14, %dma_wait3A_135, %dma_wait3A_136] : memref<2x128x16xf32, #tpu.memory_space<vmem>> -> memref<1x128x16xf32, #tpu.memory_space<vmem>>
      %dma_wait3A_138 = tpu.memref_squeeze %dma_wait3A_137 : memref<1x128x16xf32, #tpu.memory_space<vmem>> -> memref<128x16xf32, #tpu.memory_space<vmem>>
      %dma_wait3A_139 = arith.constant 0 : i32
      %dma_wait3A_140 = tpu.memref_slice %arg10[%add3A_13, %dma_wait3A_139] : memref<10240x16xf32, #tpu.memory_space<vmem_shared>> -> memref<128x16xf32, #tpu.memory_space<vmem_shared>>
      %dma_wait3A_141 = arith.constant 0 : i32
      %dma_wait3A_142 = tpu.memref_slice %arg10[%add3A_13, %dma_wait3A_141] : memref<10240x16xf32, #tpu.memory_space<vmem_shared>> -> memref<128x16xf32, #tpu.memory_space<vmem_shared>>
      %dma_wait3A_143 = arith.constant 0 : i32
      %dma_wait3A_144 = arith.constant 0 : i32
      %dma_wait3A_145 = tpu.memref_slice %arg7[%run_scoped3A_14, %dma_wait3A_143, %dma_wait3A_144] : memref<2x128x16xf32, #tpu.memory_space<vmem>> -> memref<1x128x16xf32, #tpu.memory_space<vmem>>
      %dma_wait3A_146 = tpu.memref_squeeze %dma_wait3A_145 : memref<1x128x16xf32, #tpu.memory_space<vmem>> -> memref<128x16xf32, #tpu.memory_space<vmem>>
      tpu.wait_dma2 semaphore(%run_scoped3A_122 : memref<!tpu.dma_semaphore, #tpu.memory_space<semaphore_mem>>) src(%dma_wait3A_146 : memref<128x16xf32, #tpu.memory_space<vmem>>) dst(%dma_wait3A_142 : memref<128x16xf32, #tpu.memory_space<vmem_shared>>)
      tpu.yield
    }) : () -> ()
    %add3A_15 = arith.constant 512 : i32
    %add3A_16 = arith.addi %mul3A_2, %add3A_15 : i32
    %run_scoped3A_17 = arith.constant 0 : i32
    "tpu.region"() ({
      %run_scoped3A_122 = tpu.sem_alloc : memref<!tpu.dma_semaphore, #tpu.memory_space<semaphore_mem>>
      %dma_start3A_123 = arith.constant 0 : i32
      %dma_start3A_124 = arith.constant 0 : i32
      %dma_start3A_125 = tpu.memref_slice %arg7[%run_scoped3A_17, %dma_start3A_123, %dma_start3A_124] : memref<2x128x16xf32, #tpu.memory_space<vmem>> -> memref<1x128x16xf32, #tpu.memory_space<vmem>>
      %dma_start3A_126 = tpu.memref_squeeze %dma_start3A_125 : memref<1x128x16xf32, #tpu.memory_space<vmem>> -> memref<128x16xf32, #tpu.memory_space<vmem>>
      %dma_start3A_127 = arith.constant 0 : i32
      %dma_start3A_128 = tpu.memref_slice %arg10[%add3A_16, %dma_start3A_127] : memref<10240x16xf32, #tpu.memory_space<vmem_shared>> -> memref<128x16xf32, #tpu.memory_space<vmem_shared>>
      %dma_start3A_129 = arith.constant 0 : i32
      %dma_start3A_130 = tpu.memref_slice %arg10[%add3A_16, %dma_start3A_129] : memref<10240x16xf32, #tpu.memory_space<vmem_shared>> -> memref<128x16xf32, #tpu.memory_space<vmem_shared>>
      %dma_start3A_131 = arith.constant 0 : i32
      %dma_start3A_132 = arith.constant 0 : i32
      %dma_start3A_133 = tpu.memref_slice %arg7[%run_scoped3A_17, %dma_start3A_131, %dma_start3A_132] : memref<2x128x16xf32, #tpu.memory_space<vmem>> -> memref<1x128x16xf32, #tpu.memory_space<vmem>>
      %dma_start3A_134 = tpu.memref_squeeze %dma_start3A_133 : memref<1x128x16xf32, #tpu.memory_space<vmem>> -> memref<128x16xf32, #tpu.memory_space<vmem>>
      tpu.enqueue_dma source(%dma_start3A_134 : memref<128x16xf32, #tpu.memory_space<vmem>>) target(%dma_start3A_130 : memref<128x16xf32, #tpu.memory_space<vmem_shared>>) target_semaphore(%run_scoped3A_122 : memref<!tpu.dma_semaphore, #tpu.memory_space<semaphore_mem>>)
      %dma_wait3A_135 = arith.constant 0 : i32
      %dma_wait3A_136 = arith.constant 0 : i32
      %dma_wait3A_137 = tpu.memref_slice %arg7[%run_scoped3A_17, %dma_wait3A_135, %dma_wait3A_136] : memref<2x128x16xf32, #tpu.memory_space<vmem>> -> memref<1x128x16xf32, #tpu.memory_space<vmem>>
      %dma_wait3A_138 = tpu.memref_squeeze %dma_wait3A_137 : memref<1x128x16xf32, #tpu.memory_space<vmem>> -> memref<128x16xf32, #tpu.memory_space<vmem>>
      %dma_wait3A_139 = arith.constant 0 : i32
      %dma_wait3A_140 = tpu.memref_slice %arg10[%add3A_16, %dma_wait3A_139] : memref<10240x16xf32, #tpu.memory_space<vmem_shared>> -> memref<128x16xf32, #tpu.memory_space<vmem_shared>>
      %dma_wait3A_141 = arith.constant 0 : i32
      %dma_wait3A_142 = tpu.memref_slice %arg10[%add3A_16, %dma_wait3A_141] : memref<10240x16xf32, #tpu.memory_space<vmem_shared>> -> memref<128x16xf32, #tpu.memory_space<vmem_shared>>
      %dma_wait3A_143 = arith.constant 0 : i32
      %dma_wait3A_144 = arith.constant 0 : i32
      %dma_wait3A_145 = tpu.memref_slice %arg7[%run_scoped3A_17, %dma_wait3A_143, %dma_wait3A_144] : memref<2x128x16xf32, #tpu.memory_space<vmem>> -> memref<1x128x16xf32, #tpu.memory_space<vmem>>
      %dma_wait3A_146 = tpu.memref_squeeze %dma_wait3A_145 : memref<1x128x16xf32, #tpu.memory_space<vmem>> -> memref<128x16xf32, #tpu.memory_space<vmem>>
      tpu.wait_dma2 semaphore(%run_scoped3A_122 : memref<!tpu.dma_semaphore, #tpu.memory_space<semaphore_mem>>) src(%dma_wait3A_146 : memref<128x16xf32, #tpu.memory_space<vmem>>) dst(%dma_wait3A_142 : memref<128x16xf32, #tpu.memory_space<vmem_shared>>)
      tpu.yield
    }) : () -> ()
    %barrier3A = arith.constant 0 : index
    tpu.barrier barrier_id(%barrier3A)
    %mul3A_18 = arith.constant 10000 : i32
    %mul3A_19 = arith.muli %add3A, %mul3A_18 : i32
    %add3A_20 = arith.constant 0 : i32
    %add3A_21 = arith.addi %mul3A_19, %add3A_20 : i32
    %run_scoped3A_22 = arith.constant 0 : i32
    "tpu.region"() ({
      %run_scoped3A_122 = tpu.sem_alloc : memref<!tpu.dma_semaphore, #tpu.memory_space<semaphore_mem>>
      %dma_start3A_123 = arith.constant 0 : i32
      %dma_start3A_124 = tpu.memref_slice %arg6[%run_scoped3A_22, %dma_start3A_123] : memref<2x128xi32, #tpu.memory_space<vmem>> -> memref<1x128xi32, #tpu.memory_space<vmem>>
      %dma_start3A_125 = tpu.memref_squeeze %dma_start3A_124 : memref<1x128xi32, #tpu.memory_space<vmem>> -> memref<128xi32, #tpu.memory_space<vmem>>
      %dma_start3A_126 = tpu.memref_slice %arg3[%add3A_21] : memref<320000xi32, #tpu.memory_space<hbm>> -> memref<128xi32, #tpu.memory_space<hbm>>
      %dma_start3A_127 = arith.constant 0 : i32
      %dma_start3A_128 = tpu.memref_slice %arg6[%run_scoped3A_22, %dma_start3A_127] : memref<2x128xi32, #tpu.memory_space<vmem>> -> memref<1x128xi32, #tpu.memory_space<vmem>>
      %dma_start3A_129 = tpu.memref_squeeze %dma_start3A_128 : memref<1x128xi32, #tpu.memory_space<vmem>> -> memref<128xi32, #tpu.memory_space<vmem>>
      %dma_start3A_130 = tpu.memref_slice %arg3[%add3A_21] : memref<320000xi32, #tpu.memory_space<hbm>> -> memref<128xi32, #tpu.memory_space<hbm>>
      tpu.enqueue_dma source(%dma_start3A_130 : memref<128xi32, #tpu.memory_space<hbm>>) target(%dma_start3A_129 : memref<128xi32, #tpu.memory_space<vmem>>) target_semaphore(%run_scoped3A_122 : memref<!tpu.dma_semaphore, #tpu.memory_space<semaphore_mem>>)
      %dma_wait3A_131 = arith.constant 0 : i32
      %dma_wait3A_132 = tpu.memref_slice %arg6[%run_scoped3A_22, %dma_wait3A_131] : memref<2x128xi32, #tpu.memory_space<vmem>> -> memref<1x128xi32, #tpu.memory_space<vmem>>
      %dma_wait3A_133 = tpu.memref_squeeze %dma_wait3A_132 : memref<1x128xi32, #tpu.memory_space<vmem>> -> memref<128xi32, #tpu.memory_space<vmem>>
      %dma_wait3A_134 = tpu.memref_slice %arg3[%add3A_21] : memref<320000xi32, #tpu.memory_space<hbm>> -> memref<128xi32, #tpu.memory_space<hbm>>
      %dma_wait3A_135 = arith.constant 0 : i32
      %dma_wait3A_136 = tpu.memref_slice %arg6[%run_scoped3A_22, %dma_wait3A_135] : memref<2x128xi32, #tpu.memory_space<vmem>> -> memref<1x128xi32, #tpu.memory_space<vmem>>
      %dma_wait3A_137 = tpu.memref_squeeze %dma_wait3A_136 : memref<1x128xi32, #tpu.memory_space<vmem>> -> memref<128xi32, #tpu.memory_space<vmem>>
      %dma_wait3A_138 = tpu.memref_slice %arg3[%add3A_21] : memref<320000xi32, #tpu.memory_space<hbm>> -> memref<128xi32, #tpu.memory_space<hbm>>
      tpu.wait_dma2 semaphore(%run_scoped3A_122 : memref<!tpu.dma_semaphore, #tpu.memory_space<semaphore_mem>>) src(%dma_wait3A_138 : memref<128xi32, #tpu.memory_space<hbm>>) dst(%dma_wait3A_137 : memref<128xi32, #tpu.memory_space<vmem>>)
      tpu.yield
    }) : () -> ()
    %add3A_23 = arith.constant 0 : i32
    %add3A_24 = arith.addi %mul3A_19, %add3A_23 : i32
    %run_scoped3A_25 = arith.constant 0 : i32
    "tpu.region"() ({
      %run_scoped3A_122 = tpu.sem_alloc : memref<!tpu.dma_semaphore, #tpu.memory_space<semaphore_mem>>
      %dma_start3A_123 = arith.constant 0 : i32
      %dma_start3A_124 = arith.constant 0 : i32
      %dma_start3A_125 = tpu.memref_slice %arg7[%run_scoped3A_25, %dma_start3A_123, %dma_start3A_124] : memref<2x128x16xf32, #tpu.memory_space<vmem>> -> memref<1x128x16xf32, #tpu.memory_space<vmem>>
      %dma_start3A_126 = tpu.memref_squeeze %dma_start3A_125 : memref<1x128x16xf32, #tpu.memory_space<vmem>> -> memref<128x16xf32, #tpu.memory_space<vmem>>
      %dma_start3A_127 = arith.constant 0 : i32
      %dma_start3A_128 = tpu.memref_slice %arg2[%add3A_24, %dma_start3A_127] : memref<320000x16xf32, #tpu.memory_space<hbm>> -> memref<128x16xf32, #tpu.memory_space<hbm>>
      %dma_start3A_129 = arith.constant 0 : i32
      %dma_start3A_130 = arith.constant 0 : i32
      %dma_start3A_131 = tpu.memref_slice %arg7[%run_scoped3A_25, %dma_start3A_129, %dma_start3A_130] : memref<2x128x16xf32, #tpu.memory_space<vmem>> -> memref<1x128x16xf32, #tpu.memory_space<vmem>>
      %dma_start3A_132 = tpu.memref_squeeze %dma_start3A_131 : memref<1x128x16xf32, #tpu.memory_space<vmem>> -> memref<128x16xf32, #tpu.memory_space<vmem>>
      %dma_start3A_133 = arith.constant 0 : i32
      %dma_start3A_134 = tpu.memref_slice %arg2[%add3A_24, %dma_start3A_133] : memref<320000x16xf32, #tpu.memory_space<hbm>> -> memref<128x16xf32, #tpu.memory_space<hbm>>
      tpu.enqueue_dma source(%dma_start3A_134 : memref<128x16xf32, #tpu.memory_space<hbm>>) target(%dma_start3A_132 : memref<128x16xf32, #tpu.memory_space<vmem>>) target_semaphore(%run_scoped3A_122 : memref<!tpu.dma_semaphore, #tpu.memory_space<semaphore_mem>>)
      %dma_wait3A_135 = arith.constant 0 : i32
      %dma_wait3A_136 = arith.constant 0 : i32
      %dma_wait3A_137 = tpu.memref_slice %arg7[%run_scoped3A_25, %dma_wait3A_135, %dma_wait3A_136] : memref<2x128x16xf32, #tpu.memory_space<vmem>> -> memref<1x128x16xf32, #tpu.memory_space<vmem>>
      %dma_wait3A_138 = tpu.memref_squeeze %dma_wait3A_137 : memref<1x128x16xf32, #tpu.memory_space<vmem>> -> memref<128x16xf32, #tpu.memory_space<vmem>>
      %dma_wait3A_139 = arith.constant 0 : i32
      %dma_wait3A_140 = tpu.memref_slice %arg2[%add3A_24, %dma_wait3A_139] : memref<320000x16xf32, #tpu.memory_space<hbm>> -> memref<128x16xf32, #tpu.memory_space<hbm>>
      %dma_wait3A_141 = arith.constant 0 : i32
      %dma_wait3A_142 = arith.constant 0 : i32
      %dma_wait3A_143 = tpu.memref_slice %arg7[%run_scoped3A_25, %dma_wait3A_141, %dma_wait3A_142] : memref<2x128x16xf32, #tpu.memory_space<vmem>> -> memref<1x128x16xf32, #tpu.memory_space<vmem>>
      %dma_wait3A_144 = tpu.memref_squeeze %dma_wait3A_143 : memref<1x128x16xf32, #tpu.memory_space<vmem>> -> memref<128x16xf32, #tpu.memory_space<vmem>>
      %dma_wait3A_145 = arith.constant 0 : i32
      %dma_wait3A_146 = tpu.memref_slice %arg2[%add3A_24, %dma_wait3A_145] : memref<320000x16xf32, #tpu.memory_space<hbm>> -> memref<128x16xf32, #tpu.memory_space<hbm>>
      tpu.wait_dma2 semaphore(%run_scoped3A_122 : memref<!tpu.dma_semaphore, #tpu.memory_space<semaphore_mem>>) src(%dma_wait3A_146 : memref<128x16xf32, #tpu.memory_space<hbm>>) dst(%dma_wait3A_144 : memref<128x16xf32, #tpu.memory_space<vmem>>)
      tpu.yield
    }) : () -> ()
    %dma_start3A = arith.constant 0 : i32
    %dma_start3A_26 = arith.constant 0 : i32
    %dma_start3A_27 = arith.constant 0 : i32
    %dma_start3A_28 = arith.constant 0 : i32
    %dma_start3A_29 = tpu.memref_slice %arg7[%dma_start3A, %dma_start3A_27, %dma_start3A_28] : memref<2x128x16xf32, #tpu.memory_space<vmem>> -> memref<1x128x16xf32, #tpu.memory_space<vmem>>
    %dma_start3A_30 = tpu.memref_squeeze %dma_start3A_29 : memref<1x128x16xf32, #tpu.memory_space<vmem>> -> memref<128x16xf32, #tpu.memory_space<vmem>>
    %dma_start3A_31 = arith.constant 0 : i32
    %dma_start3A_32 = tpu.memref_slice %arg6[%dma_start3A_26, %dma_start3A_31] : memref<2x128xi32, #tpu.memory_space<vmem>> -> memref<1x128xi32, #tpu.memory_space<vmem>>
    %dma_start3A_33 = tpu.memref_squeeze %dma_start3A_32 : memref<1x128xi32, #tpu.memory_space<vmem>> -> memref<128xi32, #tpu.memory_space<vmem>>
    %dma_start3A_34 = arith.constant 0 : i32
    %dma_start3A_35 = arith.constant 0 : i32
    %dma_start3A_36 = tpu.memref_slice %arg10[%dma_start3A_34, %dma_start3A_35] : memref<10240x16xf32, #tpu.memory_space<vmem_shared>> -> memref<10240x16xf32, #tpu.memory_space<vmem_shared>>
    tpu.enqueue_indirect_dma source(%dma_start3A_30 : memref<128x16xf32, #tpu.memory_space<vmem>>) target(%dma_start3A_36 : memref<10240x16xf32, #tpu.memory_space<vmem_shared>>) offsets(%dma_start3A_33 : memref<128xi32, #tpu.memory_space<vmem>>) semaphore(%arg11 : memref<!tpu.dma_semaphore, #tpu.memory_space<semaphore_mem>>) {add = true}
    %add3A_37 = arith.constant 128 : i32
    %add3A_38 = arith.addi %mul3A_19, %add3A_37 : i32
    %run_scoped3A_39 = arith.constant 1 : i32
    "tpu.region"() ({
      %run_scoped3A_122 = tpu.sem_alloc : memref<!tpu.dma_semaphore, #tpu.memory_space<semaphore_mem>>
      %dma_start3A_123 = arith.constant 0 : i32
      %dma_start3A_124 = tpu.memref_slice %arg6[%run_scoped3A_39, %dma_start3A_123] : memref<2x128xi32, #tpu.memory_space<vmem>> -> memref<1x128xi32, #tpu.memory_space<vmem>>
      %dma_start3A_125 = tpu.memref_squeeze %dma_start3A_124 : memref<1x128xi32, #tpu.memory_space<vmem>> -> memref<128xi32, #tpu.memory_space<vmem>>
      %dma_start3A_126 = tpu.memref_slice %arg3[%add3A_38] : memref<320000xi32, #tpu.memory_space<hbm>> -> memref<128xi32, #tpu.memory_space<hbm>>
      %dma_start3A_127 = arith.constant 0 : i32
      %dma_start3A_128 = tpu.memref_slice %arg6[%run_scoped3A_39, %dma_start3A_127] : memref<2x128xi32, #tpu.memory_space<vmem>> -> memref<1x128xi32, #tpu.memory_space<vmem>>
      %dma_start3A_129 = tpu.memref_squeeze %dma_start3A_128 : memref<1x128xi32, #tpu.memory_space<vmem>> -> memref<128xi32, #tpu.memory_space<vmem>>
      %dma_start3A_130 = tpu.memref_slice %arg3[%add3A_38] : memref<320000xi32, #tpu.memory_space<hbm>> -> memref<128xi32, #tpu.memory_space<hbm>>
      tpu.enqueue_dma source(%dma_start3A_130 : memref<128xi32, #tpu.memory_space<hbm>>) target(%dma_start3A_129 : memref<128xi32, #tpu.memory_space<vmem>>) target_semaphore(%run_scoped3A_122 : memref<!tpu.dma_semaphore, #tpu.memory_space<semaphore_mem>>)
      %dma_wait3A_131 = arith.constant 0 : i32
      %dma_wait3A_132 = tpu.memref_slice %arg6[%run_scoped3A_39, %dma_wait3A_131] : memref<2x128xi32, #tpu.memory_space<vmem>> -> memref<1x128xi32, #tpu.memory_space<vmem>>
      %dma_wait3A_133 = tpu.memref_squeeze %dma_wait3A_132 : memref<1x128xi32, #tpu.memory_space<vmem>> -> memref<128xi32, #tpu.memory_space<vmem>>
      %dma_wait3A_134 = tpu.memref_slice %arg3[%add3A_38] : memref<320000xi32, #tpu.memory_space<hbm>> -> memref<128xi32, #tpu.memory_space<hbm>>
      %dma_wait3A_135 = arith.constant 0 : i32
      %dma_wait3A_136 = tpu.memref_slice %arg6[%run_scoped3A_39, %dma_wait3A_135] : memref<2x128xi32, #tpu.memory_space<vmem>> -> memref<1x128xi32, #tpu.memory_space<vmem>>
      %dma_wait3A_137 = tpu.memref_squeeze %dma_wait3A_136 : memref<1x128xi32, #tpu.memory_space<vmem>> -> memref<128xi32, #tpu.memory_space<vmem>>
      %dma_wait3A_138 = tpu.memref_slice %arg3[%add3A_38] : memref<320000xi32, #tpu.memory_space<hbm>> -> memref<128xi32, #tpu.memory_space<hbm>>
      tpu.wait_dma2 semaphore(%run_scoped3A_122 : memref<!tpu.dma_semaphore, #tpu.memory_space<semaphore_mem>>) src(%dma_wait3A_138 : memref<128xi32, #tpu.memory_space<hbm>>) dst(%dma_wait3A_137 : memref<128xi32, #tpu.memory_space<vmem>>)
      tpu.yield
    }) : () -> ()
    %add3A_40 = arith.constant 128 : i32
    %add3A_41 = arith.addi %mul3A_19, %add3A_40 : i32
    %run_scoped3A_42 = arith.constant 1 : i32
    "tpu.region"() ({
      %run_scoped3A_122 = tpu.sem_alloc : memref<!tpu.dma_semaphore, #tpu.memory_space<semaphore_mem>>
      %dma_start3A_123 = arith.constant 0 : i32
      %dma_start3A_124 = arith.constant 0 : i32
      %dma_start3A_125 = tpu.memref_slice %arg7[%run_scoped3A_42, %dma_start3A_123, %dma_start3A_124] : memref<2x128x16xf32, #tpu.memory_space<vmem>> -> memref<1x128x16xf32, #tpu.memory_space<vmem>>
      %dma_start3A_126 = tpu.memref_squeeze %dma_start3A_125 : memref<1x128x16xf32, #tpu.memory_space<vmem>> -> memref<128x16xf32, #tpu.memory_space<vmem>>
      %dma_start3A_127 = arith.constant 0 : i32
      %dma_start3A_128 = tpu.memref_slice %arg2[%add3A_41, %dma_start3A_127] : memref<320000x16xf32, #tpu.memory_space<hbm>> -> memref<128x16xf32, #tpu.memory_space<hbm>>
      %dma_start3A_129 = arith.constant 0 : i32
      %dma_start3A_130 = arith.constant 0 : i32
      %dma_start3A_131 = tpu.memref_slice %arg7[%run_scoped3A_42, %dma_start3A_129, %dma_start3A_130] : memref<2x128x16xf32, #tpu.memory_space<vmem>> -> memref<1x128x16xf32, #tpu.memory_space<vmem>>
      %dma_start3A_132 = tpu.memref_squeeze %dma_start3A_131 : memref<1x128x16xf32, #tpu.memory_space<vmem>> -> memref<128x16xf32, #tpu.memory_space<vmem>>
      %dma_start3A_133 = arith.constant 0 : i32
      %dma_start3A_134 = tpu.memref_slice %arg2[%add3A_41, %dma_start3A_133] : memref<320000x16xf32, #tpu.memory_space<hbm>> -> memref<128x16xf32, #tpu.memory_space<hbm>>
      tpu.enqueue_dma source(%dma_start3A_134 : memref<128x16xf32, #tpu.memory_space<hbm>>) target(%dma_start3A_132 : memref<128x16xf32, #tpu.memory_space<vmem>>) target_semaphore(%run_scoped3A_122 : memref<!tpu.dma_semaphore, #tpu.memory_space<semaphore_mem>>)
      %dma_wait3A_135 = arith.constant 0 : i32
      %dma_wait3A_136 = arith.constant 0 : i32
      %dma_wait3A_137 = tpu.memref_slice %arg7[%run_scoped3A_42, %dma_wait3A_135, %dma_wait3A_136] : memref<2x128x16xf32, #tpu.memory_space<vmem>> -> memref<1x128x16xf32, #tpu.memory_space<vmem>>
      %dma_wait3A_138 = tpu.memref_squeeze %dma_wait3A_137 : memref<1x128x16xf32, #tpu.memory_space<vmem>> -> memref<128x16xf32, #tpu.memory_space<vmem>>
      %dma_wait3A_139 = arith.constant 0 : i32
      %dma_wait3A_140 = tpu.memref_slice %arg2[%add3A_41, %dma_wait3A_139] : memref<320000x16xf32, #tpu.memory_space<hbm>> -> memref<128x16xf32, #tpu.memory_space<hbm>>
      %dma_wait3A_141 = arith.constant 0 : i32
      %dma_wait3A_142 = arith.constant 0 : i32
      %dma_wait3A_143 = tpu.memref_slice %arg7[%run_scoped3A_42, %dma_wait3A_141, %dma_wait3A_142] : memref<2x128x16xf32, #tpu.memory_space<vmem>> -> memref<1x128x16xf32, #tpu.memory_space<vmem>>
      %dma_wait3A_144 = tpu.memref_squeeze %dma_wait3A_143 : memref<1x128x16xf32, #tpu.memory_space<vmem>> -> memref<128x16xf32, #tpu.memory_space<vmem>>
      %dma_wait3A_145 = arith.constant 0 : i32
      %dma_wait3A_146 = tpu.memref_slice %arg2[%add3A_41, %dma_wait3A_145] : memref<320000x16xf32, #tpu.memory_space<hbm>> -> memref<128x16xf32, #tpu.memory_space<hbm>>
      tpu.wait_dma2 semaphore(%run_scoped3A_122 : memref<!tpu.dma_semaphore, #tpu.memory_space<semaphore_mem>>) src(%dma_wait3A_146 : memref<128x16xf32, #tpu.memory_space<hbm>>) dst(%dma_wait3A_144 : memref<128x16xf32, #tpu.memory_space<vmem>>)
      tpu.yield
    }) : () -> ()
    %scan3A = arith.constant 0 : i32
    %scan3A_43 = arith.constant 1 : i32
    %scan3A_44 = arith.constant 76 : i32
    %scan3A_45 = arith.addi %scan3A_43, %scan3A_44 : i32
    %scan3A_46 = arith.constant 1 : i32
    scf.for %scan3A_122 = %scan3A_43 to %scan3A_45 step %scan3A_46  : i32 {
      %rem3A = arith.constant 2 : i32
      %rem3A_123 = arith.remsi %scan3A_122, %rem3A : i32
      %sub3A = arith.constant 1 : i32
      %sub3A_124 = arith.subi %sub3A, %rem3A_123 : i32
      %dma_wait3A_125 = arith.constant 0 : i32
      %dma_wait3A_126 = arith.constant 0 : i32
      %dma_wait3A_127 = tpu.memref_slice %arg7[%sub3A_124, %dma_wait3A_125, %dma_wait3A_126] : memref<2x128x16xf32, #tpu.memory_space<vmem>> -> memref<1x128x16xf32, #tpu.memory_space<vmem>>
      %dma_wait3A_128 = tpu.memref_squeeze %dma_wait3A_127 : memref<1x128x16xf32, #tpu.memory_space<vmem>> -> memref<128x16xf32, #tpu.memory_space<vmem>>
      %dma_wait3A_129 = arith.constant 0 : i32
      %dma_wait3A_130 = arith.constant 0 : i32
      %dma_wait3A_131 = tpu.memref_slice %arg2[%dma_wait3A_129, %dma_wait3A_130] : memref<320000x16xf32, #tpu.memory_space<hbm>> -> memref<128x16xf32, #tpu.memory_space<hbm>>
      %dma_wait3A_132 = arith.constant 0 : i32
      %dma_wait3A_133 = arith.constant 0 : i32
      %dma_wait3A_134 = tpu.memref_slice %arg7[%sub3A_124, %dma_wait3A_132, %dma_wait3A_133] : memref<2x128x16xf32, #tpu.memory_space<vmem>> -> memref<1x128x16xf32, #tpu.memory_space<vmem>>
      %dma_wait3A_135 = tpu.memref_squeeze %dma_wait3A_134 : memref<1x128x16xf32, #tpu.memory_space<vmem>> -> memref<128x16xf32, #tpu.memory_space<vmem>>
      %dma_wait3A_136 = arith.constant 0 : i32
      %dma_wait3A_137 = arith.constant 0 : i32
      %dma_wait3A_138 = tpu.memref_slice %arg2[%dma_wait3A_136, %dma_wait3A_137] : memref<320000x16xf32, #tpu.memory_space<hbm>> -> memref<128x16xf32, #tpu.memory_space<hbm>>
      tpu.wait_dma2 semaphore(%arg11 : memref<!tpu.dma_semaphore, #tpu.memory_space<semaphore_mem>>) src(%dma_wait3A_138 : memref<128x16xf32, #tpu.memory_space<hbm>>) dst(%dma_wait3A_135 : memref<128x16xf32, #tpu.memory_space<vmem>>)
      %dma_start3A_139 = arith.constant 0 : i32
      %dma_start3A_140 = arith.constant 0 : i32
      %dma_start3A_141 = tpu.memref_slice %arg7[%rem3A_123, %dma_start3A_139, %dma_start3A_140] : memref<2x128x16xf32, #tpu.memory_space<vmem>> -> memref<1x128x16xf32, #tpu.memory_space<vmem>>
      %dma_start3A_142 = tpu.memref_squeeze %dma_start3A_141 : memref<1x128x16xf32, #tpu.memory_space<vmem>> -> memref<128x16xf32, #tpu.memory_space<vmem>>
      %dma_start3A_143 = arith.constant 0 : i32
      %dma_start3A_144 = tpu.memref_slice %arg6[%rem3A_123, %dma_start3A_143] : memref<2x128xi32, #tpu.memory_space<vmem>> -> memref<1x128xi32, #tpu.memory_space<vmem>>
      %dma_start3A_145 = tpu.memref_squeeze %dma_start3A_144 : memref<1x128xi32, #tpu.memory_space<vmem>> -> memref<128xi32, #tpu.memory_space<vmem>>
      %dma_start3A_146 = arith.constant 0 : i32
      %dma_start3A_147 = arith.constant 0 : i32
      %dma_start3A_148 = tpu.memref_slice %arg10[%dma_start3A_146, %dma_start3A_147] : memref<10240x16xf32, #tpu.memory_space<vmem_shared>> -> memref<10240x16xf32, #tpu.memory_space<vmem_shared>>
      tpu.enqueue_indirect_dma source(%dma_start3A_142 : memref<128x16xf32, #tpu.memory_space<vmem>>) target(%dma_start3A_148 : memref<10240x16xf32, #tpu.memory_space<vmem_shared>>) offsets(%dma_start3A_145 : memref<128xi32, #tpu.memory_space<vmem>>) semaphore(%arg11 : memref<!tpu.dma_semaphore, #tpu.memory_space<semaphore_mem>>) {add = true}
      %add3A_149 = arith.constant 1 : i32
      %add3A_150 = arith.addi %scan3A_122, %add3A_149 : i32
      %sub3A_151 = arith.constant 1 : i32
      %sub3A_152 = arith.subi %sub3A_151, %rem3A_123 : i32
      %mul3A_153 = arith.constant 128 : i32
      %mul3A_154 = arith.muli %add3A_150, %mul3A_153 : i32
      %add3A_155 = arith.addi %mul3A_19, %mul3A_154 : i32
      "tpu.region"() ({
        %run_scoped3A_159 = tpu.sem_alloc : memref<!tpu.dma_semaphore, #tpu.memory_space<semaphore_mem>>
        %dma_start3A_160 = arith.constant 0 : i32
        %dma_start3A_161 = tpu.memref_slice %arg6[%sub3A_152, %dma_start3A_160] : memref<2x128xi32, #tpu.memory_space<vmem>> -> memref<1x128xi32, #tpu.memory_space<vmem>>
        %dma_start3A_162 = tpu.memref_squeeze %dma_start3A_161 : memref<1x128xi32, #tpu.memory_space<vmem>> -> memref<128xi32, #tpu.memory_space<vmem>>
        %dma_start3A_163 = tpu.memref_slice %arg3[%add3A_155] : memref<320000xi32, #tpu.memory_space<hbm>> -> memref<128xi32, #tpu.memory_space<hbm>>
        %dma_start3A_164 = arith.constant 0 : i32
        %dma_start3A_165 = tpu.memref_slice %arg6[%sub3A_152, %dma_start3A_164] : memref<2x128xi32, #tpu.memory_space<vmem>> -> memref<1x128xi32, #tpu.memory_space<vmem>>
        %dma_start3A_166 = tpu.memref_squeeze %dma_start3A_165 : memref<1x128xi32, #tpu.memory_space<vmem>> -> memref<128xi32, #tpu.memory_space<vmem>>
        %dma_start3A_167 = tpu.memref_slice %arg3[%add3A_155] : memref<320000xi32, #tpu.memory_space<hbm>> -> memref<128xi32, #tpu.memory_space<hbm>>
        tpu.enqueue_dma source(%dma_start3A_167 : memref<128xi32, #tpu.memory_space<hbm>>) target(%dma_start3A_166 : memref<128xi32, #tpu.memory_space<vmem>>) target_semaphore(%run_scoped3A_159 : memref<!tpu.dma_semaphore, #tpu.memory_space<semaphore_mem>>)
        %dma_wait3A_168 = arith.constant 0 : i32
        %dma_wait3A_169 = tpu.memref_slice %arg6[%sub3A_152, %dma_wait3A_168] : memref<2x128xi32, #tpu.memory_space<vmem>> -> memref<1x128xi32, #tpu.memory_space<vmem>>
        %dma_wait3A_170 = tpu.memref_squeeze %dma_wait3A_169 : memref<1x128xi32, #tpu.memory_space<vmem>> -> memref<128xi32, #tpu.memory_space<vmem>>
        %dma_wait3A_171 = tpu.memref_slice %arg3[%add3A_155] : memref<320000xi32, #tpu.memory_space<hbm>> -> memref<128xi32, #tpu.memory_space<hbm>>
        %dma_wait3A_172 = arith.constant 0 : i32
        %dma_wait3A_173 = tpu.memref_slice %arg6[%sub3A_152, %dma_wait3A_172] : memref<2x128xi32, #tpu.memory_space<vmem>> -> memref<1x128xi32, #tpu.memory_space<vmem>>
        %dma_wait3A_174 = tpu.memref_squeeze %dma_wait3A_173 : memref<1x128xi32, #tpu.memory_space<vmem>> -> memref<128xi32, #tpu.memory_space<vmem>>
        %dma_wait3A_175 = tpu.memref_slice %arg3[%add3A_155] : memref<320000xi32, #tpu.memory_space<hbm>> -> memref<128xi32, #tpu.memory_space<hbm>>
        tpu.wait_dma2 semaphore(%run_scoped3A_159 : memref<!tpu.dma_semaphore, #tpu.memory_space<semaphore_mem>>) src(%dma_wait3A_175 : memref<128xi32, #tpu.memory_space<hbm>>) dst(%dma_wait3A_174 : memref<128xi32, #tpu.memory_space<vmem>>)
        tpu.yield
      }) : () -> ()
      %mul3A_156 = arith.constant 128 : i32
      %mul3A_157 = arith.muli %add3A_150, %mul3A_156 : i32
      %add3A_158 = arith.addi %mul3A_19, %mul3A_157 : i32
      "tpu.region"() ({
        %run_scoped3A_159 = tpu.sem_alloc : memref<!tpu.dma_semaphore, #tpu.memory_space<semaphore_mem>>
        %dma_start3A_160 = arith.constant 0 : i32
        %dma_start3A_161 = arith.constant 0 : i32
        %dma_start3A_162 = tpu.memref_slice %arg7[%sub3A_152, %dma_start3A_160, %dma_start3A_161] : memref<2x128x16xf32, #tpu.memory_space<vmem>> -> memref<1x128x16xf32, #tpu.memory_space<vmem>>
        %dma_start3A_163 = tpu.memref_squeeze %dma_start3A_162 : memref<1x128x16xf32, #tpu.memory_space<vmem>> -> memref<128x16xf32, #tpu.memory_space<vmem>>
        %dma_start3A_164 = arith.constant 0 : i32
        %dma_start3A_165 = tpu.memref_slice %arg2[%add3A_158, %dma_start3A_164] : memref<320000x16xf32, #tpu.memory_space<hbm>> -> memref<128x16xf32, #tpu.memory_space<hbm>>
        %dma_start3A_166 = arith.constant 0 : i32
        %dma_start3A_167 = arith.constant 0 : i32
        %dma_start3A_168 = tpu.memref_slice %arg7[%sub3A_152, %dma_start3A_166, %dma_start3A_167] : memref<2x128x16xf32, #tpu.memory_space<vmem>> -> memref<1x128x16xf32, #tpu.memory_space<vmem>>
        %dma_start3A_169 = tpu.memref_squeeze %dma_start3A_168 : memref<1x128x16xf32, #tpu.memory_space<vmem>> -> memref<128x16xf32, #tpu.memory_space<vmem>>
        %dma_start3A_170 = arith.constant 0 : i32
        %dma_start3A_171 = tpu.memref_slice %arg2[%add3A_158, %dma_start3A_170] : memref<320000x16xf32, #tpu.memory_space<hbm>> -> memref<128x16xf32, #tpu.memory_space<hbm>>
        tpu.enqueue_dma source(%dma_start3A_171 : memref<128x16xf32, #tpu.memory_space<hbm>>) target(%dma_start3A_169 : memref<128x16xf32, #tpu.memory_space<vmem>>) target_semaphore(%run_scoped3A_159 : memref<!tpu.dma_semaphore, #tpu.memory_space<semaphore_mem>>)
        %dma_wait3A_172 = arith.constant 0 : i32
        %dma_wait3A_173 = arith.constant 0 : i32
        %dma_wait3A_174 = tpu.memref_slice %arg7[%sub3A_152, %dma_wait3A_172, %dma_wait3A_173] : memref<2x128x16xf32, #tpu.memory_space<vmem>> -> memref<1x128x16xf32, #tpu.memory_space<vmem>>
        %dma_wait3A_175 = tpu.memref_squeeze %dma_wait3A_174 : memref<1x128x16xf32, #tpu.memory_space<vmem>> -> memref<128x16xf32, #tpu.memory_space<vmem>>
        %dma_wait3A_176 = arith.constant 0 : i32
        %dma_wait3A_177 = tpu.memref_slice %arg2[%add3A_158, %dma_wait3A_176] : memref<320000x16xf32, #tpu.memory_space<hbm>> -> memref<128x16xf32, #tpu.memory_space<hbm>>
        %dma_wait3A_178 = arith.constant 0 : i32
        %dma_wait3A_179 = arith.constant 0 : i32
        %dma_wait3A_180 = tpu.memref_slice %arg7[%sub3A_152, %dma_wait3A_178, %dma_wait3A_179] : memref<2x128x16xf32, #tpu.memory_space<vmem>> -> memref<1x128x16xf32, #tpu.memory_space<vmem>>
        %dma_wait3A_181 = tpu.memref_squeeze %dma_wait3A_180 : memref<1x128x16xf32, #tpu.memory_space<vmem>> -> memref<128x16xf32, #tpu.memory_space<vmem>>
        %dma_wait3A_182 = arith.constant 0 : i32
        %dma_wait3A_183 = tpu.memref_slice %arg2[%add3A_158, %dma_wait3A_182] : memref<320000x16xf32, #tpu.memory_space<hbm>> -> memref<128x16xf32, #tpu.memory_space<hbm>>
        tpu.wait_dma2 semaphore(%run_scoped3A_159 : memref<!tpu.dma_semaphore, #tpu.memory_space<semaphore_mem>>) src(%dma_wait3A_183 : memref<128x16xf32, #tpu.memory_space<hbm>>) dst(%dma_wait3A_181 : memref<128x16xf32, #tpu.memory_space<vmem>>)
        tpu.yield
      }) : () -> ()
    }
    %scan3A_47 = arith.constant 76 : i32
    %dma_wait3A = arith.constant 0 : i32
    %dma_wait3A_48 = arith.constant 0 : i32
    %dma_wait3A_49 = arith.constant 0 : i32
    %dma_wait3A_50 = tpu.memref_slice %arg7[%dma_wait3A, %dma_wait3A_48, %dma_wait3A_49] : memref<2x128x16xf32, #tpu.memory_space<vmem>> -> memref<1x128x16xf32, #tpu.memory_space<vmem>>
    %dma_wait3A_51 = tpu.memref_squeeze %dma_wait3A_50 : memref<1x128x16xf32, #tpu.memory_space<vmem>> -> memref<128x16xf32, #tpu.memory_space<vmem>>
    %dma_wait3A_52 = arith.constant 0 : i32
    %dma_wait3A_53 = arith.constant 0 : i32
    %dma_wait3A_54 = tpu.memref_slice %arg2[%dma_wait3A_52, %dma_wait3A_53] : memref<320000x16xf32, #tpu.memory_space<hbm>> -> memref<128x16xf32, #tpu.memory_space<hbm>>
    %dma_wait3A_55 = arith.constant 0 : i32
    %dma_wait3A_56 = arith.constant 0 : i32
    %dma_wait3A_57 = tpu.memref_slice %arg7[%dma_wait3A, %dma_wait3A_55, %dma_wait3A_56] : memref<2x128x16xf32, #tpu.memory_space<vmem>> -> memref<1x128x16xf32, #tpu.memory_space<vmem>>
    %dma_wait3A_58 = tpu.memref_squeeze %dma_wait3A_57 : memref<1x128x16xf32, #tpu.memory_space<vmem>> -> memref<128x16xf32, #tpu.memory_space<vmem>>
    %dma_wait3A_59 = arith.constant 0 : i32
    %dma_wait3A_60 = arith.constant 0 : i32
    %dma_wait3A_61 = tpu.memref_slice %arg2[%dma_wait3A_59, %dma_wait3A_60] : memref<320000x16xf32, #tpu.memory_space<hbm>> -> memref<128x16xf32, #tpu.memory_space<hbm>>
    tpu.wait_dma2 semaphore(%arg11 : memref<!tpu.dma_semaphore, #tpu.memory_space<semaphore_mem>>) src(%dma_wait3A_61 : memref<128x16xf32, #tpu.memory_space<hbm>>) dst(%dma_wait3A_58 : memref<128x16xf32, #tpu.memory_space<vmem>>)
    %dma_start3A_62 = arith.constant 1 : i32
    %dma_start3A_63 = arith.constant 1 : i32
    %dma_start3A_64 = arith.constant 0 : i32
    %dma_start3A_65 = arith.constant 0 : i32
    %dma_start3A_66 = tpu.memref_slice %arg7[%dma_start3A_62, %dma_start3A_64, %dma_start3A_65] : memref<2x128x16xf32, #tpu.memory_space<vmem>> -> memref<1x128x16xf32, #tpu.memory_space<vmem>>
    %dma_start3A_67 = tpu.memref_squeeze %dma_start3A_66 : memref<1x128x16xf32, #tpu.memory_space<vmem>> -> memref<128x16xf32, #tpu.memory_space<vmem>>
    %dma_start3A_68 = arith.constant 0 : i32
    %dma_start3A_69 = tpu.memref_slice %arg6[%dma_start3A_63, %dma_start3A_68] : memref<2x128xi32, #tpu.memory_space<vmem>> -> memref<1x128xi32, #tpu.memory_space<vmem>>
    %dma_start3A_70 = tpu.memref_squeeze %dma_start3A_69 : memref<1x128xi32, #tpu.memory_space<vmem>> -> memref<128xi32, #tpu.memory_space<vmem>>
    %dma_start3A_71 = arith.constant 0 : i32
    %dma_start3A_72 = arith.constant 0 : i32
    %dma_start3A_73 = tpu.memref_slice %arg10[%dma_start3A_71, %dma_start3A_72] : memref<10240x16xf32, #tpu.memory_space<vmem_shared>> -> memref<10240x16xf32, #tpu.memory_space<vmem_shared>>
    tpu.enqueue_indirect_dma source(%dma_start3A_67 : memref<128x16xf32, #tpu.memory_space<vmem>>) target(%dma_start3A_73 : memref<10240x16xf32, #tpu.memory_space<vmem_shared>>) offsets(%dma_start3A_70 : memref<128xi32, #tpu.memory_space<vmem>>) semaphore(%arg11 : memref<!tpu.dma_semaphore, #tpu.memory_space<semaphore_mem>>) {add = true}
    %dma_wait3A_74 = arith.constant 1 : i32
    %dma_wait3A_75 = arith.constant 0 : i32
    %dma_wait3A_76 = arith.constant 0 : i32
    %dma_wait3A_77 = tpu.memref_slice %arg7[%dma_wait3A_74, %dma_wait3A_75, %dma_wait3A_76] : memref<2x128x16xf32, #tpu.memory_space<vmem>> -> memref<1x128x16xf32, #tpu.memory_space<vmem>>
    %dma_wait3A_78 = tpu.memref_squeeze %dma_wait3A_77 : memref<1x128x16xf32, #tpu.memory_space<vmem>> -> memref<128x16xf32, #tpu.memory_space<vmem>>
    %dma_wait3A_79 = arith.constant 0 : i32
    %dma_wait3A_80 = arith.constant 0 : i32
    %dma_wait3A_81 = tpu.memref_slice %arg2[%dma_wait3A_79, %dma_wait3A_80] : memref<320000x16xf32, #tpu.memory_space<hbm>> -> memref<128x16xf32, #tpu.memory_space<hbm>>
    %dma_wait3A_82 = arith.constant 0 : i32
    %dma_wait3A_83 = arith.constant 0 : i32
    %dma_wait3A_84 = tpu.memref_slice %arg7[%dma_wait3A_74, %dma_wait3A_82, %dma_wait3A_83] : memref<2x128x16xf32, #tpu.memory_space<vmem>> -> memref<1x128x16xf32, #tpu.memory_space<vmem>>
    %dma_wait3A_85 = tpu.memref_squeeze %dma_wait3A_84 : memref<1x128x16xf32, #tpu.memory_space<vmem>> -> memref<128x16xf32, #tpu.memory_space<vmem>>
    %dma_wait3A_86 = arith.constant 0 : i32
    %dma_wait3A_87 = arith.constant 0 : i32
    %dma_wait3A_88 = tpu.memref_slice %arg2[%dma_wait3A_86, %dma_wait3A_87] : memref<320000x16xf32, #tpu.memory_space<hbm>> -> memref<128x16xf32, #tpu.memory_space<hbm>>
    tpu.wait_dma2 semaphore(%arg11 : memref<!tpu.dma_semaphore, #tpu.memory_space<semaphore_mem>>) src(%dma_wait3A_88 : memref<128x16xf32, #tpu.memory_space<hbm>>) dst(%dma_wait3A_85 : memref<128x16xf32, #tpu.memory_space<vmem>>)
    %add3A_89 = arith.constant 9984 : i32
    %add3A_90 = arith.addi %mul3A_19, %add3A_89 : i32
    "tpu.region"() ({
      %run_scoped3A_122 = tpu.sem_alloc : memref<!tpu.dma_semaphore, #tpu.memory_space<semaphore_mem>>
      %dma_start3A_123 = tpu.memref_slice %arg3[%add3A_90] : memref<320000xi32, #tpu.memory_space<hbm>> -> memref<16xi32, #tpu.memory_space<hbm>>
      %dma_start3A_124 = tpu.memref_slice %arg3[%add3A_90] : memref<320000xi32, #tpu.memory_space<hbm>> -> memref<16xi32, #tpu.memory_space<hbm>>
      tpu.enqueue_dma source(%dma_start3A_124 : memref<16xi32, #tpu.memory_space<hbm>>) target(%arg8 : memref<16xi32, #tpu.memory_space<vmem>>) target_semaphore(%run_scoped3A_122 : memref<!tpu.dma_semaphore, #tpu.memory_space<semaphore_mem>>)
      %dma_wait3A_125 = tpu.memref_slice %arg3[%add3A_90] : memref<320000xi32, #tpu.memory_space<hbm>> -> memref<16xi32, #tpu.memory_space<hbm>>
      %dma_wait3A_126 = tpu.memref_slice %arg3[%add3A_90] : memref<320000xi32, #tpu.memory_space<hbm>> -> memref<16xi32, #tpu.memory_space<hbm>>
      tpu.wait_dma2 semaphore(%run_scoped3A_122 : memref<!tpu.dma_semaphore, #tpu.memory_space<semaphore_mem>>) src(%dma_wait3A_126 : memref<16xi32, #tpu.memory_space<hbm>>) dst(%arg8 : memref<16xi32, #tpu.memory_space<vmem>>)
      tpu.yield
    }) : () -> ()
    "tpu.region"() ({
      %run_scoped3A_122 = tpu.sem_alloc : memref<!tpu.dma_semaphore, #tpu.memory_space<semaphore_mem>>
      %dma_start3A_123 = arith.constant 0 : i32
      %dma_start3A_124 = tpu.memref_slice %arg2[%add3A_90, %dma_start3A_123] : memref<320000x16xf32, #tpu.memory_space<hbm>> -> memref<16x16xf32, #tpu.memory_space<hbm>>
      %dma_start3A_125 = arith.constant 0 : i32
      %dma_start3A_126 = tpu.memref_slice %arg2[%add3A_90, %dma_start3A_125] : memref<320000x16xf32, #tpu.memory_space<hbm>> -> memref<16x16xf32, #tpu.memory_space<hbm>>
      tpu.enqueue_dma source(%dma_start3A_126 : memref<16x16xf32, #tpu.memory_space<hbm>>) target(%arg9 : memref<16x16xf32, #tpu.memory_space<vmem>>) target_semaphore(%run_scoped3A_122 : memref<!tpu.dma_semaphore, #tpu.memory_space<semaphore_mem>>)
      %dma_wait3A_127 = arith.constant 0 : i32
      %dma_wait3A_128 = tpu.memref_slice %arg2[%add3A_90, %dma_wait3A_127] : memref<320000x16xf32, #tpu.memory_space<hbm>> -> memref<16x16xf32, #tpu.memory_space<hbm>>
      %dma_wait3A_129 = arith.constant 0 : i32
      %dma_wait3A_130 = tpu.memref_slice %arg2[%add3A_90, %dma_wait3A_129] : memref<320000x16xf32, #tpu.memory_space<hbm>> -> memref<16x16xf32, #tpu.memory_space<hbm>>
      tpu.wait_dma2 semaphore(%run_scoped3A_122 : memref<!tpu.dma_semaphore, #tpu.memory_space<semaphore_mem>>) src(%dma_wait3A_130 : memref<16x16xf32, #tpu.memory_space<hbm>>) dst(%arg9 : memref<16x16xf32, #tpu.memory_space<vmem>>)
      tpu.yield
    }) : () -> ()
    "tpu.region"() ({
      %run_scoped3A_122 = tpu.sem_alloc : memref<!tpu.dma_semaphore, #tpu.memory_space<semaphore_mem>>
      %dma_start3A_123 = arith.constant 0 : i32
      %dma_start3A_124 = arith.constant 0 : i32
      %dma_start3A_125 = tpu.memref_slice %arg10[%dma_start3A_123, %dma_start3A_124] : memref<10240x16xf32, #tpu.memory_space<vmem_shared>> -> memref<10240x16xf32, #tpu.memory_space<vmem_shared>>
      tpu.enqueue_indirect_dma source(%arg9 : memref<16x16xf32, #tpu.memory_space<vmem>>) target(%dma_start3A_125 : memref<10240x16xf32, #tpu.memory_space<vmem_shared>>) offsets(%arg8 : memref<16xi32, #tpu.memory_space<vmem>>) semaphore(%run_scoped3A_122 : memref<!tpu.dma_semaphore, #tpu.memory_space<semaphore_mem>>) {add = true}
      %dma_wait3A_126 = arith.constant 0 : i32
      %dma_wait3A_127 = arith.constant 0 : i32
      %dma_wait3A_128 = tpu.memref_slice %arg10[%dma_wait3A_126, %dma_wait3A_127] : memref<10240x16xf32, #tpu.memory_space<vmem_shared>> -> memref<10240x16xf32, #tpu.memory_space<vmem_shared>>
      tpu.wait_indirect_dma semaphore(%run_scoped3A_122 : memref<!tpu.dma_semaphore, #tpu.memory_space<semaphore_mem>>) src(%arg9 : memref<16x16xf32, #tpu.memory_space<vmem>>) dst(%dma_wait3A_128 : memref<10240x16xf32, #tpu.memory_space<vmem_shared>>)
      tpu.yield
    }) : () -> ()
    %barrier3A_91 = arith.constant 0 : index
    tpu.barrier barrier_id(%barrier3A_91)
    %add3A_92 = arith.constant 0 : i32
    %add3A_93 = arith.addi %mul3A_2, %add3A_92 : i32
    %run_scoped3A_94 = arith.constant 0 : i32
    "tpu.region"() ({
      %run_scoped3A_122 = tpu.sem_alloc : memref<!tpu.dma_semaphore, #tpu.memory_space<semaphore_mem>>
      %dma_start3A_123 = arith.constant 0 : i32
      %dma_start3A_124 = arith.constant 0 : i32
      %dma_start3A_125 = tpu.memref_slice %arg7[%run_scoped3A_94, %dma_start3A_123, %dma_start3A_124] : memref<2x128x16xf32, #tpu.memory_space<vmem>> -> memref<1x128x16xf32, #tpu.memory_space<vmem>>
      %dma_start3A_126 = tpu.memref_squeeze %dma_start3A_125 : memref<1x128x16xf32, #tpu.memory_space<vmem>> -> memref<128x16xf32, #tpu.memory_space<vmem>>
      %dma_start3A_127 = arith.constant 0 : i32
      %dma_start3A_128 = tpu.memref_slice %arg10[%add3A_93, %dma_start3A_127] : memref<10240x16xf32, #tpu.memory_space<vmem_shared>> -> memref<128x16xf32, #tpu.memory_space<vmem_shared>>
      %dma_start3A_129 = arith.constant 0 : i32
      %dma_start3A_130 = arith.constant 0 : i32
      %dma_start3A_131 = tpu.memref_slice %arg7[%run_scoped3A_94, %dma_start3A_129, %dma_start3A_130] : memref<2x128x16xf32, #tpu.memory_space<vmem>> -> memref<1x128x16xf32, #tpu.memory_space<vmem>>
      %dma_start3A_132 = tpu.memref_squeeze %dma_start3A_131 : memref<1x128x16xf32, #tpu.memory_space<vmem>> -> memref<128x16xf32, #tpu.memory_space<vmem>>
      %dma_start3A_133 = arith.constant 0 : i32
      %dma_start3A_134 = tpu.memref_slice %arg10[%add3A_93, %dma_start3A_133] : memref<10240x16xf32, #tpu.memory_space<vmem_shared>> -> memref<128x16xf32, #tpu.memory_space<vmem_shared>>
      tpu.enqueue_dma source(%dma_start3A_134 : memref<128x16xf32, #tpu.memory_space<vmem_shared>>) target(%dma_start3A_132 : memref<128x16xf32, #tpu.memory_space<vmem>>) target_semaphore(%run_scoped3A_122 : memref<!tpu.dma_semaphore, #tpu.memory_space<semaphore_mem>>)
      %dma_wait3A_135 = arith.constant 0 : i32
      %dma_wait3A_136 = arith.constant 0 : i32
      %dma_wait3A_137 = tpu.memref_slice %arg7[%run_scoped3A_94, %dma_wait3A_135, %dma_wait3A_136] : memref<2x128x16xf32, #tpu.memory_space<vmem>> -> memref<1x128x16xf32, #tpu.memory_space<vmem>>
      %dma_wait3A_138 = tpu.memref_squeeze %dma_wait3A_137 : memref<1x128x16xf32, #tpu.memory_space<vmem>> -> memref<128x16xf32, #tpu.memory_space<vmem>>
      %dma_wait3A_139 = arith.constant 0 : i32
      %dma_wait3A_140 = tpu.memref_slice %arg10[%add3A_93, %dma_wait3A_139] : memref<10240x16xf32, #tpu.memory_space<vmem_shared>> -> memref<128x16xf32, #tpu.memory_space<vmem_shared>>
      %dma_wait3A_141 = arith.constant 0 : i32
      %dma_wait3A_142 = arith.constant 0 : i32
      %dma_wait3A_143 = tpu.memref_slice %arg7[%run_scoped3A_94, %dma_wait3A_141, %dma_wait3A_142] : memref<2x128x16xf32, #tpu.memory_space<vmem>> -> memref<1x128x16xf32, #tpu.memory_space<vmem>>
      %dma_wait3A_144 = tpu.memref_squeeze %dma_wait3A_143 : memref<1x128x16xf32, #tpu.memory_space<vmem>> -> memref<128x16xf32, #tpu.memory_space<vmem>>
      %dma_wait3A_145 = arith.constant 0 : i32
      %dma_wait3A_146 = tpu.memref_slice %arg10[%add3A_93, %dma_wait3A_145] : memref<10240x16xf32, #tpu.memory_space<vmem_shared>> -> memref<128x16xf32, #tpu.memory_space<vmem_shared>>
      tpu.wait_dma2 semaphore(%run_scoped3A_122 : memref<!tpu.dma_semaphore, #tpu.memory_space<semaphore_mem>>) src(%dma_wait3A_146 : memref<128x16xf32, #tpu.memory_space<vmem_shared>>) dst(%dma_wait3A_144 : memref<128x16xf32, #tpu.memory_space<vmem>>)
      tpu.yield
    }) : () -> ()
    %add3A_95 = arith.constant 0 : i32
    %add3A_96 = arith.addi %mul3A_2, %add3A_95 : i32
    %run_scoped3A_97 = arith.constant 0 : i32
    "tpu.region"() ({
      %run_scoped3A_122 = tpu.sem_alloc : memref<!tpu.dma_semaphore, #tpu.memory_space<semaphore_mem>>
      %dma_start3A_123 = arith.constant 0 : i32
      %dma_start3A_124 = arith.constant 0 : i32
      %dma_start3A_125 = tpu.memref_slice %arg7[%run_scoped3A_97, %dma_start3A_123, %dma_start3A_124] : memref<2x128x16xf32, #tpu.memory_space<vmem>> -> memref<1x128x16xf32, #tpu.memory_space<vmem>>
      %dma_start3A_126 = tpu.memref_squeeze %dma_start3A_125 : memref<1x128x16xf32, #tpu.memory_space<vmem>> -> memref<128x16xf32, #tpu.memory_space<vmem>>
      %dma_start3A_127 = arith.constant 0 : i32
      %dma_start3A_128 = tpu.memref_slice %arg5[%arg0, %add3A_96, %dma_start3A_127] : memref<2x10240x16xf32, #tpu.memory_space<hbm>> -> memref<1x128x16xf32, #tpu.memory_space<hbm>>
      %dma_start3A_129 = tpu.memref_squeeze %dma_start3A_128 : memref<1x128x16xf32, #tpu.memory_space<hbm>> -> memref<128x16xf32, #tpu.memory_space<hbm>>
      %dma_start3A_130 = arith.constant 0 : i32
      %dma_start3A_131 = tpu.memref_slice %arg5[%arg0, %add3A_96, %dma_start3A_130] : memref<2x10240x16xf32, #tpu.memory_space<hbm>> -> memref<1x128x16xf32, #tpu.memory_space<hbm>>
      %dma_start3A_132 = tpu.memref_squeeze %dma_start3A_131 : memref<1x128x16xf32, #tpu.memory_space<hbm>> -> memref<128x16xf32, #tpu.memory_space<hbm>>
      %dma_start3A_133 = arith.constant 0 : i32
      %dma_start3A_134 = arith.constant 0 : i32
      %dma_start3A_135 = tpu.memref_slice %arg7[%run_scoped3A_97, %dma_start3A_133, %dma_start3A_134] : memref<2x128x16xf32, #tpu.memory_space<vmem>> -> memref<1x128x16xf32, #tpu.memory_space<vmem>>
      %dma_start3A_136 = tpu.memref_squeeze %dma_start3A_135 : memref<1x128x16xf32, #tpu.memory_space<vmem>> -> memref<128x16xf32, #tpu.memory_space<vmem>>
      tpu.enqueue_dma source(%dma_start3A_136 : memref<128x16xf32, #tpu.memory_space<vmem>>) target(%dma_start3A_132 : memref<128x16xf32, #tpu.memory_space<hbm>>) target_semaphore(%run_scoped3A_122 : memref<!tpu.dma_semaphore, #tpu.memory_space<semaphore_mem>>)
      %dma_wait3A_137 = arith.constant 0 : i32
      %dma_wait3A_138 = arith.constant 0 : i32
      %dma_wait3A_139 = tpu.memref_slice %arg7[%run_scoped3A_97, %dma_wait3A_137, %dma_wait3A_138] : memref<2x128x16xf32, #tpu.memory_space<vmem>> -> memref<1x128x16xf32, #tpu.memory_space<vmem>>
      %dma_wait3A_140 = tpu.memref_squeeze %dma_wait3A_139 : memref<1x128x16xf32, #tpu.memory_space<vmem>> -> memref<128x16xf32, #tpu.memory_space<vmem>>
      %dma_wait3A_141 = arith.constant 0 : i32
      %dma_wait3A_142 = tpu.memref_slice %arg5[%arg0, %add3A_96, %dma_wait3A_141] : memref<2x10240x16xf32, #tpu.memory_space<hbm>> -> memref<1x128x16xf32, #tpu.memory_space<hbm>>
      %dma_wait3A_143 = tpu.memref_squeeze %dma_wait3A_142 : memref<1x128x16xf32, #tpu.memory_space<hbm>> -> memref<128x16xf32, #tpu.memory_space<hbm>>
      %dma_wait3A_144 = arith.constant 0 : i32
      %dma_wait3A_145 = tpu.memref_slice %arg5[%arg0, %add3A_96, %dma_wait3A_144] : memref<2x10240x16xf32, #tpu.memory_space<hbm>> -> memref<1x128x16xf32, #tpu.memory_space<hbm>>
      %dma_wait3A_146 = tpu.memref_squeeze %dma_wait3A_145 : memref<1x128x16xf32, #tpu.memory_space<hbm>> -> memref<128x16xf32, #tpu.memory_space<hbm>>
      %dma_wait3A_147 = arith.constant 0 : i32
      %dma_wait3A_148 = arith.constant 0 : i32
      %dma_wait3A_149 = tpu.memref_slice %arg7[%run_scoped3A_97, %dma_wait3A_147, %dma_wait3A_148] : memref<2x128x16xf32, #tpu.memory_space<vmem>> -> memref<1x128x16xf32, #tpu.memory_space<vmem>>
      %dma_wait3A_150 = tpu.memref_squeeze %dma_wait3A_149 : memref<1x128x16xf32, #tpu.memory_space<vmem>> -> memref<128x16xf32, #tpu.memory_space<vmem>>
      tpu.wait_dma2 semaphore(%run_scoped3A_122 : memref<!tpu.dma_semaphore, #tpu.memory_space<semaphore_mem>>) src(%dma_wait3A_150 : memref<128x16xf32, #tpu.memory_space<vmem>>) dst(%dma_wait3A_146 : memref<128x16xf32, #tpu.memory_space<hbm>>)
      tpu.yield
    }) : () -> ()
    %add3A_98 = arith.constant 128 : i32
    %add3A_99 = arith.addi %mul3A_2, %add3A_98 : i32
    %run_scoped3A_100 = arith.constant 0 : i32
    "tpu.region"() ({
      %run_scoped3A_122 = tpu.sem_alloc : memref<!tpu.dma_semaphore, #tpu.memory_space<semaphore_mem>>
      %dma_start3A_123 = arith.constant 0 : i32
      %dma_start3A_124 = arith.constant 0 : i32
      %dma_start3A_125 = tpu.memref_slice %arg7[%run_scoped3A_100, %dma_start3A_123, %dma_start3A_124] : memref<2x128x16xf32, #tpu.memory_space<vmem>> -> memref<1x128x16xf32, #tpu.memory_space<vmem>>
      %dma_start3A_126 = tpu.memref_squeeze %dma_start3A_125 : memref<1x128x16xf32, #tpu.memory_space<vmem>> -> memref<128x16xf32, #tpu.memory_space<vmem>>
      %dma_start3A_127 = arith.constant 0 : i32
      %dma_start3A_128 = tpu.memref_slice %arg10[%add3A_99, %dma_start3A_127] : memref<10240x16xf32, #tpu.memory_space<vmem_shared>> -> memref<128x16xf32, #tpu.memory_space<vmem_shared>>
      %dma_start3A_129 = arith.constant 0 : i32
      %dma_start3A_130 = arith.constant 0 : i32
      %dma_start3A_131 = tpu.memref_slice %arg7[%run_scoped3A_100, %dma_start3A_129, %dma_start3A_130] : memref<2x128x16xf32, #tpu.memory_space<vmem>> -> memref<1x128x16xf32, #tpu.memory_space<vmem>>
      %dma_start3A_132 = tpu.memref_squeeze %dma_start3A_131 : memref<1x128x16xf32, #tpu.memory_space<vmem>> -> memref<128x16xf32, #tpu.memory_space<vmem>>
      %dma_start3A_133 = arith.constant 0 : i32
      %dma_start3A_134 = tpu.memref_slice %arg10[%add3A_99, %dma_start3A_133] : memref<10240x16xf32, #tpu.memory_space<vmem_shared>> -> memref<128x16xf32, #tpu.memory_space<vmem_shared>>
      tpu.enqueue_dma source(%dma_start3A_134 : memref<128x16xf32, #tpu.memory_space<vmem_shared>>) target(%dma_start3A_132 : memref<128x16xf32, #tpu.memory_space<vmem>>) target_semaphore(%run_scoped3A_122 : memref<!tpu.dma_semaphore, #tpu.memory_space<semaphore_mem>>)
      %dma_wait3A_135 = arith.constant 0 : i32
      %dma_wait3A_136 = arith.constant 0 : i32
      %dma_wait3A_137 = tpu.memref_slice %arg7[%run_scoped3A_100, %dma_wait3A_135, %dma_wait3A_136] : memref<2x128x16xf32, #tpu.memory_space<vmem>> -> memref<1x128x16xf32, #tpu.memory_space<vmem>>
      %dma_wait3A_138 = tpu.memref_squeeze %dma_wait3A_137 : memref<1x128x16xf32, #tpu.memory_space<vmem>> -> memref<128x16xf32, #tpu.memory_space<vmem>>
      %dma_wait3A_139 = arith.constant 0 : i32
      %dma_wait3A_140 = tpu.memref_slice %arg10[%add3A_99, %dma_wait3A_139] : memref<10240x16xf32, #tpu.memory_space<vmem_shared>> -> memref<128x16xf32, #tpu.memory_space<vmem_shared>>
      %dma_wait3A_141 = arith.constant 0 : i32
      %dma_wait3A_142 = arith.constant 0 : i32
      %dma_wait3A_143 = tpu.memref_slice %arg7[%run_scoped3A_100, %dma_wait3A_141, %dma_wait3A_142] : memref<2x128x16xf32, #tpu.memory_space<vmem>> -> memref<1x128x16xf32, #tpu.memory_space<vmem>>
      %dma_wait3A_144 = tpu.memref_squeeze %dma_wait3A_143 : memref<1x128x16xf32, #tpu.memory_space<vmem>> -> memref<128x16xf32, #tpu.memory_space<vmem>>
      %dma_wait3A_145 = arith.constant 0 : i32
      %dma_wait3A_146 = tpu.memref_slice %arg10[%add3A_99, %dma_wait3A_145] : memref<10240x16xf32, #tpu.memory_space<vmem_shared>> -> memref<128x16xf32, #tpu.memory_space<vmem_shared>>
      tpu.wait_dma2 semaphore(%run_scoped3A_122 : memref<!tpu.dma_semaphore, #tpu.memory_space<semaphore_mem>>) src(%dma_wait3A_146 : memref<128x16xf32, #tpu.memory_space<vmem_shared>>) dst(%dma_wait3A_144 : memref<128x16xf32, #tpu.memory_space<vmem>>)
      tpu.yield
    }) : () -> ()
    %add3A_101 = arith.constant 128 : i32
    %add3A_102 = arith.addi %mul3A_2, %add3A_101 : i32
    %run_scoped3A_103 = arith.constant 0 : i32
    "tpu.region"() ({
      %run_scoped3A_122 = tpu.sem_alloc : memref<!tpu.dma_semaphore, #tpu.memory_space<semaphore_mem>>
      %dma_start3A_123 = arith.constant 0 : i32
      %dma_start3A_124 = arith.constant 0 : i32
      %dma_start3A_125 = tpu.memref_slice %arg7[%run_scoped3A_103, %dma_start3A_123, %dma_start3A_124] : memref<2x128x16xf32, #tpu.memory_space<vmem>> -> memref<1x128x16xf32, #tpu.memory_space<vmem>>
      %dma_start3A_126 = tpu.memref_squeeze %dma_start3A_125 : memref<1x128x16xf32, #tpu.memory_space<vmem>> -> memref<128x16xf32, #tpu.memory_space<vmem>>
      %dma_start3A_127 = arith.constant 0 : i32
      %dma_start3A_128 = tpu.memref_slice %arg5[%arg0, %add3A_102, %dma_start3A_127] : memref<2x10240x16xf32, #tpu.memory_space<hbm>> -> memref<1x128x16xf32, #tpu.memory_space<hbm>>
      %dma_start3A_129 = tpu.memref_squeeze %dma_start3A_128 : memref<1x128x16xf32, #tpu.memory_space<hbm>> -> memref<128x16xf32, #tpu.memory_space<hbm>>
      %dma_start3A_130 = arith.constant 0 : i32
      %dma_start3A_131 = tpu.memref_slice %arg5[%arg0, %add3A_102, %dma_start3A_130] : memref<2x10240x16xf32, #tpu.memory_space<hbm>> -> memref<1x128x16xf32, #tpu.memory_space<hbm>>
      %dma_start3A_132 = tpu.memref_squeeze %dma_start3A_131 : memref<1x128x16xf32, #tpu.memory_space<hbm>> -> memref<128x16xf32, #tpu.memory_space<hbm>>
      %dma_start3A_133 = arith.constant 0 : i32
      %dma_start3A_134 = arith.constant 0 : i32
      %dma_start3A_135 = tpu.memref_slice %arg7[%run_scoped3A_103, %dma_start3A_133, %dma_start3A_134] : memref<2x128x16xf32, #tpu.memory_space<vmem>> -> memref<1x128x16xf32, #tpu.memory_space<vmem>>
      %dma_start3A_136 = tpu.memref_squeeze %dma_start3A_135 : memref<1x128x16xf32, #tpu.memory_space<vmem>> -> memref<128x16xf32, #tpu.memory_space<vmem>>
      tpu.enqueue_dma source(%dma_start3A_136 : memref<128x16xf32, #tpu.memory_space<vmem>>) target(%dma_start3A_132 : memref<128x16xf32, #tpu.memory_space<hbm>>) target_semaphore(%run_scoped3A_122 : memref<!tpu.dma_semaphore, #tpu.memory_space<semaphore_mem>>)
      %dma_wait3A_137 = arith.constant 0 : i32
      %dma_wait3A_138 = arith.constant 0 : i32
      %dma_wait3A_139 = tpu.memref_slice %arg7[%run_scoped3A_103, %dma_wait3A_137, %dma_wait3A_138] : memref<2x128x16xf32, #tpu.memory_space<vmem>> -> memref<1x128x16xf32, #tpu.memory_space<vmem>>
      %dma_wait3A_140 = tpu.memref_squeeze %dma_wait3A_139 : memref<1x128x16xf32, #tpu.memory_space<vmem>> -> memref<128x16xf32, #tpu.memory_space<vmem>>
      %dma_wait3A_141 = arith.constant 0 : i32
      %dma_wait3A_142 = tpu.memref_slice %arg5[%arg0, %add3A_102, %dma_wait3A_141] : memref<2x10240x16xf32, #tpu.memory_space<hbm>> -> memref<1x128x16xf32, #tpu.memory_space<hbm>>
      %dma_wait3A_143 = tpu.memref_squeeze %dma_wait3A_142 : memref<1x128x16xf32, #tpu.memory_space<hbm>> -> memref<128x16xf32, #tpu.memory_space<hbm>>
      %dma_wait3A_144 = arith.constant 0 : i32
      %dma_wait3A_145 = tpu.memref_slice %arg5[%arg0, %add3A_102, %dma_wait3A_144] : memref<2x10240x16xf32, #tpu.memory_space<hbm>> -> memref<1x128x16xf32, #tpu.memory_space<hbm>>
      %dma_wait3A_146 = tpu.memref_squeeze %dma_wait3A_145 : memref<1x128x16xf32, #tpu.memory_space<hbm>> -> memref<128x16xf32, #tpu.memory_space<hbm>>
      %dma_wait3A_147 = arith.constant 0 : i32
      %dma_wait3A_148 = arith.constant 0 : i32
      %dma_wait3A_149 = tpu.memref_slice %arg7[%run_scoped3A_103, %dma_wait3A_147, %dma_wait3A_148] : memref<2x128x16xf32, #tpu.memory_space<vmem>> -> memref<1x128x16xf32, #tpu.memory_space<vmem>>
      %dma_wait3A_150 = tpu.memref_squeeze %dma_wait3A_149 : memref<1x128x16xf32, #tpu.memory_space<vmem>> -> memref<128x16xf32, #tpu.memory_space<vmem>>
      tpu.wait_dma2 semaphore(%run_scoped3A_122 : memref<!tpu.dma_semaphore, #tpu.memory_space<semaphore_mem>>) src(%dma_wait3A_150 : memref<128x16xf32, #tpu.memory_space<vmem>>) dst(%dma_wait3A_146 : memref<128x16xf32, #tpu.memory_space<hbm>>)
      tpu.yield
    }) : () -> ()
    %add3A_104 = arith.constant 256 : i32
    %add3A_105 = arith.addi %mul3A_2, %add3A_104 : i32
    %run_scoped3A_106 = arith.constant 0 : i32
    "tpu.region"() ({
      %run_scoped3A_122 = tpu.sem_alloc : memref<!tpu.dma_semaphore, #tpu.memory_space<semaphore_mem>>
      %dma_start3A_123 = arith.constant 0 : i32
      %dma_start3A_124 = arith.constant 0 : i32
      %dma_start3A_125 = tpu.memref_slice %arg7[%run_scoped3A_106, %dma_start3A_123, %dma_start3A_124] : memref<2x128x16xf32, #tpu.memory_space<vmem>> -> memref<1x128x16xf32, #tpu.memory_space<vmem>>
      %dma_start3A_126 = tpu.memref_squeeze %dma_start3A_125 : memref<1x128x16xf32, #tpu.memory_space<vmem>> -> memref<128x16xf32, #tpu.memory_space<vmem>>
      %dma_start3A_127 = arith.constant 0 : i32
      %dma_start3A_128 = tpu.memref_slice %arg10[%add3A_105, %dma_start3A_127] : memref<10240x16xf32, #tpu.memory_space<vmem_shared>> -> memref<128x16xf32, #tpu.memory_space<vmem_shared>>
      %dma_start3A_129 = arith.constant 0 : i32
      %dma_start3A_130 = arith.constant 0 : i32
      %dma_start3A_131 = tpu.memref_slice %arg7[%run_scoped3A_106, %dma_start3A_129, %dma_start3A_130] : memref<2x128x16xf32, #tpu.memory_space<vmem>> -> memref<1x128x16xf32, #tpu.memory_space<vmem>>
      %dma_start3A_132 = tpu.memref_squeeze %dma_start3A_131 : memref<1x128x16xf32, #tpu.memory_space<vmem>> -> memref<128x16xf32, #tpu.memory_space<vmem>>
      %dma_start3A_133 = arith.constant 0 : i32
      %dma_start3A_134 = tpu.memref_slice %arg10[%add3A_105, %dma_start3A_133] : memref<10240x16xf32, #tpu.memory_space<vmem_shared>> -> memref<128x16xf32, #tpu.memory_space<vmem_shared>>
      tpu.enqueue_dma source(%dma_start3A_134 : memref<128x16xf32, #tpu.memory_space<vmem_shared>>) target(%dma_start3A_132 : memref<128x16xf32, #tpu.memory_space<vmem>>) target_semaphore(%run_scoped3A_122 : memref<!tpu.dma_semaphore, #tpu.memory_space<semaphore_mem>>)
      %dma_wait3A_135 = arith.constant 0 : i32
      %dma_wait3A_136 = arith.constant 0 : i32
      %dma_wait3A_137 = tpu.memref_slice %arg7[%run_scoped3A_106, %dma_wait3A_135, %dma_wait3A_136] : memref<2x128x16xf32, #tpu.memory_space<vmem>> -> memref<1x128x16xf32, #tpu.memory_space<vmem>>
      %dma_wait3A_138 = tpu.memref_squeeze %dma_wait3A_137 : memref<1x128x16xf32, #tpu.memory_space<vmem>> -> memref<128x16xf32, #tpu.memory_space<vmem>>
      %dma_wait3A_139 = arith.constant 0 : i32
      %dma_wait3A_140 = tpu.memref_slice %arg10[%add3A_105, %dma_wait3A_139] : memref<10240x16xf32, #tpu.memory_space<vmem_shared>> -> memref<128x16xf32, #tpu.memory_space<vmem_shared>>
      %dma_wait3A_141 = arith.constant 0 : i32
      %dma_wait3A_142 = arith.constant 0 : i32
      %dma_wait3A_143 = tpu.memref_slice %arg7[%run_scoped3A_106, %dma_wait3A_141, %dma_wait3A_142] : memref<2x128x16xf32, #tpu.memory_space<vmem>> -> memref<1x128x16xf32, #tpu.memory_space<vmem>>
      %dma_wait3A_144 = tpu.memref_squeeze %dma_wait3A_143 : memref<1x128x16xf32, #tpu.memory_space<vmem>> -> memref<128x16xf32, #tpu.memory_space<vmem>>
      %dma_wait3A_145 = arith.constant 0 : i32
      %dma_wait3A_146 = tpu.memref_slice %arg10[%add3A_105, %dma_wait3A_145] : memref<10240x16xf32, #tpu.memory_space<vmem_shared>> -> memref<128x16xf32, #tpu.memory_space<vmem_shared>>
      tpu.wait_dma2 semaphore(%run_scoped3A_122 : memref<!tpu.dma_semaphore, #tpu.memory_space<semaphore_mem>>) src(%dma_wait3A_146 : memref<128x16xf32, #tpu.memory_space<vmem_shared>>) dst(%dma_wait3A_144 : memref<128x16xf32, #tpu.memory_space<vmem>>)
      tpu.yield
    }) : () -> ()
    %add3A_107 = arith.constant 256 : i32
    %add3A_108 = arith.addi %mul3A_2, %add3A_107 : i32
    %run_scoped3A_109 = arith.constant 0 : i32
    "tpu.region"() ({
      %run_scoped3A_122 = tpu.sem_alloc : memref<!tpu.dma_semaphore, #tpu.memory_space<semaphore_mem>>
      %dma_start3A_123 = arith.constant 0 : i32
      %dma_start3A_124 = arith.constant 0 : i32
      %dma_start3A_125 = tpu.memref_slice %arg7[%run_scoped3A_109, %dma_start3A_123, %dma_start3A_124] : memref<2x128x16xf32, #tpu.memory_space<vmem>> -> memref<1x128x16xf32, #tpu.memory_space<vmem>>
      %dma_start3A_126 = tpu.memref_squeeze %dma_start3A_125 : memref<1x128x16xf32, #tpu.memory_space<vmem>> -> memref<128x16xf32, #tpu.memory_space<vmem>>
      %dma_start3A_127 = arith.constant 0 : i32
      %dma_start3A_128 = tpu.memref_slice %arg5[%arg0, %add3A_108, %dma_start3A_127] : memref<2x10240x16xf32, #tpu.memory_space<hbm>> -> memref<1x128x16xf32, #tpu.memory_space<hbm>>
      %dma_start3A_129 = tpu.memref_squeeze %dma_start3A_128 : memref<1x128x16xf32, #tpu.memory_space<hbm>> -> memref<128x16xf32, #tpu.memory_space<hbm>>
      %dma_start3A_130 = arith.constant 0 : i32
      %dma_start3A_131 = tpu.memref_slice %arg5[%arg0, %add3A_108, %dma_start3A_130] : memref<2x10240x16xf32, #tpu.memory_space<hbm>> -> memref<1x128x16xf32, #tpu.memory_space<hbm>>
      %dma_start3A_132 = tpu.memref_squeeze %dma_start3A_131 : memref<1x128x16xf32, #tpu.memory_space<hbm>> -> memref<128x16xf32, #tpu.memory_space<hbm>>
      %dma_start3A_133 = arith.constant 0 : i32
      %dma_start3A_134 = arith.constant 0 : i32
      %dma_start3A_135 = tpu.memref_slice %arg7[%run_scoped3A_109, %dma_start3A_133, %dma_start3A_134] : memref<2x128x16xf32, #tpu.memory_space<vmem>> -> memref<1x128x16xf32, #tpu.memory_space<vmem>>
      %dma_start3A_136 = tpu.memref_squeeze %dma_start3A_135 : memref<1x128x16xf32, #tpu.memory_space<vmem>> -> memref<128x16xf32, #tpu.memory_space<vmem>>
      tpu.enqueue_dma source(%dma_start3A_136 : memref<128x16xf32, #tpu.memory_space<vmem>>) target(%dma_start3A_132 : memref<128x16xf32, #tpu.memory_space<hbm>>) target_semaphore(%run_scoped3A_122 : memref<!tpu.dma_semaphore, #tpu.memory_space<semaphore_mem>>)
      %dma_wait3A_137 = arith.constant 0 : i32
      %dma_wait3A_138 = arith.constant 0 : i32
      %dma_wait3A_139 = tpu.memref_slice %arg7[%run_scoped3A_109, %dma_wait3A_137, %dma_wait3A_138] : memref<2x128x16xf32, #tpu.memory_space<vmem>> -> memref<1x128x16xf32, #tpu.memory_space<vmem>>
      %dma_wait3A_140 = tpu.memref_squeeze %dma_wait3A_139 : memref<1x128x16xf32, #tpu.memory_space<vmem>> -> memref<128x16xf32, #tpu.memory_space<vmem>>
      %dma_wait3A_141 = arith.constant 0 : i32
      %dma_wait3A_142 = tpu.memref_slice %arg5[%arg0, %add3A_108, %dma_wait3A_141] : memref<2x10240x16xf32, #tpu.memory_space<hbm>> -> memref<1x128x16xf32, #tpu.memory_space<hbm>>
      %dma_wait3A_143 = tpu.memref_squeeze %dma_wait3A_142 : memref<1x128x16xf32, #tpu.memory_space<hbm>> -> memref<128x16xf32, #tpu.memory_space<hbm>>
      %dma_wait3A_144 = arith.constant 0 : i32
      %dma_wait3A_145 = tpu.memref_slice %arg5[%arg0, %add3A_108, %dma_wait3A_144] : memref<2x10240x16xf32, #tpu.memory_space<hbm>> -> memref<1x128x16xf32, #tpu.memory_space<hbm>>
      %dma_wait3A_146 = tpu.memref_squeeze %dma_wait3A_145 : memref<1x128x16xf32, #tpu.memory_space<hbm>> -> memref<128x16xf32, #tpu.memory_space<hbm>>
      %dma_wait3A_147 = arith.constant 0 : i32
      %dma_wait3A_148 = arith.constant 0 : i32
      %dma_wait3A_149 = tpu.memref_slice %arg7[%run_scoped3A_109, %dma_wait3A_147, %dma_wait3A_148] : memref<2x128x16xf32, #tpu.memory_space<vmem>> -> memref<1x128x16xf32, #tpu.memory_space<vmem>>
      %dma_wait3A_150 = tpu.memref_squeeze %dma_wait3A_149 : memref<1x128x16xf32, #tpu.memory_space<vmem>> -> memref<128x16xf32, #tpu.memory_space<vmem>>
      tpu.wait_dma2 semaphore(%run_scoped3A_122 : memref<!tpu.dma_semaphore, #tpu.memory_space<semaphore_mem>>) src(%dma_wait3A_150 : memref<128x16xf32, #tpu.memory_space<vmem>>) dst(%dma_wait3A_146 : memref<128x16xf32, #tpu.memory_space<hbm>>)
      tpu.yield
    }) : () -> ()
    %add3A_110 = arith.constant 384 : i32
    %add3A_111 = arith.addi %mul3A_2, %add3A_110 : i32
    %run_scoped3A_112 = arith.constant 0 : i32
    "tpu.region"() ({
      %run_scoped3A_122 = tpu.sem_alloc : memref<!tpu.dma_semaphore, #tpu.memory_space<semaphore_mem>>
      %dma_start3A_123 = arith.constant 0 : i32
      %dma_start3A_124 = arith.constant 0 : i32
      %dma_start3A_125 = tpu.memref_slice %arg7[%run_scoped3A_112, %dma_start3A_123, %dma_start3A_124] : memref<2x128x16xf32, #tpu.memory_space<vmem>> -> memref<1x128x16xf32, #tpu.memory_space<vmem>>
      %dma_start3A_126 = tpu.memref_squeeze %dma_start3A_125 : memref<1x128x16xf32, #tpu.memory_space<vmem>> -> memref<128x16xf32, #tpu.memory_space<vmem>>
      %dma_start3A_127 = arith.constant 0 : i32
      %dma_start3A_128 = tpu.memref_slice %arg10[%add3A_111, %dma_start3A_127] : memref<10240x16xf32, #tpu.memory_space<vmem_shared>> -> memref<128x16xf32, #tpu.memory_space<vmem_shared>>
      %dma_start3A_129 = arith.constant 0 : i32
      %dma_start3A_130 = arith.constant 0 : i32
      %dma_start3A_131 = tpu.memref_slice %arg7[%run_scoped3A_112, %dma_start3A_129, %dma_start3A_130] : memref<2x128x16xf32, #tpu.memory_space<vmem>> -> memref<1x128x16xf32, #tpu.memory_space<vmem>>
      %dma_start3A_132 = tpu.memref_squeeze %dma_start3A_131 : memref<1x128x16xf32, #tpu.memory_space<vmem>> -> memref<128x16xf32, #tpu.memory_space<vmem>>
      %dma_start3A_133 = arith.constant 0 : i32
      %dma_start3A_134 = tpu.memref_slice %arg10[%add3A_111, %dma_start3A_133] : memref<10240x16xf32, #tpu.memory_space<vmem_shared>> -> memref<128x16xf32, #tpu.memory_space<vmem_shared>>
      tpu.enqueue_dma source(%dma_start3A_134 : memref<128x16xf32, #tpu.memory_space<vmem_shared>>) target(%dma_start3A_132 : memref<128x16xf32, #tpu.memory_space<vmem>>) target_semaphore(%run_scoped3A_122 : memref<!tpu.dma_semaphore, #tpu.memory_space<semaphore_mem>>)
      %dma_wait3A_135 = arith.constant 0 : i32
      %dma_wait3A_136 = arith.constant 0 : i32
      %dma_wait3A_137 = tpu.memref_slice %arg7[%run_scoped3A_112, %dma_wait3A_135, %dma_wait3A_136] : memref<2x128x16xf32, #tpu.memory_space<vmem>> -> memref<1x128x16xf32, #tpu.memory_space<vmem>>
      %dma_wait3A_138 = tpu.memref_squeeze %dma_wait3A_137 : memref<1x128x16xf32, #tpu.memory_space<vmem>> -> memref<128x16xf32, #tpu.memory_space<vmem>>
      %dma_wait3A_139 = arith.constant 0 : i32
      %dma_wait3A_140 = tpu.memref_slice %arg10[%add3A_111, %dma_wait3A_139] : memref<10240x16xf32, #tpu.memory_space<vmem_shared>> -> memref<128x16xf32, #tpu.memory_space<vmem_shared>>
      %dma_wait3A_141 = arith.constant 0 : i32
      %dma_wait3A_142 = arith.constant 0 : i32
      %dma_wait3A_143 = tpu.memref_slice %arg7[%run_scoped3A_112, %dma_wait3A_141, %dma_wait3A_142] : memref<2x128x16xf32, #tpu.memory_space<vmem>> -> memref<1x128x16xf32, #tpu.memory_space<vmem>>
      %dma_wait3A_144 = tpu.memref_squeeze %dma_wait3A_143 : memref<1x128x16xf32, #tpu.memory_space<vmem>> -> memref<128x16xf32, #tpu.memory_space<vmem>>
      %dma_wait3A_145 = arith.constant 0 : i32
      %dma_wait3A_146 = tpu.memref_slice %arg10[%add3A_111, %dma_wait3A_145] : memref<10240x16xf32, #tpu.memory_space<vmem_shared>> -> memref<128x16xf32, #tpu.memory_space<vmem_shared>>
      tpu.wait_dma2 semaphore(%run_scoped3A_122 : memref<!tpu.dma_semaphore, #tpu.memory_space<semaphore_mem>>) src(%dma_wait3A_146 : memref<128x16xf32, #tpu.memory_space<vmem_shared>>) dst(%dma_wait3A_144 : memref<128x16xf32, #tpu.memory_space<vmem>>)
      tpu.yield
    }) : () -> ()
    %add3A_113 = arith.constant 384 : i32
    %add3A_114 = arith.addi %mul3A_2, %add3A_113 : i32
    %run_scoped3A_115 = arith.constant 0 : i32
    "tpu.region"() ({
      %run_scoped3A_122 = tpu.sem_alloc : memref<!tpu.dma_semaphore, #tpu.memory_space<semaphore_mem>>
      %dma_start3A_123 = arith.constant 0 : i32
      %dma_start3A_124 = arith.constant 0 : i32
      %dma_start3A_125 = tpu.memref_slice %arg7[%run_scoped3A_115, %dma_start3A_123, %dma_start3A_124] : memref<2x128x16xf32, #tpu.memory_space<vmem>> -> memref<1x128x16xf32, #tpu.memory_space<vmem>>
      %dma_start3A_126 = tpu.memref_squeeze %dma_start3A_125 : memref<1x128x16xf32, #tpu.memory_space<vmem>> -> memref<128x16xf32, #tpu.memory_space<vmem>>
      %dma_start3A_127 = arith.constant 0 : i32
      %dma_start3A_128 = tpu.memref_slice %arg5[%arg0, %add3A_114, %dma_start3A_127] : memref<2x10240x16xf32, #tpu.memory_space<hbm>> -> memref<1x128x16xf32, #tpu.memory_space<hbm>>
      %dma_start3A_129 = tpu.memref_squeeze %dma_start3A_128 : memref<1x128x16xf32, #tpu.memory_space<hbm>> -> memref<128x16xf32, #tpu.memory_space<hbm>>
      %dma_start3A_130 = arith.constant 0 : i32
      %dma_start3A_131 = tpu.memref_slice %arg5[%arg0, %add3A_114, %dma_start3A_130] : memref<2x10240x16xf32, #tpu.memory_space<hbm>> -> memref<1x128x16xf32, #tpu.memory_space<hbm>>
      %dma_start3A_132 = tpu.memref_squeeze %dma_start3A_131 : memref<1x128x16xf32, #tpu.memory_space<hbm>> -> memref<128x16xf32, #tpu.memory_space<hbm>>
      %dma_start3A_133 = arith.constant 0 : i32
      %dma_start3A_134 = arith.constant 0 : i32
      %dma_start3A_135 = tpu.memref_slice %arg7[%run_scoped3A_115, %dma_start3A_133, %dma_start3A_134] : memref<2x128x16xf32, #tpu.memory_space<vmem>> -> memref<1x128x16xf32, #tpu.memory_space<vmem>>
      %dma_start3A_136 = tpu.memref_squeeze %dma_start3A_135 : memref<1x128x16xf32, #tpu.memory_space<vmem>> -> memref<128x16xf32, #tpu.memory_space<vmem>>
      tpu.enqueue_dma source(%dma_start3A_136 : memref<128x16xf32, #tpu.memory_space<vmem>>) target(%dma_start3A_132 : memref<128x16xf32, #tpu.memory_space<hbm>>) target_semaphore(%run_scoped3A_122 : memref<!tpu.dma_semaphore, #tpu.memory_space<semaphore_mem>>)
      %dma_wait3A_137 = arith.constant 0 : i32
      %dma_wait3A_138 = arith.constant 0 : i32
      %dma_wait3A_139 = tpu.memref_slice %arg7[%run_scoped3A_115, %dma_wait3A_137, %dma_wait3A_138] : memref<2x128x16xf32, #tpu.memory_space<vmem>> -> memref<1x128x16xf32, #tpu.memory_space<vmem>>
      %dma_wait3A_140 = tpu.memref_squeeze %dma_wait3A_139 : memref<1x128x16xf32, #tpu.memory_space<vmem>> -> memref<128x16xf32, #tpu.memory_space<vmem>>
      %dma_wait3A_141 = arith.constant 0 : i32
      %dma_wait3A_142 = tpu.memref_slice %arg5[%arg0, %add3A_114, %dma_wait3A_141] : memref<2x10240x16xf32, #tpu.memory_space<hbm>> -> memref<1x128x16xf32, #tpu.memory_space<hbm>>
      %dma_wait3A_143 = tpu.memref_squeeze %dma_wait3A_142 : memref<1x128x16xf32, #tpu.memory_space<hbm>> -> memref<128x16xf32, #tpu.memory_space<hbm>>
      %dma_wait3A_144 = arith.constant 0 : i32
      %dma_wait3A_145 = tpu.memref_slice %arg5[%arg0, %add3A_114, %dma_wait3A_144] : memref<2x10240x16xf32, #tpu.memory_space<hbm>> -> memref<1x128x16xf32, #tpu.memory_space<hbm>>
      %dma_wait3A_146 = tpu.memref_squeeze %dma_wait3A_145 : memref<1x128x16xf32, #tpu.memory_space<hbm>> -> memref<128x16xf32, #tpu.memory_space<hbm>>
      %dma_wait3A_147 = arith.constant 0 : i32
      %dma_wait3A_148 = arith.constant 0 : i32
      %dma_wait3A_149 = tpu.memref_slice %arg7[%run_scoped3A_115, %dma_wait3A_147, %dma_wait3A_148] : memref<2x128x16xf32, #tpu.memory_space<vmem>> -> memref<1x128x16xf32, #tpu.memory_space<vmem>>
      %dma_wait3A_150 = tpu.memref_squeeze %dma_wait3A_149 : memref<1x128x16xf32, #tpu.memory_space<vmem>> -> memref<128x16xf32, #tpu.memory_space<vmem>>
      tpu.wait_dma2 semaphore(%run_scoped3A_122 : memref<!tpu.dma_semaphore, #tpu.memory_space<semaphore_mem>>) src(%dma_wait3A_150 : memref<128x16xf32, #tpu.memory_space<vmem>>) dst(%dma_wait3A_146 : memref<128x16xf32, #tpu.memory_space<hbm>>)
      tpu.yield
    }) : () -> ()
    %add3A_116 = arith.constant 512 : i32
    %add3A_117 = arith.addi %mul3A_2, %add3A_116 : i32
    %run_scoped3A_118 = arith.constant 0 : i32
    "tpu.region"() ({
      %run_scoped3A_122 = tpu.sem_alloc : memref<!tpu.dma_semaphore, #tpu.memory_space<semaphore_mem>>
      %dma_start3A_123 = arith.constant 0 : i32
      %dma_start3A_124 = arith.constant 0 : i32
      %dma_start3A_125 = tpu.memref_slice %arg7[%run_scoped3A_118, %dma_start3A_123, %dma_start3A_124] : memref<2x128x16xf32, #tpu.memory_space<vmem>> -> memref<1x128x16xf32, #tpu.memory_space<vmem>>
      %dma_start3A_126 = tpu.memref_squeeze %dma_start3A_125 : memref<1x128x16xf32, #tpu.memory_space<vmem>> -> memref<128x16xf32, #tpu.memory_space<vmem>>
      %dma_start3A_127 = arith.constant 0 : i32
      %dma_start3A_128 = tpu.memref_slice %arg10[%add3A_117, %dma_start3A_127] : memref<10240x16xf32, #tpu.memory_space<vmem_shared>> -> memref<128x16xf32, #tpu.memory_space<vmem_shared>>
      %dma_start3A_129 = arith.constant 0 : i32
      %dma_start3A_130 = arith.constant 0 : i32
      %dma_start3A_131 = tpu.memref_slice %arg7[%run_scoped3A_118, %dma_start3A_129, %dma_start3A_130] : memref<2x128x16xf32, #tpu.memory_space<vmem>> -> memref<1x128x16xf32, #tpu.memory_space<vmem>>
      %dma_start3A_132 = tpu.memref_squeeze %dma_start3A_131 : memref<1x128x16xf32, #tpu.memory_space<vmem>> -> memref<128x16xf32, #tpu.memory_space<vmem>>
      %dma_start3A_133 = arith.constant 0 : i32
      %dma_start3A_134 = tpu.memref_slice %arg10[%add3A_117, %dma_start3A_133] : memref<10240x16xf32, #tpu.memory_space<vmem_shared>> -> memref<128x16xf32, #tpu.memory_space<vmem_shared>>
      tpu.enqueue_dma source(%dma_start3A_134 : memref<128x16xf32, #tpu.memory_space<vmem_shared>>) target(%dma_start3A_132 : memref<128x16xf32, #tpu.memory_space<vmem>>) target_semaphore(%run_scoped3A_122 : memref<!tpu.dma_semaphore, #tpu.memory_space<semaphore_mem>>)
      %dma_wait3A_135 = arith.constant 0 : i32
      %dma_wait3A_136 = arith.constant 0 : i32
      %dma_wait3A_137 = tpu.memref_slice %arg7[%run_scoped3A_118, %dma_wait3A_135, %dma_wait3A_136] : memref<2x128x16xf32, #tpu.memory_space<vmem>> -> memref<1x128x16xf32, #tpu.memory_space<vmem>>
      %dma_wait3A_138 = tpu.memref_squeeze %dma_wait3A_137 : memref<1x128x16xf32, #tpu.memory_space<vmem>> -> memref<128x16xf32, #tpu.memory_space<vmem>>
      %dma_wait3A_139 = arith.constant 0 : i32
      %dma_wait3A_140 = tpu.memref_slice %arg10[%add3A_117, %dma_wait3A_139] : memref<10240x16xf32, #tpu.memory_space<vmem_shared>> -> memref<128x16xf32, #tpu.memory_space<vmem_shared>>
      %dma_wait3A_141 = arith.constant 0 : i32
      %dma_wait3A_142 = arith.constant 0 : i32
      %dma_wait3A_143 = tpu.memref_slice %arg7[%run_scoped3A_118, %dma_wait3A_141, %dma_wait3A_142] : memref<2x128x16xf32, #tpu.memory_space<vmem>> -> memref<1x128x16xf32, #tpu.memory_space<vmem>>
      %dma_wait3A_144 = tpu.memref_squeeze %dma_wait3A_143 : memref<1x128x16xf32, #tpu.memory_space<vmem>> -> memref<128x16xf32, #tpu.memory_space<vmem>>
      %dma_wait3A_145 = arith.constant 0 : i32
      %dma_wait3A_146 = tpu.memref_slice %arg10[%add3A_117, %dma_wait3A_145] : memref<10240x16xf32, #tpu.memory_space<vmem_shared>> -> memref<128x16xf32, #tpu.memory_space<vmem_shared>>
      tpu.wait_dma2 semaphore(%run_scoped3A_122 : memref<!tpu.dma_semaphore, #tpu.memory_space<semaphore_mem>>) src(%dma_wait3A_146 : memref<128x16xf32, #tpu.memory_space<vmem_shared>>) dst(%dma_wait3A_144 : memref<128x16xf32, #tpu.memory_space<vmem>>)
      tpu.yield
    }) : () -> ()
    %add3A_119 = arith.constant 512 : i32
    %add3A_120 = arith.addi %mul3A_2, %add3A_119 : i32
    %run_scoped3A_121 = arith.constant 0 : i32
    "tpu.region"() ({
      %run_scoped3A_122 = tpu.sem_alloc : memref<!tpu.dma_semaphore, #tpu.memory_space<semaphore_mem>>
      %dma_start3A_123 = arith.constant 0 : i32
      %dma_start3A_124 = arith.constant 0 : i32
      %dma_start3A_125 = tpu.memref_slice %arg7[%run_scoped3A_121, %dma_start3A_123, %dma_start3A_124] : memref<2x128x16xf32, #tpu.memory_space<vmem>> -> memref<1x128x16xf32, #tpu.memory_space<vmem>>
      %dma_start3A_126 = tpu.memref_squeeze %dma_start3A_125 : memref<1x128x16xf32, #tpu.memory_space<vmem>> -> memref<128x16xf32, #tpu.memory_space<vmem>>
      %dma_start3A_127 = arith.constant 0 : i32
      %dma_start3A_128 = tpu.memref_slice %arg5[%arg0, %add3A_120, %dma_start3A_127] : memref<2x10240x16xf32, #tpu.memory_space<hbm>> -> memref<1x128x16xf32, #tpu.memory_space<hbm>>
      %dma_start3A_129 = tpu.memref_squeeze %dma_start3A_128 : memref<1x128x16xf32, #tpu.memory_space<hbm>> -> memref<128x16xf32, #tpu.memory_space<hbm>>
      %dma_start3A_130 = arith.constant 0 : i32
      %dma_start3A_131 = tpu.memref_slice %arg5[%arg0, %add3A_120, %dma_start3A_130] : memref<2x10240x16xf32, #tpu.memory_space<hbm>> -> memref<1x128x16xf32, #tpu.memory_space<hbm>>
      %dma_start3A_132 = tpu.memref_squeeze %dma_start3A_131 : memref<1x128x16xf32, #tpu.memory_space<hbm>> -> memref<128x16xf32, #tpu.memory_space<hbm>>
      %dma_start3A_133 = arith.constant 0 : i32
      %dma_start3A_134 = arith.constant 0 : i32
      %dma_start3A_135 = tpu.memref_slice %arg7[%run_scoped3A_121, %dma_start3A_133, %dma_start3A_134] : memref<2x128x16xf32, #tpu.memory_space<vmem>> -> memref<1x128x16xf32, #tpu.memory_space<vmem>>
      %dma_start3A_136 = tpu.memref_squeeze %dma_start3A_135 : memref<1x128x16xf32, #tpu.memory_space<vmem>> -> memref<128x16xf32, #tpu.memory_space<vmem>>
      tpu.enqueue_dma source(%dma_start3A_136 : memref<128x16xf32, #tpu.memory_space<vmem>>) target(%dma_start3A_132 : memref<128x16xf32, #tpu.memory_space<hbm>>) target_semaphore(%run_scoped3A_122 : memref<!tpu.dma_semaphore, #tpu.memory_space<semaphore_mem>>)
      %dma_wait3A_137 = arith.constant 0 : i32
      %dma_wait3A_138 = arith.constant 0 : i32
      %dma_wait3A_139 = tpu.memref_slice %arg7[%run_scoped3A_121, %dma_wait3A_137, %dma_wait3A_138] : memref<2x128x16xf32, #tpu.memory_space<vmem>> -> memref<1x128x16xf32, #tpu.memory_space<vmem>>
      %dma_wait3A_140 = tpu.memref_squeeze %dma_wait3A_139 : memref<1x128x16xf32, #tpu.memory_space<vmem>> -> memref<128x16xf32, #tpu.memory_space<vmem>>
      %dma_wait3A_141 = arith.constant 0 : i32
      %dma_wait3A_142 = tpu.memref_slice %arg5[%arg0, %add3A_120, %dma_wait3A_141] : memref<2x10240x16xf32, #tpu.memory_space<hbm>> -> memref<1x128x16xf32, #tpu.memory_space<hbm>>
      %dma_wait3A_143 = tpu.memref_squeeze %dma_wait3A_142 : memref<1x128x16xf32, #tpu.memory_space<hbm>> -> memref<128x16xf32, #tpu.memory_space<hbm>>
      %dma_wait3A_144 = arith.constant 0 : i32
      %dma_wait3A_145 = tpu.memref_slice %arg5[%arg0, %add3A_120, %dma_wait3A_144] : memref<2x10240x16xf32, #tpu.memory_space<hbm>> -> memref<1x128x16xf32, #tpu.memory_space<hbm>>
      %dma_wait3A_146 = tpu.memref_squeeze %dma_wait3A_145 : memref<1x128x16xf32, #tpu.memory_space<hbm>> -> memref<128x16xf32, #tpu.memory_space<hbm>>
      %dma_wait3A_147 = arith.constant 0 : i32
      %dma_wait3A_148 = arith.constant 0 : i32
      %dma_wait3A_149 = tpu.memref_slice %arg7[%run_scoped3A_121, %dma_wait3A_147, %dma_wait3A_148] : memref<2x128x16xf32, #tpu.memory_space<vmem>> -> memref<1x128x16xf32, #tpu.memory_space<vmem>>
      %dma_wait3A_150 = tpu.memref_squeeze %dma_wait3A_149 : memref<1x128x16xf32, #tpu.memory_space<vmem>> -> memref<128x16xf32, #tpu.memory_space<vmem>>
      tpu.wait_dma2 semaphore(%run_scoped3A_122 : memref<!tpu.dma_semaphore, #tpu.memory_space<semaphore_mem>>) src(%dma_wait3A_150 : memref<128x16xf32, #tpu.memory_space<vmem>>) dst(%dma_wait3A_146 : memref<128x16xf32, #tpu.memory_space<hbm>>)
      tpu.yield
    }) : () -> ()
    return
  }
}

#map = affine_map<(d0, d1) -> (0, 0)>
#map1 = affine_map<(d0, d1) -> (0)>
#map2 = affine_map<(d0, d1) -> (0, 0, 0)>
module attributes {stable_mosaic.version = 14 : i64} {
  func.func @spmm_sc(%arg0: i32, %arg1: i32, %arg2: memref<10000x128xf32, #tpu.memory_space<hbm>>, %arg3: memref<320000xi32, #tpu.memory_space<hbm>>, %arg4: memref<320000xi32, #tpu.memory_space<hbm>>, %arg5: memref<128x128xf32, #tpu.memory_space<hbm>>, %arg6: memref<2x10240x128xf32, #tpu.memory_space<hbm>>, %arg7: memref<4x128xi32, #tpu.memory_space<vmem>>, %arg8: memref<4x128xi32, #tpu.memory_space<vmem>>, %arg9: memref<2x128x128xf32, #tpu.memory_space<vmem>>, %arg10: memref<16xi32, #tpu.memory_space<vmem>>, %arg11: memref<16xi32, #tpu.memory_space<vmem>>, %arg12: memref<16x128xf32, #tpu.memory_space<vmem>>, %arg13: memref<10240x128xf32, #tpu.memory_space<vmem_shared>>, %arg14: memref<!tpu.dma_semaphore, #tpu.memory_space<semaphore_mem>>, %arg15: memref<!tpu.dma_semaphore, #tpu.memory_space<semaphore_mem>>) attributes {dimension_semantics = [#tpu.dimension_semantics<core_parallel>, #tpu.dimension_semantics<subcore_parallel>], iteration_bounds = array<i64: 2, 16>, scalar_prefetch = 0 : i64, scratch_operands = 9 : i64, tpu.core_type = #tpu.core_type<sc_vector_subcore>, window_params = [{transform_indices = #map}, {transform_indices = #map1}, {transform_indices = #map1}, {transform_indices = #map}, {transform_indices = #map2}]} {
    %mul3A = arith.constant 2 : i32
    %mul3A_0 = arith.muli %arg1, %mul3A : i32
    %add3A = arith.addi %mul3A_0, %arg0 : i32
    %mul3A_1 = arith.constant 640 : i32
    %mul3A_2 = arith.muli %arg1, %mul3A_1 : i32
    %run_scoped3A = arith.constant 0 : i32
    "tpu.region"() ({
      %run_scoped3A_377 = tpu.sem_alloc : memref<!tpu.dma_semaphore, #tpu.memory_space<semaphore_mem>>
      %dma_start3A_378 = arith.constant 0 : i32
      %dma_start3A_379 = arith.constant 0 : i32
      %dma_start3A_380 = tpu.memref_slice %arg9[%run_scoped3A, %dma_start3A_378, %dma_start3A_379] : memref<2x128x128xf32, #tpu.memory_space<vmem>> -> memref<1x128x128xf32, #tpu.memory_space<vmem>>
      %dma_start3A_381 = tpu.memref_squeeze %dma_start3A_380 : memref<1x128x128xf32, #tpu.memory_space<vmem>> -> memref<128x128xf32, #tpu.memory_space<vmem>>
      %dma_start3A_382 = arith.constant 0 : i32
      %dma_start3A_383 = arith.constant 0 : i32
      %dma_start3A_384 = tpu.memref_slice %arg9[%run_scoped3A, %dma_start3A_382, %dma_start3A_383] : memref<2x128x128xf32, #tpu.memory_space<vmem>> -> memref<1x128x128xf32, #tpu.memory_space<vmem>>
      %dma_start3A_385 = tpu.memref_squeeze %dma_start3A_384 : memref<1x128x128xf32, #tpu.memory_space<vmem>> -> memref<128x128xf32, #tpu.memory_space<vmem>>
      tpu.enqueue_dma source(%arg5 : memref<128x128xf32, #tpu.memory_space<hbm>>) target(%dma_start3A_385 : memref<128x128xf32, #tpu.memory_space<vmem>>) target_semaphore(%run_scoped3A_377 : memref<!tpu.dma_semaphore, #tpu.memory_space<semaphore_mem>>)
      %dma_wait3A_386 = arith.constant 0 : i32
      %dma_wait3A_387 = arith.constant 0 : i32
      %dma_wait3A_388 = tpu.memref_slice %arg9[%run_scoped3A, %dma_wait3A_386, %dma_wait3A_387] : memref<2x128x128xf32, #tpu.memory_space<vmem>> -> memref<1x128x128xf32, #tpu.memory_space<vmem>>
      %dma_wait3A_389 = tpu.memref_squeeze %dma_wait3A_388 : memref<1x128x128xf32, #tpu.memory_space<vmem>> -> memref<128x128xf32, #tpu.memory_space<vmem>>
      %dma_wait3A_390 = arith.constant 0 : i32
      %dma_wait3A_391 = arith.constant 0 : i32
      %dma_wait3A_392 = tpu.memref_slice %arg9[%run_scoped3A, %dma_wait3A_390, %dma_wait3A_391] : memref<2x128x128xf32, #tpu.memory_space<vmem>> -> memref<1x128x128xf32, #tpu.memory_space<vmem>>
      %dma_wait3A_393 = tpu.memref_squeeze %dma_wait3A_392 : memref<1x128x128xf32, #tpu.memory_space<vmem>> -> memref<128x128xf32, #tpu.memory_space<vmem>>
      tpu.wait_dma2 semaphore(%run_scoped3A_377 : memref<!tpu.dma_semaphore, #tpu.memory_space<semaphore_mem>>) src(%arg5 : memref<128x128xf32, #tpu.memory_space<hbm>>) dst(%dma_wait3A_393 : memref<128x128xf32, #tpu.memory_space<vmem>>)
      tpu.yield
    }) : () -> ()
    %add3A_3 = arith.constant 0 : i32
    %add3A_4 = arith.addi %mul3A_2, %add3A_3 : i32
    %run_scoped3A_5 = arith.constant 0 : i32
    "tpu.region"() ({
      %run_scoped3A_377 = tpu.sem_alloc : memref<!tpu.dma_semaphore, #tpu.memory_space<semaphore_mem>>
      %dma_start3A_378 = arith.constant 0 : i32
      %dma_start3A_379 = arith.constant 0 : i32
      %dma_start3A_380 = tpu.memref_slice %arg9[%run_scoped3A_5, %dma_start3A_378, %dma_start3A_379] : memref<2x128x128xf32, #tpu.memory_space<vmem>> -> memref<1x128x128xf32, #tpu.memory_space<vmem>>
      %dma_start3A_381 = tpu.memref_squeeze %dma_start3A_380 : memref<1x128x128xf32, #tpu.memory_space<vmem>> -> memref<128x128xf32, #tpu.memory_space<vmem>>
      %dma_start3A_382 = arith.constant 0 : i32
      %dma_start3A_383 = tpu.memref_slice %arg13[%add3A_4, %dma_start3A_382] : memref<10240x128xf32, #tpu.memory_space<vmem_shared>> -> memref<128x128xf32, #tpu.memory_space<vmem_shared>>
      %dma_start3A_384 = arith.constant 0 : i32
      %dma_start3A_385 = tpu.memref_slice %arg13[%add3A_4, %dma_start3A_384] : memref<10240x128xf32, #tpu.memory_space<vmem_shared>> -> memref<128x128xf32, #tpu.memory_space<vmem_shared>>
      %dma_start3A_386 = arith.constant 0 : i32
      %dma_start3A_387 = arith.constant 0 : i32
      %dma_start3A_388 = tpu.memref_slice %arg9[%run_scoped3A_5, %dma_start3A_386, %dma_start3A_387] : memref<2x128x128xf32, #tpu.memory_space<vmem>> -> memref<1x128x128xf32, #tpu.memory_space<vmem>>
      %dma_start3A_389 = tpu.memref_squeeze %dma_start3A_388 : memref<1x128x128xf32, #tpu.memory_space<vmem>> -> memref<128x128xf32, #tpu.memory_space<vmem>>
      tpu.enqueue_dma source(%dma_start3A_389 : memref<128x128xf32, #tpu.memory_space<vmem>>) target(%dma_start3A_385 : memref<128x128xf32, #tpu.memory_space<vmem_shared>>) target_semaphore(%run_scoped3A_377 : memref<!tpu.dma_semaphore, #tpu.memory_space<semaphore_mem>>)
      %dma_wait3A_390 = arith.constant 0 : i32
      %dma_wait3A_391 = arith.constant 0 : i32
      %dma_wait3A_392 = tpu.memref_slice %arg9[%run_scoped3A_5, %dma_wait3A_390, %dma_wait3A_391] : memref<2x128x128xf32, #tpu.memory_space<vmem>> -> memref<1x128x128xf32, #tpu.memory_space<vmem>>
      %dma_wait3A_393 = tpu.memref_squeeze %dma_wait3A_392 : memref<1x128x128xf32, #tpu.memory_space<vmem>> -> memref<128x128xf32, #tpu.memory_space<vmem>>
      %dma_wait3A_394 = arith.constant 0 : i32
      %dma_wait3A_395 = tpu.memref_slice %arg13[%add3A_4, %dma_wait3A_394] : memref<10240x128xf32, #tpu.memory_space<vmem_shared>> -> memref<128x128xf32, #tpu.memory_space<vmem_shared>>
      %dma_wait3A_396 = arith.constant 0 : i32
      %dma_wait3A_397 = tpu.memref_slice %arg13[%add3A_4, %dma_wait3A_396] : memref<10240x128xf32, #tpu.memory_space<vmem_shared>> -> memref<128x128xf32, #tpu.memory_space<vmem_shared>>
      %dma_wait3A_398 = arith.constant 0 : i32
      %dma_wait3A_399 = arith.constant 0 : i32
      %dma_wait3A_400 = tpu.memref_slice %arg9[%run_scoped3A_5, %dma_wait3A_398, %dma_wait3A_399] : memref<2x128x128xf32, #tpu.memory_space<vmem>> -> memref<1x128x128xf32, #tpu.memory_space<vmem>>
      %dma_wait3A_401 = tpu.memref_squeeze %dma_wait3A_400 : memref<1x128x128xf32, #tpu.memory_space<vmem>> -> memref<128x128xf32, #tpu.memory_space<vmem>>
      tpu.wait_dma2 semaphore(%run_scoped3A_377 : memref<!tpu.dma_semaphore, #tpu.memory_space<semaphore_mem>>) src(%dma_wait3A_401 : memref<128x128xf32, #tpu.memory_space<vmem>>) dst(%dma_wait3A_397 : memref<128x128xf32, #tpu.memory_space<vmem_shared>>)
      tpu.yield
    }) : () -> ()
    %add3A_6 = arith.constant 128 : i32
    %add3A_7 = arith.addi %mul3A_2, %add3A_6 : i32
    %run_scoped3A_8 = arith.constant 0 : i32
    "tpu.region"() ({
      %run_scoped3A_377 = tpu.sem_alloc : memref<!tpu.dma_semaphore, #tpu.memory_space<semaphore_mem>>
      %dma_start3A_378 = arith.constant 0 : i32
      %dma_start3A_379 = arith.constant 0 : i32
      %dma_start3A_380 = tpu.memref_slice %arg9[%run_scoped3A_8, %dma_start3A_378, %dma_start3A_379] : memref<2x128x128xf32, #tpu.memory_space<vmem>> -> memref<1x128x128xf32, #tpu.memory_space<vmem>>
      %dma_start3A_381 = tpu.memref_squeeze %dma_start3A_380 : memref<1x128x128xf32, #tpu.memory_space<vmem>> -> memref<128x128xf32, #tpu.memory_space<vmem>>
      %dma_start3A_382 = arith.constant 0 : i32
      %dma_start3A_383 = tpu.memref_slice %arg13[%add3A_7, %dma_start3A_382] : memref<10240x128xf32, #tpu.memory_space<vmem_shared>> -> memref<128x128xf32, #tpu.memory_space<vmem_shared>>
      %dma_start3A_384 = arith.constant 0 : i32
      %dma_start3A_385 = tpu.memref_slice %arg13[%add3A_7, %dma_start3A_384] : memref<10240x128xf32, #tpu.memory_space<vmem_shared>> -> memref<128x128xf32, #tpu.memory_space<vmem_shared>>
      %dma_start3A_386 = arith.constant 0 : i32
      %dma_start3A_387 = arith.constant 0 : i32
      %dma_start3A_388 = tpu.memref_slice %arg9[%run_scoped3A_8, %dma_start3A_386, %dma_start3A_387] : memref<2x128x128xf32, #tpu.memory_space<vmem>> -> memref<1x128x128xf32, #tpu.memory_space<vmem>>
      %dma_start3A_389 = tpu.memref_squeeze %dma_start3A_388 : memref<1x128x128xf32, #tpu.memory_space<vmem>> -> memref<128x128xf32, #tpu.memory_space<vmem>>
      tpu.enqueue_dma source(%dma_start3A_389 : memref<128x128xf32, #tpu.memory_space<vmem>>) target(%dma_start3A_385 : memref<128x128xf32, #tpu.memory_space<vmem_shared>>) target_semaphore(%run_scoped3A_377 : memref<!tpu.dma_semaphore, #tpu.memory_space<semaphore_mem>>)
      %dma_wait3A_390 = arith.constant 0 : i32
      %dma_wait3A_391 = arith.constant 0 : i32
      %dma_wait3A_392 = tpu.memref_slice %arg9[%run_scoped3A_8, %dma_wait3A_390, %dma_wait3A_391] : memref<2x128x128xf32, #tpu.memory_space<vmem>> -> memref<1x128x128xf32, #tpu.memory_space<vmem>>
      %dma_wait3A_393 = tpu.memref_squeeze %dma_wait3A_392 : memref<1x128x128xf32, #tpu.memory_space<vmem>> -> memref<128x128xf32, #tpu.memory_space<vmem>>
      %dma_wait3A_394 = arith.constant 0 : i32
      %dma_wait3A_395 = tpu.memref_slice %arg13[%add3A_7, %dma_wait3A_394] : memref<10240x128xf32, #tpu.memory_space<vmem_shared>> -> memref<128x128xf32, #tpu.memory_space<vmem_shared>>
      %dma_wait3A_396 = arith.constant 0 : i32
      %dma_wait3A_397 = tpu.memref_slice %arg13[%add3A_7, %dma_wait3A_396] : memref<10240x128xf32, #tpu.memory_space<vmem_shared>> -> memref<128x128xf32, #tpu.memory_space<vmem_shared>>
      %dma_wait3A_398 = arith.constant 0 : i32
      %dma_wait3A_399 = arith.constant 0 : i32
      %dma_wait3A_400 = tpu.memref_slice %arg9[%run_scoped3A_8, %dma_wait3A_398, %dma_wait3A_399] : memref<2x128x128xf32, #tpu.memory_space<vmem>> -> memref<1x128x128xf32, #tpu.memory_space<vmem>>
      %dma_wait3A_401 = tpu.memref_squeeze %dma_wait3A_400 : memref<1x128x128xf32, #tpu.memory_space<vmem>> -> memref<128x128xf32, #tpu.memory_space<vmem>>
      tpu.wait_dma2 semaphore(%run_scoped3A_377 : memref<!tpu.dma_semaphore, #tpu.memory_space<semaphore_mem>>) src(%dma_wait3A_401 : memref<128x128xf32, #tpu.memory_space<vmem>>) dst(%dma_wait3A_397 : memref<128x128xf32, #tpu.memory_space<vmem_shared>>)
      tpu.yield
    }) : () -> ()
    %add3A_9 = arith.constant 256 : i32
    %add3A_10 = arith.addi %mul3A_2, %add3A_9 : i32
    %run_scoped3A_11 = arith.constant 0 : i32
    "tpu.region"() ({
      %run_scoped3A_377 = tpu.sem_alloc : memref<!tpu.dma_semaphore, #tpu.memory_space<semaphore_mem>>
      %dma_start3A_378 = arith.constant 0 : i32
      %dma_start3A_379 = arith.constant 0 : i32
      %dma_start3A_380 = tpu.memref_slice %arg9[%run_scoped3A_11, %dma_start3A_378, %dma_start3A_379] : memref<2x128x128xf32, #tpu.memory_space<vmem>> -> memref<1x128x128xf32, #tpu.memory_space<vmem>>
      %dma_start3A_381 = tpu.memref_squeeze %dma_start3A_380 : memref<1x128x128xf32, #tpu.memory_space<vmem>> -> memref<128x128xf32, #tpu.memory_space<vmem>>
      %dma_start3A_382 = arith.constant 0 : i32
      %dma_start3A_383 = tpu.memref_slice %arg13[%add3A_10, %dma_start3A_382] : memref<10240x128xf32, #tpu.memory_space<vmem_shared>> -> memref<128x128xf32, #tpu.memory_space<vmem_shared>>
      %dma_start3A_384 = arith.constant 0 : i32
      %dma_start3A_385 = tpu.memref_slice %arg13[%add3A_10, %dma_start3A_384] : memref<10240x128xf32, #tpu.memory_space<vmem_shared>> -> memref<128x128xf32, #tpu.memory_space<vmem_shared>>
      %dma_start3A_386 = arith.constant 0 : i32
      %dma_start3A_387 = arith.constant 0 : i32
      %dma_start3A_388 = tpu.memref_slice %arg9[%run_scoped3A_11, %dma_start3A_386, %dma_start3A_387] : memref<2x128x128xf32, #tpu.memory_space<vmem>> -> memref<1x128x128xf32, #tpu.memory_space<vmem>>
      %dma_start3A_389 = tpu.memref_squeeze %dma_start3A_388 : memref<1x128x128xf32, #tpu.memory_space<vmem>> -> memref<128x128xf32, #tpu.memory_space<vmem>>
      tpu.enqueue_dma source(%dma_start3A_389 : memref<128x128xf32, #tpu.memory_space<vmem>>) target(%dma_start3A_385 : memref<128x128xf32, #tpu.memory_space<vmem_shared>>) target_semaphore(%run_scoped3A_377 : memref<!tpu.dma_semaphore, #tpu.memory_space<semaphore_mem>>)
      %dma_wait3A_390 = arith.constant 0 : i32
      %dma_wait3A_391 = arith.constant 0 : i32
      %dma_wait3A_392 = tpu.memref_slice %arg9[%run_scoped3A_11, %dma_wait3A_390, %dma_wait3A_391] : memref<2x128x128xf32, #tpu.memory_space<vmem>> -> memref<1x128x128xf32, #tpu.memory_space<vmem>>
      %dma_wait3A_393 = tpu.memref_squeeze %dma_wait3A_392 : memref<1x128x128xf32, #tpu.memory_space<vmem>> -> memref<128x128xf32, #tpu.memory_space<vmem>>
      %dma_wait3A_394 = arith.constant 0 : i32
      %dma_wait3A_395 = tpu.memref_slice %arg13[%add3A_10, %dma_wait3A_394] : memref<10240x128xf32, #tpu.memory_space<vmem_shared>> -> memref<128x128xf32, #tpu.memory_space<vmem_shared>>
      %dma_wait3A_396 = arith.constant 0 : i32
      %dma_wait3A_397 = tpu.memref_slice %arg13[%add3A_10, %dma_wait3A_396] : memref<10240x128xf32, #tpu.memory_space<vmem_shared>> -> memref<128x128xf32, #tpu.memory_space<vmem_shared>>
      %dma_wait3A_398 = arith.constant 0 : i32
      %dma_wait3A_399 = arith.constant 0 : i32
      %dma_wait3A_400 = tpu.memref_slice %arg9[%run_scoped3A_11, %dma_wait3A_398, %dma_wait3A_399] : memref<2x128x128xf32, #tpu.memory_space<vmem>> -> memref<1x128x128xf32, #tpu.memory_space<vmem>>
      %dma_wait3A_401 = tpu.memref_squeeze %dma_wait3A_400 : memref<1x128x128xf32, #tpu.memory_space<vmem>> -> memref<128x128xf32, #tpu.memory_space<vmem>>
      tpu.wait_dma2 semaphore(%run_scoped3A_377 : memref<!tpu.dma_semaphore, #tpu.memory_space<semaphore_mem>>) src(%dma_wait3A_401 : memref<128x128xf32, #tpu.memory_space<vmem>>) dst(%dma_wait3A_397 : memref<128x128xf32, #tpu.memory_space<vmem_shared>>)
      tpu.yield
    }) : () -> ()
    %add3A_12 = arith.constant 384 : i32
    %add3A_13 = arith.addi %mul3A_2, %add3A_12 : i32
    %run_scoped3A_14 = arith.constant 0 : i32
    "tpu.region"() ({
      %run_scoped3A_377 = tpu.sem_alloc : memref<!tpu.dma_semaphore, #tpu.memory_space<semaphore_mem>>
      %dma_start3A_378 = arith.constant 0 : i32
      %dma_start3A_379 = arith.constant 0 : i32
      %dma_start3A_380 = tpu.memref_slice %arg9[%run_scoped3A_14, %dma_start3A_378, %dma_start3A_379] : memref<2x128x128xf32, #tpu.memory_space<vmem>> -> memref<1x128x128xf32, #tpu.memory_space<vmem>>
      %dma_start3A_381 = tpu.memref_squeeze %dma_start3A_380 : memref<1x128x128xf32, #tpu.memory_space<vmem>> -> memref<128x128xf32, #tpu.memory_space<vmem>>
      %dma_start3A_382 = arith.constant 0 : i32
      %dma_start3A_383 = tpu.memref_slice %arg13[%add3A_13, %dma_start3A_382] : memref<10240x128xf32, #tpu.memory_space<vmem_shared>> -> memref<128x128xf32, #tpu.memory_space<vmem_shared>>
      %dma_start3A_384 = arith.constant 0 : i32
      %dma_start3A_385 = tpu.memref_slice %arg13[%add3A_13, %dma_start3A_384] : memref<10240x128xf32, #tpu.memory_space<vmem_shared>> -> memref<128x128xf32, #tpu.memory_space<vmem_shared>>
      %dma_start3A_386 = arith.constant 0 : i32
      %dma_start3A_387 = arith.constant 0 : i32
      %dma_start3A_388 = tpu.memref_slice %arg9[%run_scoped3A_14, %dma_start3A_386, %dma_start3A_387] : memref<2x128x128xf32, #tpu.memory_space<vmem>> -> memref<1x128x128xf32, #tpu.memory_space<vmem>>
      %dma_start3A_389 = tpu.memref_squeeze %dma_start3A_388 : memref<1x128x128xf32, #tpu.memory_space<vmem>> -> memref<128x128xf32, #tpu.memory_space<vmem>>
      tpu.enqueue_dma source(%dma_start3A_389 : memref<128x128xf32, #tpu.memory_space<vmem>>) target(%dma_start3A_385 : memref<128x128xf32, #tpu.memory_space<vmem_shared>>) target_semaphore(%run_scoped3A_377 : memref<!tpu.dma_semaphore, #tpu.memory_space<semaphore_mem>>)
      %dma_wait3A_390 = arith.constant 0 : i32
      %dma_wait3A_391 = arith.constant 0 : i32
      %dma_wait3A_392 = tpu.memref_slice %arg9[%run_scoped3A_14, %dma_wait3A_390, %dma_wait3A_391] : memref<2x128x128xf32, #tpu.memory_space<vmem>> -> memref<1x128x128xf32, #tpu.memory_space<vmem>>
      %dma_wait3A_393 = tpu.memref_squeeze %dma_wait3A_392 : memref<1x128x128xf32, #tpu.memory_space<vmem>> -> memref<128x128xf32, #tpu.memory_space<vmem>>
      %dma_wait3A_394 = arith.constant 0 : i32
      %dma_wait3A_395 = tpu.memref_slice %arg13[%add3A_13, %dma_wait3A_394] : memref<10240x128xf32, #tpu.memory_space<vmem_shared>> -> memref<128x128xf32, #tpu.memory_space<vmem_shared>>
      %dma_wait3A_396 = arith.constant 0 : i32
      %dma_wait3A_397 = tpu.memref_slice %arg13[%add3A_13, %dma_wait3A_396] : memref<10240x128xf32, #tpu.memory_space<vmem_shared>> -> memref<128x128xf32, #tpu.memory_space<vmem_shared>>
      %dma_wait3A_398 = arith.constant 0 : i32
      %dma_wait3A_399 = arith.constant 0 : i32
      %dma_wait3A_400 = tpu.memref_slice %arg9[%run_scoped3A_14, %dma_wait3A_398, %dma_wait3A_399] : memref<2x128x128xf32, #tpu.memory_space<vmem>> -> memref<1x128x128xf32, #tpu.memory_space<vmem>>
      %dma_wait3A_401 = tpu.memref_squeeze %dma_wait3A_400 : memref<1x128x128xf32, #tpu.memory_space<vmem>> -> memref<128x128xf32, #tpu.memory_space<vmem>>
      tpu.wait_dma2 semaphore(%run_scoped3A_377 : memref<!tpu.dma_semaphore, #tpu.memory_space<semaphore_mem>>) src(%dma_wait3A_401 : memref<128x128xf32, #tpu.memory_space<vmem>>) dst(%dma_wait3A_397 : memref<128x128xf32, #tpu.memory_space<vmem_shared>>)
      tpu.yield
    }) : () -> ()
    %add3A_15 = arith.constant 512 : i32
    %add3A_16 = arith.addi %mul3A_2, %add3A_15 : i32
    %run_scoped3A_17 = arith.constant 0 : i32
    "tpu.region"() ({
      %run_scoped3A_377 = tpu.sem_alloc : memref<!tpu.dma_semaphore, #tpu.memory_space<semaphore_mem>>
      %dma_start3A_378 = arith.constant 0 : i32
      %dma_start3A_379 = arith.constant 0 : i32
      %dma_start3A_380 = tpu.memref_slice %arg9[%run_scoped3A_17, %dma_start3A_378, %dma_start3A_379] : memref<2x128x128xf32, #tpu.memory_space<vmem>> -> memref<1x128x128xf32, #tpu.memory_space<vmem>>
      %dma_start3A_381 = tpu.memref_squeeze %dma_start3A_380 : memref<1x128x128xf32, #tpu.memory_space<vmem>> -> memref<128x128xf32, #tpu.memory_space<vmem>>
      %dma_start3A_382 = arith.constant 0 : i32
      %dma_start3A_383 = tpu.memref_slice %arg13[%add3A_16, %dma_start3A_382] : memref<10240x128xf32, #tpu.memory_space<vmem_shared>> -> memref<128x128xf32, #tpu.memory_space<vmem_shared>>
      %dma_start3A_384 = arith.constant 0 : i32
      %dma_start3A_385 = tpu.memref_slice %arg13[%add3A_16, %dma_start3A_384] : memref<10240x128xf32, #tpu.memory_space<vmem_shared>> -> memref<128x128xf32, #tpu.memory_space<vmem_shared>>
      %dma_start3A_386 = arith.constant 0 : i32
      %dma_start3A_387 = arith.constant 0 : i32
      %dma_start3A_388 = tpu.memref_slice %arg9[%run_scoped3A_17, %dma_start3A_386, %dma_start3A_387] : memref<2x128x128xf32, #tpu.memory_space<vmem>> -> memref<1x128x128xf32, #tpu.memory_space<vmem>>
      %dma_start3A_389 = tpu.memref_squeeze %dma_start3A_388 : memref<1x128x128xf32, #tpu.memory_space<vmem>> -> memref<128x128xf32, #tpu.memory_space<vmem>>
      tpu.enqueue_dma source(%dma_start3A_389 : memref<128x128xf32, #tpu.memory_space<vmem>>) target(%dma_start3A_385 : memref<128x128xf32, #tpu.memory_space<vmem_shared>>) target_semaphore(%run_scoped3A_377 : memref<!tpu.dma_semaphore, #tpu.memory_space<semaphore_mem>>)
      %dma_wait3A_390 = arith.constant 0 : i32
      %dma_wait3A_391 = arith.constant 0 : i32
      %dma_wait3A_392 = tpu.memref_slice %arg9[%run_scoped3A_17, %dma_wait3A_390, %dma_wait3A_391] : memref<2x128x128xf32, #tpu.memory_space<vmem>> -> memref<1x128x128xf32, #tpu.memory_space<vmem>>
      %dma_wait3A_393 = tpu.memref_squeeze %dma_wait3A_392 : memref<1x128x128xf32, #tpu.memory_space<vmem>> -> memref<128x128xf32, #tpu.memory_space<vmem>>
      %dma_wait3A_394 = arith.constant 0 : i32
      %dma_wait3A_395 = tpu.memref_slice %arg13[%add3A_16, %dma_wait3A_394] : memref<10240x128xf32, #tpu.memory_space<vmem_shared>> -> memref<128x128xf32, #tpu.memory_space<vmem_shared>>
      %dma_wait3A_396 = arith.constant 0 : i32
      %dma_wait3A_397 = tpu.memref_slice %arg13[%add3A_16, %dma_wait3A_396] : memref<10240x128xf32, #tpu.memory_space<vmem_shared>> -> memref<128x128xf32, #tpu.memory_space<vmem_shared>>
      %dma_wait3A_398 = arith.constant 0 : i32
      %dma_wait3A_399 = arith.constant 0 : i32
      %dma_wait3A_400 = tpu.memref_slice %arg9[%run_scoped3A_17, %dma_wait3A_398, %dma_wait3A_399] : memref<2x128x128xf32, #tpu.memory_space<vmem>> -> memref<1x128x128xf32, #tpu.memory_space<vmem>>
      %dma_wait3A_401 = tpu.memref_squeeze %dma_wait3A_400 : memref<1x128x128xf32, #tpu.memory_space<vmem>> -> memref<128x128xf32, #tpu.memory_space<vmem>>
      tpu.wait_dma2 semaphore(%run_scoped3A_377 : memref<!tpu.dma_semaphore, #tpu.memory_space<semaphore_mem>>) src(%dma_wait3A_401 : memref<128x128xf32, #tpu.memory_space<vmem>>) dst(%dma_wait3A_397 : memref<128x128xf32, #tpu.memory_space<vmem_shared>>)
      tpu.yield
    }) : () -> ()
    %barrier3A = arith.constant 0 : index
    tpu.barrier barrier_id(%barrier3A)
    %mul3A_18 = arith.constant 10000 : i32
    %mul3A_19 = arith.muli %add3A, %mul3A_18 : i32
    %add3A_20 = arith.constant 0 : i32
    %add3A_21 = arith.addi %mul3A_19, %add3A_20 : i32
    %run_scoped3A_22 = arith.constant 0 : i32
    "tpu.region"() ({
      %run_scoped3A_377 = tpu.sem_alloc : memref<!tpu.dma_semaphore, #tpu.memory_space<semaphore_mem>>
      %dma_start3A_378 = arith.constant 0 : i32
      %dma_start3A_379 = tpu.memref_slice %arg7[%run_scoped3A_22, %dma_start3A_378] : memref<4x128xi32, #tpu.memory_space<vmem>> -> memref<1x128xi32, #tpu.memory_space<vmem>>
      %dma_start3A_380 = tpu.memref_squeeze %dma_start3A_379 : memref<1x128xi32, #tpu.memory_space<vmem>> -> memref<128xi32, #tpu.memory_space<vmem>>
      %dma_start3A_381 = tpu.memref_slice %arg3[%add3A_21] : memref<320000xi32, #tpu.memory_space<hbm>> -> memref<128xi32, #tpu.memory_space<hbm>>
      %dma_start3A_382 = arith.constant 0 : i32
      %dma_start3A_383 = tpu.memref_slice %arg7[%run_scoped3A_22, %dma_start3A_382] : memref<4x128xi32, #tpu.memory_space<vmem>> -> memref<1x128xi32, #tpu.memory_space<vmem>>
      %dma_start3A_384 = tpu.memref_squeeze %dma_start3A_383 : memref<1x128xi32, #tpu.memory_space<vmem>> -> memref<128xi32, #tpu.memory_space<vmem>>
      %dma_start3A_385 = tpu.memref_slice %arg3[%add3A_21] : memref<320000xi32, #tpu.memory_space<hbm>> -> memref<128xi32, #tpu.memory_space<hbm>>
      tpu.enqueue_dma source(%dma_start3A_385 : memref<128xi32, #tpu.memory_space<hbm>>) target(%dma_start3A_384 : memref<128xi32, #tpu.memory_space<vmem>>) target_semaphore(%run_scoped3A_377 : memref<!tpu.dma_semaphore, #tpu.memory_space<semaphore_mem>>)
      %dma_wait3A_386 = arith.constant 0 : i32
      %dma_wait3A_387 = tpu.memref_slice %arg7[%run_scoped3A_22, %dma_wait3A_386] : memref<4x128xi32, #tpu.memory_space<vmem>> -> memref<1x128xi32, #tpu.memory_space<vmem>>
      %dma_wait3A_388 = tpu.memref_squeeze %dma_wait3A_387 : memref<1x128xi32, #tpu.memory_space<vmem>> -> memref<128xi32, #tpu.memory_space<vmem>>
      %dma_wait3A_389 = tpu.memref_slice %arg3[%add3A_21] : memref<320000xi32, #tpu.memory_space<hbm>> -> memref<128xi32, #tpu.memory_space<hbm>>
      %dma_wait3A_390 = arith.constant 0 : i32
      %dma_wait3A_391 = tpu.memref_slice %arg7[%run_scoped3A_22, %dma_wait3A_390] : memref<4x128xi32, #tpu.memory_space<vmem>> -> memref<1x128xi32, #tpu.memory_space<vmem>>
      %dma_wait3A_392 = tpu.memref_squeeze %dma_wait3A_391 : memref<1x128xi32, #tpu.memory_space<vmem>> -> memref<128xi32, #tpu.memory_space<vmem>>
      %dma_wait3A_393 = tpu.memref_slice %arg3[%add3A_21] : memref<320000xi32, #tpu.memory_space<hbm>> -> memref<128xi32, #tpu.memory_space<hbm>>
      tpu.wait_dma2 semaphore(%run_scoped3A_377 : memref<!tpu.dma_semaphore, #tpu.memory_space<semaphore_mem>>) src(%dma_wait3A_393 : memref<128xi32, #tpu.memory_space<hbm>>) dst(%dma_wait3A_392 : memref<128xi32, #tpu.memory_space<vmem>>)
      tpu.yield
    }) : () -> ()
    %run_scoped3A_23 = arith.constant 0 : i32
    "tpu.region"() ({
      %run_scoped3A_377 = tpu.sem_alloc : memref<!tpu.dma_semaphore, #tpu.memory_space<semaphore_mem>>
      %dma_start3A_378 = arith.constant 0 : i32
      %dma_start3A_379 = tpu.memref_slice %arg8[%run_scoped3A_23, %dma_start3A_378] : memref<4x128xi32, #tpu.memory_space<vmem>> -> memref<1x128xi32, #tpu.memory_space<vmem>>
      %dma_start3A_380 = tpu.memref_squeeze %dma_start3A_379 : memref<1x128xi32, #tpu.memory_space<vmem>> -> memref<128xi32, #tpu.memory_space<vmem>>
      %dma_start3A_381 = tpu.memref_slice %arg4[%add3A_21] : memref<320000xi32, #tpu.memory_space<hbm>> -> memref<128xi32, #tpu.memory_space<hbm>>
      %dma_start3A_382 = arith.constant 0 : i32
      %dma_start3A_383 = tpu.memref_slice %arg8[%run_scoped3A_23, %dma_start3A_382] : memref<4x128xi32, #tpu.memory_space<vmem>> -> memref<1x128xi32, #tpu.memory_space<vmem>>
      %dma_start3A_384 = tpu.memref_squeeze %dma_start3A_383 : memref<1x128xi32, #tpu.memory_space<vmem>> -> memref<128xi32, #tpu.memory_space<vmem>>
      %dma_start3A_385 = tpu.memref_slice %arg4[%add3A_21] : memref<320000xi32, #tpu.memory_space<hbm>> -> memref<128xi32, #tpu.memory_space<hbm>>
      tpu.enqueue_dma source(%dma_start3A_385 : memref<128xi32, #tpu.memory_space<hbm>>) target(%dma_start3A_384 : memref<128xi32, #tpu.memory_space<vmem>>) target_semaphore(%run_scoped3A_377 : memref<!tpu.dma_semaphore, #tpu.memory_space<semaphore_mem>>)
      %dma_wait3A_386 = arith.constant 0 : i32
      %dma_wait3A_387 = tpu.memref_slice %arg8[%run_scoped3A_23, %dma_wait3A_386] : memref<4x128xi32, #tpu.memory_space<vmem>> -> memref<1x128xi32, #tpu.memory_space<vmem>>
      %dma_wait3A_388 = tpu.memref_squeeze %dma_wait3A_387 : memref<1x128xi32, #tpu.memory_space<vmem>> -> memref<128xi32, #tpu.memory_space<vmem>>
      %dma_wait3A_389 = tpu.memref_slice %arg4[%add3A_21] : memref<320000xi32, #tpu.memory_space<hbm>> -> memref<128xi32, #tpu.memory_space<hbm>>
      %dma_wait3A_390 = arith.constant 0 : i32
      %dma_wait3A_391 = tpu.memref_slice %arg8[%run_scoped3A_23, %dma_wait3A_390] : memref<4x128xi32, #tpu.memory_space<vmem>> -> memref<1x128xi32, #tpu.memory_space<vmem>>
      %dma_wait3A_392 = tpu.memref_squeeze %dma_wait3A_391 : memref<1x128xi32, #tpu.memory_space<vmem>> -> memref<128xi32, #tpu.memory_space<vmem>>
      %dma_wait3A_393 = tpu.memref_slice %arg4[%add3A_21] : memref<320000xi32, #tpu.memory_space<hbm>> -> memref<128xi32, #tpu.memory_space<hbm>>
      tpu.wait_dma2 semaphore(%run_scoped3A_377 : memref<!tpu.dma_semaphore, #tpu.memory_space<semaphore_mem>>) src(%dma_wait3A_393 : memref<128xi32, #tpu.memory_space<hbm>>) dst(%dma_wait3A_392 : memref<128xi32, #tpu.memory_space<vmem>>)
      tpu.yield
    }) : () -> ()
    %add3A_24 = arith.constant 128 : i32
    %add3A_25 = arith.addi %mul3A_19, %add3A_24 : i32
    %run_scoped3A_26 = arith.constant 1 : i32
    "tpu.region"() ({
      %run_scoped3A_377 = tpu.sem_alloc : memref<!tpu.dma_semaphore, #tpu.memory_space<semaphore_mem>>
      %dma_start3A_378 = arith.constant 0 : i32
      %dma_start3A_379 = tpu.memref_slice %arg7[%run_scoped3A_26, %dma_start3A_378] : memref<4x128xi32, #tpu.memory_space<vmem>> -> memref<1x128xi32, #tpu.memory_space<vmem>>
      %dma_start3A_380 = tpu.memref_squeeze %dma_start3A_379 : memref<1x128xi32, #tpu.memory_space<vmem>> -> memref<128xi32, #tpu.memory_space<vmem>>
      %dma_start3A_381 = tpu.memref_slice %arg3[%add3A_25] : memref<320000xi32, #tpu.memory_space<hbm>> -> memref<128xi32, #tpu.memory_space<hbm>>
      %dma_start3A_382 = arith.constant 0 : i32
      %dma_start3A_383 = tpu.memref_slice %arg7[%run_scoped3A_26, %dma_start3A_382] : memref<4x128xi32, #tpu.memory_space<vmem>> -> memref<1x128xi32, #tpu.memory_space<vmem>>
      %dma_start3A_384 = tpu.memref_squeeze %dma_start3A_383 : memref<1x128xi32, #tpu.memory_space<vmem>> -> memref<128xi32, #tpu.memory_space<vmem>>
      %dma_start3A_385 = tpu.memref_slice %arg3[%add3A_25] : memref<320000xi32, #tpu.memory_space<hbm>> -> memref<128xi32, #tpu.memory_space<hbm>>
      tpu.enqueue_dma source(%dma_start3A_385 : memref<128xi32, #tpu.memory_space<hbm>>) target(%dma_start3A_384 : memref<128xi32, #tpu.memory_space<vmem>>) target_semaphore(%run_scoped3A_377 : memref<!tpu.dma_semaphore, #tpu.memory_space<semaphore_mem>>)
      %dma_wait3A_386 = arith.constant 0 : i32
      %dma_wait3A_387 = tpu.memref_slice %arg7[%run_scoped3A_26, %dma_wait3A_386] : memref<4x128xi32, #tpu.memory_space<vmem>> -> memref<1x128xi32, #tpu.memory_space<vmem>>
      %dma_wait3A_388 = tpu.memref_squeeze %dma_wait3A_387 : memref<1x128xi32, #tpu.memory_space<vmem>> -> memref<128xi32, #tpu.memory_space<vmem>>
      %dma_wait3A_389 = tpu.memref_slice %arg3[%add3A_25] : memref<320000xi32, #tpu.memory_space<hbm>> -> memref<128xi32, #tpu.memory_space<hbm>>
      %dma_wait3A_390 = arith.constant 0 : i32
      %dma_wait3A_391 = tpu.memref_slice %arg7[%run_scoped3A_26, %dma_wait3A_390] : memref<4x128xi32, #tpu.memory_space<vmem>> -> memref<1x128xi32, #tpu.memory_space<vmem>>
      %dma_wait3A_392 = tpu.memref_squeeze %dma_wait3A_391 : memref<1x128xi32, #tpu.memory_space<vmem>> -> memref<128xi32, #tpu.memory_space<vmem>>
      %dma_wait3A_393 = tpu.memref_slice %arg3[%add3A_25] : memref<320000xi32, #tpu.memory_space<hbm>> -> memref<128xi32, #tpu.memory_space<hbm>>
      tpu.wait_dma2 semaphore(%run_scoped3A_377 : memref<!tpu.dma_semaphore, #tpu.memory_space<semaphore_mem>>) src(%dma_wait3A_393 : memref<128xi32, #tpu.memory_space<hbm>>) dst(%dma_wait3A_392 : memref<128xi32, #tpu.memory_space<vmem>>)
      tpu.yield
    }) : () -> ()
    %run_scoped3A_27 = arith.constant 1 : i32
    "tpu.region"() ({
      %run_scoped3A_377 = tpu.sem_alloc : memref<!tpu.dma_semaphore, #tpu.memory_space<semaphore_mem>>
      %dma_start3A_378 = arith.constant 0 : i32
      %dma_start3A_379 = tpu.memref_slice %arg8[%run_scoped3A_27, %dma_start3A_378] : memref<4x128xi32, #tpu.memory_space<vmem>> -> memref<1x128xi32, #tpu.memory_space<vmem>>
      %dma_start3A_380 = tpu.memref_squeeze %dma_start3A_379 : memref<1x128xi32, #tpu.memory_space<vmem>> -> memref<128xi32, #tpu.memory_space<vmem>>
      %dma_start3A_381 = tpu.memref_slice %arg4[%add3A_25] : memref<320000xi32, #tpu.memory_space<hbm>> -> memref<128xi32, #tpu.memory_space<hbm>>
      %dma_start3A_382 = arith.constant 0 : i32
      %dma_start3A_383 = tpu.memref_slice %arg8[%run_scoped3A_27, %dma_start3A_382] : memref<4x128xi32, #tpu.memory_space<vmem>> -> memref<1x128xi32, #tpu.memory_space<vmem>>
      %dma_start3A_384 = tpu.memref_squeeze %dma_start3A_383 : memref<1x128xi32, #tpu.memory_space<vmem>> -> memref<128xi32, #tpu.memory_space<vmem>>
      %dma_start3A_385 = tpu.memref_slice %arg4[%add3A_25] : memref<320000xi32, #tpu.memory_space<hbm>> -> memref<128xi32, #tpu.memory_space<hbm>>
      tpu.enqueue_dma source(%dma_start3A_385 : memref<128xi32, #tpu.memory_space<hbm>>) target(%dma_start3A_384 : memref<128xi32, #tpu.memory_space<vmem>>) target_semaphore(%run_scoped3A_377 : memref<!tpu.dma_semaphore, #tpu.memory_space<semaphore_mem>>)
      %dma_wait3A_386 = arith.constant 0 : i32
      %dma_wait3A_387 = tpu.memref_slice %arg8[%run_scoped3A_27, %dma_wait3A_386] : memref<4x128xi32, #tpu.memory_space<vmem>> -> memref<1x128xi32, #tpu.memory_space<vmem>>
      %dma_wait3A_388 = tpu.memref_squeeze %dma_wait3A_387 : memref<1x128xi32, #tpu.memory_space<vmem>> -> memref<128xi32, #tpu.memory_space<vmem>>
      %dma_wait3A_389 = tpu.memref_slice %arg4[%add3A_25] : memref<320000xi32, #tpu.memory_space<hbm>> -> memref<128xi32, #tpu.memory_space<hbm>>
      %dma_wait3A_390 = arith.constant 0 : i32
      %dma_wait3A_391 = tpu.memref_slice %arg8[%run_scoped3A_27, %dma_wait3A_390] : memref<4x128xi32, #tpu.memory_space<vmem>> -> memref<1x128xi32, #tpu.memory_space<vmem>>
      %dma_wait3A_392 = tpu.memref_squeeze %dma_wait3A_391 : memref<1x128xi32, #tpu.memory_space<vmem>> -> memref<128xi32, #tpu.memory_space<vmem>>
      %dma_wait3A_393 = tpu.memref_slice %arg4[%add3A_25] : memref<320000xi32, #tpu.memory_space<hbm>> -> memref<128xi32, #tpu.memory_space<hbm>>
      tpu.wait_dma2 semaphore(%run_scoped3A_377 : memref<!tpu.dma_semaphore, #tpu.memory_space<semaphore_mem>>) src(%dma_wait3A_393 : memref<128xi32, #tpu.memory_space<hbm>>) dst(%dma_wait3A_392 : memref<128xi32, #tpu.memory_space<vmem>>)
      tpu.yield
    }) : () -> ()
    %dma_start3A = arith.constant 0 : i32
    %dma_start3A_28 = arith.constant 0 : i32
    %dma_start3A_29 = arith.constant 0 : i32
    %dma_start3A_30 = arith.constant 0 : i32
    %dma_start3A_31 = tpu.memref_slice %arg9[%dma_start3A_28, %dma_start3A_29, %dma_start3A_30] : memref<2x128x128xf32, #tpu.memory_space<vmem>> -> memref<1x128x128xf32, #tpu.memory_space<vmem>>
    %dma_start3A_32 = tpu.memref_squeeze %dma_start3A_31 : memref<1x128x128xf32, #tpu.memory_space<vmem>> -> memref<128x128xf32, #tpu.memory_space<vmem>>
    %dma_start3A_33 = arith.constant 0 : i32
    %dma_start3A_34 = tpu.memref_slice %arg8[%dma_start3A, %dma_start3A_33] : memref<4x128xi32, #tpu.memory_space<vmem>> -> memref<1x128xi32, #tpu.memory_space<vmem>>
    %dma_start3A_35 = tpu.memref_squeeze %dma_start3A_34 : memref<1x128xi32, #tpu.memory_space<vmem>> -> memref<128xi32, #tpu.memory_space<vmem>>
    %dma_start3A_36 = arith.constant 0 : i32
    %dma_start3A_37 = arith.constant 0 : i32
    %dma_start3A_38 = tpu.memref_slice %arg2[%dma_start3A_36, %dma_start3A_37] : memref<10000x128xf32, #tpu.memory_space<hbm>> -> memref<10000x128xf32, #tpu.memory_space<hbm>>
    tpu.enqueue_indirect_dma source(%dma_start3A_38 : memref<10000x128xf32, #tpu.memory_space<hbm>>) target(%dma_start3A_32 : memref<128x128xf32, #tpu.memory_space<vmem>>) offsets(%dma_start3A_35 : memref<128xi32, #tpu.memory_space<vmem>>) semaphore(%arg14 : memref<!tpu.dma_semaphore, #tpu.memory_space<semaphore_mem>>)
    %dma_wait3A = arith.constant 0 : i32
    %dma_wait3A_39 = arith.constant 0 : i32
    %dma_wait3A_40 = arith.constant 0 : i32
    %dma_wait3A_41 = tpu.memref_slice %arg9[%dma_wait3A, %dma_wait3A_39, %dma_wait3A_40] : memref<2x128x128xf32, #tpu.memory_space<vmem>> -> memref<1x128x128xf32, #tpu.memory_space<vmem>>
    %dma_wait3A_42 = tpu.memref_squeeze %dma_wait3A_41 : memref<1x128x128xf32, #tpu.memory_space<vmem>> -> memref<128x128xf32, #tpu.memory_space<vmem>>
    %dma_wait3A_43 = arith.constant 0 : i32
    %dma_wait3A_44 = arith.constant 0 : i32
    %dma_wait3A_45 = tpu.memref_slice %arg2[%dma_wait3A_43, %dma_wait3A_44] : memref<10000x128xf32, #tpu.memory_space<hbm>> -> memref<128x128xf32, #tpu.memory_space<hbm>>
    %dma_wait3A_46 = arith.constant 0 : i32
    %dma_wait3A_47 = arith.constant 0 : i32
    %dma_wait3A_48 = tpu.memref_slice %arg9[%dma_wait3A, %dma_wait3A_46, %dma_wait3A_47] : memref<2x128x128xf32, #tpu.memory_space<vmem>> -> memref<1x128x128xf32, #tpu.memory_space<vmem>>
    %dma_wait3A_49 = tpu.memref_squeeze %dma_wait3A_48 : memref<1x128x128xf32, #tpu.memory_space<vmem>> -> memref<128x128xf32, #tpu.memory_space<vmem>>
    %dma_wait3A_50 = arith.constant 0 : i32
    %dma_wait3A_51 = arith.constant 0 : i32
    %dma_wait3A_52 = tpu.memref_slice %arg2[%dma_wait3A_50, %dma_wait3A_51] : memref<10000x128xf32, #tpu.memory_space<hbm>> -> memref<128x128xf32, #tpu.memory_space<hbm>>
    tpu.wait_dma2 semaphore(%arg14 : memref<!tpu.dma_semaphore, #tpu.memory_space<semaphore_mem>>) src(%dma_wait3A_52 : memref<128x128xf32, #tpu.memory_space<hbm>>) dst(%dma_wait3A_49 : memref<128x128xf32, #tpu.memory_space<vmem>>)
    %dma_start3A_53 = arith.constant 1 : i32
    %dma_start3A_54 = arith.constant 1 : i32
    %dma_start3A_55 = arith.constant 0 : i32
    %dma_start3A_56 = arith.constant 0 : i32
    %dma_start3A_57 = tpu.memref_slice %arg9[%dma_start3A_54, %dma_start3A_55, %dma_start3A_56] : memref<2x128x128xf32, #tpu.memory_space<vmem>> -> memref<1x128x128xf32, #tpu.memory_space<vmem>>
    %dma_start3A_58 = tpu.memref_squeeze %dma_start3A_57 : memref<1x128x128xf32, #tpu.memory_space<vmem>> -> memref<128x128xf32, #tpu.memory_space<vmem>>
    %dma_start3A_59 = arith.constant 0 : i32
    %dma_start3A_60 = tpu.memref_slice %arg8[%dma_start3A_53, %dma_start3A_59] : memref<4x128xi32, #tpu.memory_space<vmem>> -> memref<1x128xi32, #tpu.memory_space<vmem>>
    %dma_start3A_61 = tpu.memref_squeeze %dma_start3A_60 : memref<1x128xi32, #tpu.memory_space<vmem>> -> memref<128xi32, #tpu.memory_space<vmem>>
    %dma_start3A_62 = arith.constant 0 : i32
    %dma_start3A_63 = arith.constant 0 : i32
    %dma_start3A_64 = tpu.memref_slice %arg2[%dma_start3A_62, %dma_start3A_63] : memref<10000x128xf32, #tpu.memory_space<hbm>> -> memref<10000x128xf32, #tpu.memory_space<hbm>>
    tpu.enqueue_indirect_dma source(%dma_start3A_64 : memref<10000x128xf32, #tpu.memory_space<hbm>>) target(%dma_start3A_58 : memref<128x128xf32, #tpu.memory_space<vmem>>) offsets(%dma_start3A_61 : memref<128xi32, #tpu.memory_space<vmem>>) semaphore(%arg14 : memref<!tpu.dma_semaphore, #tpu.memory_space<semaphore_mem>>)
    %dma_start3A_65 = arith.constant 0 : i32
    %dma_start3A_66 = arith.constant 0 : i32
    %dma_start3A_67 = arith.constant 0 : i32
    %dma_start3A_68 = arith.constant 0 : i32
    %dma_start3A_69 = tpu.memref_slice %arg9[%dma_start3A_65, %dma_start3A_67, %dma_start3A_68] : memref<2x128x128xf32, #tpu.memory_space<vmem>> -> memref<1x128x128xf32, #tpu.memory_space<vmem>>
    %dma_start3A_70 = tpu.memref_squeeze %dma_start3A_69 : memref<1x128x128xf32, #tpu.memory_space<vmem>> -> memref<128x128xf32, #tpu.memory_space<vmem>>
    %dma_start3A_71 = arith.constant 0 : i32
    %dma_start3A_72 = tpu.memref_slice %arg7[%dma_start3A_66, %dma_start3A_71] : memref<4x128xi32, #tpu.memory_space<vmem>> -> memref<1x128xi32, #tpu.memory_space<vmem>>
    %dma_start3A_73 = tpu.memref_squeeze %dma_start3A_72 : memref<1x128xi32, #tpu.memory_space<vmem>> -> memref<128xi32, #tpu.memory_space<vmem>>
    %dma_start3A_74 = arith.constant 0 : i32
    %dma_start3A_75 = arith.constant 0 : i32
    %dma_start3A_76 = tpu.memref_slice %arg13[%dma_start3A_74, %dma_start3A_75] : memref<10240x128xf32, #tpu.memory_space<vmem_shared>> -> memref<10240x128xf32, #tpu.memory_space<vmem_shared>>
    tpu.enqueue_indirect_dma source(%dma_start3A_70 : memref<128x128xf32, #tpu.memory_space<vmem>>) target(%dma_start3A_76 : memref<10240x128xf32, #tpu.memory_space<vmem_shared>>) offsets(%dma_start3A_73 : memref<128xi32, #tpu.memory_space<vmem>>) semaphore(%arg15 : memref<!tpu.dma_semaphore, #tpu.memory_space<semaphore_mem>>) {add = true}
    %add3A_77 = arith.constant 256 : i32
    %add3A_78 = arith.addi %mul3A_19, %add3A_77 : i32
    %run_scoped3A_79 = arith.constant 2 : i32
    "tpu.region"() ({
      %run_scoped3A_377 = tpu.sem_alloc : memref<!tpu.dma_semaphore, #tpu.memory_space<semaphore_mem>>
      %dma_start3A_378 = arith.constant 0 : i32
      %dma_start3A_379 = tpu.memref_slice %arg7[%run_scoped3A_79, %dma_start3A_378] : memref<4x128xi32, #tpu.memory_space<vmem>> -> memref<1x128xi32, #tpu.memory_space<vmem>>
      %dma_start3A_380 = tpu.memref_squeeze %dma_start3A_379 : memref<1x128xi32, #tpu.memory_space<vmem>> -> memref<128xi32, #tpu.memory_space<vmem>>
      %dma_start3A_381 = tpu.memref_slice %arg3[%add3A_78] : memref<320000xi32, #tpu.memory_space<hbm>> -> memref<128xi32, #tpu.memory_space<hbm>>
      %dma_start3A_382 = arith.constant 0 : i32
      %dma_start3A_383 = tpu.memref_slice %arg7[%run_scoped3A_79, %dma_start3A_382] : memref<4x128xi32, #tpu.memory_space<vmem>> -> memref<1x128xi32, #tpu.memory_space<vmem>>
      %dma_start3A_384 = tpu.memref_squeeze %dma_start3A_383 : memref<1x128xi32, #tpu.memory_space<vmem>> -> memref<128xi32, #tpu.memory_space<vmem>>
      %dma_start3A_385 = tpu.memref_slice %arg3[%add3A_78] : memref<320000xi32, #tpu.memory_space<hbm>> -> memref<128xi32, #tpu.memory_space<hbm>>
      tpu.enqueue_dma source(%dma_start3A_385 : memref<128xi32, #tpu.memory_space<hbm>>) target(%dma_start3A_384 : memref<128xi32, #tpu.memory_space<vmem>>) target_semaphore(%run_scoped3A_377 : memref<!tpu.dma_semaphore, #tpu.memory_space<semaphore_mem>>)
      %dma_wait3A_386 = arith.constant 0 : i32
      %dma_wait3A_387 = tpu.memref_slice %arg7[%run_scoped3A_79, %dma_wait3A_386] : memref<4x128xi32, #tpu.memory_space<vmem>> -> memref<1x128xi32, #tpu.memory_space<vmem>>
      %dma_wait3A_388 = tpu.memref_squeeze %dma_wait3A_387 : memref<1x128xi32, #tpu.memory_space<vmem>> -> memref<128xi32, #tpu.memory_space<vmem>>
      %dma_wait3A_389 = tpu.memref_slice %arg3[%add3A_78] : memref<320000xi32, #tpu.memory_space<hbm>> -> memref<128xi32, #tpu.memory_space<hbm>>
      %dma_wait3A_390 = arith.constant 0 : i32
      %dma_wait3A_391 = tpu.memref_slice %arg7[%run_scoped3A_79, %dma_wait3A_390] : memref<4x128xi32, #tpu.memory_space<vmem>> -> memref<1x128xi32, #tpu.memory_space<vmem>>
      %dma_wait3A_392 = tpu.memref_squeeze %dma_wait3A_391 : memref<1x128xi32, #tpu.memory_space<vmem>> -> memref<128xi32, #tpu.memory_space<vmem>>
      %dma_wait3A_393 = tpu.memref_slice %arg3[%add3A_78] : memref<320000xi32, #tpu.memory_space<hbm>> -> memref<128xi32, #tpu.memory_space<hbm>>
      tpu.wait_dma2 semaphore(%run_scoped3A_377 : memref<!tpu.dma_semaphore, #tpu.memory_space<semaphore_mem>>) src(%dma_wait3A_393 : memref<128xi32, #tpu.memory_space<hbm>>) dst(%dma_wait3A_392 : memref<128xi32, #tpu.memory_space<vmem>>)
      tpu.yield
    }) : () -> ()
    %run_scoped3A_80 = arith.constant 2 : i32
    "tpu.region"() ({
      %run_scoped3A_377 = tpu.sem_alloc : memref<!tpu.dma_semaphore, #tpu.memory_space<semaphore_mem>>
      %dma_start3A_378 = arith.constant 0 : i32
      %dma_start3A_379 = tpu.memref_slice %arg8[%run_scoped3A_80, %dma_start3A_378] : memref<4x128xi32, #tpu.memory_space<vmem>> -> memref<1x128xi32, #tpu.memory_space<vmem>>
      %dma_start3A_380 = tpu.memref_squeeze %dma_start3A_379 : memref<1x128xi32, #tpu.memory_space<vmem>> -> memref<128xi32, #tpu.memory_space<vmem>>
      %dma_start3A_381 = tpu.memref_slice %arg4[%add3A_78] : memref<320000xi32, #tpu.memory_space<hbm>> -> memref<128xi32, #tpu.memory_space<hbm>>
      %dma_start3A_382 = arith.constant 0 : i32
      %dma_start3A_383 = tpu.memref_slice %arg8[%run_scoped3A_80, %dma_start3A_382] : memref<4x128xi32, #tpu.memory_space<vmem>> -> memref<1x128xi32, #tpu.memory_space<vmem>>
      %dma_start3A_384 = tpu.memref_squeeze %dma_start3A_383 : memref<1x128xi32, #tpu.memory_space<vmem>> -> memref<128xi32, #tpu.memory_space<vmem>>
      %dma_start3A_385 = tpu.memref_slice %arg4[%add3A_78] : memref<320000xi32, #tpu.memory_space<hbm>> -> memref<128xi32, #tpu.memory_space<hbm>>
      tpu.enqueue_dma source(%dma_start3A_385 : memref<128xi32, #tpu.memory_space<hbm>>) target(%dma_start3A_384 : memref<128xi32, #tpu.memory_space<vmem>>) target_semaphore(%run_scoped3A_377 : memref<!tpu.dma_semaphore, #tpu.memory_space<semaphore_mem>>)
      %dma_wait3A_386 = arith.constant 0 : i32
      %dma_wait3A_387 = tpu.memref_slice %arg8[%run_scoped3A_80, %dma_wait3A_386] : memref<4x128xi32, #tpu.memory_space<vmem>> -> memref<1x128xi32, #tpu.memory_space<vmem>>
      %dma_wait3A_388 = tpu.memref_squeeze %dma_wait3A_387 : memref<1x128xi32, #tpu.memory_space<vmem>> -> memref<128xi32, #tpu.memory_space<vmem>>
      %dma_wait3A_389 = tpu.memref_slice %arg4[%add3A_78] : memref<320000xi32, #tpu.memory_space<hbm>> -> memref<128xi32, #tpu.memory_space<hbm>>
      %dma_wait3A_390 = arith.constant 0 : i32
      %dma_wait3A_391 = tpu.memref_slice %arg8[%run_scoped3A_80, %dma_wait3A_390] : memref<4x128xi32, #tpu.memory_space<vmem>> -> memref<1x128xi32, #tpu.memory_space<vmem>>
      %dma_wait3A_392 = tpu.memref_squeeze %dma_wait3A_391 : memref<1x128xi32, #tpu.memory_space<vmem>> -> memref<128xi32, #tpu.memory_space<vmem>>
      %dma_wait3A_393 = tpu.memref_slice %arg4[%add3A_78] : memref<320000xi32, #tpu.memory_space<hbm>> -> memref<128xi32, #tpu.memory_space<hbm>>
      tpu.wait_dma2 semaphore(%run_scoped3A_377 : memref<!tpu.dma_semaphore, #tpu.memory_space<semaphore_mem>>) src(%dma_wait3A_393 : memref<128xi32, #tpu.memory_space<hbm>>) dst(%dma_wait3A_392 : memref<128xi32, #tpu.memory_space<vmem>>)
      tpu.yield
    }) : () -> ()
    %scan3A = arith.constant 0 : i32
    %scan3A_81 = arith.constant 1 : i32
    %scan3A_82 = arith.constant 75 : i32
    %scan3A_83 = arith.addi %scan3A_81, %scan3A_82 : i32
    %scan3A_84 = arith.constant 1 : i32
    scf.for %scan3A_377 = %scan3A_81 to %scan3A_83 step %scan3A_84  : i32 {
      %rem3A = arith.constant 2 : i32
      %rem3A_378 = arith.remsi %scan3A_377, %rem3A : i32
      %dma_wait3A_379 = arith.constant 0 : i32
      %dma_wait3A_380 = arith.constant 0 : i32
      %dma_wait3A_381 = tpu.memref_slice %arg9[%rem3A_378, %dma_wait3A_379, %dma_wait3A_380] : memref<2x128x128xf32, #tpu.memory_space<vmem>> -> memref<1x128x128xf32, #tpu.memory_space<vmem>>
      %dma_wait3A_382 = tpu.memref_squeeze %dma_wait3A_381 : memref<1x128x128xf32, #tpu.memory_space<vmem>> -> memref<128x128xf32, #tpu.memory_space<vmem>>
      %dma_wait3A_383 = arith.constant 0 : i32
      %dma_wait3A_384 = arith.constant 0 : i32
      %dma_wait3A_385 = tpu.memref_slice %arg2[%dma_wait3A_383, %dma_wait3A_384] : memref<10000x128xf32, #tpu.memory_space<hbm>> -> memref<128x128xf32, #tpu.memory_space<hbm>>
      %dma_wait3A_386 = arith.constant 0 : i32
      %dma_wait3A_387 = arith.constant 0 : i32
      %dma_wait3A_388 = tpu.memref_slice %arg9[%rem3A_378, %dma_wait3A_386, %dma_wait3A_387] : memref<2x128x128xf32, #tpu.memory_space<vmem>> -> memref<1x128x128xf32, #tpu.memory_space<vmem>>
      %dma_wait3A_389 = tpu.memref_squeeze %dma_wait3A_388 : memref<1x128x128xf32, #tpu.memory_space<vmem>> -> memref<128x128xf32, #tpu.memory_space<vmem>>
      %dma_wait3A_390 = arith.constant 0 : i32
      %dma_wait3A_391 = arith.constant 0 : i32
      %dma_wait3A_392 = tpu.memref_slice %arg2[%dma_wait3A_390, %dma_wait3A_391] : memref<10000x128xf32, #tpu.memory_space<hbm>> -> memref<128x128xf32, #tpu.memory_space<hbm>>
      tpu.wait_dma2 semaphore(%arg14 : memref<!tpu.dma_semaphore, #tpu.memory_space<semaphore_mem>>) src(%dma_wait3A_392 : memref<128x128xf32, #tpu.memory_space<hbm>>) dst(%dma_wait3A_389 : memref<128x128xf32, #tpu.memory_space<vmem>>)
      %sub3A = arith.constant 1 : i32
      %sub3A_393 = arith.subi %sub3A, %rem3A_378 : i32
      %dma_wait3A_394 = arith.constant 0 : i32
      %dma_wait3A_395 = arith.constant 0 : i32
      %dma_wait3A_396 = tpu.memref_slice %arg9[%sub3A_393, %dma_wait3A_394, %dma_wait3A_395] : memref<2x128x128xf32, #tpu.memory_space<vmem>> -> memref<1x128x128xf32, #tpu.memory_space<vmem>>
      %dma_wait3A_397 = tpu.memref_squeeze %dma_wait3A_396 : memref<1x128x128xf32, #tpu.memory_space<vmem>> -> memref<128x128xf32, #tpu.memory_space<vmem>>
      %dma_wait3A_398 = arith.constant 0 : i32
      %dma_wait3A_399 = arith.constant 0 : i32
      %dma_wait3A_400 = tpu.memref_slice %arg2[%dma_wait3A_398, %dma_wait3A_399] : memref<10000x128xf32, #tpu.memory_space<hbm>> -> memref<128x128xf32, #tpu.memory_space<hbm>>
      %dma_wait3A_401 = arith.constant 0 : i32
      %dma_wait3A_402 = arith.constant 0 : i32
      %dma_wait3A_403 = tpu.memref_slice %arg9[%sub3A_393, %dma_wait3A_401, %dma_wait3A_402] : memref<2x128x128xf32, #tpu.memory_space<vmem>> -> memref<1x128x128xf32, #tpu.memory_space<vmem>>
      %dma_wait3A_404 = tpu.memref_squeeze %dma_wait3A_403 : memref<1x128x128xf32, #tpu.memory_space<vmem>> -> memref<128x128xf32, #tpu.memory_space<vmem>>
      %dma_wait3A_405 = arith.constant 0 : i32
      %dma_wait3A_406 = arith.constant 0 : i32
      %dma_wait3A_407 = tpu.memref_slice %arg2[%dma_wait3A_405, %dma_wait3A_406] : memref<10000x128xf32, #tpu.memory_space<hbm>> -> memref<128x128xf32, #tpu.memory_space<hbm>>
      tpu.wait_dma2 semaphore(%arg15 : memref<!tpu.dma_semaphore, #tpu.memory_space<semaphore_mem>>) src(%dma_wait3A_407 : memref<128x128xf32, #tpu.memory_space<hbm>>) dst(%dma_wait3A_404 : memref<128x128xf32, #tpu.memory_space<vmem>>)
      %add3A_408 = arith.constant 1 : i32
      %add3A_409 = arith.addi %scan3A_377, %add3A_408 : i32
      %rem3A_410 = arith.constant 4 : i32
      %rem3A_411 = arith.remsi %add3A_409, %rem3A_410 : i32
      %sub3A_412 = arith.constant 1 : i32
      %sub3A_413 = arith.subi %sub3A_412, %rem3A_378 : i32
      %dma_start3A_414 = arith.constant 0 : i32
      %dma_start3A_415 = arith.constant 0 : i32
      %dma_start3A_416 = tpu.memref_slice %arg9[%sub3A_413, %dma_start3A_414, %dma_start3A_415] : memref<2x128x128xf32, #tpu.memory_space<vmem>> -> memref<1x128x128xf32, #tpu.memory_space<vmem>>
      %dma_start3A_417 = tpu.memref_squeeze %dma_start3A_416 : memref<1x128x128xf32, #tpu.memory_space<vmem>> -> memref<128x128xf32, #tpu.memory_space<vmem>>
      %dma_start3A_418 = arith.constant 0 : i32
      %dma_start3A_419 = tpu.memref_slice %arg8[%rem3A_411, %dma_start3A_418] : memref<4x128xi32, #tpu.memory_space<vmem>> -> memref<1x128xi32, #tpu.memory_space<vmem>>
      %dma_start3A_420 = tpu.memref_squeeze %dma_start3A_419 : memref<1x128xi32, #tpu.memory_space<vmem>> -> memref<128xi32, #tpu.memory_space<vmem>>
      %dma_start3A_421 = arith.constant 0 : i32
      %dma_start3A_422 = arith.constant 0 : i32
      %dma_start3A_423 = tpu.memref_slice %arg2[%dma_start3A_421, %dma_start3A_422] : memref<10000x128xf32, #tpu.memory_space<hbm>> -> memref<10000x128xf32, #tpu.memory_space<hbm>>
      tpu.enqueue_indirect_dma source(%dma_start3A_423 : memref<10000x128xf32, #tpu.memory_space<hbm>>) target(%dma_start3A_417 : memref<128x128xf32, #tpu.memory_space<vmem>>) offsets(%dma_start3A_420 : memref<128xi32, #tpu.memory_space<vmem>>) semaphore(%arg14 : memref<!tpu.dma_semaphore, #tpu.memory_space<semaphore_mem>>)
      %rem3A_424 = arith.constant 4 : i32
      %rem3A_425 = arith.remsi %scan3A_377, %rem3A_424 : i32
      %dma_start3A_426 = arith.constant 0 : i32
      %dma_start3A_427 = arith.constant 0 : i32
      %dma_start3A_428 = tpu.memref_slice %arg9[%rem3A_378, %dma_start3A_426, %dma_start3A_427] : memref<2x128x128xf32, #tpu.memory_space<vmem>> -> memref<1x128x128xf32, #tpu.memory_space<vmem>>
      %dma_start3A_429 = tpu.memref_squeeze %dma_start3A_428 : memref<1x128x128xf32, #tpu.memory_space<vmem>> -> memref<128x128xf32, #tpu.memory_space<vmem>>
      %dma_start3A_430 = arith.constant 0 : i32
      %dma_start3A_431 = tpu.memref_slice %arg7[%rem3A_425, %dma_start3A_430] : memref<4x128xi32, #tpu.memory_space<vmem>> -> memref<1x128xi32, #tpu.memory_space<vmem>>
      %dma_start3A_432 = tpu.memref_squeeze %dma_start3A_431 : memref<1x128xi32, #tpu.memory_space<vmem>> -> memref<128xi32, #tpu.memory_space<vmem>>
      %dma_start3A_433 = arith.constant 0 : i32
      %dma_start3A_434 = arith.constant 0 : i32
      %dma_start3A_435 = tpu.memref_slice %arg13[%dma_start3A_433, %dma_start3A_434] : memref<10240x128xf32, #tpu.memory_space<vmem_shared>> -> memref<10240x128xf32, #tpu.memory_space<vmem_shared>>
      tpu.enqueue_indirect_dma source(%dma_start3A_429 : memref<128x128xf32, #tpu.memory_space<vmem>>) target(%dma_start3A_435 : memref<10240x128xf32, #tpu.memory_space<vmem_shared>>) offsets(%dma_start3A_432 : memref<128xi32, #tpu.memory_space<vmem>>) semaphore(%arg15 : memref<!tpu.dma_semaphore, #tpu.memory_space<semaphore_mem>>) {add = true}
      %add3A_436 = arith.constant 2 : i32
      %add3A_437 = arith.addi %scan3A_377, %add3A_436 : i32
      %add3A_438 = arith.constant 2 : i32
      %add3A_439 = arith.addi %scan3A_377, %add3A_438 : i32
      %rem3A_440 = arith.constant 4 : i32
      %rem3A_441 = arith.remsi %add3A_439, %rem3A_440 : i32
      %mul3A_442 = arith.constant 128 : i32
      %mul3A_443 = arith.muli %add3A_437, %mul3A_442 : i32
      %add3A_444 = arith.addi %mul3A_19, %mul3A_443 : i32
      "tpu.region"() ({
        %run_scoped3A_445 = tpu.sem_alloc : memref<!tpu.dma_semaphore, #tpu.memory_space<semaphore_mem>>
        %dma_start3A_446 = arith.constant 0 : i32
        %dma_start3A_447 = tpu.memref_slice %arg7[%rem3A_441, %dma_start3A_446] : memref<4x128xi32, #tpu.memory_space<vmem>> -> memref<1x128xi32, #tpu.memory_space<vmem>>
        %dma_start3A_448 = tpu.memref_squeeze %dma_start3A_447 : memref<1x128xi32, #tpu.memory_space<vmem>> -> memref<128xi32, #tpu.memory_space<vmem>>
        %dma_start3A_449 = tpu.memref_slice %arg3[%add3A_444] : memref<320000xi32, #tpu.memory_space<hbm>> -> memref<128xi32, #tpu.memory_space<hbm>>
        %dma_start3A_450 = arith.constant 0 : i32
        %dma_start3A_451 = tpu.memref_slice %arg7[%rem3A_441, %dma_start3A_450] : memref<4x128xi32, #tpu.memory_space<vmem>> -> memref<1x128xi32, #tpu.memory_space<vmem>>
        %dma_start3A_452 = tpu.memref_squeeze %dma_start3A_451 : memref<1x128xi32, #tpu.memory_space<vmem>> -> memref<128xi32, #tpu.memory_space<vmem>>
        %dma_start3A_453 = tpu.memref_slice %arg3[%add3A_444] : memref<320000xi32, #tpu.memory_space<hbm>> -> memref<128xi32, #tpu.memory_space<hbm>>
        tpu.enqueue_dma source(%dma_start3A_453 : memref<128xi32, #tpu.memory_space<hbm>>) target(%dma_start3A_452 : memref<128xi32, #tpu.memory_space<vmem>>) target_semaphore(%run_scoped3A_445 : memref<!tpu.dma_semaphore, #tpu.memory_space<semaphore_mem>>)
        %dma_wait3A_454 = arith.constant 0 : i32
        %dma_wait3A_455 = tpu.memref_slice %arg7[%rem3A_441, %dma_wait3A_454] : memref<4x128xi32, #tpu.memory_space<vmem>> -> memref<1x128xi32, #tpu.memory_space<vmem>>
        %dma_wait3A_456 = tpu.memref_squeeze %dma_wait3A_455 : memref<1x128xi32, #tpu.memory_space<vmem>> -> memref<128xi32, #tpu.memory_space<vmem>>
        %dma_wait3A_457 = tpu.memref_slice %arg3[%add3A_444] : memref<320000xi32, #tpu.memory_space<hbm>> -> memref<128xi32, #tpu.memory_space<hbm>>
        %dma_wait3A_458 = arith.constant 0 : i32
        %dma_wait3A_459 = tpu.memref_slice %arg7[%rem3A_441, %dma_wait3A_458] : memref<4x128xi32, #tpu.memory_space<vmem>> -> memref<1x128xi32, #tpu.memory_space<vmem>>
        %dma_wait3A_460 = tpu.memref_squeeze %dma_wait3A_459 : memref<1x128xi32, #tpu.memory_space<vmem>> -> memref<128xi32, #tpu.memory_space<vmem>>
        %dma_wait3A_461 = tpu.memref_slice %arg3[%add3A_444] : memref<320000xi32, #tpu.memory_space<hbm>> -> memref<128xi32, #tpu.memory_space<hbm>>
        tpu.wait_dma2 semaphore(%run_scoped3A_445 : memref<!tpu.dma_semaphore, #tpu.memory_space<semaphore_mem>>) src(%dma_wait3A_461 : memref<128xi32, #tpu.memory_space<hbm>>) dst(%dma_wait3A_460 : memref<128xi32, #tpu.memory_space<vmem>>)
        tpu.yield
      }) : () -> ()
      "tpu.region"() ({
        %run_scoped3A_445 = tpu.sem_alloc : memref<!tpu.dma_semaphore, #tpu.memory_space<semaphore_mem>>
        %dma_start3A_446 = arith.constant 0 : i32
        %dma_start3A_447 = tpu.memref_slice %arg8[%rem3A_441, %dma_start3A_446] : memref<4x128xi32, #tpu.memory_space<vmem>> -> memref<1x128xi32, #tpu.memory_space<vmem>>
        %dma_start3A_448 = tpu.memref_squeeze %dma_start3A_447 : memref<1x128xi32, #tpu.memory_space<vmem>> -> memref<128xi32, #tpu.memory_space<vmem>>
        %dma_start3A_449 = tpu.memref_slice %arg4[%add3A_444] : memref<320000xi32, #tpu.memory_space<hbm>> -> memref<128xi32, #tpu.memory_space<hbm>>
        %dma_start3A_450 = arith.constant 0 : i32
        %dma_start3A_451 = tpu.memref_slice %arg8[%rem3A_441, %dma_start3A_450] : memref<4x128xi32, #tpu.memory_space<vmem>> -> memref<1x128xi32, #tpu.memory_space<vmem>>
        %dma_start3A_452 = tpu.memref_squeeze %dma_start3A_451 : memref<1x128xi32, #tpu.memory_space<vmem>> -> memref<128xi32, #tpu.memory_space<vmem>>
        %dma_start3A_453 = tpu.memref_slice %arg4[%add3A_444] : memref<320000xi32, #tpu.memory_space<hbm>> -> memref<128xi32, #tpu.memory_space<hbm>>
        tpu.enqueue_dma source(%dma_start3A_453 : memref<128xi32, #tpu.memory_space<hbm>>) target(%dma_start3A_452 : memref<128xi32, #tpu.memory_space<vmem>>) target_semaphore(%run_scoped3A_445 : memref<!tpu.dma_semaphore, #tpu.memory_space<semaphore_mem>>)
        %dma_wait3A_454 = arith.constant 0 : i32
        %dma_wait3A_455 = tpu.memref_slice %arg8[%rem3A_441, %dma_wait3A_454] : memref<4x128xi32, #tpu.memory_space<vmem>> -> memref<1x128xi32, #tpu.memory_space<vmem>>
        %dma_wait3A_456 = tpu.memref_squeeze %dma_wait3A_455 : memref<1x128xi32, #tpu.memory_space<vmem>> -> memref<128xi32, #tpu.memory_space<vmem>>
        %dma_wait3A_457 = tpu.memref_slice %arg4[%add3A_444] : memref<320000xi32, #tpu.memory_space<hbm>> -> memref<128xi32, #tpu.memory_space<hbm>>
        %dma_wait3A_458 = arith.constant 0 : i32
        %dma_wait3A_459 = tpu.memref_slice %arg8[%rem3A_441, %dma_wait3A_458] : memref<4x128xi32, #tpu.memory_space<vmem>> -> memref<1x128xi32, #tpu.memory_space<vmem>>
        %dma_wait3A_460 = tpu.memref_squeeze %dma_wait3A_459 : memref<1x128xi32, #tpu.memory_space<vmem>> -> memref<128xi32, #tpu.memory_space<vmem>>
        %dma_wait3A_461 = tpu.memref_slice %arg4[%add3A_444] : memref<320000xi32, #tpu.memory_space<hbm>> -> memref<128xi32, #tpu.memory_space<hbm>>
        tpu.wait_dma2 semaphore(%run_scoped3A_445 : memref<!tpu.dma_semaphore, #tpu.memory_space<semaphore_mem>>) src(%dma_wait3A_461 : memref<128xi32, #tpu.memory_space<hbm>>) dst(%dma_wait3A_460 : memref<128xi32, #tpu.memory_space<vmem>>)
        tpu.yield
      }) : () -> ()
    }
    %scan3A_85 = arith.constant 75 : i32
    %dma_wait3A_86 = arith.constant 0 : i32
    %dma_wait3A_87 = arith.constant 0 : i32
    %dma_wait3A_88 = arith.constant 0 : i32
    %dma_wait3A_89 = tpu.memref_slice %arg9[%dma_wait3A_86, %dma_wait3A_87, %dma_wait3A_88] : memref<2x128x128xf32, #tpu.memory_space<vmem>> -> memref<1x128x128xf32, #tpu.memory_space<vmem>>
    %dma_wait3A_90 = tpu.memref_squeeze %dma_wait3A_89 : memref<1x128x128xf32, #tpu.memory_space<vmem>> -> memref<128x128xf32, #tpu.memory_space<vmem>>
    %dma_wait3A_91 = arith.constant 0 : i32
    %dma_wait3A_92 = arith.constant 0 : i32
    %dma_wait3A_93 = tpu.memref_slice %arg2[%dma_wait3A_91, %dma_wait3A_92] : memref<10000x128xf32, #tpu.memory_space<hbm>> -> memref<128x128xf32, #tpu.memory_space<hbm>>
    %dma_wait3A_94 = arith.constant 0 : i32
    %dma_wait3A_95 = arith.constant 0 : i32
    %dma_wait3A_96 = tpu.memref_slice %arg9[%dma_wait3A_86, %dma_wait3A_94, %dma_wait3A_95] : memref<2x128x128xf32, #tpu.memory_space<vmem>> -> memref<1x128x128xf32, #tpu.memory_space<vmem>>
    %dma_wait3A_97 = tpu.memref_squeeze %dma_wait3A_96 : memref<1x128x128xf32, #tpu.memory_space<vmem>> -> memref<128x128xf32, #tpu.memory_space<vmem>>
    %dma_wait3A_98 = arith.constant 0 : i32
    %dma_wait3A_99 = arith.constant 0 : i32
    %dma_wait3A_100 = tpu.memref_slice %arg2[%dma_wait3A_98, %dma_wait3A_99] : memref<10000x128xf32, #tpu.memory_space<hbm>> -> memref<128x128xf32, #tpu.memory_space<hbm>>
    tpu.wait_dma2 semaphore(%arg14 : memref<!tpu.dma_semaphore, #tpu.memory_space<semaphore_mem>>) src(%dma_wait3A_100 : memref<128x128xf32, #tpu.memory_space<hbm>>) dst(%dma_wait3A_97 : memref<128x128xf32, #tpu.memory_space<vmem>>)
    %dma_wait3A_101 = arith.constant 1 : i32
    %dma_wait3A_102 = arith.constant 0 : i32
    %dma_wait3A_103 = arith.constant 0 : i32
    %dma_wait3A_104 = tpu.memref_slice %arg9[%dma_wait3A_101, %dma_wait3A_102, %dma_wait3A_103] : memref<2x128x128xf32, #tpu.memory_space<vmem>> -> memref<1x128x128xf32, #tpu.memory_space<vmem>>
    %dma_wait3A_105 = tpu.memref_squeeze %dma_wait3A_104 : memref<1x128x128xf32, #tpu.memory_space<vmem>> -> memref<128x128xf32, #tpu.memory_space<vmem>>
    %dma_wait3A_106 = arith.constant 0 : i32
    %dma_wait3A_107 = arith.constant 0 : i32
    %dma_wait3A_108 = tpu.memref_slice %arg2[%dma_wait3A_106, %dma_wait3A_107] : memref<10000x128xf32, #tpu.memory_space<hbm>> -> memref<128x128xf32, #tpu.memory_space<hbm>>
    %dma_wait3A_109 = arith.constant 0 : i32
    %dma_wait3A_110 = arith.constant 0 : i32
    %dma_wait3A_111 = tpu.memref_slice %arg9[%dma_wait3A_101, %dma_wait3A_109, %dma_wait3A_110] : memref<2x128x128xf32, #tpu.memory_space<vmem>> -> memref<1x128x128xf32, #tpu.memory_space<vmem>>
    %dma_wait3A_112 = tpu.memref_squeeze %dma_wait3A_111 : memref<1x128x128xf32, #tpu.memory_space<vmem>> -> memref<128x128xf32, #tpu.memory_space<vmem>>
    %dma_wait3A_113 = arith.constant 0 : i32
    %dma_wait3A_114 = arith.constant 0 : i32
    %dma_wait3A_115 = tpu.memref_slice %arg2[%dma_wait3A_113, %dma_wait3A_114] : memref<10000x128xf32, #tpu.memory_space<hbm>> -> memref<128x128xf32, #tpu.memory_space<hbm>>
    tpu.wait_dma2 semaphore(%arg15 : memref<!tpu.dma_semaphore, #tpu.memory_space<semaphore_mem>>) src(%dma_wait3A_115 : memref<128x128xf32, #tpu.memory_space<hbm>>) dst(%dma_wait3A_112 : memref<128x128xf32, #tpu.memory_space<vmem>>)
    %dma_start3A_116 = arith.constant 1 : i32
    %dma_start3A_117 = arith.constant 1 : i32
    %dma_start3A_118 = arith.constant 0 : i32
    %dma_start3A_119 = arith.constant 0 : i32
    %dma_start3A_120 = tpu.memref_slice %arg9[%dma_start3A_117, %dma_start3A_118, %dma_start3A_119] : memref<2x128x128xf32, #tpu.memory_space<vmem>> -> memref<1x128x128xf32, #tpu.memory_space<vmem>>
    %dma_start3A_121 = tpu.memref_squeeze %dma_start3A_120 : memref<1x128x128xf32, #tpu.memory_space<vmem>> -> memref<128x128xf32, #tpu.memory_space<vmem>>
    %dma_start3A_122 = arith.constant 0 : i32
    %dma_start3A_123 = tpu.memref_slice %arg8[%dma_start3A_116, %dma_start3A_122] : memref<4x128xi32, #tpu.memory_space<vmem>> -> memref<1x128xi32, #tpu.memory_space<vmem>>
    %dma_start3A_124 = tpu.memref_squeeze %dma_start3A_123 : memref<1x128xi32, #tpu.memory_space<vmem>> -> memref<128xi32, #tpu.memory_space<vmem>>
    %dma_start3A_125 = arith.constant 0 : i32
    %dma_start3A_126 = arith.constant 0 : i32
    %dma_start3A_127 = tpu.memref_slice %arg2[%dma_start3A_125, %dma_start3A_126] : memref<10000x128xf32, #tpu.memory_space<hbm>> -> memref<10000x128xf32, #tpu.memory_space<hbm>>
    tpu.enqueue_indirect_dma source(%dma_start3A_127 : memref<10000x128xf32, #tpu.memory_space<hbm>>) target(%dma_start3A_121 : memref<128x128xf32, #tpu.memory_space<vmem>>) offsets(%dma_start3A_124 : memref<128xi32, #tpu.memory_space<vmem>>) semaphore(%arg14 : memref<!tpu.dma_semaphore, #tpu.memory_space<semaphore_mem>>)
    %dma_start3A_128 = arith.constant 0 : i32
    %dma_start3A_129 = arith.constant 0 : i32
    %dma_start3A_130 = arith.constant 0 : i32
    %dma_start3A_131 = arith.constant 0 : i32
    %dma_start3A_132 = tpu.memref_slice %arg9[%dma_start3A_128, %dma_start3A_130, %dma_start3A_131] : memref<2x128x128xf32, #tpu.memory_space<vmem>> -> memref<1x128x128xf32, #tpu.memory_space<vmem>>
    %dma_start3A_133 = tpu.memref_squeeze %dma_start3A_132 : memref<1x128x128xf32, #tpu.memory_space<vmem>> -> memref<128x128xf32, #tpu.memory_space<vmem>>
    %dma_start3A_134 = arith.constant 0 : i32
    %dma_start3A_135 = tpu.memref_slice %arg7[%dma_start3A_129, %dma_start3A_134] : memref<4x128xi32, #tpu.memory_space<vmem>> -> memref<1x128xi32, #tpu.memory_space<vmem>>
    %dma_start3A_136 = tpu.memref_squeeze %dma_start3A_135 : memref<1x128xi32, #tpu.memory_space<vmem>> -> memref<128xi32, #tpu.memory_space<vmem>>
    %dma_start3A_137 = arith.constant 0 : i32
    %dma_start3A_138 = arith.constant 0 : i32
    %dma_start3A_139 = tpu.memref_slice %arg13[%dma_start3A_137, %dma_start3A_138] : memref<10240x128xf32, #tpu.memory_space<vmem_shared>> -> memref<10240x128xf32, #tpu.memory_space<vmem_shared>>
    tpu.enqueue_indirect_dma source(%dma_start3A_133 : memref<128x128xf32, #tpu.memory_space<vmem>>) target(%dma_start3A_139 : memref<10240x128xf32, #tpu.memory_space<vmem_shared>>) offsets(%dma_start3A_136 : memref<128xi32, #tpu.memory_space<vmem>>) semaphore(%arg15 : memref<!tpu.dma_semaphore, #tpu.memory_space<semaphore_mem>>) {add = true}
    %dma_wait3A_140 = arith.constant 1 : i32
    %dma_wait3A_141 = arith.constant 0 : i32
    %dma_wait3A_142 = arith.constant 0 : i32
    %dma_wait3A_143 = tpu.memref_slice %arg9[%dma_wait3A_140, %dma_wait3A_141, %dma_wait3A_142] : memref<2x128x128xf32, #tpu.memory_space<vmem>> -> memref<1x128x128xf32, #tpu.memory_space<vmem>>
    %dma_wait3A_144 = tpu.memref_squeeze %dma_wait3A_143 : memref<1x128x128xf32, #tpu.memory_space<vmem>> -> memref<128x128xf32, #tpu.memory_space<vmem>>
    %dma_wait3A_145 = arith.constant 0 : i32
    %dma_wait3A_146 = arith.constant 0 : i32
    %dma_wait3A_147 = tpu.memref_slice %arg2[%dma_wait3A_145, %dma_wait3A_146] : memref<10000x128xf32, #tpu.memory_space<hbm>> -> memref<128x128xf32, #tpu.memory_space<hbm>>
    %dma_wait3A_148 = arith.constant 0 : i32
    %dma_wait3A_149 = arith.constant 0 : i32
    %dma_wait3A_150 = tpu.memref_slice %arg9[%dma_wait3A_140, %dma_wait3A_148, %dma_wait3A_149] : memref<2x128x128xf32, #tpu.memory_space<vmem>> -> memref<1x128x128xf32, #tpu.memory_space<vmem>>
    %dma_wait3A_151 = tpu.memref_squeeze %dma_wait3A_150 : memref<1x128x128xf32, #tpu.memory_space<vmem>> -> memref<128x128xf32, #tpu.memory_space<vmem>>
    %dma_wait3A_152 = arith.constant 0 : i32
    %dma_wait3A_153 = arith.constant 0 : i32
    %dma_wait3A_154 = tpu.memref_slice %arg2[%dma_wait3A_152, %dma_wait3A_153] : memref<10000x128xf32, #tpu.memory_space<hbm>> -> memref<128x128xf32, #tpu.memory_space<hbm>>
    tpu.wait_dma2 semaphore(%arg14 : memref<!tpu.dma_semaphore, #tpu.memory_space<semaphore_mem>>) src(%dma_wait3A_154 : memref<128x128xf32, #tpu.memory_space<hbm>>) dst(%dma_wait3A_151 : memref<128x128xf32, #tpu.memory_space<vmem>>)
    %dma_wait3A_155 = arith.constant 0 : i32
    %dma_wait3A_156 = arith.constant 0 : i32
    %dma_wait3A_157 = arith.constant 0 : i32
    %dma_wait3A_158 = tpu.memref_slice %arg9[%dma_wait3A_155, %dma_wait3A_156, %dma_wait3A_157] : memref<2x128x128xf32, #tpu.memory_space<vmem>> -> memref<1x128x128xf32, #tpu.memory_space<vmem>>
    %dma_wait3A_159 = tpu.memref_squeeze %dma_wait3A_158 : memref<1x128x128xf32, #tpu.memory_space<vmem>> -> memref<128x128xf32, #tpu.memory_space<vmem>>
    %dma_wait3A_160 = arith.constant 0 : i32
    %dma_wait3A_161 = arith.constant 0 : i32
    %dma_wait3A_162 = tpu.memref_slice %arg2[%dma_wait3A_160, %dma_wait3A_161] : memref<10000x128xf32, #tpu.memory_space<hbm>> -> memref<128x128xf32, #tpu.memory_space<hbm>>
    %dma_wait3A_163 = arith.constant 0 : i32
    %dma_wait3A_164 = arith.constant 0 : i32
    %dma_wait3A_165 = tpu.memref_slice %arg9[%dma_wait3A_155, %dma_wait3A_163, %dma_wait3A_164] : memref<2x128x128xf32, #tpu.memory_space<vmem>> -> memref<1x128x128xf32, #tpu.memory_space<vmem>>
    %dma_wait3A_166 = tpu.memref_squeeze %dma_wait3A_165 : memref<1x128x128xf32, #tpu.memory_space<vmem>> -> memref<128x128xf32, #tpu.memory_space<vmem>>
    %dma_wait3A_167 = arith.constant 0 : i32
    %dma_wait3A_168 = arith.constant 0 : i32
    %dma_wait3A_169 = tpu.memref_slice %arg2[%dma_wait3A_167, %dma_wait3A_168] : memref<10000x128xf32, #tpu.memory_space<hbm>> -> memref<128x128xf32, #tpu.memory_space<hbm>>
    tpu.wait_dma2 semaphore(%arg15 : memref<!tpu.dma_semaphore, #tpu.memory_space<semaphore_mem>>) src(%dma_wait3A_169 : memref<128x128xf32, #tpu.memory_space<hbm>>) dst(%dma_wait3A_166 : memref<128x128xf32, #tpu.memory_space<vmem>>)
    %dma_start3A_170 = arith.constant 1 : i32
    %dma_start3A_171 = arith.constant 1 : i32
    %dma_start3A_172 = arith.constant 0 : i32
    %dma_start3A_173 = arith.constant 0 : i32
    %dma_start3A_174 = tpu.memref_slice %arg9[%dma_start3A_170, %dma_start3A_172, %dma_start3A_173] : memref<2x128x128xf32, #tpu.memory_space<vmem>> -> memref<1x128x128xf32, #tpu.memory_space<vmem>>
    %dma_start3A_175 = tpu.memref_squeeze %dma_start3A_174 : memref<1x128x128xf32, #tpu.memory_space<vmem>> -> memref<128x128xf32, #tpu.memory_space<vmem>>
    %dma_start3A_176 = arith.constant 0 : i32
    %dma_start3A_177 = tpu.memref_slice %arg7[%dma_start3A_171, %dma_start3A_176] : memref<4x128xi32, #tpu.memory_space<vmem>> -> memref<1x128xi32, #tpu.memory_space<vmem>>
    %dma_start3A_178 = tpu.memref_squeeze %dma_start3A_177 : memref<1x128xi32, #tpu.memory_space<vmem>> -> memref<128xi32, #tpu.memory_space<vmem>>
    %dma_start3A_179 = arith.constant 0 : i32
    %dma_start3A_180 = arith.constant 0 : i32
    %dma_start3A_181 = tpu.memref_slice %arg13[%dma_start3A_179, %dma_start3A_180] : memref<10240x128xf32, #tpu.memory_space<vmem_shared>> -> memref<10240x128xf32, #tpu.memory_space<vmem_shared>>
    tpu.enqueue_indirect_dma source(%dma_start3A_175 : memref<128x128xf32, #tpu.memory_space<vmem>>) target(%dma_start3A_181 : memref<10240x128xf32, #tpu.memory_space<vmem_shared>>) offsets(%dma_start3A_178 : memref<128xi32, #tpu.memory_space<vmem>>) semaphore(%arg15 : memref<!tpu.dma_semaphore, #tpu.memory_space<semaphore_mem>>) {add = true}
    %dma_wait3A_182 = arith.constant 1 : i32
    %dma_wait3A_183 = arith.constant 0 : i32
    %dma_wait3A_184 = arith.constant 0 : i32
    %dma_wait3A_185 = tpu.memref_slice %arg9[%dma_wait3A_182, %dma_wait3A_183, %dma_wait3A_184] : memref<2x128x128xf32, #tpu.memory_space<vmem>> -> memref<1x128x128xf32, #tpu.memory_space<vmem>>
    %dma_wait3A_186 = tpu.memref_squeeze %dma_wait3A_185 : memref<1x128x128xf32, #tpu.memory_space<vmem>> -> memref<128x128xf32, #tpu.memory_space<vmem>>
    %dma_wait3A_187 = arith.constant 0 : i32
    %dma_wait3A_188 = arith.constant 0 : i32
    %dma_wait3A_189 = tpu.memref_slice %arg2[%dma_wait3A_187, %dma_wait3A_188] : memref<10000x128xf32, #tpu.memory_space<hbm>> -> memref<128x128xf32, #tpu.memory_space<hbm>>
    %dma_wait3A_190 = arith.constant 0 : i32
    %dma_wait3A_191 = arith.constant 0 : i32
    %dma_wait3A_192 = tpu.memref_slice %arg9[%dma_wait3A_182, %dma_wait3A_190, %dma_wait3A_191] : memref<2x128x128xf32, #tpu.memory_space<vmem>> -> memref<1x128x128xf32, #tpu.memory_space<vmem>>
    %dma_wait3A_193 = tpu.memref_squeeze %dma_wait3A_192 : memref<1x128x128xf32, #tpu.memory_space<vmem>> -> memref<128x128xf32, #tpu.memory_space<vmem>>
    %dma_wait3A_194 = arith.constant 0 : i32
    %dma_wait3A_195 = arith.constant 0 : i32
    %dma_wait3A_196 = tpu.memref_slice %arg2[%dma_wait3A_194, %dma_wait3A_195] : memref<10000x128xf32, #tpu.memory_space<hbm>> -> memref<128x128xf32, #tpu.memory_space<hbm>>
    tpu.wait_dma2 semaphore(%arg15 : memref<!tpu.dma_semaphore, #tpu.memory_space<semaphore_mem>>) src(%dma_wait3A_196 : memref<128x128xf32, #tpu.memory_space<hbm>>) dst(%dma_wait3A_193 : memref<128x128xf32, #tpu.memory_space<vmem>>)
    %add3A_197 = arith.constant 9984 : i32
    %add3A_198 = arith.addi %mul3A_19, %add3A_197 : i32
    "tpu.region"() ({
      %run_scoped3A_377 = tpu.sem_alloc : memref<!tpu.dma_semaphore, #tpu.memory_space<semaphore_mem>>
      %dma_start3A_378 = tpu.memref_slice %arg3[%add3A_198] : memref<320000xi32, #tpu.memory_space<hbm>> -> memref<16xi32, #tpu.memory_space<hbm>>
      %dma_start3A_379 = tpu.memref_slice %arg3[%add3A_198] : memref<320000xi32, #tpu.memory_space<hbm>> -> memref<16xi32, #tpu.memory_space<hbm>>
      tpu.enqueue_dma source(%dma_start3A_379 : memref<16xi32, #tpu.memory_space<hbm>>) target(%arg10 : memref<16xi32, #tpu.memory_space<vmem>>) target_semaphore(%run_scoped3A_377 : memref<!tpu.dma_semaphore, #tpu.memory_space<semaphore_mem>>)
      %dma_wait3A_380 = tpu.memref_slice %arg3[%add3A_198] : memref<320000xi32, #tpu.memory_space<hbm>> -> memref<16xi32, #tpu.memory_space<hbm>>
      %dma_wait3A_381 = tpu.memref_slice %arg3[%add3A_198] : memref<320000xi32, #tpu.memory_space<hbm>> -> memref<16xi32, #tpu.memory_space<hbm>>
      tpu.wait_dma2 semaphore(%run_scoped3A_377 : memref<!tpu.dma_semaphore, #tpu.memory_space<semaphore_mem>>) src(%dma_wait3A_381 : memref<16xi32, #tpu.memory_space<hbm>>) dst(%arg10 : memref<16xi32, #tpu.memory_space<vmem>>)
      tpu.yield
    }) : () -> ()
    "tpu.region"() ({
      %run_scoped3A_377 = tpu.sem_alloc : memref<!tpu.dma_semaphore, #tpu.memory_space<semaphore_mem>>
      %dma_start3A_378 = tpu.memref_slice %arg4[%add3A_198] : memref<320000xi32, #tpu.memory_space<hbm>> -> memref<16xi32, #tpu.memory_space<hbm>>
      %dma_start3A_379 = tpu.memref_slice %arg4[%add3A_198] : memref<320000xi32, #tpu.memory_space<hbm>> -> memref<16xi32, #tpu.memory_space<hbm>>
      tpu.enqueue_dma source(%dma_start3A_379 : memref<16xi32, #tpu.memory_space<hbm>>) target(%arg11 : memref<16xi32, #tpu.memory_space<vmem>>) target_semaphore(%run_scoped3A_377 : memref<!tpu.dma_semaphore, #tpu.memory_space<semaphore_mem>>)
      %dma_wait3A_380 = tpu.memref_slice %arg4[%add3A_198] : memref<320000xi32, #tpu.memory_space<hbm>> -> memref<16xi32, #tpu.memory_space<hbm>>
      %dma_wait3A_381 = tpu.memref_slice %arg4[%add3A_198] : memref<320000xi32, #tpu.memory_space<hbm>> -> memref<16xi32, #tpu.memory_space<hbm>>
      tpu.wait_dma2 semaphore(%run_scoped3A_377 : memref<!tpu.dma_semaphore, #tpu.memory_space<semaphore_mem>>) src(%dma_wait3A_381 : memref<16xi32, #tpu.memory_space<hbm>>) dst(%arg11 : memref<16xi32, #tpu.memory_space<vmem>>)
      tpu.yield
    }) : () -> ()
    %dma_start3A_199 = arith.constant 0 : i32
    %dma_start3A_200 = arith.constant 0 : i32
    %dma_start3A_201 = tpu.memref_slice %arg2[%dma_start3A_199, %dma_start3A_200] : memref<10000x128xf32, #tpu.memory_space<hbm>> -> memref<10000x128xf32, #tpu.memory_space<hbm>>
    tpu.enqueue_indirect_dma source(%dma_start3A_201 : memref<10000x128xf32, #tpu.memory_space<hbm>>) target(%arg12 : memref<16x128xf32, #tpu.memory_space<vmem>>) offsets(%arg11 : memref<16xi32, #tpu.memory_space<vmem>>) semaphore(%arg14 : memref<!tpu.dma_semaphore, #tpu.memory_space<semaphore_mem>>)
    %dma_wait3A_202 = arith.constant 0 : i32
    %dma_wait3A_203 = arith.constant 0 : i32
    %dma_wait3A_204 = tpu.memref_slice %arg2[%dma_wait3A_202, %dma_wait3A_203] : memref<10000x128xf32, #tpu.memory_space<hbm>> -> memref<10000x128xf32, #tpu.memory_space<hbm>>
    tpu.wait_indirect_dma semaphore(%arg14 : memref<!tpu.dma_semaphore, #tpu.memory_space<semaphore_mem>>) src(%dma_wait3A_204 : memref<10000x128xf32, #tpu.memory_space<hbm>>) dst(%arg12 : memref<16x128xf32, #tpu.memory_space<vmem>>)
    "tpu.region"() ({
      %run_scoped3A_377 = tpu.sem_alloc : memref<!tpu.dma_semaphore, #tpu.memory_space<semaphore_mem>>
      %dma_start3A_378 = arith.constant 0 : i32
      %dma_start3A_379 = arith.constant 0 : i32
      %dma_start3A_380 = tpu.memref_slice %arg13[%dma_start3A_378, %dma_start3A_379] : memref<10240x128xf32, #tpu.memory_space<vmem_shared>> -> memref<10240x128xf32, #tpu.memory_space<vmem_shared>>
      tpu.enqueue_indirect_dma source(%arg12 : memref<16x128xf32, #tpu.memory_space<vmem>>) target(%dma_start3A_380 : memref<10240x128xf32, #tpu.memory_space<vmem_shared>>) offsets(%arg10 : memref<16xi32, #tpu.memory_space<vmem>>) semaphore(%run_scoped3A_377 : memref<!tpu.dma_semaphore, #tpu.memory_space<semaphore_mem>>) {add = true}
      %dma_wait3A_381 = arith.constant 0 : i32
      %dma_wait3A_382 = arith.constant 0 : i32
      %dma_wait3A_383 = tpu.memref_slice %arg13[%dma_wait3A_381, %dma_wait3A_382] : memref<10240x128xf32, #tpu.memory_space<vmem_shared>> -> memref<10240x128xf32, #tpu.memory_space<vmem_shared>>
      tpu.wait_indirect_dma semaphore(%run_scoped3A_377 : memref<!tpu.dma_semaphore, #tpu.memory_space<semaphore_mem>>) src(%arg12 : memref<16x128xf32, #tpu.memory_space<vmem>>) dst(%dma_wait3A_383 : memref<10240x128xf32, #tpu.memory_space<vmem_shared>>)
      tpu.yield
    }) : () -> ()
    %barrier3A_205 = arith.constant 0 : index
    tpu.barrier barrier_id(%barrier3A_205)
    %run_scoped3A_206 = arith.constant 0 : i32
    "tpu.region"() ({
      %run_scoped3A_377 = tpu.sem_alloc : memref<!tpu.dma_semaphore, #tpu.memory_space<semaphore_mem>>
      %dma_start3A_378 = arith.constant 0 : i32
      %dma_start3A_379 = arith.constant 0 : i32
      %dma_start3A_380 = tpu.memref_slice %arg9[%run_scoped3A_206, %dma_start3A_378, %dma_start3A_379] : memref<2x128x128xf32, #tpu.memory_space<vmem>> -> memref<1x128x128xf32, #tpu.memory_space<vmem>>
      %dma_start3A_381 = tpu.memref_squeeze %dma_start3A_380 : memref<1x128x128xf32, #tpu.memory_space<vmem>> -> memref<128x128xf32, #tpu.memory_space<vmem>>
      %dma_start3A_382 = arith.constant 0 : i32
      %dma_start3A_383 = tpu.memref_slice %arg13[%mul3A_2, %dma_start3A_382] : memref<10240x128xf32, #tpu.memory_space<vmem_shared>> -> memref<128x128xf32, #tpu.memory_space<vmem_shared>>
      %dma_start3A_384 = arith.constant 0 : i32
      %dma_start3A_385 = arith.constant 0 : i32
      %dma_start3A_386 = tpu.memref_slice %arg9[%run_scoped3A_206, %dma_start3A_384, %dma_start3A_385] : memref<2x128x128xf32, #tpu.memory_space<vmem>> -> memref<1x128x128xf32, #tpu.memory_space<vmem>>
      %dma_start3A_387 = tpu.memref_squeeze %dma_start3A_386 : memref<1x128x128xf32, #tpu.memory_space<vmem>> -> memref<128x128xf32, #tpu.memory_space<vmem>>
      %dma_start3A_388 = arith.constant 0 : i32
      %dma_start3A_389 = tpu.memref_slice %arg13[%mul3A_2, %dma_start3A_388] : memref<10240x128xf32, #tpu.memory_space<vmem_shared>> -> memref<128x128xf32, #tpu.memory_space<vmem_shared>>
      tpu.enqueue_dma source(%dma_start3A_389 : memref<128x128xf32, #tpu.memory_space<vmem_shared>>) target(%dma_start3A_387 : memref<128x128xf32, #tpu.memory_space<vmem>>) target_semaphore(%run_scoped3A_377 : memref<!tpu.dma_semaphore, #tpu.memory_space<semaphore_mem>>)
      %dma_wait3A_390 = arith.constant 0 : i32
      %dma_wait3A_391 = arith.constant 0 : i32
      %dma_wait3A_392 = tpu.memref_slice %arg9[%run_scoped3A_206, %dma_wait3A_390, %dma_wait3A_391] : memref<2x128x128xf32, #tpu.memory_space<vmem>> -> memref<1x128x128xf32, #tpu.memory_space<vmem>>
      %dma_wait3A_393 = tpu.memref_squeeze %dma_wait3A_392 : memref<1x128x128xf32, #tpu.memory_space<vmem>> -> memref<128x128xf32, #tpu.memory_space<vmem>>
      %dma_wait3A_394 = arith.constant 0 : i32
      %dma_wait3A_395 = tpu.memref_slice %arg13[%mul3A_2, %dma_wait3A_394] : memref<10240x128xf32, #tpu.memory_space<vmem_shared>> -> memref<128x128xf32, #tpu.memory_space<vmem_shared>>
      %dma_wait3A_396 = arith.constant 0 : i32
      %dma_wait3A_397 = arith.constant 0 : i32
      %dma_wait3A_398 = tpu.memref_slice %arg9[%run_scoped3A_206, %dma_wait3A_396, %dma_wait3A_397] : memref<2x128x128xf32, #tpu.memory_space<vmem>> -> memref<1x128x128xf32, #tpu.memory_space<vmem>>
      %dma_wait3A_399 = tpu.memref_squeeze %dma_wait3A_398 : memref<1x128x128xf32, #tpu.memory_space<vmem>> -> memref<128x128xf32, #tpu.memory_space<vmem>>
      %dma_wait3A_400 = arith.constant 0 : i32
      %dma_wait3A_401 = tpu.memref_slice %arg13[%mul3A_2, %dma_wait3A_400] : memref<10240x128xf32, #tpu.memory_space<vmem_shared>> -> memref<128x128xf32, #tpu.memory_space<vmem_shared>>
      tpu.wait_dma2 semaphore(%run_scoped3A_377 : memref<!tpu.dma_semaphore, #tpu.memory_space<semaphore_mem>>) src(%dma_wait3A_401 : memref<128x128xf32, #tpu.memory_space<vmem_shared>>) dst(%dma_wait3A_399 : memref<128x128xf32, #tpu.memory_space<vmem>>)
      tpu.yield
    }) : () -> ()
    %dma_start3A_207 = arith.constant 0 : i32
    %dma_start3A_208 = arith.constant 0 : i32
    %dma_start3A_209 = arith.constant 0 : i32
    %dma_start3A_210 = tpu.memref_slice %arg9[%dma_start3A_207, %dma_start3A_208, %dma_start3A_209] : memref<2x128x128xf32, #tpu.memory_space<vmem>> -> memref<1x128x128xf32, #tpu.memory_space<vmem>>
    %dma_start3A_211 = tpu.memref_squeeze %dma_start3A_210 : memref<1x128x128xf32, #tpu.memory_space<vmem>> -> memref<128x128xf32, #tpu.memory_space<vmem>>
    %dma_start3A_212 = arith.constant 0 : i32
    %dma_start3A_213 = tpu.memref_slice %arg6[%arg0, %mul3A_2, %dma_start3A_212] : memref<2x10240x128xf32, #tpu.memory_space<hbm>> -> memref<1x128x128xf32, #tpu.memory_space<hbm>>
    %dma_start3A_214 = tpu.memref_squeeze %dma_start3A_213 : memref<1x128x128xf32, #tpu.memory_space<hbm>> -> memref<128x128xf32, #tpu.memory_space<hbm>>
    %dma_start3A_215 = arith.constant 0 : i32
    %dma_start3A_216 = tpu.memref_slice %arg6[%arg0, %mul3A_2, %dma_start3A_215] : memref<2x10240x128xf32, #tpu.memory_space<hbm>> -> memref<1x128x128xf32, #tpu.memory_space<hbm>>
    %dma_start3A_217 = tpu.memref_squeeze %dma_start3A_216 : memref<1x128x128xf32, #tpu.memory_space<hbm>> -> memref<128x128xf32, #tpu.memory_space<hbm>>
    %dma_start3A_218 = arith.constant 0 : i32
    %dma_start3A_219 = arith.constant 0 : i32
    %dma_start3A_220 = tpu.memref_slice %arg9[%dma_start3A_207, %dma_start3A_218, %dma_start3A_219] : memref<2x128x128xf32, #tpu.memory_space<vmem>> -> memref<1x128x128xf32, #tpu.memory_space<vmem>>
    %dma_start3A_221 = tpu.memref_squeeze %dma_start3A_220 : memref<1x128x128xf32, #tpu.memory_space<vmem>> -> memref<128x128xf32, #tpu.memory_space<vmem>>
    tpu.enqueue_dma source(%dma_start3A_221 : memref<128x128xf32, #tpu.memory_space<vmem>>) target(%dma_start3A_217 : memref<128x128xf32, #tpu.memory_space<hbm>>) target_semaphore(%arg14 : memref<!tpu.dma_semaphore, #tpu.memory_space<semaphore_mem>>)
    %add3A_222 = arith.constant 128 : i32
    %add3A_223 = arith.addi %mul3A_2, %add3A_222 : i32
    %run_scoped3A_224 = arith.constant 1 : i32
    "tpu.region"() ({
      %run_scoped3A_377 = tpu.sem_alloc : memref<!tpu.dma_semaphore, #tpu.memory_space<semaphore_mem>>
      %dma_start3A_378 = arith.constant 0 : i32
      %dma_start3A_379 = arith.constant 0 : i32
      %dma_start3A_380 = tpu.memref_slice %arg9[%run_scoped3A_224, %dma_start3A_378, %dma_start3A_379] : memref<2x128x128xf32, #tpu.memory_space<vmem>> -> memref<1x128x128xf32, #tpu.memory_space<vmem>>
      %dma_start3A_381 = tpu.memref_squeeze %dma_start3A_380 : memref<1x128x128xf32, #tpu.memory_space<vmem>> -> memref<128x128xf32, #tpu.memory_space<vmem>>
      %dma_start3A_382 = arith.constant 0 : i32
      %dma_start3A_383 = tpu.memref_slice %arg13[%add3A_223, %dma_start3A_382] : memref<10240x128xf32, #tpu.memory_space<vmem_shared>> -> memref<128x128xf32, #tpu.memory_space<vmem_shared>>
      %dma_start3A_384 = arith.constant 0 : i32
      %dma_start3A_385 = arith.constant 0 : i32
      %dma_start3A_386 = tpu.memref_slice %arg9[%run_scoped3A_224, %dma_start3A_384, %dma_start3A_385] : memref<2x128x128xf32, #tpu.memory_space<vmem>> -> memref<1x128x128xf32, #tpu.memory_space<vmem>>
      %dma_start3A_387 = tpu.memref_squeeze %dma_start3A_386 : memref<1x128x128xf32, #tpu.memory_space<vmem>> -> memref<128x128xf32, #tpu.memory_space<vmem>>
      %dma_start3A_388 = arith.constant 0 : i32
      %dma_start3A_389 = tpu.memref_slice %arg13[%add3A_223, %dma_start3A_388] : memref<10240x128xf32, #tpu.memory_space<vmem_shared>> -> memref<128x128xf32, #tpu.memory_space<vmem_shared>>
      tpu.enqueue_dma source(%dma_start3A_389 : memref<128x128xf32, #tpu.memory_space<vmem_shared>>) target(%dma_start3A_387 : memref<128x128xf32, #tpu.memory_space<vmem>>) target_semaphore(%run_scoped3A_377 : memref<!tpu.dma_semaphore, #tpu.memory_space<semaphore_mem>>)
      %dma_wait3A_390 = arith.constant 0 : i32
      %dma_wait3A_391 = arith.constant 0 : i32
      %dma_wait3A_392 = tpu.memref_slice %arg9[%run_scoped3A_224, %dma_wait3A_390, %dma_wait3A_391] : memref<2x128x128xf32, #tpu.memory_space<vmem>> -> memref<1x128x128xf32, #tpu.memory_space<vmem>>
      %dma_wait3A_393 = tpu.memref_squeeze %dma_wait3A_392 : memref<1x128x128xf32, #tpu.memory_space<vmem>> -> memref<128x128xf32, #tpu.memory_space<vmem>>
      %dma_wait3A_394 = arith.constant 0 : i32
      %dma_wait3A_395 = tpu.memref_slice %arg13[%add3A_223, %dma_wait3A_394] : memref<10240x128xf32, #tpu.memory_space<vmem_shared>> -> memref<128x128xf32, #tpu.memory_space<vmem_shared>>
      %dma_wait3A_396 = arith.constant 0 : i32
      %dma_wait3A_397 = arith.constant 0 : i32
      %dma_wait3A_398 = tpu.memref_slice %arg9[%run_scoped3A_224, %dma_wait3A_396, %dma_wait3A_397] : memref<2x128x128xf32, #tpu.memory_space<vmem>> -> memref<1x128x128xf32, #tpu.memory_space<vmem>>
      %dma_wait3A_399 = tpu.memref_squeeze %dma_wait3A_398 : memref<1x128x128xf32, #tpu.memory_space<vmem>> -> memref<128x128xf32, #tpu.memory_space<vmem>>
      %dma_wait3A_400 = arith.constant 0 : i32
      %dma_wait3A_401 = tpu.memref_slice %arg13[%add3A_223, %dma_wait3A_400] : memref<10240x128xf32, #tpu.memory_space<vmem_shared>> -> memref<128x128xf32, #tpu.memory_space<vmem_shared>>
      tpu.wait_dma2 semaphore(%run_scoped3A_377 : memref<!tpu.dma_semaphore, #tpu.memory_space<semaphore_mem>>) src(%dma_wait3A_401 : memref<128x128xf32, #tpu.memory_space<vmem_shared>>) dst(%dma_wait3A_399 : memref<128x128xf32, #tpu.memory_space<vmem>>)
      tpu.yield
    }) : () -> ()
    %dma_wait3A_225 = arith.constant 0 : i32
    %dma_wait3A_226 = arith.constant 0 : i32
    %dma_wait3A_227 = arith.constant 0 : i32
    %dma_wait3A_228 = tpu.memref_slice %arg9[%dma_wait3A_225, %dma_wait3A_226, %dma_wait3A_227] : memref<2x128x128xf32, #tpu.memory_space<vmem>> -> memref<1x128x128xf32, #tpu.memory_space<vmem>>
    %dma_wait3A_229 = tpu.memref_squeeze %dma_wait3A_228 : memref<1x128x128xf32, #tpu.memory_space<vmem>> -> memref<128x128xf32, #tpu.memory_space<vmem>>
    %dma_wait3A_230 = arith.constant 0 : i32
    %dma_wait3A_231 = arith.constant 0 : i32
    %dma_wait3A_232 = tpu.memref_slice %arg2[%dma_wait3A_230, %dma_wait3A_231] : memref<10000x128xf32, #tpu.memory_space<hbm>> -> memref<128x128xf32, #tpu.memory_space<hbm>>
    %dma_wait3A_233 = arith.constant 0 : i32
    %dma_wait3A_234 = arith.constant 0 : i32
    %dma_wait3A_235 = tpu.memref_slice %arg9[%dma_wait3A_225, %dma_wait3A_233, %dma_wait3A_234] : memref<2x128x128xf32, #tpu.memory_space<vmem>> -> memref<1x128x128xf32, #tpu.memory_space<vmem>>
    %dma_wait3A_236 = tpu.memref_squeeze %dma_wait3A_235 : memref<1x128x128xf32, #tpu.memory_space<vmem>> -> memref<128x128xf32, #tpu.memory_space<vmem>>
    %dma_wait3A_237 = arith.constant 0 : i32
    %dma_wait3A_238 = arith.constant 0 : i32
    %dma_wait3A_239 = tpu.memref_slice %arg2[%dma_wait3A_237, %dma_wait3A_238] : memref<10000x128xf32, #tpu.memory_space<hbm>> -> memref<128x128xf32, #tpu.memory_space<hbm>>
    tpu.wait_dma2 semaphore(%arg14 : memref<!tpu.dma_semaphore, #tpu.memory_space<semaphore_mem>>) src(%dma_wait3A_239 : memref<128x128xf32, #tpu.memory_space<hbm>>) dst(%dma_wait3A_236 : memref<128x128xf32, #tpu.memory_space<vmem>>)
    %add3A_240 = arith.constant 128 : i32
    %add3A_241 = arith.addi %mul3A_2, %add3A_240 : i32
    %dma_start3A_242 = arith.constant 1 : i32
    %dma_start3A_243 = arith.constant 0 : i32
    %dma_start3A_244 = arith.constant 0 : i32
    %dma_start3A_245 = tpu.memref_slice %arg9[%dma_start3A_242, %dma_start3A_243, %dma_start3A_244] : memref<2x128x128xf32, #tpu.memory_space<vmem>> -> memref<1x128x128xf32, #tpu.memory_space<vmem>>
    %dma_start3A_246 = tpu.memref_squeeze %dma_start3A_245 : memref<1x128x128xf32, #tpu.memory_space<vmem>> -> memref<128x128xf32, #tpu.memory_space<vmem>>
    %dma_start3A_247 = arith.constant 0 : i32
    %dma_start3A_248 = tpu.memref_slice %arg6[%arg0, %add3A_241, %dma_start3A_247] : memref<2x10240x128xf32, #tpu.memory_space<hbm>> -> memref<1x128x128xf32, #tpu.memory_space<hbm>>
    %dma_start3A_249 = tpu.memref_squeeze %dma_start3A_248 : memref<1x128x128xf32, #tpu.memory_space<hbm>> -> memref<128x128xf32, #tpu.memory_space<hbm>>
    %dma_start3A_250 = arith.constant 0 : i32
    %dma_start3A_251 = tpu.memref_slice %arg6[%arg0, %add3A_241, %dma_start3A_250] : memref<2x10240x128xf32, #tpu.memory_space<hbm>> -> memref<1x128x128xf32, #tpu.memory_space<hbm>>
    %dma_start3A_252 = tpu.memref_squeeze %dma_start3A_251 : memref<1x128x128xf32, #tpu.memory_space<hbm>> -> memref<128x128xf32, #tpu.memory_space<hbm>>
    %dma_start3A_253 = arith.constant 0 : i32
    %dma_start3A_254 = arith.constant 0 : i32
    %dma_start3A_255 = tpu.memref_slice %arg9[%dma_start3A_242, %dma_start3A_253, %dma_start3A_254] : memref<2x128x128xf32, #tpu.memory_space<vmem>> -> memref<1x128x128xf32, #tpu.memory_space<vmem>>
    %dma_start3A_256 = tpu.memref_squeeze %dma_start3A_255 : memref<1x128x128xf32, #tpu.memory_space<vmem>> -> memref<128x128xf32, #tpu.memory_space<vmem>>
    tpu.enqueue_dma source(%dma_start3A_256 : memref<128x128xf32, #tpu.memory_space<vmem>>) target(%dma_start3A_252 : memref<128x128xf32, #tpu.memory_space<hbm>>) target_semaphore(%arg14 : memref<!tpu.dma_semaphore, #tpu.memory_space<semaphore_mem>>)
    %add3A_257 = arith.constant 256 : i32
    %add3A_258 = arith.addi %mul3A_2, %add3A_257 : i32
    %run_scoped3A_259 = arith.constant 0 : i32
    "tpu.region"() ({
      %run_scoped3A_377 = tpu.sem_alloc : memref<!tpu.dma_semaphore, #tpu.memory_space<semaphore_mem>>
      %dma_start3A_378 = arith.constant 0 : i32
      %dma_start3A_379 = arith.constant 0 : i32
      %dma_start3A_380 = tpu.memref_slice %arg9[%run_scoped3A_259, %dma_start3A_378, %dma_start3A_379] : memref<2x128x128xf32, #tpu.memory_space<vmem>> -> memref<1x128x128xf32, #tpu.memory_space<vmem>>
      %dma_start3A_381 = tpu.memref_squeeze %dma_start3A_380 : memref<1x128x128xf32, #tpu.memory_space<vmem>> -> memref<128x128xf32, #tpu.memory_space<vmem>>
      %dma_start3A_382 = arith.constant 0 : i32
      %dma_start3A_383 = tpu.memref_slice %arg13[%add3A_258, %dma_start3A_382] : memref<10240x128xf32, #tpu.memory_space<vmem_shared>> -> memref<128x128xf32, #tpu.memory_space<vmem_shared>>
      %dma_start3A_384 = arith.constant 0 : i32
      %dma_start3A_385 = arith.constant 0 : i32
      %dma_start3A_386 = tpu.memref_slice %arg9[%run_scoped3A_259, %dma_start3A_384, %dma_start3A_385] : memref<2x128x128xf32, #tpu.memory_space<vmem>> -> memref<1x128x128xf32, #tpu.memory_space<vmem>>
      %dma_start3A_387 = tpu.memref_squeeze %dma_start3A_386 : memref<1x128x128xf32, #tpu.memory_space<vmem>> -> memref<128x128xf32, #tpu.memory_space<vmem>>
      %dma_start3A_388 = arith.constant 0 : i32
      %dma_start3A_389 = tpu.memref_slice %arg13[%add3A_258, %dma_start3A_388] : memref<10240x128xf32, #tpu.memory_space<vmem_shared>> -> memref<128x128xf32, #tpu.memory_space<vmem_shared>>
      tpu.enqueue_dma source(%dma_start3A_389 : memref<128x128xf32, #tpu.memory_space<vmem_shared>>) target(%dma_start3A_387 : memref<128x128xf32, #tpu.memory_space<vmem>>) target_semaphore(%run_scoped3A_377 : memref<!tpu.dma_semaphore, #tpu.memory_space<semaphore_mem>>)
      %dma_wait3A_390 = arith.constant 0 : i32
      %dma_wait3A_391 = arith.constant 0 : i32
      %dma_wait3A_392 = tpu.memref_slice %arg9[%run_scoped3A_259, %dma_wait3A_390, %dma_wait3A_391] : memref<2x128x128xf32, #tpu.memory_space<vmem>> -> memref<1x128x128xf32, #tpu.memory_space<vmem>>
      %dma_wait3A_393 = tpu.memref_squeeze %dma_wait3A_392 : memref<1x128x128xf32, #tpu.memory_space<vmem>> -> memref<128x128xf32, #tpu.memory_space<vmem>>
      %dma_wait3A_394 = arith.constant 0 : i32
      %dma_wait3A_395 = tpu.memref_slice %arg13[%add3A_258, %dma_wait3A_394] : memref<10240x128xf32, #tpu.memory_space<vmem_shared>> -> memref<128x128xf32, #tpu.memory_space<vmem_shared>>
      %dma_wait3A_396 = arith.constant 0 : i32
      %dma_wait3A_397 = arith.constant 0 : i32
      %dma_wait3A_398 = tpu.memref_slice %arg9[%run_scoped3A_259, %dma_wait3A_396, %dma_wait3A_397] : memref<2x128x128xf32, #tpu.memory_space<vmem>> -> memref<1x128x128xf32, #tpu.memory_space<vmem>>
      %dma_wait3A_399 = tpu.memref_squeeze %dma_wait3A_398 : memref<1x128x128xf32, #tpu.memory_space<vmem>> -> memref<128x128xf32, #tpu.memory_space<vmem>>
      %dma_wait3A_400 = arith.constant 0 : i32
      %dma_wait3A_401 = tpu.memref_slice %arg13[%add3A_258, %dma_wait3A_400] : memref<10240x128xf32, #tpu.memory_space<vmem_shared>> -> memref<128x128xf32, #tpu.memory_space<vmem_shared>>
      tpu.wait_dma2 semaphore(%run_scoped3A_377 : memref<!tpu.dma_semaphore, #tpu.memory_space<semaphore_mem>>) src(%dma_wait3A_401 : memref<128x128xf32, #tpu.memory_space<vmem_shared>>) dst(%dma_wait3A_399 : memref<128x128xf32, #tpu.memory_space<vmem>>)
      tpu.yield
    }) : () -> ()
    %dma_wait3A_260 = arith.constant 1 : i32
    %dma_wait3A_261 = arith.constant 0 : i32
    %dma_wait3A_262 = arith.constant 0 : i32
    %dma_wait3A_263 = tpu.memref_slice %arg9[%dma_wait3A_260, %dma_wait3A_261, %dma_wait3A_262] : memref<2x128x128xf32, #tpu.memory_space<vmem>> -> memref<1x128x128xf32, #tpu.memory_space<vmem>>
    %dma_wait3A_264 = tpu.memref_squeeze %dma_wait3A_263 : memref<1x128x128xf32, #tpu.memory_space<vmem>> -> memref<128x128xf32, #tpu.memory_space<vmem>>
    %dma_wait3A_265 = arith.constant 0 : i32
    %dma_wait3A_266 = arith.constant 0 : i32
    %dma_wait3A_267 = tpu.memref_slice %arg2[%dma_wait3A_265, %dma_wait3A_266] : memref<10000x128xf32, #tpu.memory_space<hbm>> -> memref<128x128xf32, #tpu.memory_space<hbm>>
    %dma_wait3A_268 = arith.constant 0 : i32
    %dma_wait3A_269 = arith.constant 0 : i32
    %dma_wait3A_270 = tpu.memref_slice %arg9[%dma_wait3A_260, %dma_wait3A_268, %dma_wait3A_269] : memref<2x128x128xf32, #tpu.memory_space<vmem>> -> memref<1x128x128xf32, #tpu.memory_space<vmem>>
    %dma_wait3A_271 = tpu.memref_squeeze %dma_wait3A_270 : memref<1x128x128xf32, #tpu.memory_space<vmem>> -> memref<128x128xf32, #tpu.memory_space<vmem>>
    %dma_wait3A_272 = arith.constant 0 : i32
    %dma_wait3A_273 = arith.constant 0 : i32
    %dma_wait3A_274 = tpu.memref_slice %arg2[%dma_wait3A_272, %dma_wait3A_273] : memref<10000x128xf32, #tpu.memory_space<hbm>> -> memref<128x128xf32, #tpu.memory_space<hbm>>
    tpu.wait_dma2 semaphore(%arg14 : memref<!tpu.dma_semaphore, #tpu.memory_space<semaphore_mem>>) src(%dma_wait3A_274 : memref<128x128xf32, #tpu.memory_space<hbm>>) dst(%dma_wait3A_271 : memref<128x128xf32, #tpu.memory_space<vmem>>)
    %add3A_275 = arith.constant 256 : i32
    %add3A_276 = arith.addi %mul3A_2, %add3A_275 : i32
    %dma_start3A_277 = arith.constant 0 : i32
    %dma_start3A_278 = arith.constant 0 : i32
    %dma_start3A_279 = arith.constant 0 : i32
    %dma_start3A_280 = tpu.memref_slice %arg9[%dma_start3A_277, %dma_start3A_278, %dma_start3A_279] : memref<2x128x128xf32, #tpu.memory_space<vmem>> -> memref<1x128x128xf32, #tpu.memory_space<vmem>>
    %dma_start3A_281 = tpu.memref_squeeze %dma_start3A_280 : memref<1x128x128xf32, #tpu.memory_space<vmem>> -> memref<128x128xf32, #tpu.memory_space<vmem>>
    %dma_start3A_282 = arith.constant 0 : i32
    %dma_start3A_283 = tpu.memref_slice %arg6[%arg0, %add3A_276, %dma_start3A_282] : memref<2x10240x128xf32, #tpu.memory_space<hbm>> -> memref<1x128x128xf32, #tpu.memory_space<hbm>>
    %dma_start3A_284 = tpu.memref_squeeze %dma_start3A_283 : memref<1x128x128xf32, #tpu.memory_space<hbm>> -> memref<128x128xf32, #tpu.memory_space<hbm>>
    %dma_start3A_285 = arith.constant 0 : i32
    %dma_start3A_286 = tpu.memref_slice %arg6[%arg0, %add3A_276, %dma_start3A_285] : memref<2x10240x128xf32, #tpu.memory_space<hbm>> -> memref<1x128x128xf32, #tpu.memory_space<hbm>>
    %dma_start3A_287 = tpu.memref_squeeze %dma_start3A_286 : memref<1x128x128xf32, #tpu.memory_space<hbm>> -> memref<128x128xf32, #tpu.memory_space<hbm>>
    %dma_start3A_288 = arith.constant 0 : i32
    %dma_start3A_289 = arith.constant 0 : i32
    %dma_start3A_290 = tpu.memref_slice %arg9[%dma_start3A_277, %dma_start3A_288, %dma_start3A_289] : memref<2x128x128xf32, #tpu.memory_space<vmem>> -> memref<1x128x128xf32, #tpu.memory_space<vmem>>
    %dma_start3A_291 = tpu.memref_squeeze %dma_start3A_290 : memref<1x128x128xf32, #tpu.memory_space<vmem>> -> memref<128x128xf32, #tpu.memory_space<vmem>>
    tpu.enqueue_dma source(%dma_start3A_291 : memref<128x128xf32, #tpu.memory_space<vmem>>) target(%dma_start3A_287 : memref<128x128xf32, #tpu.memory_space<hbm>>) target_semaphore(%arg14 : memref<!tpu.dma_semaphore, #tpu.memory_space<semaphore_mem>>)
    %add3A_292 = arith.constant 384 : i32
    %add3A_293 = arith.addi %mul3A_2, %add3A_292 : i32
    %run_scoped3A_294 = arith.constant 1 : i32
    "tpu.region"() ({
      %run_scoped3A_377 = tpu.sem_alloc : memref<!tpu.dma_semaphore, #tpu.memory_space<semaphore_mem>>
      %dma_start3A_378 = arith.constant 0 : i32
      %dma_start3A_379 = arith.constant 0 : i32
      %dma_start3A_380 = tpu.memref_slice %arg9[%run_scoped3A_294, %dma_start3A_378, %dma_start3A_379] : memref<2x128x128xf32, #tpu.memory_space<vmem>> -> memref<1x128x128xf32, #tpu.memory_space<vmem>>
      %dma_start3A_381 = tpu.memref_squeeze %dma_start3A_380 : memref<1x128x128xf32, #tpu.memory_space<vmem>> -> memref<128x128xf32, #tpu.memory_space<vmem>>
      %dma_start3A_382 = arith.constant 0 : i32
      %dma_start3A_383 = tpu.memref_slice %arg13[%add3A_293, %dma_start3A_382] : memref<10240x128xf32, #tpu.memory_space<vmem_shared>> -> memref<128x128xf32, #tpu.memory_space<vmem_shared>>
      %dma_start3A_384 = arith.constant 0 : i32
      %dma_start3A_385 = arith.constant 0 : i32
      %dma_start3A_386 = tpu.memref_slice %arg9[%run_scoped3A_294, %dma_start3A_384, %dma_start3A_385] : memref<2x128x128xf32, #tpu.memory_space<vmem>> -> memref<1x128x128xf32, #tpu.memory_space<vmem>>
      %dma_start3A_387 = tpu.memref_squeeze %dma_start3A_386 : memref<1x128x128xf32, #tpu.memory_space<vmem>> -> memref<128x128xf32, #tpu.memory_space<vmem>>
      %dma_start3A_388 = arith.constant 0 : i32
      %dma_start3A_389 = tpu.memref_slice %arg13[%add3A_293, %dma_start3A_388] : memref<10240x128xf32, #tpu.memory_space<vmem_shared>> -> memref<128x128xf32, #tpu.memory_space<vmem_shared>>
      tpu.enqueue_dma source(%dma_start3A_389 : memref<128x128xf32, #tpu.memory_space<vmem_shared>>) target(%dma_start3A_387 : memref<128x128xf32, #tpu.memory_space<vmem>>) target_semaphore(%run_scoped3A_377 : memref<!tpu.dma_semaphore, #tpu.memory_space<semaphore_mem>>)
      %dma_wait3A_390 = arith.constant 0 : i32
      %dma_wait3A_391 = arith.constant 0 : i32
      %dma_wait3A_392 = tpu.memref_slice %arg9[%run_scoped3A_294, %dma_wait3A_390, %dma_wait3A_391] : memref<2x128x128xf32, #tpu.memory_space<vmem>> -> memref<1x128x128xf32, #tpu.memory_space<vmem>>
      %dma_wait3A_393 = tpu.memref_squeeze %dma_wait3A_392 : memref<1x128x128xf32, #tpu.memory_space<vmem>> -> memref<128x128xf32, #tpu.memory_space<vmem>>
      %dma_wait3A_394 = arith.constant 0 : i32
      %dma_wait3A_395 = tpu.memref_slice %arg13[%add3A_293, %dma_wait3A_394] : memref<10240x128xf32, #tpu.memory_space<vmem_shared>> -> memref<128x128xf32, #tpu.memory_space<vmem_shared>>
      %dma_wait3A_396 = arith.constant 0 : i32
      %dma_wait3A_397 = arith.constant 0 : i32
      %dma_wait3A_398 = tpu.memref_slice %arg9[%run_scoped3A_294, %dma_wait3A_396, %dma_wait3A_397] : memref<2x128x128xf32, #tpu.memory_space<vmem>> -> memref<1x128x128xf32, #tpu.memory_space<vmem>>
      %dma_wait3A_399 = tpu.memref_squeeze %dma_wait3A_398 : memref<1x128x128xf32, #tpu.memory_space<vmem>> -> memref<128x128xf32, #tpu.memory_space<vmem>>
      %dma_wait3A_400 = arith.constant 0 : i32
      %dma_wait3A_401 = tpu.memref_slice %arg13[%add3A_293, %dma_wait3A_400] : memref<10240x128xf32, #tpu.memory_space<vmem_shared>> -> memref<128x128xf32, #tpu.memory_space<vmem_shared>>
      tpu.wait_dma2 semaphore(%run_scoped3A_377 : memref<!tpu.dma_semaphore, #tpu.memory_space<semaphore_mem>>) src(%dma_wait3A_401 : memref<128x128xf32, #tpu.memory_space<vmem_shared>>) dst(%dma_wait3A_399 : memref<128x128xf32, #tpu.memory_space<vmem>>)
      tpu.yield
    }) : () -> ()
    %dma_wait3A_295 = arith.constant 0 : i32
    %dma_wait3A_296 = arith.constant 0 : i32
    %dma_wait3A_297 = arith.constant 0 : i32
    %dma_wait3A_298 = tpu.memref_slice %arg9[%dma_wait3A_295, %dma_wait3A_296, %dma_wait3A_297] : memref<2x128x128xf32, #tpu.memory_space<vmem>> -> memref<1x128x128xf32, #tpu.memory_space<vmem>>
    %dma_wait3A_299 = tpu.memref_squeeze %dma_wait3A_298 : memref<1x128x128xf32, #tpu.memory_space<vmem>> -> memref<128x128xf32, #tpu.memory_space<vmem>>
    %dma_wait3A_300 = arith.constant 0 : i32
    %dma_wait3A_301 = arith.constant 0 : i32
    %dma_wait3A_302 = tpu.memref_slice %arg2[%dma_wait3A_300, %dma_wait3A_301] : memref<10000x128xf32, #tpu.memory_space<hbm>> -> memref<128x128xf32, #tpu.memory_space<hbm>>
    %dma_wait3A_303 = arith.constant 0 : i32
    %dma_wait3A_304 = arith.constant 0 : i32
    %dma_wait3A_305 = tpu.memref_slice %arg9[%dma_wait3A_295, %dma_wait3A_303, %dma_wait3A_304] : memref<2x128x128xf32, #tpu.memory_space<vmem>> -> memref<1x128x128xf32, #tpu.memory_space<vmem>>
    %dma_wait3A_306 = tpu.memref_squeeze %dma_wait3A_305 : memref<1x128x128xf32, #tpu.memory_space<vmem>> -> memref<128x128xf32, #tpu.memory_space<vmem>>
    %dma_wait3A_307 = arith.constant 0 : i32
    %dma_wait3A_308 = arith.constant 0 : i32
    %dma_wait3A_309 = tpu.memref_slice %arg2[%dma_wait3A_307, %dma_wait3A_308] : memref<10000x128xf32, #tpu.memory_space<hbm>> -> memref<128x128xf32, #tpu.memory_space<hbm>>
    tpu.wait_dma2 semaphore(%arg14 : memref<!tpu.dma_semaphore, #tpu.memory_space<semaphore_mem>>) src(%dma_wait3A_309 : memref<128x128xf32, #tpu.memory_space<hbm>>) dst(%dma_wait3A_306 : memref<128x128xf32, #tpu.memory_space<vmem>>)
    %add3A_310 = arith.constant 384 : i32
    %add3A_311 = arith.addi %mul3A_2, %add3A_310 : i32
    %dma_start3A_312 = arith.constant 1 : i32
    %dma_start3A_313 = arith.constant 0 : i32
    %dma_start3A_314 = arith.constant 0 : i32
    %dma_start3A_315 = tpu.memref_slice %arg9[%dma_start3A_312, %dma_start3A_313, %dma_start3A_314] : memref<2x128x128xf32, #tpu.memory_space<vmem>> -> memref<1x128x128xf32, #tpu.memory_space<vmem>>
    %dma_start3A_316 = tpu.memref_squeeze %dma_start3A_315 : memref<1x128x128xf32, #tpu.memory_space<vmem>> -> memref<128x128xf32, #tpu.memory_space<vmem>>
    %dma_start3A_317 = arith.constant 0 : i32
    %dma_start3A_318 = tpu.memref_slice %arg6[%arg0, %add3A_311, %dma_start3A_317] : memref<2x10240x128xf32, #tpu.memory_space<hbm>> -> memref<1x128x128xf32, #tpu.memory_space<hbm>>
    %dma_start3A_319 = tpu.memref_squeeze %dma_start3A_318 : memref<1x128x128xf32, #tpu.memory_space<hbm>> -> memref<128x128xf32, #tpu.memory_space<hbm>>
    %dma_start3A_320 = arith.constant 0 : i32
    %dma_start3A_321 = tpu.memref_slice %arg6[%arg0, %add3A_311, %dma_start3A_320] : memref<2x10240x128xf32, #tpu.memory_space<hbm>> -> memref<1x128x128xf32, #tpu.memory_space<hbm>>
    %dma_start3A_322 = tpu.memref_squeeze %dma_start3A_321 : memref<1x128x128xf32, #tpu.memory_space<hbm>> -> memref<128x128xf32, #tpu.memory_space<hbm>>
    %dma_start3A_323 = arith.constant 0 : i32
    %dma_start3A_324 = arith.constant 0 : i32
    %dma_start3A_325 = tpu.memref_slice %arg9[%dma_start3A_312, %dma_start3A_323, %dma_start3A_324] : memref<2x128x128xf32, #tpu.memory_space<vmem>> -> memref<1x128x128xf32, #tpu.memory_space<vmem>>
    %dma_start3A_326 = tpu.memref_squeeze %dma_start3A_325 : memref<1x128x128xf32, #tpu.memory_space<vmem>> -> memref<128x128xf32, #tpu.memory_space<vmem>>
    tpu.enqueue_dma source(%dma_start3A_326 : memref<128x128xf32, #tpu.memory_space<vmem>>) target(%dma_start3A_322 : memref<128x128xf32, #tpu.memory_space<hbm>>) target_semaphore(%arg14 : memref<!tpu.dma_semaphore, #tpu.memory_space<semaphore_mem>>)
    %add3A_327 = arith.constant 512 : i32
    %add3A_328 = arith.addi %mul3A_2, %add3A_327 : i32
    %run_scoped3A_329 = arith.constant 0 : i32
    "tpu.region"() ({
      %run_scoped3A_377 = tpu.sem_alloc : memref<!tpu.dma_semaphore, #tpu.memory_space<semaphore_mem>>
      %dma_start3A_378 = arith.constant 0 : i32
      %dma_start3A_379 = arith.constant 0 : i32
      %dma_start3A_380 = tpu.memref_slice %arg9[%run_scoped3A_329, %dma_start3A_378, %dma_start3A_379] : memref<2x128x128xf32, #tpu.memory_space<vmem>> -> memref<1x128x128xf32, #tpu.memory_space<vmem>>
      %dma_start3A_381 = tpu.memref_squeeze %dma_start3A_380 : memref<1x128x128xf32, #tpu.memory_space<vmem>> -> memref<128x128xf32, #tpu.memory_space<vmem>>
      %dma_start3A_382 = arith.constant 0 : i32
      %dma_start3A_383 = tpu.memref_slice %arg13[%add3A_328, %dma_start3A_382] : memref<10240x128xf32, #tpu.memory_space<vmem_shared>> -> memref<128x128xf32, #tpu.memory_space<vmem_shared>>
      %dma_start3A_384 = arith.constant 0 : i32
      %dma_start3A_385 = arith.constant 0 : i32
      %dma_start3A_386 = tpu.memref_slice %arg9[%run_scoped3A_329, %dma_start3A_384, %dma_start3A_385] : memref<2x128x128xf32, #tpu.memory_space<vmem>> -> memref<1x128x128xf32, #tpu.memory_space<vmem>>
      %dma_start3A_387 = tpu.memref_squeeze %dma_start3A_386 : memref<1x128x128xf32, #tpu.memory_space<vmem>> -> memref<128x128xf32, #tpu.memory_space<vmem>>
      %dma_start3A_388 = arith.constant 0 : i32
      %dma_start3A_389 = tpu.memref_slice %arg13[%add3A_328, %dma_start3A_388] : memref<10240x128xf32, #tpu.memory_space<vmem_shared>> -> memref<128x128xf32, #tpu.memory_space<vmem_shared>>
      tpu.enqueue_dma source(%dma_start3A_389 : memref<128x128xf32, #tpu.memory_space<vmem_shared>>) target(%dma_start3A_387 : memref<128x128xf32, #tpu.memory_space<vmem>>) target_semaphore(%run_scoped3A_377 : memref<!tpu.dma_semaphore, #tpu.memory_space<semaphore_mem>>)
      %dma_wait3A_390 = arith.constant 0 : i32
      %dma_wait3A_391 = arith.constant 0 : i32
      %dma_wait3A_392 = tpu.memref_slice %arg9[%run_scoped3A_329, %dma_wait3A_390, %dma_wait3A_391] : memref<2x128x128xf32, #tpu.memory_space<vmem>> -> memref<1x128x128xf32, #tpu.memory_space<vmem>>
      %dma_wait3A_393 = tpu.memref_squeeze %dma_wait3A_392 : memref<1x128x128xf32, #tpu.memory_space<vmem>> -> memref<128x128xf32, #tpu.memory_space<vmem>>
      %dma_wait3A_394 = arith.constant 0 : i32
      %dma_wait3A_395 = tpu.memref_slice %arg13[%add3A_328, %dma_wait3A_394] : memref<10240x128xf32, #tpu.memory_space<vmem_shared>> -> memref<128x128xf32, #tpu.memory_space<vmem_shared>>
      %dma_wait3A_396 = arith.constant 0 : i32
      %dma_wait3A_397 = arith.constant 0 : i32
      %dma_wait3A_398 = tpu.memref_slice %arg9[%run_scoped3A_329, %dma_wait3A_396, %dma_wait3A_397] : memref<2x128x128xf32, #tpu.memory_space<vmem>> -> memref<1x128x128xf32, #tpu.memory_space<vmem>>
      %dma_wait3A_399 = tpu.memref_squeeze %dma_wait3A_398 : memref<1x128x128xf32, #tpu.memory_space<vmem>> -> memref<128x128xf32, #tpu.memory_space<vmem>>
      %dma_wait3A_400 = arith.constant 0 : i32
      %dma_wait3A_401 = tpu.memref_slice %arg13[%add3A_328, %dma_wait3A_400] : memref<10240x128xf32, #tpu.memory_space<vmem_shared>> -> memref<128x128xf32, #tpu.memory_space<vmem_shared>>
      tpu.wait_dma2 semaphore(%run_scoped3A_377 : memref<!tpu.dma_semaphore, #tpu.memory_space<semaphore_mem>>) src(%dma_wait3A_401 : memref<128x128xf32, #tpu.memory_space<vmem_shared>>) dst(%dma_wait3A_399 : memref<128x128xf32, #tpu.memory_space<vmem>>)
      tpu.yield
    }) : () -> ()
    %dma_wait3A_330 = arith.constant 1 : i32
    %dma_wait3A_331 = arith.constant 0 : i32
    %dma_wait3A_332 = arith.constant 0 : i32
    %dma_wait3A_333 = tpu.memref_slice %arg9[%dma_wait3A_330, %dma_wait3A_331, %dma_wait3A_332] : memref<2x128x128xf32, #tpu.memory_space<vmem>> -> memref<1x128x128xf32, #tpu.memory_space<vmem>>
    %dma_wait3A_334 = tpu.memref_squeeze %dma_wait3A_333 : memref<1x128x128xf32, #tpu.memory_space<vmem>> -> memref<128x128xf32, #tpu.memory_space<vmem>>
    %dma_wait3A_335 = arith.constant 0 : i32
    %dma_wait3A_336 = arith.constant 0 : i32
    %dma_wait3A_337 = tpu.memref_slice %arg2[%dma_wait3A_335, %dma_wait3A_336] : memref<10000x128xf32, #tpu.memory_space<hbm>> -> memref<128x128xf32, #tpu.memory_space<hbm>>
    %dma_wait3A_338 = arith.constant 0 : i32
    %dma_wait3A_339 = arith.constant 0 : i32
    %dma_wait3A_340 = tpu.memref_slice %arg9[%dma_wait3A_330, %dma_wait3A_338, %dma_wait3A_339] : memref<2x128x128xf32, #tpu.memory_space<vmem>> -> memref<1x128x128xf32, #tpu.memory_space<vmem>>
    %dma_wait3A_341 = tpu.memref_squeeze %dma_wait3A_340 : memref<1x128x128xf32, #tpu.memory_space<vmem>> -> memref<128x128xf32, #tpu.memory_space<vmem>>
    %dma_wait3A_342 = arith.constant 0 : i32
    %dma_wait3A_343 = arith.constant 0 : i32
    %dma_wait3A_344 = tpu.memref_slice %arg2[%dma_wait3A_342, %dma_wait3A_343] : memref<10000x128xf32, #tpu.memory_space<hbm>> -> memref<128x128xf32, #tpu.memory_space<hbm>>
    tpu.wait_dma2 semaphore(%arg14 : memref<!tpu.dma_semaphore, #tpu.memory_space<semaphore_mem>>) src(%dma_wait3A_344 : memref<128x128xf32, #tpu.memory_space<hbm>>) dst(%dma_wait3A_341 : memref<128x128xf32, #tpu.memory_space<vmem>>)
    %add3A_345 = arith.constant 512 : i32
    %add3A_346 = arith.addi %mul3A_2, %add3A_345 : i32
    %dma_start3A_347 = arith.constant 0 : i32
    %dma_start3A_348 = arith.constant 0 : i32
    %dma_start3A_349 = arith.constant 0 : i32
    %dma_start3A_350 = tpu.memref_slice %arg9[%dma_start3A_347, %dma_start3A_348, %dma_start3A_349] : memref<2x128x128xf32, #tpu.memory_space<vmem>> -> memref<1x128x128xf32, #tpu.memory_space<vmem>>
    %dma_start3A_351 = tpu.memref_squeeze %dma_start3A_350 : memref<1x128x128xf32, #tpu.memory_space<vmem>> -> memref<128x128xf32, #tpu.memory_space<vmem>>
    %dma_start3A_352 = arith.constant 0 : i32
    %dma_start3A_353 = tpu.memref_slice %arg6[%arg0, %add3A_346, %dma_start3A_352] : memref<2x10240x128xf32, #tpu.memory_space<hbm>> -> memref<1x128x128xf32, #tpu.memory_space<hbm>>
    %dma_start3A_354 = tpu.memref_squeeze %dma_start3A_353 : memref<1x128x128xf32, #tpu.memory_space<hbm>> -> memref<128x128xf32, #tpu.memory_space<hbm>>
    %dma_start3A_355 = arith.constant 0 : i32
    %dma_start3A_356 = tpu.memref_slice %arg6[%arg0, %add3A_346, %dma_start3A_355] : memref<2x10240x128xf32, #tpu.memory_space<hbm>> -> memref<1x128x128xf32, #tpu.memory_space<hbm>>
    %dma_start3A_357 = tpu.memref_squeeze %dma_start3A_356 : memref<1x128x128xf32, #tpu.memory_space<hbm>> -> memref<128x128xf32, #tpu.memory_space<hbm>>
    %dma_start3A_358 = arith.constant 0 : i32
    %dma_start3A_359 = arith.constant 0 : i32
    %dma_start3A_360 = tpu.memref_slice %arg9[%dma_start3A_347, %dma_start3A_358, %dma_start3A_359] : memref<2x128x128xf32, #tpu.memory_space<vmem>> -> memref<1x128x128xf32, #tpu.memory_space<vmem>>
    %dma_start3A_361 = tpu.memref_squeeze %dma_start3A_360 : memref<1x128x128xf32, #tpu.memory_space<vmem>> -> memref<128x128xf32, #tpu.memory_space<vmem>>
    tpu.enqueue_dma source(%dma_start3A_361 : memref<128x128xf32, #tpu.memory_space<vmem>>) target(%dma_start3A_357 : memref<128x128xf32, #tpu.memory_space<hbm>>) target_semaphore(%arg14 : memref<!tpu.dma_semaphore, #tpu.memory_space<semaphore_mem>>)
    %dma_wait3A_362 = arith.constant 0 : i32
    %dma_wait3A_363 = arith.constant 0 : i32
    %dma_wait3A_364 = arith.constant 0 : i32
    %dma_wait3A_365 = tpu.memref_slice %arg9[%dma_wait3A_362, %dma_wait3A_363, %dma_wait3A_364] : memref<2x128x128xf32, #tpu.memory_space<vmem>> -> memref<1x128x128xf32, #tpu.memory_space<vmem>>
    %dma_wait3A_366 = tpu.memref_squeeze %dma_wait3A_365 : memref<1x128x128xf32, #tpu.memory_space<vmem>> -> memref<128x128xf32, #tpu.memory_space<vmem>>
    %dma_wait3A_367 = arith.constant 0 : i32
    %dma_wait3A_368 = arith.constant 0 : i32
    %dma_wait3A_369 = tpu.memref_slice %arg2[%dma_wait3A_367, %dma_wait3A_368] : memref<10000x128xf32, #tpu.memory_space<hbm>> -> memref<128x128xf32, #tpu.memory_space<hbm>>
    %dma_wait3A_370 = arith.constant 0 : i32
    %dma_wait3A_371 = arith.constant 0 : i32
    %dma_wait3A_372 = tpu.memref_slice %arg9[%dma_wait3A_362, %dma_wait3A_370, %dma_wait3A_371] : memref<2x128x128xf32, #tpu.memory_space<vmem>> -> memref<1x128x128xf32, #tpu.memory_space<vmem>>
    %dma_wait3A_373 = tpu.memref_squeeze %dma_wait3A_372 : memref<1x128x128xf32, #tpu.memory_space<vmem>> -> memref<128x128xf32, #tpu.memory_space<vmem>>
    %dma_wait3A_374 = arith.constant 0 : i32
    %dma_wait3A_375 = arith.constant 0 : i32
    %dma_wait3A_376 = tpu.memref_slice %arg2[%dma_wait3A_374, %dma_wait3A_375] : memref<10000x128xf32, #tpu.memory_space<hbm>> -> memref<128x128xf32, #tpu.memory_space<hbm>>
    tpu.wait_dma2 semaphore(%arg14 : memref<!tpu.dma_semaphore, #tpu.memory_space<semaphore_mem>>) src(%dma_wait3A_376 : memref<128x128xf32, #tpu.memory_space<hbm>>) dst(%dma_wait3A_373 : memref<128x128xf32, #tpu.memory_space<vmem>>)
    return
  }
}

#map = affine_map<(d0, d1) -> (0, 0)>
#map1 = affine_map<(d0, d1) -> (0)>
#map2 = affine_map<(d0, d1) -> (0, 0, 0)>
module attributes {stable_mosaic.version = 14 : i64} {
  func.func @spmm_sc(%arg0: i32, %arg1: i32, %arg2: memref<10000x128xf32, #tpu.memory_space<hbm>>, %arg3: memref<320000xi32, #tpu.memory_space<hbm>>, %arg4: memref<320000xi32, #tpu.memory_space<hbm>>, %arg5: memref<128x128xf32, #tpu.memory_space<hbm>>, %arg6: memref<2x10240x128xf32, #tpu.memory_space<hbm>>, %arg7: memref<4x128xi32, #tpu.memory_space<vmem>>, %arg8: memref<4x128xi32, #tpu.memory_space<vmem>>, %arg9: memref<2x128x128xf32, #tpu.memory_space<vmem>>, %arg10: memref<16xi32, #tpu.memory_space<vmem>>, %arg11: memref<16xi32, #tpu.memory_space<vmem>>, %arg12: memref<16x128xf32, #tpu.memory_space<vmem>>, %arg13: memref<10240x128xf32, #tpu.memory_space<vmem_shared>>, %arg14: memref<!tpu.dma_semaphore, #tpu.memory_space<semaphore_mem>>, %arg15: memref<!tpu.dma_semaphore, #tpu.memory_space<semaphore_mem>>) attributes {dimension_semantics = [#tpu.dimension_semantics<core_parallel>, #tpu.dimension_semantics<subcore_parallel>], iteration_bounds = array<i64: 2, 16>, scalar_prefetch = 0 : i64, scratch_operands = 9 : i64, tpu.core_type = #tpu.core_type<sc_vector_subcore>, window_params = [{transform_indices = #map}, {transform_indices = #map1}, {transform_indices = #map1}, {transform_indices = #map}, {transform_indices = #map2}]} {
    %mul3A = arith.constant 2 : i32
    %mul3A_0 = arith.muli %arg1, %mul3A : i32
    %add3A = arith.addi %mul3A_0, %arg0 : i32
    %mul3A_1 = arith.constant 640 : i32
    %mul3A_2 = arith.muli %arg1, %mul3A_1 : i32
    %run_scoped3A = arith.constant 0 : i32
    "tpu.region"() ({
      %run_scoped3A_377 = tpu.sem_alloc : memref<!tpu.dma_semaphore, #tpu.memory_space<semaphore_mem>>
      %dma_start3A_378 = arith.constant 0 : i32
      %dma_start3A_379 = arith.constant 0 : i32
      %dma_start3A_380 = tpu.memref_slice %arg9[%run_scoped3A, %dma_start3A_378, %dma_start3A_379] : memref<2x128x128xf32, #tpu.memory_space<vmem>> -> memref<1x128x128xf32, #tpu.memory_space<vmem>>
      %dma_start3A_381 = tpu.memref_squeeze %dma_start3A_380 : memref<1x128x128xf32, #tpu.memory_space<vmem>> -> memref<128x128xf32, #tpu.memory_space<vmem>>
      %dma_start3A_382 = arith.constant 0 : i32
      %dma_start3A_383 = arith.constant 0 : i32
      %dma_start3A_384 = tpu.memref_slice %arg9[%run_scoped3A, %dma_start3A_382, %dma_start3A_383] : memref<2x128x128xf32, #tpu.memory_space<vmem>> -> memref<1x128x128xf32, #tpu.memory_space<vmem>>
      %dma_start3A_385 = tpu.memref_squeeze %dma_start3A_384 : memref<1x128x128xf32, #tpu.memory_space<vmem>> -> memref<128x128xf32, #tpu.memory_space<vmem>>
      tpu.enqueue_dma source(%arg5 : memref<128x128xf32, #tpu.memory_space<hbm>>) target(%dma_start3A_385 : memref<128x128xf32, #tpu.memory_space<vmem>>) target_semaphore(%run_scoped3A_377 : memref<!tpu.dma_semaphore, #tpu.memory_space<semaphore_mem>>)
      %dma_wait3A_386 = arith.constant 0 : i32
      %dma_wait3A_387 = arith.constant 0 : i32
      %dma_wait3A_388 = tpu.memref_slice %arg9[%run_scoped3A, %dma_wait3A_386, %dma_wait3A_387] : memref<2x128x128xf32, #tpu.memory_space<vmem>> -> memref<1x128x128xf32, #tpu.memory_space<vmem>>
      %dma_wait3A_389 = tpu.memref_squeeze %dma_wait3A_388 : memref<1x128x128xf32, #tpu.memory_space<vmem>> -> memref<128x128xf32, #tpu.memory_space<vmem>>
      %dma_wait3A_390 = arith.constant 0 : i32
      %dma_wait3A_391 = arith.constant 0 : i32
      %dma_wait3A_392 = tpu.memref_slice %arg9[%run_scoped3A, %dma_wait3A_390, %dma_wait3A_391] : memref<2x128x128xf32, #tpu.memory_space<vmem>> -> memref<1x128x128xf32, #tpu.memory_space<vmem>>
      %dma_wait3A_393 = tpu.memref_squeeze %dma_wait3A_392 : memref<1x128x128xf32, #tpu.memory_space<vmem>> -> memref<128x128xf32, #tpu.memory_space<vmem>>
      tpu.wait_dma2 semaphore(%run_scoped3A_377 : memref<!tpu.dma_semaphore, #tpu.memory_space<semaphore_mem>>) src(%arg5 : memref<128x128xf32, #tpu.memory_space<hbm>>) dst(%dma_wait3A_393 : memref<128x128xf32, #tpu.memory_space<vmem>>)
      tpu.yield
    }) : () -> ()
    %add3A_3 = arith.constant 0 : i32
    %add3A_4 = arith.addi %mul3A_2, %add3A_3 : i32
    %run_scoped3A_5 = arith.constant 0 : i32
    "tpu.region"() ({
      %run_scoped3A_377 = tpu.sem_alloc : memref<!tpu.dma_semaphore, #tpu.memory_space<semaphore_mem>>
      %dma_start3A_378 = arith.constant 0 : i32
      %dma_start3A_379 = arith.constant 0 : i32
      %dma_start3A_380 = tpu.memref_slice %arg9[%run_scoped3A_5, %dma_start3A_378, %dma_start3A_379] : memref<2x128x128xf32, #tpu.memory_space<vmem>> -> memref<1x128x128xf32, #tpu.memory_space<vmem>>
      %dma_start3A_381 = tpu.memref_squeeze %dma_start3A_380 : memref<1x128x128xf32, #tpu.memory_space<vmem>> -> memref<128x128xf32, #tpu.memory_space<vmem>>
      %dma_start3A_382 = arith.constant 0 : i32
      %dma_start3A_383 = tpu.memref_slice %arg13[%add3A_4, %dma_start3A_382] : memref<10240x128xf32, #tpu.memory_space<vmem_shared>> -> memref<128x128xf32, #tpu.memory_space<vmem_shared>>
      %dma_start3A_384 = arith.constant 0 : i32
      %dma_start3A_385 = tpu.memref_slice %arg13[%add3A_4, %dma_start3A_384] : memref<10240x128xf32, #tpu.memory_space<vmem_shared>> -> memref<128x128xf32, #tpu.memory_space<vmem_shared>>
      %dma_start3A_386 = arith.constant 0 : i32
      %dma_start3A_387 = arith.constant 0 : i32
      %dma_start3A_388 = tpu.memref_slice %arg9[%run_scoped3A_5, %dma_start3A_386, %dma_start3A_387] : memref<2x128x128xf32, #tpu.memory_space<vmem>> -> memref<1x128x128xf32, #tpu.memory_space<vmem>>
      %dma_start3A_389 = tpu.memref_squeeze %dma_start3A_388 : memref<1x128x128xf32, #tpu.memory_space<vmem>> -> memref<128x128xf32, #tpu.memory_space<vmem>>
      tpu.enqueue_dma source(%dma_start3A_389 : memref<128x128xf32, #tpu.memory_space<vmem>>) target(%dma_start3A_385 : memref<128x128xf32, #tpu.memory_space<vmem_shared>>) target_semaphore(%run_scoped3A_377 : memref<!tpu.dma_semaphore, #tpu.memory_space<semaphore_mem>>)
      %dma_wait3A_390 = arith.constant 0 : i32
      %dma_wait3A_391 = arith.constant 0 : i32
      %dma_wait3A_392 = tpu.memref_slice %arg9[%run_scoped3A_5, %dma_wait3A_390, %dma_wait3A_391] : memref<2x128x128xf32, #tpu.memory_space<vmem>> -> memref<1x128x128xf32, #tpu.memory_space<vmem>>
      %dma_wait3A_393 = tpu.memref_squeeze %dma_wait3A_392 : memref<1x128x128xf32, #tpu.memory_space<vmem>> -> memref<128x128xf32, #tpu.memory_space<vmem>>
      %dma_wait3A_394 = arith.constant 0 : i32
      %dma_wait3A_395 = tpu.memref_slice %arg13[%add3A_4, %dma_wait3A_394] : memref<10240x128xf32, #tpu.memory_space<vmem_shared>> -> memref<128x128xf32, #tpu.memory_space<vmem_shared>>
      %dma_wait3A_396 = arith.constant 0 : i32
      %dma_wait3A_397 = tpu.memref_slice %arg13[%add3A_4, %dma_wait3A_396] : memref<10240x128xf32, #tpu.memory_space<vmem_shared>> -> memref<128x128xf32, #tpu.memory_space<vmem_shared>>
      %dma_wait3A_398 = arith.constant 0 : i32
      %dma_wait3A_399 = arith.constant 0 : i32
      %dma_wait3A_400 = tpu.memref_slice %arg9[%run_scoped3A_5, %dma_wait3A_398, %dma_wait3A_399] : memref<2x128x128xf32, #tpu.memory_space<vmem>> -> memref<1x128x128xf32, #tpu.memory_space<vmem>>
      %dma_wait3A_401 = tpu.memref_squeeze %dma_wait3A_400 : memref<1x128x128xf32, #tpu.memory_space<vmem>> -> memref<128x128xf32, #tpu.memory_space<vmem>>
      tpu.wait_dma2 semaphore(%run_scoped3A_377 : memref<!tpu.dma_semaphore, #tpu.memory_space<semaphore_mem>>) src(%dma_wait3A_401 : memref<128x128xf32, #tpu.memory_space<vmem>>) dst(%dma_wait3A_397 : memref<128x128xf32, #tpu.memory_space<vmem_shared>>)
      tpu.yield
    }) : () -> ()
    %add3A_6 = arith.constant 128 : i32
    %add3A_7 = arith.addi %mul3A_2, %add3A_6 : i32
    %run_scoped3A_8 = arith.constant 0 : i32
    "tpu.region"() ({
      %run_scoped3A_377 = tpu.sem_alloc : memref<!tpu.dma_semaphore, #tpu.memory_space<semaphore_mem>>
      %dma_start3A_378 = arith.constant 0 : i32
      %dma_start3A_379 = arith.constant 0 : i32
      %dma_start3A_380 = tpu.memref_slice %arg9[%run_scoped3A_8, %dma_start3A_378, %dma_start3A_379] : memref<2x128x128xf32, #tpu.memory_space<vmem>> -> memref<1x128x128xf32, #tpu.memory_space<vmem>>
      %dma_start3A_381 = tpu.memref_squeeze %dma_start3A_380 : memref<1x128x128xf32, #tpu.memory_space<vmem>> -> memref<128x128xf32, #tpu.memory_space<vmem>>
      %dma_start3A_382 = arith.constant 0 : i32
      %dma_start3A_383 = tpu.memref_slice %arg13[%add3A_7, %dma_start3A_382] : memref<10240x128xf32, #tpu.memory_space<vmem_shared>> -> memref<128x128xf32, #tpu.memory_space<vmem_shared>>
      %dma_start3A_384 = arith.constant 0 : i32
      %dma_start3A_385 = tpu.memref_slice %arg13[%add3A_7, %dma_start3A_384] : memref<10240x128xf32, #tpu.memory_space<vmem_shared>> -> memref<128x128xf32, #tpu.memory_space<vmem_shared>>
      %dma_start3A_386 = arith.constant 0 : i32
      %dma_start3A_387 = arith.constant 0 : i32
      %dma_start3A_388 = tpu.memref_slice %arg9[%run_scoped3A_8, %dma_start3A_386, %dma_start3A_387] : memref<2x128x128xf32, #tpu.memory_space<vmem>> -> memref<1x128x128xf32, #tpu.memory_space<vmem>>
      %dma_start3A_389 = tpu.memref_squeeze %dma_start3A_388 : memref<1x128x128xf32, #tpu.memory_space<vmem>> -> memref<128x128xf32, #tpu.memory_space<vmem>>
      tpu.enqueue_dma source(%dma_start3A_389 : memref<128x128xf32, #tpu.memory_space<vmem>>) target(%dma_start3A_385 : memref<128x128xf32, #tpu.memory_space<vmem_shared>>) target_semaphore(%run_scoped3A_377 : memref<!tpu.dma_semaphore, #tpu.memory_space<semaphore_mem>>)
      %dma_wait3A_390 = arith.constant 0 : i32
      %dma_wait3A_391 = arith.constant 0 : i32
      %dma_wait3A_392 = tpu.memref_slice %arg9[%run_scoped3A_8, %dma_wait3A_390, %dma_wait3A_391] : memref<2x128x128xf32, #tpu.memory_space<vmem>> -> memref<1x128x128xf32, #tpu.memory_space<vmem>>
      %dma_wait3A_393 = tpu.memref_squeeze %dma_wait3A_392 : memref<1x128x128xf32, #tpu.memory_space<vmem>> -> memref<128x128xf32, #tpu.memory_space<vmem>>
      %dma_wait3A_394 = arith.constant 0 : i32
      %dma_wait3A_395 = tpu.memref_slice %arg13[%add3A_7, %dma_wait3A_394] : memref<10240x128xf32, #tpu.memory_space<vmem_shared>> -> memref<128x128xf32, #tpu.memory_space<vmem_shared>>
      %dma_wait3A_396 = arith.constant 0 : i32
      %dma_wait3A_397 = tpu.memref_slice %arg13[%add3A_7, %dma_wait3A_396] : memref<10240x128xf32, #tpu.memory_space<vmem_shared>> -> memref<128x128xf32, #tpu.memory_space<vmem_shared>>
      %dma_wait3A_398 = arith.constant 0 : i32
      %dma_wait3A_399 = arith.constant 0 : i32
      %dma_wait3A_400 = tpu.memref_slice %arg9[%run_scoped3A_8, %dma_wait3A_398, %dma_wait3A_399] : memref<2x128x128xf32, #tpu.memory_space<vmem>> -> memref<1x128x128xf32, #tpu.memory_space<vmem>>
      %dma_wait3A_401 = tpu.memref_squeeze %dma_wait3A_400 : memref<1x128x128xf32, #tpu.memory_space<vmem>> -> memref<128x128xf32, #tpu.memory_space<vmem>>
      tpu.wait_dma2 semaphore(%run_scoped3A_377 : memref<!tpu.dma_semaphore, #tpu.memory_space<semaphore_mem>>) src(%dma_wait3A_401 : memref<128x128xf32, #tpu.memory_space<vmem>>) dst(%dma_wait3A_397 : memref<128x128xf32, #tpu.memory_space<vmem_shared>>)
      tpu.yield
    }) : () -> ()
    %add3A_9 = arith.constant 256 : i32
    %add3A_10 = arith.addi %mul3A_2, %add3A_9 : i32
    %run_scoped3A_11 = arith.constant 0 : i32
    "tpu.region"() ({
      %run_scoped3A_377 = tpu.sem_alloc : memref<!tpu.dma_semaphore, #tpu.memory_space<semaphore_mem>>
      %dma_start3A_378 = arith.constant 0 : i32
      %dma_start3A_379 = arith.constant 0 : i32
      %dma_start3A_380 = tpu.memref_slice %arg9[%run_scoped3A_11, %dma_start3A_378, %dma_start3A_379] : memref<2x128x128xf32, #tpu.memory_space<vmem>> -> memref<1x128x128xf32, #tpu.memory_space<vmem>>
      %dma_start3A_381 = tpu.memref_squeeze %dma_start3A_380 : memref<1x128x128xf32, #tpu.memory_space<vmem>> -> memref<128x128xf32, #tpu.memory_space<vmem>>
      %dma_start3A_382 = arith.constant 0 : i32
      %dma_start3A_383 = tpu.memref_slice %arg13[%add3A_10, %dma_start3A_382] : memref<10240x128xf32, #tpu.memory_space<vmem_shared>> -> memref<128x128xf32, #tpu.memory_space<vmem_shared>>
      %dma_start3A_384 = arith.constant 0 : i32
      %dma_start3A_385 = tpu.memref_slice %arg13[%add3A_10, %dma_start3A_384] : memref<10240x128xf32, #tpu.memory_space<vmem_shared>> -> memref<128x128xf32, #tpu.memory_space<vmem_shared>>
      %dma_start3A_386 = arith.constant 0 : i32
      %dma_start3A_387 = arith.constant 0 : i32
      %dma_start3A_388 = tpu.memref_slice %arg9[%run_scoped3A_11, %dma_start3A_386, %dma_start3A_387] : memref<2x128x128xf32, #tpu.memory_space<vmem>> -> memref<1x128x128xf32, #tpu.memory_space<vmem>>
      %dma_start3A_389 = tpu.memref_squeeze %dma_start3A_388 : memref<1x128x128xf32, #tpu.memory_space<vmem>> -> memref<128x128xf32, #tpu.memory_space<vmem>>
      tpu.enqueue_dma source(%dma_start3A_389 : memref<128x128xf32, #tpu.memory_space<vmem>>) target(%dma_start3A_385 : memref<128x128xf32, #tpu.memory_space<vmem_shared>>) target_semaphore(%run_scoped3A_377 : memref<!tpu.dma_semaphore, #tpu.memory_space<semaphore_mem>>)
      %dma_wait3A_390 = arith.constant 0 : i32
      %dma_wait3A_391 = arith.constant 0 : i32
      %dma_wait3A_392 = tpu.memref_slice %arg9[%run_scoped3A_11, %dma_wait3A_390, %dma_wait3A_391] : memref<2x128x128xf32, #tpu.memory_space<vmem>> -> memref<1x128x128xf32, #tpu.memory_space<vmem>>
      %dma_wait3A_393 = tpu.memref_squeeze %dma_wait3A_392 : memref<1x128x128xf32, #tpu.memory_space<vmem>> -> memref<128x128xf32, #tpu.memory_space<vmem>>
      %dma_wait3A_394 = arith.constant 0 : i32
      %dma_wait3A_395 = tpu.memref_slice %arg13[%add3A_10, %dma_wait3A_394] : memref<10240x128xf32, #tpu.memory_space<vmem_shared>> -> memref<128x128xf32, #tpu.memory_space<vmem_shared>>
      %dma_wait3A_396 = arith.constant 0 : i32
      %dma_wait3A_397 = tpu.memref_slice %arg13[%add3A_10, %dma_wait3A_396] : memref<10240x128xf32, #tpu.memory_space<vmem_shared>> -> memref<128x128xf32, #tpu.memory_space<vmem_shared>>
      %dma_wait3A_398 = arith.constant 0 : i32
      %dma_wait3A_399 = arith.constant 0 : i32
      %dma_wait3A_400 = tpu.memref_slice %arg9[%run_scoped3A_11, %dma_wait3A_398, %dma_wait3A_399] : memref<2x128x128xf32, #tpu.memory_space<vmem>> -> memref<1x128x128xf32, #tpu.memory_space<vmem>>
      %dma_wait3A_401 = tpu.memref_squeeze %dma_wait3A_400 : memref<1x128x128xf32, #tpu.memory_space<vmem>> -> memref<128x128xf32, #tpu.memory_space<vmem>>
      tpu.wait_dma2 semaphore(%run_scoped3A_377 : memref<!tpu.dma_semaphore, #tpu.memory_space<semaphore_mem>>) src(%dma_wait3A_401 : memref<128x128xf32, #tpu.memory_space<vmem>>) dst(%dma_wait3A_397 : memref<128x128xf32, #tpu.memory_space<vmem_shared>>)
      tpu.yield
    }) : () -> ()
    %add3A_12 = arith.constant 384 : i32
    %add3A_13 = arith.addi %mul3A_2, %add3A_12 : i32
    %run_scoped3A_14 = arith.constant 0 : i32
    "tpu.region"() ({
      %run_scoped3A_377 = tpu.sem_alloc : memref<!tpu.dma_semaphore, #tpu.memory_space<semaphore_mem>>
      %dma_start3A_378 = arith.constant 0 : i32
      %dma_start3A_379 = arith.constant 0 : i32
      %dma_start3A_380 = tpu.memref_slice %arg9[%run_scoped3A_14, %dma_start3A_378, %dma_start3A_379] : memref<2x128x128xf32, #tpu.memory_space<vmem>> -> memref<1x128x128xf32, #tpu.memory_space<vmem>>
      %dma_start3A_381 = tpu.memref_squeeze %dma_start3A_380 : memref<1x128x128xf32, #tpu.memory_space<vmem>> -> memref<128x128xf32, #tpu.memory_space<vmem>>
      %dma_start3A_382 = arith.constant 0 : i32
      %dma_start3A_383 = tpu.memref_slice %arg13[%add3A_13, %dma_start3A_382] : memref<10240x128xf32, #tpu.memory_space<vmem_shared>> -> memref<128x128xf32, #tpu.memory_space<vmem_shared>>
      %dma_start3A_384 = arith.constant 0 : i32
      %dma_start3A_385 = tpu.memref_slice %arg13[%add3A_13, %dma_start3A_384] : memref<10240x128xf32, #tpu.memory_space<vmem_shared>> -> memref<128x128xf32, #tpu.memory_space<vmem_shared>>
      %dma_start3A_386 = arith.constant 0 : i32
      %dma_start3A_387 = arith.constant 0 : i32
      %dma_start3A_388 = tpu.memref_slice %arg9[%run_scoped3A_14, %dma_start3A_386, %dma_start3A_387] : memref<2x128x128xf32, #tpu.memory_space<vmem>> -> memref<1x128x128xf32, #tpu.memory_space<vmem>>
      %dma_start3A_389 = tpu.memref_squeeze %dma_start3A_388 : memref<1x128x128xf32, #tpu.memory_space<vmem>> -> memref<128x128xf32, #tpu.memory_space<vmem>>
      tpu.enqueue_dma source(%dma_start3A_389 : memref<128x128xf32, #tpu.memory_space<vmem>>) target(%dma_start3A_385 : memref<128x128xf32, #tpu.memory_space<vmem_shared>>) target_semaphore(%run_scoped3A_377 : memref<!tpu.dma_semaphore, #tpu.memory_space<semaphore_mem>>)
      %dma_wait3A_390 = arith.constant 0 : i32
      %dma_wait3A_391 = arith.constant 0 : i32
      %dma_wait3A_392 = tpu.memref_slice %arg9[%run_scoped3A_14, %dma_wait3A_390, %dma_wait3A_391] : memref<2x128x128xf32, #tpu.memory_space<vmem>> -> memref<1x128x128xf32, #tpu.memory_space<vmem>>
      %dma_wait3A_393 = tpu.memref_squeeze %dma_wait3A_392 : memref<1x128x128xf32, #tpu.memory_space<vmem>> -> memref<128x128xf32, #tpu.memory_space<vmem>>
      %dma_wait3A_394 = arith.constant 0 : i32
      %dma_wait3A_395 = tpu.memref_slice %arg13[%add3A_13, %dma_wait3A_394] : memref<10240x128xf32, #tpu.memory_space<vmem_shared>> -> memref<128x128xf32, #tpu.memory_space<vmem_shared>>
      %dma_wait3A_396 = arith.constant 0 : i32
      %dma_wait3A_397 = tpu.memref_slice %arg13[%add3A_13, %dma_wait3A_396] : memref<10240x128xf32, #tpu.memory_space<vmem_shared>> -> memref<128x128xf32, #tpu.memory_space<vmem_shared>>
      %dma_wait3A_398 = arith.constant 0 : i32
      %dma_wait3A_399 = arith.constant 0 : i32
      %dma_wait3A_400 = tpu.memref_slice %arg9[%run_scoped3A_14, %dma_wait3A_398, %dma_wait3A_399] : memref<2x128x128xf32, #tpu.memory_space<vmem>> -> memref<1x128x128xf32, #tpu.memory_space<vmem>>
      %dma_wait3A_401 = tpu.memref_squeeze %dma_wait3A_400 : memref<1x128x128xf32, #tpu.memory_space<vmem>> -> memref<128x128xf32, #tpu.memory_space<vmem>>
      tpu.wait_dma2 semaphore(%run_scoped3A_377 : memref<!tpu.dma_semaphore, #tpu.memory_space<semaphore_mem>>) src(%dma_wait3A_401 : memref<128x128xf32, #tpu.memory_space<vmem>>) dst(%dma_wait3A_397 : memref<128x128xf32, #tpu.memory_space<vmem_shared>>)
      tpu.yield
    }) : () -> ()
    %add3A_15 = arith.constant 512 : i32
    %add3A_16 = arith.addi %mul3A_2, %add3A_15 : i32
    %run_scoped3A_17 = arith.constant 0 : i32
    "tpu.region"() ({
      %run_scoped3A_377 = tpu.sem_alloc : memref<!tpu.dma_semaphore, #tpu.memory_space<semaphore_mem>>
      %dma_start3A_378 = arith.constant 0 : i32
      %dma_start3A_379 = arith.constant 0 : i32
      %dma_start3A_380 = tpu.memref_slice %arg9[%run_scoped3A_17, %dma_start3A_378, %dma_start3A_379] : memref<2x128x128xf32, #tpu.memory_space<vmem>> -> memref<1x128x128xf32, #tpu.memory_space<vmem>>
      %dma_start3A_381 = tpu.memref_squeeze %dma_start3A_380 : memref<1x128x128xf32, #tpu.memory_space<vmem>> -> memref<128x128xf32, #tpu.memory_space<vmem>>
      %dma_start3A_382 = arith.constant 0 : i32
      %dma_start3A_383 = tpu.memref_slice %arg13[%add3A_16, %dma_start3A_382] : memref<10240x128xf32, #tpu.memory_space<vmem_shared>> -> memref<128x128xf32, #tpu.memory_space<vmem_shared>>
      %dma_start3A_384 = arith.constant 0 : i32
      %dma_start3A_385 = tpu.memref_slice %arg13[%add3A_16, %dma_start3A_384] : memref<10240x128xf32, #tpu.memory_space<vmem_shared>> -> memref<128x128xf32, #tpu.memory_space<vmem_shared>>
      %dma_start3A_386 = arith.constant 0 : i32
      %dma_start3A_387 = arith.constant 0 : i32
      %dma_start3A_388 = tpu.memref_slice %arg9[%run_scoped3A_17, %dma_start3A_386, %dma_start3A_387] : memref<2x128x128xf32, #tpu.memory_space<vmem>> -> memref<1x128x128xf32, #tpu.memory_space<vmem>>
      %dma_start3A_389 = tpu.memref_squeeze %dma_start3A_388 : memref<1x128x128xf32, #tpu.memory_space<vmem>> -> memref<128x128xf32, #tpu.memory_space<vmem>>
      tpu.enqueue_dma source(%dma_start3A_389 : memref<128x128xf32, #tpu.memory_space<vmem>>) target(%dma_start3A_385 : memref<128x128xf32, #tpu.memory_space<vmem_shared>>) target_semaphore(%run_scoped3A_377 : memref<!tpu.dma_semaphore, #tpu.memory_space<semaphore_mem>>)
      %dma_wait3A_390 = arith.constant 0 : i32
      %dma_wait3A_391 = arith.constant 0 : i32
      %dma_wait3A_392 = tpu.memref_slice %arg9[%run_scoped3A_17, %dma_wait3A_390, %dma_wait3A_391] : memref<2x128x128xf32, #tpu.memory_space<vmem>> -> memref<1x128x128xf32, #tpu.memory_space<vmem>>
      %dma_wait3A_393 = tpu.memref_squeeze %dma_wait3A_392 : memref<1x128x128xf32, #tpu.memory_space<vmem>> -> memref<128x128xf32, #tpu.memory_space<vmem>>
      %dma_wait3A_394 = arith.constant 0 : i32
      %dma_wait3A_395 = tpu.memref_slice %arg13[%add3A_16, %dma_wait3A_394] : memref<10240x128xf32, #tpu.memory_space<vmem_shared>> -> memref<128x128xf32, #tpu.memory_space<vmem_shared>>
      %dma_wait3A_396 = arith.constant 0 : i32
      %dma_wait3A_397 = tpu.memref_slice %arg13[%add3A_16, %dma_wait3A_396] : memref<10240x128xf32, #tpu.memory_space<vmem_shared>> -> memref<128x128xf32, #tpu.memory_space<vmem_shared>>
      %dma_wait3A_398 = arith.constant 0 : i32
      %dma_wait3A_399 = arith.constant 0 : i32
      %dma_wait3A_400 = tpu.memref_slice %arg9[%run_scoped3A_17, %dma_wait3A_398, %dma_wait3A_399] : memref<2x128x128xf32, #tpu.memory_space<vmem>> -> memref<1x128x128xf32, #tpu.memory_space<vmem>>
      %dma_wait3A_401 = tpu.memref_squeeze %dma_wait3A_400 : memref<1x128x128xf32, #tpu.memory_space<vmem>> -> memref<128x128xf32, #tpu.memory_space<vmem>>
      tpu.wait_dma2 semaphore(%run_scoped3A_377 : memref<!tpu.dma_semaphore, #tpu.memory_space<semaphore_mem>>) src(%dma_wait3A_401 : memref<128x128xf32, #tpu.memory_space<vmem>>) dst(%dma_wait3A_397 : memref<128x128xf32, #tpu.memory_space<vmem_shared>>)
      tpu.yield
    }) : () -> ()
    %barrier3A = arith.constant 0 : index
    tpu.barrier barrier_id(%barrier3A)
    %mul3A_18 = arith.constant 10000 : i32
    %mul3A_19 = arith.muli %add3A, %mul3A_18 : i32
    %add3A_20 = arith.constant 0 : i32
    %add3A_21 = arith.addi %mul3A_19, %add3A_20 : i32
    %run_scoped3A_22 = arith.constant 0 : i32
    "tpu.region"() ({
      %run_scoped3A_377 = tpu.sem_alloc : memref<!tpu.dma_semaphore, #tpu.memory_space<semaphore_mem>>
      %dma_start3A_378 = arith.constant 0 : i32
      %dma_start3A_379 = tpu.memref_slice %arg7[%run_scoped3A_22, %dma_start3A_378] : memref<4x128xi32, #tpu.memory_space<vmem>> -> memref<1x128xi32, #tpu.memory_space<vmem>>
      %dma_start3A_380 = tpu.memref_squeeze %dma_start3A_379 : memref<1x128xi32, #tpu.memory_space<vmem>> -> memref<128xi32, #tpu.memory_space<vmem>>
      %dma_start3A_381 = tpu.memref_slice %arg3[%add3A_21] : memref<320000xi32, #tpu.memory_space<hbm>> -> memref<128xi32, #tpu.memory_space<hbm>>
      %dma_start3A_382 = arith.constant 0 : i32
      %dma_start3A_383 = tpu.memref_slice %arg7[%run_scoped3A_22, %dma_start3A_382] : memref<4x128xi32, #tpu.memory_space<vmem>> -> memref<1x128xi32, #tpu.memory_space<vmem>>
      %dma_start3A_384 = tpu.memref_squeeze %dma_start3A_383 : memref<1x128xi32, #tpu.memory_space<vmem>> -> memref<128xi32, #tpu.memory_space<vmem>>
      %dma_start3A_385 = tpu.memref_slice %arg3[%add3A_21] : memref<320000xi32, #tpu.memory_space<hbm>> -> memref<128xi32, #tpu.memory_space<hbm>>
      tpu.enqueue_dma source(%dma_start3A_385 : memref<128xi32, #tpu.memory_space<hbm>>) target(%dma_start3A_384 : memref<128xi32, #tpu.memory_space<vmem>>) target_semaphore(%run_scoped3A_377 : memref<!tpu.dma_semaphore, #tpu.memory_space<semaphore_mem>>)
      %dma_wait3A_386 = arith.constant 0 : i32
      %dma_wait3A_387 = tpu.memref_slice %arg7[%run_scoped3A_22, %dma_wait3A_386] : memref<4x128xi32, #tpu.memory_space<vmem>> -> memref<1x128xi32, #tpu.memory_space<vmem>>
      %dma_wait3A_388 = tpu.memref_squeeze %dma_wait3A_387 : memref<1x128xi32, #tpu.memory_space<vmem>> -> memref<128xi32, #tpu.memory_space<vmem>>
      %dma_wait3A_389 = tpu.memref_slice %arg3[%add3A_21] : memref<320000xi32, #tpu.memory_space<hbm>> -> memref<128xi32, #tpu.memory_space<hbm>>
      %dma_wait3A_390 = arith.constant 0 : i32
      %dma_wait3A_391 = tpu.memref_slice %arg7[%run_scoped3A_22, %dma_wait3A_390] : memref<4x128xi32, #tpu.memory_space<vmem>> -> memref<1x128xi32, #tpu.memory_space<vmem>>
      %dma_wait3A_392 = tpu.memref_squeeze %dma_wait3A_391 : memref<1x128xi32, #tpu.memory_space<vmem>> -> memref<128xi32, #tpu.memory_space<vmem>>
      %dma_wait3A_393 = tpu.memref_slice %arg3[%add3A_21] : memref<320000xi32, #tpu.memory_space<hbm>> -> memref<128xi32, #tpu.memory_space<hbm>>
      tpu.wait_dma2 semaphore(%run_scoped3A_377 : memref<!tpu.dma_semaphore, #tpu.memory_space<semaphore_mem>>) src(%dma_wait3A_393 : memref<128xi32, #tpu.memory_space<hbm>>) dst(%dma_wait3A_392 : memref<128xi32, #tpu.memory_space<vmem>>)
      tpu.yield
    }) : () -> ()
    %run_scoped3A_23 = arith.constant 0 : i32
    "tpu.region"() ({
      %run_scoped3A_377 = tpu.sem_alloc : memref<!tpu.dma_semaphore, #tpu.memory_space<semaphore_mem>>
      %dma_start3A_378 = arith.constant 0 : i32
      %dma_start3A_379 = tpu.memref_slice %arg8[%run_scoped3A_23, %dma_start3A_378] : memref<4x128xi32, #tpu.memory_space<vmem>> -> memref<1x128xi32, #tpu.memory_space<vmem>>
      %dma_start3A_380 = tpu.memref_squeeze %dma_start3A_379 : memref<1x128xi32, #tpu.memory_space<vmem>> -> memref<128xi32, #tpu.memory_space<vmem>>
      %dma_start3A_381 = tpu.memref_slice %arg4[%add3A_21] : memref<320000xi32, #tpu.memory_space<hbm>> -> memref<128xi32, #tpu.memory_space<hbm>>
      %dma_start3A_382 = arith.constant 0 : i32
      %dma_start3A_383 = tpu.memref_slice %arg8[%run_scoped3A_23, %dma_start3A_382] : memref<4x128xi32, #tpu.memory_space<vmem>> -> memref<1x128xi32, #tpu.memory_space<vmem>>
      %dma_start3A_384 = tpu.memref_squeeze %dma_start3A_383 : memref<1x128xi32, #tpu.memory_space<vmem>> -> memref<128xi32, #tpu.memory_space<vmem>>
      %dma_start3A_385 = tpu.memref_slice %arg4[%add3A_21] : memref<320000xi32, #tpu.memory_space<hbm>> -> memref<128xi32, #tpu.memory_space<hbm>>
      tpu.enqueue_dma source(%dma_start3A_385 : memref<128xi32, #tpu.memory_space<hbm>>) target(%dma_start3A_384 : memref<128xi32, #tpu.memory_space<vmem>>) target_semaphore(%run_scoped3A_377 : memref<!tpu.dma_semaphore, #tpu.memory_space<semaphore_mem>>)
      %dma_wait3A_386 = arith.constant 0 : i32
      %dma_wait3A_387 = tpu.memref_slice %arg8[%run_scoped3A_23, %dma_wait3A_386] : memref<4x128xi32, #tpu.memory_space<vmem>> -> memref<1x128xi32, #tpu.memory_space<vmem>>
      %dma_wait3A_388 = tpu.memref_squeeze %dma_wait3A_387 : memref<1x128xi32, #tpu.memory_space<vmem>> -> memref<128xi32, #tpu.memory_space<vmem>>
      %dma_wait3A_389 = tpu.memref_slice %arg4[%add3A_21] : memref<320000xi32, #tpu.memory_space<hbm>> -> memref<128xi32, #tpu.memory_space<hbm>>
      %dma_wait3A_390 = arith.constant 0 : i32
      %dma_wait3A_391 = tpu.memref_slice %arg8[%run_scoped3A_23, %dma_wait3A_390] : memref<4x128xi32, #tpu.memory_space<vmem>> -> memref<1x128xi32, #tpu.memory_space<vmem>>
      %dma_wait3A_392 = tpu.memref_squeeze %dma_wait3A_391 : memref<1x128xi32, #tpu.memory_space<vmem>> -> memref<128xi32, #tpu.memory_space<vmem>>
      %dma_wait3A_393 = tpu.memref_slice %arg4[%add3A_21] : memref<320000xi32, #tpu.memory_space<hbm>> -> memref<128xi32, #tpu.memory_space<hbm>>
      tpu.wait_dma2 semaphore(%run_scoped3A_377 : memref<!tpu.dma_semaphore, #tpu.memory_space<semaphore_mem>>) src(%dma_wait3A_393 : memref<128xi32, #tpu.memory_space<hbm>>) dst(%dma_wait3A_392 : memref<128xi32, #tpu.memory_space<vmem>>)
      tpu.yield
    }) : () -> ()
    %add3A_24 = arith.constant 128 : i32
    %add3A_25 = arith.addi %mul3A_19, %add3A_24 : i32
    %run_scoped3A_26 = arith.constant 1 : i32
    "tpu.region"() ({
      %run_scoped3A_377 = tpu.sem_alloc : memref<!tpu.dma_semaphore, #tpu.memory_space<semaphore_mem>>
      %dma_start3A_378 = arith.constant 0 : i32
      %dma_start3A_379 = tpu.memref_slice %arg7[%run_scoped3A_26, %dma_start3A_378] : memref<4x128xi32, #tpu.memory_space<vmem>> -> memref<1x128xi32, #tpu.memory_space<vmem>>
      %dma_start3A_380 = tpu.memref_squeeze %dma_start3A_379 : memref<1x128xi32, #tpu.memory_space<vmem>> -> memref<128xi32, #tpu.memory_space<vmem>>
      %dma_start3A_381 = tpu.memref_slice %arg3[%add3A_25] : memref<320000xi32, #tpu.memory_space<hbm>> -> memref<128xi32, #tpu.memory_space<hbm>>
      %dma_start3A_382 = arith.constant 0 : i32
      %dma_start3A_383 = tpu.memref_slice %arg7[%run_scoped3A_26, %dma_start3A_382] : memref<4x128xi32, #tpu.memory_space<vmem>> -> memref<1x128xi32, #tpu.memory_space<vmem>>
      %dma_start3A_384 = tpu.memref_squeeze %dma_start3A_383 : memref<1x128xi32, #tpu.memory_space<vmem>> -> memref<128xi32, #tpu.memory_space<vmem>>
      %dma_start3A_385 = tpu.memref_slice %arg3[%add3A_25] : memref<320000xi32, #tpu.memory_space<hbm>> -> memref<128xi32, #tpu.memory_space<hbm>>
      tpu.enqueue_dma source(%dma_start3A_385 : memref<128xi32, #tpu.memory_space<hbm>>) target(%dma_start3A_384 : memref<128xi32, #tpu.memory_space<vmem>>) target_semaphore(%run_scoped3A_377 : memref<!tpu.dma_semaphore, #tpu.memory_space<semaphore_mem>>)
      %dma_wait3A_386 = arith.constant 0 : i32
      %dma_wait3A_387 = tpu.memref_slice %arg7[%run_scoped3A_26, %dma_wait3A_386] : memref<4x128xi32, #tpu.memory_space<vmem>> -> memref<1x128xi32, #tpu.memory_space<vmem>>
      %dma_wait3A_388 = tpu.memref_squeeze %dma_wait3A_387 : memref<1x128xi32, #tpu.memory_space<vmem>> -> memref<128xi32, #tpu.memory_space<vmem>>
      %dma_wait3A_389 = tpu.memref_slice %arg3[%add3A_25] : memref<320000xi32, #tpu.memory_space<hbm>> -> memref<128xi32, #tpu.memory_space<hbm>>
      %dma_wait3A_390 = arith.constant 0 : i32
      %dma_wait3A_391 = tpu.memref_slice %arg7[%run_scoped3A_26, %dma_wait3A_390] : memref<4x128xi32, #tpu.memory_space<vmem>> -> memref<1x128xi32, #tpu.memory_space<vmem>>
      %dma_wait3A_392 = tpu.memref_squeeze %dma_wait3A_391 : memref<1x128xi32, #tpu.memory_space<vmem>> -> memref<128xi32, #tpu.memory_space<vmem>>
      %dma_wait3A_393 = tpu.memref_slice %arg3[%add3A_25] : memref<320000xi32, #tpu.memory_space<hbm>> -> memref<128xi32, #tpu.memory_space<hbm>>
      tpu.wait_dma2 semaphore(%run_scoped3A_377 : memref<!tpu.dma_semaphore, #tpu.memory_space<semaphore_mem>>) src(%dma_wait3A_393 : memref<128xi32, #tpu.memory_space<hbm>>) dst(%dma_wait3A_392 : memref<128xi32, #tpu.memory_space<vmem>>)
      tpu.yield
    }) : () -> ()
    %run_scoped3A_27 = arith.constant 1 : i32
    "tpu.region"() ({
      %run_scoped3A_377 = tpu.sem_alloc : memref<!tpu.dma_semaphore, #tpu.memory_space<semaphore_mem>>
      %dma_start3A_378 = arith.constant 0 : i32
      %dma_start3A_379 = tpu.memref_slice %arg8[%run_scoped3A_27, %dma_start3A_378] : memref<4x128xi32, #tpu.memory_space<vmem>> -> memref<1x128xi32, #tpu.memory_space<vmem>>
      %dma_start3A_380 = tpu.memref_squeeze %dma_start3A_379 : memref<1x128xi32, #tpu.memory_space<vmem>> -> memref<128xi32, #tpu.memory_space<vmem>>
      %dma_start3A_381 = tpu.memref_slice %arg4[%add3A_25] : memref<320000xi32, #tpu.memory_space<hbm>> -> memref<128xi32, #tpu.memory_space<hbm>>
      %dma_start3A_382 = arith.constant 0 : i32
      %dma_start3A_383 = tpu.memref_slice %arg8[%run_scoped3A_27, %dma_start3A_382] : memref<4x128xi32, #tpu.memory_space<vmem>> -> memref<1x128xi32, #tpu.memory_space<vmem>>
      %dma_start3A_384 = tpu.memref_squeeze %dma_start3A_383 : memref<1x128xi32, #tpu.memory_space<vmem>> -> memref<128xi32, #tpu.memory_space<vmem>>
      %dma_start3A_385 = tpu.memref_slice %arg4[%add3A_25] : memref<320000xi32, #tpu.memory_space<hbm>> -> memref<128xi32, #tpu.memory_space<hbm>>
      tpu.enqueue_dma source(%dma_start3A_385 : memref<128xi32, #tpu.memory_space<hbm>>) target(%dma_start3A_384 : memref<128xi32, #tpu.memory_space<vmem>>) target_semaphore(%run_scoped3A_377 : memref<!tpu.dma_semaphore, #tpu.memory_space<semaphore_mem>>)
      %dma_wait3A_386 = arith.constant 0 : i32
      %dma_wait3A_387 = tpu.memref_slice %arg8[%run_scoped3A_27, %dma_wait3A_386] : memref<4x128xi32, #tpu.memory_space<vmem>> -> memref<1x128xi32, #tpu.memory_space<vmem>>
      %dma_wait3A_388 = tpu.memref_squeeze %dma_wait3A_387 : memref<1x128xi32, #tpu.memory_space<vmem>> -> memref<128xi32, #tpu.memory_space<vmem>>
      %dma_wait3A_389 = tpu.memref_slice %arg4[%add3A_25] : memref<320000xi32, #tpu.memory_space<hbm>> -> memref<128xi32, #tpu.memory_space<hbm>>
      %dma_wait3A_390 = arith.constant 0 : i32
      %dma_wait3A_391 = tpu.memref_slice %arg8[%run_scoped3A_27, %dma_wait3A_390] : memref<4x128xi32, #tpu.memory_space<vmem>> -> memref<1x128xi32, #tpu.memory_space<vmem>>
      %dma_wait3A_392 = tpu.memref_squeeze %dma_wait3A_391 : memref<1x128xi32, #tpu.memory_space<vmem>> -> memref<128xi32, #tpu.memory_space<vmem>>
      %dma_wait3A_393 = tpu.memref_slice %arg4[%add3A_25] : memref<320000xi32, #tpu.memory_space<hbm>> -> memref<128xi32, #tpu.memory_space<hbm>>
      tpu.wait_dma2 semaphore(%run_scoped3A_377 : memref<!tpu.dma_semaphore, #tpu.memory_space<semaphore_mem>>) src(%dma_wait3A_393 : memref<128xi32, #tpu.memory_space<hbm>>) dst(%dma_wait3A_392 : memref<128xi32, #tpu.memory_space<vmem>>)
      tpu.yield
    }) : () -> ()
    %dma_start3A = arith.constant 0 : i32
    %dma_start3A_28 = arith.constant 0 : i32
    %dma_start3A_29 = arith.constant 0 : i32
    %dma_start3A_30 = arith.constant 0 : i32
    %dma_start3A_31 = tpu.memref_slice %arg9[%dma_start3A_28, %dma_start3A_29, %dma_start3A_30] : memref<2x128x128xf32, #tpu.memory_space<vmem>> -> memref<1x128x128xf32, #tpu.memory_space<vmem>>
    %dma_start3A_32 = tpu.memref_squeeze %dma_start3A_31 : memref<1x128x128xf32, #tpu.memory_space<vmem>> -> memref<128x128xf32, #tpu.memory_space<vmem>>
    %dma_start3A_33 = arith.constant 0 : i32
    %dma_start3A_34 = tpu.memref_slice %arg8[%dma_start3A, %dma_start3A_33] : memref<4x128xi32, #tpu.memory_space<vmem>> -> memref<1x128xi32, #tpu.memory_space<vmem>>
    %dma_start3A_35 = tpu.memref_squeeze %dma_start3A_34 : memref<1x128xi32, #tpu.memory_space<vmem>> -> memref<128xi32, #tpu.memory_space<vmem>>
    %dma_start3A_36 = arith.constant 0 : i32
    %dma_start3A_37 = arith.constant 0 : i32
    %dma_start3A_38 = tpu.memref_slice %arg2[%dma_start3A_36, %dma_start3A_37] : memref<10000x128xf32, #tpu.memory_space<hbm>> -> memref<10000x128xf32, #tpu.memory_space<hbm>>
    tpu.enqueue_indirect_dma source(%dma_start3A_38 : memref<10000x128xf32, #tpu.memory_space<hbm>>) target(%dma_start3A_32 : memref<128x128xf32, #tpu.memory_space<vmem>>) offsets(%dma_start3A_35 : memref<128xi32, #tpu.memory_space<vmem>>) semaphore(%arg14 : memref<!tpu.dma_semaphore, #tpu.memory_space<semaphore_mem>>)
    %dma_wait3A = arith.constant 0 : i32
    %dma_wait3A_39 = arith.constant 0 : i32
    %dma_wait3A_40 = arith.constant 0 : i32
    %dma_wait3A_41 = tpu.memref_slice %arg9[%dma_wait3A, %dma_wait3A_39, %dma_wait3A_40] : memref<2x128x128xf32, #tpu.memory_space<vmem>> -> memref<1x128x128xf32, #tpu.memory_space<vmem>>
    %dma_wait3A_42 = tpu.memref_squeeze %dma_wait3A_41 : memref<1x128x128xf32, #tpu.memory_space<vmem>> -> memref<128x128xf32, #tpu.memory_space<vmem>>
    %dma_wait3A_43 = arith.constant 0 : i32
    %dma_wait3A_44 = arith.constant 0 : i32
    %dma_wait3A_45 = tpu.memref_slice %arg2[%dma_wait3A_43, %dma_wait3A_44] : memref<10000x128xf32, #tpu.memory_space<hbm>> -> memref<128x128xf32, #tpu.memory_space<hbm>>
    %dma_wait3A_46 = arith.constant 0 : i32
    %dma_wait3A_47 = arith.constant 0 : i32
    %dma_wait3A_48 = tpu.memref_slice %arg9[%dma_wait3A, %dma_wait3A_46, %dma_wait3A_47] : memref<2x128x128xf32, #tpu.memory_space<vmem>> -> memref<1x128x128xf32, #tpu.memory_space<vmem>>
    %dma_wait3A_49 = tpu.memref_squeeze %dma_wait3A_48 : memref<1x128x128xf32, #tpu.memory_space<vmem>> -> memref<128x128xf32, #tpu.memory_space<vmem>>
    %dma_wait3A_50 = arith.constant 0 : i32
    %dma_wait3A_51 = arith.constant 0 : i32
    %dma_wait3A_52 = tpu.memref_slice %arg2[%dma_wait3A_50, %dma_wait3A_51] : memref<10000x128xf32, #tpu.memory_space<hbm>> -> memref<128x128xf32, #tpu.memory_space<hbm>>
    tpu.wait_dma2 semaphore(%arg14 : memref<!tpu.dma_semaphore, #tpu.memory_space<semaphore_mem>>) src(%dma_wait3A_52 : memref<128x128xf32, #tpu.memory_space<hbm>>) dst(%dma_wait3A_49 : memref<128x128xf32, #tpu.memory_space<vmem>>)
    %dma_start3A_53 = arith.constant 1 : i32
    %dma_start3A_54 = arith.constant 1 : i32
    %dma_start3A_55 = arith.constant 0 : i32
    %dma_start3A_56 = arith.constant 0 : i32
    %dma_start3A_57 = tpu.memref_slice %arg9[%dma_start3A_54, %dma_start3A_55, %dma_start3A_56] : memref<2x128x128xf32, #tpu.memory_space<vmem>> -> memref<1x128x128xf32, #tpu.memory_space<vmem>>
    %dma_start3A_58 = tpu.memref_squeeze %dma_start3A_57 : memref<1x128x128xf32, #tpu.memory_space<vmem>> -> memref<128x128xf32, #tpu.memory_space<vmem>>
    %dma_start3A_59 = arith.constant 0 : i32
    %dma_start3A_60 = tpu.memref_slice %arg8[%dma_start3A_53, %dma_start3A_59] : memref<4x128xi32, #tpu.memory_space<vmem>> -> memref<1x128xi32, #tpu.memory_space<vmem>>
    %dma_start3A_61 = tpu.memref_squeeze %dma_start3A_60 : memref<1x128xi32, #tpu.memory_space<vmem>> -> memref<128xi32, #tpu.memory_space<vmem>>
    %dma_start3A_62 = arith.constant 0 : i32
    %dma_start3A_63 = arith.constant 0 : i32
    %dma_start3A_64 = tpu.memref_slice %arg2[%dma_start3A_62, %dma_start3A_63] : memref<10000x128xf32, #tpu.memory_space<hbm>> -> memref<10000x128xf32, #tpu.memory_space<hbm>>
    tpu.enqueue_indirect_dma source(%dma_start3A_64 : memref<10000x128xf32, #tpu.memory_space<hbm>>) target(%dma_start3A_58 : memref<128x128xf32, #tpu.memory_space<vmem>>) offsets(%dma_start3A_61 : memref<128xi32, #tpu.memory_space<vmem>>) semaphore(%arg14 : memref<!tpu.dma_semaphore, #tpu.memory_space<semaphore_mem>>)
    %dma_start3A_65 = arith.constant 0 : i32
    %dma_start3A_66 = arith.constant 0 : i32
    %dma_start3A_67 = arith.constant 0 : i32
    %dma_start3A_68 = arith.constant 0 : i32
    %dma_start3A_69 = tpu.memref_slice %arg9[%dma_start3A_65, %dma_start3A_67, %dma_start3A_68] : memref<2x128x128xf32, #tpu.memory_space<vmem>> -> memref<1x128x128xf32, #tpu.memory_space<vmem>>
    %dma_start3A_70 = tpu.memref_squeeze %dma_start3A_69 : memref<1x128x128xf32, #tpu.memory_space<vmem>> -> memref<128x128xf32, #tpu.memory_space<vmem>>
    %dma_start3A_71 = arith.constant 0 : i32
    %dma_start3A_72 = tpu.memref_slice %arg7[%dma_start3A_66, %dma_start3A_71] : memref<4x128xi32, #tpu.memory_space<vmem>> -> memref<1x128xi32, #tpu.memory_space<vmem>>
    %dma_start3A_73 = tpu.memref_squeeze %dma_start3A_72 : memref<1x128xi32, #tpu.memory_space<vmem>> -> memref<128xi32, #tpu.memory_space<vmem>>
    %dma_start3A_74 = arith.constant 0 : i32
    %dma_start3A_75 = arith.constant 0 : i32
    %dma_start3A_76 = tpu.memref_slice %arg13[%dma_start3A_74, %dma_start3A_75] : memref<10240x128xf32, #tpu.memory_space<vmem_shared>> -> memref<10240x128xf32, #tpu.memory_space<vmem_shared>>
    tpu.enqueue_indirect_dma source(%dma_start3A_70 : memref<128x128xf32, #tpu.memory_space<vmem>>) target(%dma_start3A_76 : memref<10240x128xf32, #tpu.memory_space<vmem_shared>>) offsets(%dma_start3A_73 : memref<128xi32, #tpu.memory_space<vmem>>) semaphore(%arg15 : memref<!tpu.dma_semaphore, #tpu.memory_space<semaphore_mem>>) {add = true}
    %add3A_77 = arith.constant 256 : i32
    %add3A_78 = arith.addi %mul3A_19, %add3A_77 : i32
    %run_scoped3A_79 = arith.constant 2 : i32
    "tpu.region"() ({
      %run_scoped3A_377 = tpu.sem_alloc : memref<!tpu.dma_semaphore, #tpu.memory_space<semaphore_mem>>
      %dma_start3A_378 = arith.constant 0 : i32
      %dma_start3A_379 = tpu.memref_slice %arg7[%run_scoped3A_79, %dma_start3A_378] : memref<4x128xi32, #tpu.memory_space<vmem>> -> memref<1x128xi32, #tpu.memory_space<vmem>>
      %dma_start3A_380 = tpu.memref_squeeze %dma_start3A_379 : memref<1x128xi32, #tpu.memory_space<vmem>> -> memref<128xi32, #tpu.memory_space<vmem>>
      %dma_start3A_381 = tpu.memref_slice %arg3[%add3A_78] : memref<320000xi32, #tpu.memory_space<hbm>> -> memref<128xi32, #tpu.memory_space<hbm>>
      %dma_start3A_382 = arith.constant 0 : i32
      %dma_start3A_383 = tpu.memref_slice %arg7[%run_scoped3A_79, %dma_start3A_382] : memref<4x128xi32, #tpu.memory_space<vmem>> -> memref<1x128xi32, #tpu.memory_space<vmem>>
      %dma_start3A_384 = tpu.memref_squeeze %dma_start3A_383 : memref<1x128xi32, #tpu.memory_space<vmem>> -> memref<128xi32, #tpu.memory_space<vmem>>
      %dma_start3A_385 = tpu.memref_slice %arg3[%add3A_78] : memref<320000xi32, #tpu.memory_space<hbm>> -> memref<128xi32, #tpu.memory_space<hbm>>
      tpu.enqueue_dma source(%dma_start3A_385 : memref<128xi32, #tpu.memory_space<hbm>>) target(%dma_start3A_384 : memref<128xi32, #tpu.memory_space<vmem>>) target_semaphore(%run_scoped3A_377 : memref<!tpu.dma_semaphore, #tpu.memory_space<semaphore_mem>>)
      %dma_wait3A_386 = arith.constant 0 : i32
      %dma_wait3A_387 = tpu.memref_slice %arg7[%run_scoped3A_79, %dma_wait3A_386] : memref<4x128xi32, #tpu.memory_space<vmem>> -> memref<1x128xi32, #tpu.memory_space<vmem>>
      %dma_wait3A_388 = tpu.memref_squeeze %dma_wait3A_387 : memref<1x128xi32, #tpu.memory_space<vmem>> -> memref<128xi32, #tpu.memory_space<vmem>>
      %dma_wait3A_389 = tpu.memref_slice %arg3[%add3A_78] : memref<320000xi32, #tpu.memory_space<hbm>> -> memref<128xi32, #tpu.memory_space<hbm>>
      %dma_wait3A_390 = arith.constant 0 : i32
      %dma_wait3A_391 = tpu.memref_slice %arg7[%run_scoped3A_79, %dma_wait3A_390] : memref<4x128xi32, #tpu.memory_space<vmem>> -> memref<1x128xi32, #tpu.memory_space<vmem>>
      %dma_wait3A_392 = tpu.memref_squeeze %dma_wait3A_391 : memref<1x128xi32, #tpu.memory_space<vmem>> -> memref<128xi32, #tpu.memory_space<vmem>>
      %dma_wait3A_393 = tpu.memref_slice %arg3[%add3A_78] : memref<320000xi32, #tpu.memory_space<hbm>> -> memref<128xi32, #tpu.memory_space<hbm>>
      tpu.wait_dma2 semaphore(%run_scoped3A_377 : memref<!tpu.dma_semaphore, #tpu.memory_space<semaphore_mem>>) src(%dma_wait3A_393 : memref<128xi32, #tpu.memory_space<hbm>>) dst(%dma_wait3A_392 : memref<128xi32, #tpu.memory_space<vmem>>)
      tpu.yield
    }) : () -> ()
    %run_scoped3A_80 = arith.constant 2 : i32
    "tpu.region"() ({
      %run_scoped3A_377 = tpu.sem_alloc : memref<!tpu.dma_semaphore, #tpu.memory_space<semaphore_mem>>
      %dma_start3A_378 = arith.constant 0 : i32
      %dma_start3A_379 = tpu.memref_slice %arg8[%run_scoped3A_80, %dma_start3A_378] : memref<4x128xi32, #tpu.memory_space<vmem>> -> memref<1x128xi32, #tpu.memory_space<vmem>>
      %dma_start3A_380 = tpu.memref_squeeze %dma_start3A_379 : memref<1x128xi32, #tpu.memory_space<vmem>> -> memref<128xi32, #tpu.memory_space<vmem>>
      %dma_start3A_381 = tpu.memref_slice %arg4[%add3A_78] : memref<320000xi32, #tpu.memory_space<hbm>> -> memref<128xi32, #tpu.memory_space<hbm>>
      %dma_start3A_382 = arith.constant 0 : i32
      %dma_start3A_383 = tpu.memref_slice %arg8[%run_scoped3A_80, %dma_start3A_382] : memref<4x128xi32, #tpu.memory_space<vmem>> -> memref<1x128xi32, #tpu.memory_space<vmem>>
      %dma_start3A_384 = tpu.memref_squeeze %dma_start3A_383 : memref<1x128xi32, #tpu.memory_space<vmem>> -> memref<128xi32, #tpu.memory_space<vmem>>
      %dma_start3A_385 = tpu.memref_slice %arg4[%add3A_78] : memref<320000xi32, #tpu.memory_space<hbm>> -> memref<128xi32, #tpu.memory_space<hbm>>
      tpu.enqueue_dma source(%dma_start3A_385 : memref<128xi32, #tpu.memory_space<hbm>>) target(%dma_start3A_384 : memref<128xi32, #tpu.memory_space<vmem>>) target_semaphore(%run_scoped3A_377 : memref<!tpu.dma_semaphore, #tpu.memory_space<semaphore_mem>>)
      %dma_wait3A_386 = arith.constant 0 : i32
      %dma_wait3A_387 = tpu.memref_slice %arg8[%run_scoped3A_80, %dma_wait3A_386] : memref<4x128xi32, #tpu.memory_space<vmem>> -> memref<1x128xi32, #tpu.memory_space<vmem>>
      %dma_wait3A_388 = tpu.memref_squeeze %dma_wait3A_387 : memref<1x128xi32, #tpu.memory_space<vmem>> -> memref<128xi32, #tpu.memory_space<vmem>>
      %dma_wait3A_389 = tpu.memref_slice %arg4[%add3A_78] : memref<320000xi32, #tpu.memory_space<hbm>> -> memref<128xi32, #tpu.memory_space<hbm>>
      %dma_wait3A_390 = arith.constant 0 : i32
      %dma_wait3A_391 = tpu.memref_slice %arg8[%run_scoped3A_80, %dma_wait3A_390] : memref<4x128xi32, #tpu.memory_space<vmem>> -> memref<1x128xi32, #tpu.memory_space<vmem>>
      %dma_wait3A_392 = tpu.memref_squeeze %dma_wait3A_391 : memref<1x128xi32, #tpu.memory_space<vmem>> -> memref<128xi32, #tpu.memory_space<vmem>>
      %dma_wait3A_393 = tpu.memref_slice %arg4[%add3A_78] : memref<320000xi32, #tpu.memory_space<hbm>> -> memref<128xi32, #tpu.memory_space<hbm>>
      tpu.wait_dma2 semaphore(%run_scoped3A_377 : memref<!tpu.dma_semaphore, #tpu.memory_space<semaphore_mem>>) src(%dma_wait3A_393 : memref<128xi32, #tpu.memory_space<hbm>>) dst(%dma_wait3A_392 : memref<128xi32, #tpu.memory_space<vmem>>)
      tpu.yield
    }) : () -> ()
    %scan3A = arith.constant 0 : i32
    %scan3A_81 = arith.constant 1 : i32
    %scan3A_82 = arith.constant 75 : i32
    %scan3A_83 = arith.addi %scan3A_81, %scan3A_82 : i32
    %scan3A_84 = arith.constant 1 : i32
    scf.for %scan3A_377 = %scan3A_81 to %scan3A_83 step %scan3A_84  : i32 {
      %rem3A = arith.constant 2 : i32
      %rem3A_378 = arith.remsi %scan3A_377, %rem3A : i32
      %dma_wait3A_379 = arith.constant 0 : i32
      %dma_wait3A_380 = arith.constant 0 : i32
      %dma_wait3A_381 = tpu.memref_slice %arg9[%rem3A_378, %dma_wait3A_379, %dma_wait3A_380] : memref<2x128x128xf32, #tpu.memory_space<vmem>> -> memref<1x128x128xf32, #tpu.memory_space<vmem>>
      %dma_wait3A_382 = tpu.memref_squeeze %dma_wait3A_381 : memref<1x128x128xf32, #tpu.memory_space<vmem>> -> memref<128x128xf32, #tpu.memory_space<vmem>>
      %dma_wait3A_383 = arith.constant 0 : i32
      %dma_wait3A_384 = arith.constant 0 : i32
      %dma_wait3A_385 = tpu.memref_slice %arg2[%dma_wait3A_383, %dma_wait3A_384] : memref<10000x128xf32, #tpu.memory_space<hbm>> -> memref<128x128xf32, #tpu.memory_space<hbm>>
      %dma_wait3A_386 = arith.constant 0 : i32
      %dma_wait3A_387 = arith.constant 0 : i32
      %dma_wait3A_388 = tpu.memref_slice %arg9[%rem3A_378, %dma_wait3A_386, %dma_wait3A_387] : memref<2x128x128xf32, #tpu.memory_space<vmem>> -> memref<1x128x128xf32, #tpu.memory_space<vmem>>
      %dma_wait3A_389 = tpu.memref_squeeze %dma_wait3A_388 : memref<1x128x128xf32, #tpu.memory_space<vmem>> -> memref<128x128xf32, #tpu.memory_space<vmem>>
      %dma_wait3A_390 = arith.constant 0 : i32
      %dma_wait3A_391 = arith.constant 0 : i32
      %dma_wait3A_392 = tpu.memref_slice %arg2[%dma_wait3A_390, %dma_wait3A_391] : memref<10000x128xf32, #tpu.memory_space<hbm>> -> memref<128x128xf32, #tpu.memory_space<hbm>>
      tpu.wait_dma2 semaphore(%arg14 : memref<!tpu.dma_semaphore, #tpu.memory_space<semaphore_mem>>) src(%dma_wait3A_392 : memref<128x128xf32, #tpu.memory_space<hbm>>) dst(%dma_wait3A_389 : memref<128x128xf32, #tpu.memory_space<vmem>>)
      %sub3A = arith.constant 1 : i32
      %sub3A_393 = arith.subi %sub3A, %rem3A_378 : i32
      %dma_wait3A_394 = arith.constant 0 : i32
      %dma_wait3A_395 = arith.constant 0 : i32
      %dma_wait3A_396 = tpu.memref_slice %arg9[%sub3A_393, %dma_wait3A_394, %dma_wait3A_395] : memref<2x128x128xf32, #tpu.memory_space<vmem>> -> memref<1x128x128xf32, #tpu.memory_space<vmem>>
      %dma_wait3A_397 = tpu.memref_squeeze %dma_wait3A_396 : memref<1x128x128xf32, #tpu.memory_space<vmem>> -> memref<128x128xf32, #tpu.memory_space<vmem>>
      %dma_wait3A_398 = arith.constant 0 : i32
      %dma_wait3A_399 = arith.constant 0 : i32
      %dma_wait3A_400 = tpu.memref_slice %arg2[%dma_wait3A_398, %dma_wait3A_399] : memref<10000x128xf32, #tpu.memory_space<hbm>> -> memref<128x128xf32, #tpu.memory_space<hbm>>
      %dma_wait3A_401 = arith.constant 0 : i32
      %dma_wait3A_402 = arith.constant 0 : i32
      %dma_wait3A_403 = tpu.memref_slice %arg9[%sub3A_393, %dma_wait3A_401, %dma_wait3A_402] : memref<2x128x128xf32, #tpu.memory_space<vmem>> -> memref<1x128x128xf32, #tpu.memory_space<vmem>>
      %dma_wait3A_404 = tpu.memref_squeeze %dma_wait3A_403 : memref<1x128x128xf32, #tpu.memory_space<vmem>> -> memref<128x128xf32, #tpu.memory_space<vmem>>
      %dma_wait3A_405 = arith.constant 0 : i32
      %dma_wait3A_406 = arith.constant 0 : i32
      %dma_wait3A_407 = tpu.memref_slice %arg2[%dma_wait3A_405, %dma_wait3A_406] : memref<10000x128xf32, #tpu.memory_space<hbm>> -> memref<128x128xf32, #tpu.memory_space<hbm>>
      tpu.wait_dma2 semaphore(%arg15 : memref<!tpu.dma_semaphore, #tpu.memory_space<semaphore_mem>>) src(%dma_wait3A_407 : memref<128x128xf32, #tpu.memory_space<hbm>>) dst(%dma_wait3A_404 : memref<128x128xf32, #tpu.memory_space<vmem>>)
      %add3A_408 = arith.constant 1 : i32
      %add3A_409 = arith.addi %scan3A_377, %add3A_408 : i32
      %rem3A_410 = arith.constant 4 : i32
      %rem3A_411 = arith.remsi %add3A_409, %rem3A_410 : i32
      %sub3A_412 = arith.constant 1 : i32
      %sub3A_413 = arith.subi %sub3A_412, %rem3A_378 : i32
      %dma_start3A_414 = arith.constant 0 : i32
      %dma_start3A_415 = arith.constant 0 : i32
      %dma_start3A_416 = tpu.memref_slice %arg9[%sub3A_413, %dma_start3A_414, %dma_start3A_415] : memref<2x128x128xf32, #tpu.memory_space<vmem>> -> memref<1x128x128xf32, #tpu.memory_space<vmem>>
      %dma_start3A_417 = tpu.memref_squeeze %dma_start3A_416 : memref<1x128x128xf32, #tpu.memory_space<vmem>> -> memref<128x128xf32, #tpu.memory_space<vmem>>
      %dma_start3A_418 = arith.constant 0 : i32
      %dma_start3A_419 = tpu.memref_slice %arg8[%rem3A_411, %dma_start3A_418] : memref<4x128xi32, #tpu.memory_space<vmem>> -> memref<1x128xi32, #tpu.memory_space<vmem>>
      %dma_start3A_420 = tpu.memref_squeeze %dma_start3A_419 : memref<1x128xi32, #tpu.memory_space<vmem>> -> memref<128xi32, #tpu.memory_space<vmem>>
      %dma_start3A_421 = arith.constant 0 : i32
      %dma_start3A_422 = arith.constant 0 : i32
      %dma_start3A_423 = tpu.memref_slice %arg2[%dma_start3A_421, %dma_start3A_422] : memref<10000x128xf32, #tpu.memory_space<hbm>> -> memref<10000x128xf32, #tpu.memory_space<hbm>>
      tpu.enqueue_indirect_dma source(%dma_start3A_423 : memref<10000x128xf32, #tpu.memory_space<hbm>>) target(%dma_start3A_417 : memref<128x128xf32, #tpu.memory_space<vmem>>) offsets(%dma_start3A_420 : memref<128xi32, #tpu.memory_space<vmem>>) semaphore(%arg14 : memref<!tpu.dma_semaphore, #tpu.memory_space<semaphore_mem>>)
      %rem3A_424 = arith.constant 4 : i32
      %rem3A_425 = arith.remsi %scan3A_377, %rem3A_424 : i32
      %dma_start3A_426 = arith.constant 0 : i32
      %dma_start3A_427 = arith.constant 0 : i32
      %dma_start3A_428 = tpu.memref_slice %arg9[%rem3A_378, %dma_start3A_426, %dma_start3A_427] : memref<2x128x128xf32, #tpu.memory_space<vmem>> -> memref<1x128x128xf32, #tpu.memory_space<vmem>>
      %dma_start3A_429 = tpu.memref_squeeze %dma_start3A_428 : memref<1x128x128xf32, #tpu.memory_space<vmem>> -> memref<128x128xf32, #tpu.memory_space<vmem>>
      %dma_start3A_430 = arith.constant 0 : i32
      %dma_start3A_431 = tpu.memref_slice %arg7[%rem3A_425, %dma_start3A_430] : memref<4x128xi32, #tpu.memory_space<vmem>> -> memref<1x128xi32, #tpu.memory_space<vmem>>
      %dma_start3A_432 = tpu.memref_squeeze %dma_start3A_431 : memref<1x128xi32, #tpu.memory_space<vmem>> -> memref<128xi32, #tpu.memory_space<vmem>>
      %dma_start3A_433 = arith.constant 0 : i32
      %dma_start3A_434 = arith.constant 0 : i32
      %dma_start3A_435 = tpu.memref_slice %arg13[%dma_start3A_433, %dma_start3A_434] : memref<10240x128xf32, #tpu.memory_space<vmem_shared>> -> memref<10240x128xf32, #tpu.memory_space<vmem_shared>>
      tpu.enqueue_indirect_dma source(%dma_start3A_429 : memref<128x128xf32, #tpu.memory_space<vmem>>) target(%dma_start3A_435 : memref<10240x128xf32, #tpu.memory_space<vmem_shared>>) offsets(%dma_start3A_432 : memref<128xi32, #tpu.memory_space<vmem>>) semaphore(%arg15 : memref<!tpu.dma_semaphore, #tpu.memory_space<semaphore_mem>>) {add = true}
      %add3A_436 = arith.constant 2 : i32
      %add3A_437 = arith.addi %scan3A_377, %add3A_436 : i32
      %add3A_438 = arith.constant 2 : i32
      %add3A_439 = arith.addi %scan3A_377, %add3A_438 : i32
      %rem3A_440 = arith.constant 4 : i32
      %rem3A_441 = arith.remsi %add3A_439, %rem3A_440 : i32
      %mul3A_442 = arith.constant 128 : i32
      %mul3A_443 = arith.muli %add3A_437, %mul3A_442 : i32
      %add3A_444 = arith.addi %mul3A_19, %mul3A_443 : i32
      "tpu.region"() ({
        %run_scoped3A_445 = tpu.sem_alloc : memref<!tpu.dma_semaphore, #tpu.memory_space<semaphore_mem>>
        %dma_start3A_446 = arith.constant 0 : i32
        %dma_start3A_447 = tpu.memref_slice %arg7[%rem3A_441, %dma_start3A_446] : memref<4x128xi32, #tpu.memory_space<vmem>> -> memref<1x128xi32, #tpu.memory_space<vmem>>
        %dma_start3A_448 = tpu.memref_squeeze %dma_start3A_447 : memref<1x128xi32, #tpu.memory_space<vmem>> -> memref<128xi32, #tpu.memory_space<vmem>>
        %dma_start3A_449 = tpu.memref_slice %arg3[%add3A_444] : memref<320000xi32, #tpu.memory_space<hbm>> -> memref<128xi32, #tpu.memory_space<hbm>>
        %dma_start3A_450 = arith.constant 0 : i32
        %dma_start3A_451 = tpu.memref_slice %arg7[%rem3A_441, %dma_start3A_450] : memref<4x128xi32, #tpu.memory_space<vmem>> -> memref<1x128xi32, #tpu.memory_space<vmem>>
        %dma_start3A_452 = tpu.memref_squeeze %dma_start3A_451 : memref<1x128xi32, #tpu.memory_space<vmem>> -> memref<128xi32, #tpu.memory_space<vmem>>
        %dma_start3A_453 = tpu.memref_slice %arg3[%add3A_444] : memref<320000xi32, #tpu.memory_space<hbm>> -> memref<128xi32, #tpu.memory_space<hbm>>
        tpu.enqueue_dma source(%dma_start3A_453 : memref<128xi32, #tpu.memory_space<hbm>>) target(%dma_start3A_452 : memref<128xi32, #tpu.memory_space<vmem>>) target_semaphore(%run_scoped3A_445 : memref<!tpu.dma_semaphore, #tpu.memory_space<semaphore_mem>>)
        %dma_wait3A_454 = arith.constant 0 : i32
        %dma_wait3A_455 = tpu.memref_slice %arg7[%rem3A_441, %dma_wait3A_454] : memref<4x128xi32, #tpu.memory_space<vmem>> -> memref<1x128xi32, #tpu.memory_space<vmem>>
        %dma_wait3A_456 = tpu.memref_squeeze %dma_wait3A_455 : memref<1x128xi32, #tpu.memory_space<vmem>> -> memref<128xi32, #tpu.memory_space<vmem>>
        %dma_wait3A_457 = tpu.memref_slice %arg3[%add3A_444] : memref<320000xi32, #tpu.memory_space<hbm>> -> memref<128xi32, #tpu.memory_space<hbm>>
        %dma_wait3A_458 = arith.constant 0 : i32
        %dma_wait3A_459 = tpu.memref_slice %arg7[%rem3A_441, %dma_wait3A_458] : memref<4x128xi32, #tpu.memory_space<vmem>> -> memref<1x128xi32, #tpu.memory_space<vmem>>
        %dma_wait3A_460 = tpu.memref_squeeze %dma_wait3A_459 : memref<1x128xi32, #tpu.memory_space<vmem>> -> memref<128xi32, #tpu.memory_space<vmem>>
        %dma_wait3A_461 = tpu.memref_slice %arg3[%add3A_444] : memref<320000xi32, #tpu.memory_space<hbm>> -> memref<128xi32, #tpu.memory_space<hbm>>
        tpu.wait_dma2 semaphore(%run_scoped3A_445 : memref<!tpu.dma_semaphore, #tpu.memory_space<semaphore_mem>>) src(%dma_wait3A_461 : memref<128xi32, #tpu.memory_space<hbm>>) dst(%dma_wait3A_460 : memref<128xi32, #tpu.memory_space<vmem>>)
        tpu.yield
      }) : () -> ()
      "tpu.region"() ({
        %run_scoped3A_445 = tpu.sem_alloc : memref<!tpu.dma_semaphore, #tpu.memory_space<semaphore_mem>>
        %dma_start3A_446 = arith.constant 0 : i32
        %dma_start3A_447 = tpu.memref_slice %arg8[%rem3A_441, %dma_start3A_446] : memref<4x128xi32, #tpu.memory_space<vmem>> -> memref<1x128xi32, #tpu.memory_space<vmem>>
        %dma_start3A_448 = tpu.memref_squeeze %dma_start3A_447 : memref<1x128xi32, #tpu.memory_space<vmem>> -> memref<128xi32, #tpu.memory_space<vmem>>
        %dma_start3A_449 = tpu.memref_slice %arg4[%add3A_444] : memref<320000xi32, #tpu.memory_space<hbm>> -> memref<128xi32, #tpu.memory_space<hbm>>
        %dma_start3A_450 = arith.constant 0 : i32
        %dma_start3A_451 = tpu.memref_slice %arg8[%rem3A_441, %dma_start3A_450] : memref<4x128xi32, #tpu.memory_space<vmem>> -> memref<1x128xi32, #tpu.memory_space<vmem>>
        %dma_start3A_452 = tpu.memref_squeeze %dma_start3A_451 : memref<1x128xi32, #tpu.memory_space<vmem>> -> memref<128xi32, #tpu.memory_space<vmem>>
        %dma_start3A_453 = tpu.memref_slice %arg4[%add3A_444] : memref<320000xi32, #tpu.memory_space<hbm>> -> memref<128xi32, #tpu.memory_space<hbm>>
        tpu.enqueue_dma source(%dma_start3A_453 : memref<128xi32, #tpu.memory_space<hbm>>) target(%dma_start3A_452 : memref<128xi32, #tpu.memory_space<vmem>>) target_semaphore(%run_scoped3A_445 : memref<!tpu.dma_semaphore, #tpu.memory_space<semaphore_mem>>)
        %dma_wait3A_454 = arith.constant 0 : i32
        %dma_wait3A_455 = tpu.memref_slice %arg8[%rem3A_441, %dma_wait3A_454] : memref<4x128xi32, #tpu.memory_space<vmem>> -> memref<1x128xi32, #tpu.memory_space<vmem>>
        %dma_wait3A_456 = tpu.memref_squeeze %dma_wait3A_455 : memref<1x128xi32, #tpu.memory_space<vmem>> -> memref<128xi32, #tpu.memory_space<vmem>>
        %dma_wait3A_457 = tpu.memref_slice %arg4[%add3A_444] : memref<320000xi32, #tpu.memory_space<hbm>> -> memref<128xi32, #tpu.memory_space<hbm>>
        %dma_wait3A_458 = arith.constant 0 : i32
        %dma_wait3A_459 = tpu.memref_slice %arg8[%rem3A_441, %dma_wait3A_458] : memref<4x128xi32, #tpu.memory_space<vmem>> -> memref<1x128xi32, #tpu.memory_space<vmem>>
        %dma_wait3A_460 = tpu.memref_squeeze %dma_wait3A_459 : memref<1x128xi32, #tpu.memory_space<vmem>> -> memref<128xi32, #tpu.memory_space<vmem>>
        %dma_wait3A_461 = tpu.memref_slice %arg4[%add3A_444] : memref<320000xi32, #tpu.memory_space<hbm>> -> memref<128xi32, #tpu.memory_space<hbm>>
        tpu.wait_dma2 semaphore(%run_scoped3A_445 : memref<!tpu.dma_semaphore, #tpu.memory_space<semaphore_mem>>) src(%dma_wait3A_461 : memref<128xi32, #tpu.memory_space<hbm>>) dst(%dma_wait3A_460 : memref<128xi32, #tpu.memory_space<vmem>>)
        tpu.yield
      }) : () -> ()
    }
    %scan3A_85 = arith.constant 75 : i32
    %dma_wait3A_86 = arith.constant 0 : i32
    %dma_wait3A_87 = arith.constant 0 : i32
    %dma_wait3A_88 = arith.constant 0 : i32
    %dma_wait3A_89 = tpu.memref_slice %arg9[%dma_wait3A_86, %dma_wait3A_87, %dma_wait3A_88] : memref<2x128x128xf32, #tpu.memory_space<vmem>> -> memref<1x128x128xf32, #tpu.memory_space<vmem>>
    %dma_wait3A_90 = tpu.memref_squeeze %dma_wait3A_89 : memref<1x128x128xf32, #tpu.memory_space<vmem>> -> memref<128x128xf32, #tpu.memory_space<vmem>>
    %dma_wait3A_91 = arith.constant 0 : i32
    %dma_wait3A_92 = arith.constant 0 : i32
    %dma_wait3A_93 = tpu.memref_slice %arg2[%dma_wait3A_91, %dma_wait3A_92] : memref<10000x128xf32, #tpu.memory_space<hbm>> -> memref<128x128xf32, #tpu.memory_space<hbm>>
    %dma_wait3A_94 = arith.constant 0 : i32
    %dma_wait3A_95 = arith.constant 0 : i32
    %dma_wait3A_96 = tpu.memref_slice %arg9[%dma_wait3A_86, %dma_wait3A_94, %dma_wait3A_95] : memref<2x128x128xf32, #tpu.memory_space<vmem>> -> memref<1x128x128xf32, #tpu.memory_space<vmem>>
    %dma_wait3A_97 = tpu.memref_squeeze %dma_wait3A_96 : memref<1x128x128xf32, #tpu.memory_space<vmem>> -> memref<128x128xf32, #tpu.memory_space<vmem>>
    %dma_wait3A_98 = arith.constant 0 : i32
    %dma_wait3A_99 = arith.constant 0 : i32
    %dma_wait3A_100 = tpu.memref_slice %arg2[%dma_wait3A_98, %dma_wait3A_99] : memref<10000x128xf32, #tpu.memory_space<hbm>> -> memref<128x128xf32, #tpu.memory_space<hbm>>
    tpu.wait_dma2 semaphore(%arg14 : memref<!tpu.dma_semaphore, #tpu.memory_space<semaphore_mem>>) src(%dma_wait3A_100 : memref<128x128xf32, #tpu.memory_space<hbm>>) dst(%dma_wait3A_97 : memref<128x128xf32, #tpu.memory_space<vmem>>)
    %dma_wait3A_101 = arith.constant 1 : i32
    %dma_wait3A_102 = arith.constant 0 : i32
    %dma_wait3A_103 = arith.constant 0 : i32
    %dma_wait3A_104 = tpu.memref_slice %arg9[%dma_wait3A_101, %dma_wait3A_102, %dma_wait3A_103] : memref<2x128x128xf32, #tpu.memory_space<vmem>> -> memref<1x128x128xf32, #tpu.memory_space<vmem>>
    %dma_wait3A_105 = tpu.memref_squeeze %dma_wait3A_104 : memref<1x128x128xf32, #tpu.memory_space<vmem>> -> memref<128x128xf32, #tpu.memory_space<vmem>>
    %dma_wait3A_106 = arith.constant 0 : i32
    %dma_wait3A_107 = arith.constant 0 : i32
    %dma_wait3A_108 = tpu.memref_slice %arg2[%dma_wait3A_106, %dma_wait3A_107] : memref<10000x128xf32, #tpu.memory_space<hbm>> -> memref<128x128xf32, #tpu.memory_space<hbm>>
    %dma_wait3A_109 = arith.constant 0 : i32
    %dma_wait3A_110 = arith.constant 0 : i32
    %dma_wait3A_111 = tpu.memref_slice %arg9[%dma_wait3A_101, %dma_wait3A_109, %dma_wait3A_110] : memref<2x128x128xf32, #tpu.memory_space<vmem>> -> memref<1x128x128xf32, #tpu.memory_space<vmem>>
    %dma_wait3A_112 = tpu.memref_squeeze %dma_wait3A_111 : memref<1x128x128xf32, #tpu.memory_space<vmem>> -> memref<128x128xf32, #tpu.memory_space<vmem>>
    %dma_wait3A_113 = arith.constant 0 : i32
    %dma_wait3A_114 = arith.constant 0 : i32
    %dma_wait3A_115 = tpu.memref_slice %arg2[%dma_wait3A_113, %dma_wait3A_114] : memref<10000x128xf32, #tpu.memory_space<hbm>> -> memref<128x128xf32, #tpu.memory_space<hbm>>
    tpu.wait_dma2 semaphore(%arg15 : memref<!tpu.dma_semaphore, #tpu.memory_space<semaphore_mem>>) src(%dma_wait3A_115 : memref<128x128xf32, #tpu.memory_space<hbm>>) dst(%dma_wait3A_112 : memref<128x128xf32, #tpu.memory_space<vmem>>)
    %dma_start3A_116 = arith.constant 1 : i32
    %dma_start3A_117 = arith.constant 1 : i32
    %dma_start3A_118 = arith.constant 0 : i32
    %dma_start3A_119 = arith.constant 0 : i32
    %dma_start3A_120 = tpu.memref_slice %arg9[%dma_start3A_117, %dma_start3A_118, %dma_start3A_119] : memref<2x128x128xf32, #tpu.memory_space<vmem>> -> memref<1x128x128xf32, #tpu.memory_space<vmem>>
    %dma_start3A_121 = tpu.memref_squeeze %dma_start3A_120 : memref<1x128x128xf32, #tpu.memory_space<vmem>> -> memref<128x128xf32, #tpu.memory_space<vmem>>
    %dma_start3A_122 = arith.constant 0 : i32
    %dma_start3A_123 = tpu.memref_slice %arg8[%dma_start3A_116, %dma_start3A_122] : memref<4x128xi32, #tpu.memory_space<vmem>> -> memref<1x128xi32, #tpu.memory_space<vmem>>
    %dma_start3A_124 = tpu.memref_squeeze %dma_start3A_123 : memref<1x128xi32, #tpu.memory_space<vmem>> -> memref<128xi32, #tpu.memory_space<vmem>>
    %dma_start3A_125 = arith.constant 0 : i32
    %dma_start3A_126 = arith.constant 0 : i32
    %dma_start3A_127 = tpu.memref_slice %arg2[%dma_start3A_125, %dma_start3A_126] : memref<10000x128xf32, #tpu.memory_space<hbm>> -> memref<10000x128xf32, #tpu.memory_space<hbm>>
    tpu.enqueue_indirect_dma source(%dma_start3A_127 : memref<10000x128xf32, #tpu.memory_space<hbm>>) target(%dma_start3A_121 : memref<128x128xf32, #tpu.memory_space<vmem>>) offsets(%dma_start3A_124 : memref<128xi32, #tpu.memory_space<vmem>>) semaphore(%arg14 : memref<!tpu.dma_semaphore, #tpu.memory_space<semaphore_mem>>)
    %dma_start3A_128 = arith.constant 0 : i32
    %dma_start3A_129 = arith.constant 0 : i32
    %dma_start3A_130 = arith.constant 0 : i32
    %dma_start3A_131 = arith.constant 0 : i32
    %dma_start3A_132 = tpu.memref_slice %arg9[%dma_start3A_128, %dma_start3A_130, %dma_start3A_131] : memref<2x128x128xf32, #tpu.memory_space<vmem>> -> memref<1x128x128xf32, #tpu.memory_space<vmem>>
    %dma_start3A_133 = tpu.memref_squeeze %dma_start3A_132 : memref<1x128x128xf32, #tpu.memory_space<vmem>> -> memref<128x128xf32, #tpu.memory_space<vmem>>
    %dma_start3A_134 = arith.constant 0 : i32
    %dma_start3A_135 = tpu.memref_slice %arg7[%dma_start3A_129, %dma_start3A_134] : memref<4x128xi32, #tpu.memory_space<vmem>> -> memref<1x128xi32, #tpu.memory_space<vmem>>
    %dma_start3A_136 = tpu.memref_squeeze %dma_start3A_135 : memref<1x128xi32, #tpu.memory_space<vmem>> -> memref<128xi32, #tpu.memory_space<vmem>>
    %dma_start3A_137 = arith.constant 0 : i32
    %dma_start3A_138 = arith.constant 0 : i32
    %dma_start3A_139 = tpu.memref_slice %arg13[%dma_start3A_137, %dma_start3A_138] : memref<10240x128xf32, #tpu.memory_space<vmem_shared>> -> memref<10240x128xf32, #tpu.memory_space<vmem_shared>>
    tpu.enqueue_indirect_dma source(%dma_start3A_133 : memref<128x128xf32, #tpu.memory_space<vmem>>) target(%dma_start3A_139 : memref<10240x128xf32, #tpu.memory_space<vmem_shared>>) offsets(%dma_start3A_136 : memref<128xi32, #tpu.memory_space<vmem>>) semaphore(%arg15 : memref<!tpu.dma_semaphore, #tpu.memory_space<semaphore_mem>>) {add = true}
    %dma_wait3A_140 = arith.constant 1 : i32
    %dma_wait3A_141 = arith.constant 0 : i32
    %dma_wait3A_142 = arith.constant 0 : i32
    %dma_wait3A_143 = tpu.memref_slice %arg9[%dma_wait3A_140, %dma_wait3A_141, %dma_wait3A_142] : memref<2x128x128xf32, #tpu.memory_space<vmem>> -> memref<1x128x128xf32, #tpu.memory_space<vmem>>
    %dma_wait3A_144 = tpu.memref_squeeze %dma_wait3A_143 : memref<1x128x128xf32, #tpu.memory_space<vmem>> -> memref<128x128xf32, #tpu.memory_space<vmem>>
    %dma_wait3A_145 = arith.constant 0 : i32
    %dma_wait3A_146 = arith.constant 0 : i32
    %dma_wait3A_147 = tpu.memref_slice %arg2[%dma_wait3A_145, %dma_wait3A_146] : memref<10000x128xf32, #tpu.memory_space<hbm>> -> memref<128x128xf32, #tpu.memory_space<hbm>>
    %dma_wait3A_148 = arith.constant 0 : i32
    %dma_wait3A_149 = arith.constant 0 : i32
    %dma_wait3A_150 = tpu.memref_slice %arg9[%dma_wait3A_140, %dma_wait3A_148, %dma_wait3A_149] : memref<2x128x128xf32, #tpu.memory_space<vmem>> -> memref<1x128x128xf32, #tpu.memory_space<vmem>>
    %dma_wait3A_151 = tpu.memref_squeeze %dma_wait3A_150 : memref<1x128x128xf32, #tpu.memory_space<vmem>> -> memref<128x128xf32, #tpu.memory_space<vmem>>
    %dma_wait3A_152 = arith.constant 0 : i32
    %dma_wait3A_153 = arith.constant 0 : i32
    %dma_wait3A_154 = tpu.memref_slice %arg2[%dma_wait3A_152, %dma_wait3A_153] : memref<10000x128xf32, #tpu.memory_space<hbm>> -> memref<128x128xf32, #tpu.memory_space<hbm>>
    tpu.wait_dma2 semaphore(%arg14 : memref<!tpu.dma_semaphore, #tpu.memory_space<semaphore_mem>>) src(%dma_wait3A_154 : memref<128x128xf32, #tpu.memory_space<hbm>>) dst(%dma_wait3A_151 : memref<128x128xf32, #tpu.memory_space<vmem>>)
    %dma_wait3A_155 = arith.constant 0 : i32
    %dma_wait3A_156 = arith.constant 0 : i32
    %dma_wait3A_157 = arith.constant 0 : i32
    %dma_wait3A_158 = tpu.memref_slice %arg9[%dma_wait3A_155, %dma_wait3A_156, %dma_wait3A_157] : memref<2x128x128xf32, #tpu.memory_space<vmem>> -> memref<1x128x128xf32, #tpu.memory_space<vmem>>
    %dma_wait3A_159 = tpu.memref_squeeze %dma_wait3A_158 : memref<1x128x128xf32, #tpu.memory_space<vmem>> -> memref<128x128xf32, #tpu.memory_space<vmem>>
    %dma_wait3A_160 = arith.constant 0 : i32
    %dma_wait3A_161 = arith.constant 0 : i32
    %dma_wait3A_162 = tpu.memref_slice %arg2[%dma_wait3A_160, %dma_wait3A_161] : memref<10000x128xf32, #tpu.memory_space<hbm>> -> memref<128x128xf32, #tpu.memory_space<hbm>>
    %dma_wait3A_163 = arith.constant 0 : i32
    %dma_wait3A_164 = arith.constant 0 : i32
    %dma_wait3A_165 = tpu.memref_slice %arg9[%dma_wait3A_155, %dma_wait3A_163, %dma_wait3A_164] : memref<2x128x128xf32, #tpu.memory_space<vmem>> -> memref<1x128x128xf32, #tpu.memory_space<vmem>>
    %dma_wait3A_166 = tpu.memref_squeeze %dma_wait3A_165 : memref<1x128x128xf32, #tpu.memory_space<vmem>> -> memref<128x128xf32, #tpu.memory_space<vmem>>
    %dma_wait3A_167 = arith.constant 0 : i32
    %dma_wait3A_168 = arith.constant 0 : i32
    %dma_wait3A_169 = tpu.memref_slice %arg2[%dma_wait3A_167, %dma_wait3A_168] : memref<10000x128xf32, #tpu.memory_space<hbm>> -> memref<128x128xf32, #tpu.memory_space<hbm>>
    tpu.wait_dma2 semaphore(%arg15 : memref<!tpu.dma_semaphore, #tpu.memory_space<semaphore_mem>>) src(%dma_wait3A_169 : memref<128x128xf32, #tpu.memory_space<hbm>>) dst(%dma_wait3A_166 : memref<128x128xf32, #tpu.memory_space<vmem>>)
    %dma_start3A_170 = arith.constant 1 : i32
    %dma_start3A_171 = arith.constant 1 : i32
    %dma_start3A_172 = arith.constant 0 : i32
    %dma_start3A_173 = arith.constant 0 : i32
    %dma_start3A_174 = tpu.memref_slice %arg9[%dma_start3A_170, %dma_start3A_172, %dma_start3A_173] : memref<2x128x128xf32, #tpu.memory_space<vmem>> -> memref<1x128x128xf32, #tpu.memory_space<vmem>>
    %dma_start3A_175 = tpu.memref_squeeze %dma_start3A_174 : memref<1x128x128xf32, #tpu.memory_space<vmem>> -> memref<128x128xf32, #tpu.memory_space<vmem>>
    %dma_start3A_176 = arith.constant 0 : i32
    %dma_start3A_177 = tpu.memref_slice %arg7[%dma_start3A_171, %dma_start3A_176] : memref<4x128xi32, #tpu.memory_space<vmem>> -> memref<1x128xi32, #tpu.memory_space<vmem>>
    %dma_start3A_178 = tpu.memref_squeeze %dma_start3A_177 : memref<1x128xi32, #tpu.memory_space<vmem>> -> memref<128xi32, #tpu.memory_space<vmem>>
    %dma_start3A_179 = arith.constant 0 : i32
    %dma_start3A_180 = arith.constant 0 : i32
    %dma_start3A_181 = tpu.memref_slice %arg13[%dma_start3A_179, %dma_start3A_180] : memref<10240x128xf32, #tpu.memory_space<vmem_shared>> -> memref<10240x128xf32, #tpu.memory_space<vmem_shared>>
    tpu.enqueue_indirect_dma source(%dma_start3A_175 : memref<128x128xf32, #tpu.memory_space<vmem>>) target(%dma_start3A_181 : memref<10240x128xf32, #tpu.memory_space<vmem_shared>>) offsets(%dma_start3A_178 : memref<128xi32, #tpu.memory_space<vmem>>) semaphore(%arg15 : memref<!tpu.dma_semaphore, #tpu.memory_space<semaphore_mem>>) {add = true}
    %dma_wait3A_182 = arith.constant 1 : i32
    %dma_wait3A_183 = arith.constant 0 : i32
    %dma_wait3A_184 = arith.constant 0 : i32
    %dma_wait3A_185 = tpu.memref_slice %arg9[%dma_wait3A_182, %dma_wait3A_183, %dma_wait3A_184] : memref<2x128x128xf32, #tpu.memory_space<vmem>> -> memref<1x128x128xf32, #tpu.memory_space<vmem>>
    %dma_wait3A_186 = tpu.memref_squeeze %dma_wait3A_185 : memref<1x128x128xf32, #tpu.memory_space<vmem>> -> memref<128x128xf32, #tpu.memory_space<vmem>>
    %dma_wait3A_187 = arith.constant 0 : i32
    %dma_wait3A_188 = arith.constant 0 : i32
    %dma_wait3A_189 = tpu.memref_slice %arg2[%dma_wait3A_187, %dma_wait3A_188] : memref<10000x128xf32, #tpu.memory_space<hbm>> -> memref<128x128xf32, #tpu.memory_space<hbm>>
    %dma_wait3A_190 = arith.constant 0 : i32
    %dma_wait3A_191 = arith.constant 0 : i32
    %dma_wait3A_192 = tpu.memref_slice %arg9[%dma_wait3A_182, %dma_wait3A_190, %dma_wait3A_191] : memref<2x128x128xf32, #tpu.memory_space<vmem>> -> memref<1x128x128xf32, #tpu.memory_space<vmem>>
    %dma_wait3A_193 = tpu.memref_squeeze %dma_wait3A_192 : memref<1x128x128xf32, #tpu.memory_space<vmem>> -> memref<128x128xf32, #tpu.memory_space<vmem>>
    %dma_wait3A_194 = arith.constant 0 : i32
    %dma_wait3A_195 = arith.constant 0 : i32
    %dma_wait3A_196 = tpu.memref_slice %arg2[%dma_wait3A_194, %dma_wait3A_195] : memref<10000x128xf32, #tpu.memory_space<hbm>> -> memref<128x128xf32, #tpu.memory_space<hbm>>
    tpu.wait_dma2 semaphore(%arg15 : memref<!tpu.dma_semaphore, #tpu.memory_space<semaphore_mem>>) src(%dma_wait3A_196 : memref<128x128xf32, #tpu.memory_space<hbm>>) dst(%dma_wait3A_193 : memref<128x128xf32, #tpu.memory_space<vmem>>)
    %add3A_197 = arith.constant 9984 : i32
    %add3A_198 = arith.addi %mul3A_19, %add3A_197 : i32
    "tpu.region"() ({
      %run_scoped3A_377 = tpu.sem_alloc : memref<!tpu.dma_semaphore, #tpu.memory_space<semaphore_mem>>
      %dma_start3A_378 = tpu.memref_slice %arg3[%add3A_198] : memref<320000xi32, #tpu.memory_space<hbm>> -> memref<16xi32, #tpu.memory_space<hbm>>
      %dma_start3A_379 = tpu.memref_slice %arg3[%add3A_198] : memref<320000xi32, #tpu.memory_space<hbm>> -> memref<16xi32, #tpu.memory_space<hbm>>
      tpu.enqueue_dma source(%dma_start3A_379 : memref<16xi32, #tpu.memory_space<hbm>>) target(%arg10 : memref<16xi32, #tpu.memory_space<vmem>>) target_semaphore(%run_scoped3A_377 : memref<!tpu.dma_semaphore, #tpu.memory_space<semaphore_mem>>)
      %dma_wait3A_380 = tpu.memref_slice %arg3[%add3A_198] : memref<320000xi32, #tpu.memory_space<hbm>> -> memref<16xi32, #tpu.memory_space<hbm>>
      %dma_wait3A_381 = tpu.memref_slice %arg3[%add3A_198] : memref<320000xi32, #tpu.memory_space<hbm>> -> memref<16xi32, #tpu.memory_space<hbm>>
      tpu.wait_dma2 semaphore(%run_scoped3A_377 : memref<!tpu.dma_semaphore, #tpu.memory_space<semaphore_mem>>) src(%dma_wait3A_381 : memref<16xi32, #tpu.memory_space<hbm>>) dst(%arg10 : memref<16xi32, #tpu.memory_space<vmem>>)
      tpu.yield
    }) : () -> ()
    "tpu.region"() ({
      %run_scoped3A_377 = tpu.sem_alloc : memref<!tpu.dma_semaphore, #tpu.memory_space<semaphore_mem>>
      %dma_start3A_378 = tpu.memref_slice %arg4[%add3A_198] : memref<320000xi32, #tpu.memory_space<hbm>> -> memref<16xi32, #tpu.memory_space<hbm>>
      %dma_start3A_379 = tpu.memref_slice %arg4[%add3A_198] : memref<320000xi32, #tpu.memory_space<hbm>> -> memref<16xi32, #tpu.memory_space<hbm>>
      tpu.enqueue_dma source(%dma_start3A_379 : memref<16xi32, #tpu.memory_space<hbm>>) target(%arg11 : memref<16xi32, #tpu.memory_space<vmem>>) target_semaphore(%run_scoped3A_377 : memref<!tpu.dma_semaphore, #tpu.memory_space<semaphore_mem>>)
      %dma_wait3A_380 = tpu.memref_slice %arg4[%add3A_198] : memref<320000xi32, #tpu.memory_space<hbm>> -> memref<16xi32, #tpu.memory_space<hbm>>
      %dma_wait3A_381 = tpu.memref_slice %arg4[%add3A_198] : memref<320000xi32, #tpu.memory_space<hbm>> -> memref<16xi32, #tpu.memory_space<hbm>>
      tpu.wait_dma2 semaphore(%run_scoped3A_377 : memref<!tpu.dma_semaphore, #tpu.memory_space<semaphore_mem>>) src(%dma_wait3A_381 : memref<16xi32, #tpu.memory_space<hbm>>) dst(%arg11 : memref<16xi32, #tpu.memory_space<vmem>>)
      tpu.yield
    }) : () -> ()
    %dma_start3A_199 = arith.constant 0 : i32
    %dma_start3A_200 = arith.constant 0 : i32
    %dma_start3A_201 = tpu.memref_slice %arg2[%dma_start3A_199, %dma_start3A_200] : memref<10000x128xf32, #tpu.memory_space<hbm>> -> memref<10000x128xf32, #tpu.memory_space<hbm>>
    tpu.enqueue_indirect_dma source(%dma_start3A_201 : memref<10000x128xf32, #tpu.memory_space<hbm>>) target(%arg12 : memref<16x128xf32, #tpu.memory_space<vmem>>) offsets(%arg11 : memref<16xi32, #tpu.memory_space<vmem>>) semaphore(%arg14 : memref<!tpu.dma_semaphore, #tpu.memory_space<semaphore_mem>>)
    %dma_wait3A_202 = arith.constant 0 : i32
    %dma_wait3A_203 = arith.constant 0 : i32
    %dma_wait3A_204 = tpu.memref_slice %arg2[%dma_wait3A_202, %dma_wait3A_203] : memref<10000x128xf32, #tpu.memory_space<hbm>> -> memref<10000x128xf32, #tpu.memory_space<hbm>>
    tpu.wait_indirect_dma semaphore(%arg14 : memref<!tpu.dma_semaphore, #tpu.memory_space<semaphore_mem>>) src(%dma_wait3A_204 : memref<10000x128xf32, #tpu.memory_space<hbm>>) dst(%arg12 : memref<16x128xf32, #tpu.memory_space<vmem>>)
    "tpu.region"() ({
      %run_scoped3A_377 = tpu.sem_alloc : memref<!tpu.dma_semaphore, #tpu.memory_space<semaphore_mem>>
      %dma_start3A_378 = arith.constant 0 : i32
      %dma_start3A_379 = arith.constant 0 : i32
      %dma_start3A_380 = tpu.memref_slice %arg13[%dma_start3A_378, %dma_start3A_379] : memref<10240x128xf32, #tpu.memory_space<vmem_shared>> -> memref<10240x128xf32, #tpu.memory_space<vmem_shared>>
      tpu.enqueue_indirect_dma source(%arg12 : memref<16x128xf32, #tpu.memory_space<vmem>>) target(%dma_start3A_380 : memref<10240x128xf32, #tpu.memory_space<vmem_shared>>) offsets(%arg10 : memref<16xi32, #tpu.memory_space<vmem>>) semaphore(%run_scoped3A_377 : memref<!tpu.dma_semaphore, #tpu.memory_space<semaphore_mem>>) {add = true}
      %dma_wait3A_381 = arith.constant 0 : i32
      %dma_wait3A_382 = arith.constant 0 : i32
      %dma_wait3A_383 = tpu.memref_slice %arg13[%dma_wait3A_381, %dma_wait3A_382] : memref<10240x128xf32, #tpu.memory_space<vmem_shared>> -> memref<10240x128xf32, #tpu.memory_space<vmem_shared>>
      tpu.wait_indirect_dma semaphore(%run_scoped3A_377 : memref<!tpu.dma_semaphore, #tpu.memory_space<semaphore_mem>>) src(%arg12 : memref<16x128xf32, #tpu.memory_space<vmem>>) dst(%dma_wait3A_383 : memref<10240x128xf32, #tpu.memory_space<vmem_shared>>)
      tpu.yield
    }) : () -> ()
    %barrier3A_205 = arith.constant 0 : index
    tpu.barrier barrier_id(%barrier3A_205)
    %run_scoped3A_206 = arith.constant 0 : i32
    "tpu.region"() ({
      %run_scoped3A_377 = tpu.sem_alloc : memref<!tpu.dma_semaphore, #tpu.memory_space<semaphore_mem>>
      %dma_start3A_378 = arith.constant 0 : i32
      %dma_start3A_379 = arith.constant 0 : i32
      %dma_start3A_380 = tpu.memref_slice %arg9[%run_scoped3A_206, %dma_start3A_378, %dma_start3A_379] : memref<2x128x128xf32, #tpu.memory_space<vmem>> -> memref<1x128x128xf32, #tpu.memory_space<vmem>>
      %dma_start3A_381 = tpu.memref_squeeze %dma_start3A_380 : memref<1x128x128xf32, #tpu.memory_space<vmem>> -> memref<128x128xf32, #tpu.memory_space<vmem>>
      %dma_start3A_382 = arith.constant 0 : i32
      %dma_start3A_383 = tpu.memref_slice %arg13[%mul3A_2, %dma_start3A_382] : memref<10240x128xf32, #tpu.memory_space<vmem_shared>> -> memref<128x128xf32, #tpu.memory_space<vmem_shared>>
      %dma_start3A_384 = arith.constant 0 : i32
      %dma_start3A_385 = arith.constant 0 : i32
      %dma_start3A_386 = tpu.memref_slice %arg9[%run_scoped3A_206, %dma_start3A_384, %dma_start3A_385] : memref<2x128x128xf32, #tpu.memory_space<vmem>> -> memref<1x128x128xf32, #tpu.memory_space<vmem>>
      %dma_start3A_387 = tpu.memref_squeeze %dma_start3A_386 : memref<1x128x128xf32, #tpu.memory_space<vmem>> -> memref<128x128xf32, #tpu.memory_space<vmem>>
      %dma_start3A_388 = arith.constant 0 : i32
      %dma_start3A_389 = tpu.memref_slice %arg13[%mul3A_2, %dma_start3A_388] : memref<10240x128xf32, #tpu.memory_space<vmem_shared>> -> memref<128x128xf32, #tpu.memory_space<vmem_shared>>
      tpu.enqueue_dma source(%dma_start3A_389 : memref<128x128xf32, #tpu.memory_space<vmem_shared>>) target(%dma_start3A_387 : memref<128x128xf32, #tpu.memory_space<vmem>>) target_semaphore(%run_scoped3A_377 : memref<!tpu.dma_semaphore, #tpu.memory_space<semaphore_mem>>)
      %dma_wait3A_390 = arith.constant 0 : i32
      %dma_wait3A_391 = arith.constant 0 : i32
      %dma_wait3A_392 = tpu.memref_slice %arg9[%run_scoped3A_206, %dma_wait3A_390, %dma_wait3A_391] : memref<2x128x128xf32, #tpu.memory_space<vmem>> -> memref<1x128x128xf32, #tpu.memory_space<vmem>>
      %dma_wait3A_393 = tpu.memref_squeeze %dma_wait3A_392 : memref<1x128x128xf32, #tpu.memory_space<vmem>> -> memref<128x128xf32, #tpu.memory_space<vmem>>
      %dma_wait3A_394 = arith.constant 0 : i32
      %dma_wait3A_395 = tpu.memref_slice %arg13[%mul3A_2, %dma_wait3A_394] : memref<10240x128xf32, #tpu.memory_space<vmem_shared>> -> memref<128x128xf32, #tpu.memory_space<vmem_shared>>
      %dma_wait3A_396 = arith.constant 0 : i32
      %dma_wait3A_397 = arith.constant 0 : i32
      %dma_wait3A_398 = tpu.memref_slice %arg9[%run_scoped3A_206, %dma_wait3A_396, %dma_wait3A_397] : memref<2x128x128xf32, #tpu.memory_space<vmem>> -> memref<1x128x128xf32, #tpu.memory_space<vmem>>
      %dma_wait3A_399 = tpu.memref_squeeze %dma_wait3A_398 : memref<1x128x128xf32, #tpu.memory_space<vmem>> -> memref<128x128xf32, #tpu.memory_space<vmem>>
      %dma_wait3A_400 = arith.constant 0 : i32
      %dma_wait3A_401 = tpu.memref_slice %arg13[%mul3A_2, %dma_wait3A_400] : memref<10240x128xf32, #tpu.memory_space<vmem_shared>> -> memref<128x128xf32, #tpu.memory_space<vmem_shared>>
      tpu.wait_dma2 semaphore(%run_scoped3A_377 : memref<!tpu.dma_semaphore, #tpu.memory_space<semaphore_mem>>) src(%dma_wait3A_401 : memref<128x128xf32, #tpu.memory_space<vmem_shared>>) dst(%dma_wait3A_399 : memref<128x128xf32, #tpu.memory_space<vmem>>)
      tpu.yield
    }) : () -> ()
    %dma_start3A_207 = arith.constant 0 : i32
    %dma_start3A_208 = arith.constant 0 : i32
    %dma_start3A_209 = arith.constant 0 : i32
    %dma_start3A_210 = tpu.memref_slice %arg9[%dma_start3A_207, %dma_start3A_208, %dma_start3A_209] : memref<2x128x128xf32, #tpu.memory_space<vmem>> -> memref<1x128x128xf32, #tpu.memory_space<vmem>>
    %dma_start3A_211 = tpu.memref_squeeze %dma_start3A_210 : memref<1x128x128xf32, #tpu.memory_space<vmem>> -> memref<128x128xf32, #tpu.memory_space<vmem>>
    %dma_start3A_212 = arith.constant 0 : i32
    %dma_start3A_213 = tpu.memref_slice %arg6[%arg0, %mul3A_2, %dma_start3A_212] : memref<2x10240x128xf32, #tpu.memory_space<hbm>> -> memref<1x128x128xf32, #tpu.memory_space<hbm>>
    %dma_start3A_214 = tpu.memref_squeeze %dma_start3A_213 : memref<1x128x128xf32, #tpu.memory_space<hbm>> -> memref<128x128xf32, #tpu.memory_space<hbm>>
    %dma_start3A_215 = arith.constant 0 : i32
    %dma_start3A_216 = tpu.memref_slice %arg6[%arg0, %mul3A_2, %dma_start3A_215] : memref<2x10240x128xf32, #tpu.memory_space<hbm>> -> memref<1x128x128xf32, #tpu.memory_space<hbm>>
    %dma_start3A_217 = tpu.memref_squeeze %dma_start3A_216 : memref<1x128x128xf32, #tpu.memory_space<hbm>> -> memref<128x128xf32, #tpu.memory_space<hbm>>
    %dma_start3A_218 = arith.constant 0 : i32
    %dma_start3A_219 = arith.constant 0 : i32
    %dma_start3A_220 = tpu.memref_slice %arg9[%dma_start3A_207, %dma_start3A_218, %dma_start3A_219] : memref<2x128x128xf32, #tpu.memory_space<vmem>> -> memref<1x128x128xf32, #tpu.memory_space<vmem>>
    %dma_start3A_221 = tpu.memref_squeeze %dma_start3A_220 : memref<1x128x128xf32, #tpu.memory_space<vmem>> -> memref<128x128xf32, #tpu.memory_space<vmem>>
    tpu.enqueue_dma source(%dma_start3A_221 : memref<128x128xf32, #tpu.memory_space<vmem>>) target(%dma_start3A_217 : memref<128x128xf32, #tpu.memory_space<hbm>>) target_semaphore(%arg14 : memref<!tpu.dma_semaphore, #tpu.memory_space<semaphore_mem>>)
    %add3A_222 = arith.constant 128 : i32
    %add3A_223 = arith.addi %mul3A_2, %add3A_222 : i32
    %run_scoped3A_224 = arith.constant 1 : i32
    "tpu.region"() ({
      %run_scoped3A_377 = tpu.sem_alloc : memref<!tpu.dma_semaphore, #tpu.memory_space<semaphore_mem>>
      %dma_start3A_378 = arith.constant 0 : i32
      %dma_start3A_379 = arith.constant 0 : i32
      %dma_start3A_380 = tpu.memref_slice %arg9[%run_scoped3A_224, %dma_start3A_378, %dma_start3A_379] : memref<2x128x128xf32, #tpu.memory_space<vmem>> -> memref<1x128x128xf32, #tpu.memory_space<vmem>>
      %dma_start3A_381 = tpu.memref_squeeze %dma_start3A_380 : memref<1x128x128xf32, #tpu.memory_space<vmem>> -> memref<128x128xf32, #tpu.memory_space<vmem>>
      %dma_start3A_382 = arith.constant 0 : i32
      %dma_start3A_383 = tpu.memref_slice %arg13[%add3A_223, %dma_start3A_382] : memref<10240x128xf32, #tpu.memory_space<vmem_shared>> -> memref<128x128xf32, #tpu.memory_space<vmem_shared>>
      %dma_start3A_384 = arith.constant 0 : i32
      %dma_start3A_385 = arith.constant 0 : i32
      %dma_start3A_386 = tpu.memref_slice %arg9[%run_scoped3A_224, %dma_start3A_384, %dma_start3A_385] : memref<2x128x128xf32, #tpu.memory_space<vmem>> -> memref<1x128x128xf32, #tpu.memory_space<vmem>>
      %dma_start3A_387 = tpu.memref_squeeze %dma_start3A_386 : memref<1x128x128xf32, #tpu.memory_space<vmem>> -> memref<128x128xf32, #tpu.memory_space<vmem>>
      %dma_start3A_388 = arith.constant 0 : i32
      %dma_start3A_389 = tpu.memref_slice %arg13[%add3A_223, %dma_start3A_388] : memref<10240x128xf32, #tpu.memory_space<vmem_shared>> -> memref<128x128xf32, #tpu.memory_space<vmem_shared>>
      tpu.enqueue_dma source(%dma_start3A_389 : memref<128x128xf32, #tpu.memory_space<vmem_shared>>) target(%dma_start3A_387 : memref<128x128xf32, #tpu.memory_space<vmem>>) target_semaphore(%run_scoped3A_377 : memref<!tpu.dma_semaphore, #tpu.memory_space<semaphore_mem>>)
      %dma_wait3A_390 = arith.constant 0 : i32
      %dma_wait3A_391 = arith.constant 0 : i32
      %dma_wait3A_392 = tpu.memref_slice %arg9[%run_scoped3A_224, %dma_wait3A_390, %dma_wait3A_391] : memref<2x128x128xf32, #tpu.memory_space<vmem>> -> memref<1x128x128xf32, #tpu.memory_space<vmem>>
      %dma_wait3A_393 = tpu.memref_squeeze %dma_wait3A_392 : memref<1x128x128xf32, #tpu.memory_space<vmem>> -> memref<128x128xf32, #tpu.memory_space<vmem>>
      %dma_wait3A_394 = arith.constant 0 : i32
      %dma_wait3A_395 = tpu.memref_slice %arg13[%add3A_223, %dma_wait3A_394] : memref<10240x128xf32, #tpu.memory_space<vmem_shared>> -> memref<128x128xf32, #tpu.memory_space<vmem_shared>>
      %dma_wait3A_396 = arith.constant 0 : i32
      %dma_wait3A_397 = arith.constant 0 : i32
      %dma_wait3A_398 = tpu.memref_slice %arg9[%run_scoped3A_224, %dma_wait3A_396, %dma_wait3A_397] : memref<2x128x128xf32, #tpu.memory_space<vmem>> -> memref<1x128x128xf32, #tpu.memory_space<vmem>>
      %dma_wait3A_399 = tpu.memref_squeeze %dma_wait3A_398 : memref<1x128x128xf32, #tpu.memory_space<vmem>> -> memref<128x128xf32, #tpu.memory_space<vmem>>
      %dma_wait3A_400 = arith.constant 0 : i32
      %dma_wait3A_401 = tpu.memref_slice %arg13[%add3A_223, %dma_wait3A_400] : memref<10240x128xf32, #tpu.memory_space<vmem_shared>> -> memref<128x128xf32, #tpu.memory_space<vmem_shared>>
      tpu.wait_dma2 semaphore(%run_scoped3A_377 : memref<!tpu.dma_semaphore, #tpu.memory_space<semaphore_mem>>) src(%dma_wait3A_401 : memref<128x128xf32, #tpu.memory_space<vmem_shared>>) dst(%dma_wait3A_399 : memref<128x128xf32, #tpu.memory_space<vmem>>)
      tpu.yield
    }) : () -> ()
    %dma_wait3A_225 = arith.constant 0 : i32
    %dma_wait3A_226 = arith.constant 0 : i32
    %dma_wait3A_227 = arith.constant 0 : i32
    %dma_wait3A_228 = tpu.memref_slice %arg9[%dma_wait3A_225, %dma_wait3A_226, %dma_wait3A_227] : memref<2x128x128xf32, #tpu.memory_space<vmem>> -> memref<1x128x128xf32, #tpu.memory_space<vmem>>
    %dma_wait3A_229 = tpu.memref_squeeze %dma_wait3A_228 : memref<1x128x128xf32, #tpu.memory_space<vmem>> -> memref<128x128xf32, #tpu.memory_space<vmem>>
    %dma_wait3A_230 = arith.constant 0 : i32
    %dma_wait3A_231 = arith.constant 0 : i32
    %dma_wait3A_232 = tpu.memref_slice %arg2[%dma_wait3A_230, %dma_wait3A_231] : memref<10000x128xf32, #tpu.memory_space<hbm>> -> memref<128x128xf32, #tpu.memory_space<hbm>>
    %dma_wait3A_233 = arith.constant 0 : i32
    %dma_wait3A_234 = arith.constant 0 : i32
    %dma_wait3A_235 = tpu.memref_slice %arg9[%dma_wait3A_225, %dma_wait3A_233, %dma_wait3A_234] : memref<2x128x128xf32, #tpu.memory_space<vmem>> -> memref<1x128x128xf32, #tpu.memory_space<vmem>>
    %dma_wait3A_236 = tpu.memref_squeeze %dma_wait3A_235 : memref<1x128x128xf32, #tpu.memory_space<vmem>> -> memref<128x128xf32, #tpu.memory_space<vmem>>
    %dma_wait3A_237 = arith.constant 0 : i32
    %dma_wait3A_238 = arith.constant 0 : i32
    %dma_wait3A_239 = tpu.memref_slice %arg2[%dma_wait3A_237, %dma_wait3A_238] : memref<10000x128xf32, #tpu.memory_space<hbm>> -> memref<128x128xf32, #tpu.memory_space<hbm>>
    tpu.wait_dma2 semaphore(%arg14 : memref<!tpu.dma_semaphore, #tpu.memory_space<semaphore_mem>>) src(%dma_wait3A_239 : memref<128x128xf32, #tpu.memory_space<hbm>>) dst(%dma_wait3A_236 : memref<128x128xf32, #tpu.memory_space<vmem>>)
    %add3A_240 = arith.constant 128 : i32
    %add3A_241 = arith.addi %mul3A_2, %add3A_240 : i32
    %dma_start3A_242 = arith.constant 1 : i32
    %dma_start3A_243 = arith.constant 0 : i32
    %dma_start3A_244 = arith.constant 0 : i32
    %dma_start3A_245 = tpu.memref_slice %arg9[%dma_start3A_242, %dma_start3A_243, %dma_start3A_244] : memref<2x128x128xf32, #tpu.memory_space<vmem>> -> memref<1x128x128xf32, #tpu.memory_space<vmem>>
    %dma_start3A_246 = tpu.memref_squeeze %dma_start3A_245 : memref<1x128x128xf32, #tpu.memory_space<vmem>> -> memref<128x128xf32, #tpu.memory_space<vmem>>
    %dma_start3A_247 = arith.constant 0 : i32
    %dma_start3A_248 = tpu.memref_slice %arg6[%arg0, %add3A_241, %dma_start3A_247] : memref<2x10240x128xf32, #tpu.memory_space<hbm>> -> memref<1x128x128xf32, #tpu.memory_space<hbm>>
    %dma_start3A_249 = tpu.memref_squeeze %dma_start3A_248 : memref<1x128x128xf32, #tpu.memory_space<hbm>> -> memref<128x128xf32, #tpu.memory_space<hbm>>
    %dma_start3A_250 = arith.constant 0 : i32
    %dma_start3A_251 = tpu.memref_slice %arg6[%arg0, %add3A_241, %dma_start3A_250] : memref<2x10240x128xf32, #tpu.memory_space<hbm>> -> memref<1x128x128xf32, #tpu.memory_space<hbm>>
    %dma_start3A_252 = tpu.memref_squeeze %dma_start3A_251 : memref<1x128x128xf32, #tpu.memory_space<hbm>> -> memref<128x128xf32, #tpu.memory_space<hbm>>
    %dma_start3A_253 = arith.constant 0 : i32
    %dma_start3A_254 = arith.constant 0 : i32
    %dma_start3A_255 = tpu.memref_slice %arg9[%dma_start3A_242, %dma_start3A_253, %dma_start3A_254] : memref<2x128x128xf32, #tpu.memory_space<vmem>> -> memref<1x128x128xf32, #tpu.memory_space<vmem>>
    %dma_start3A_256 = tpu.memref_squeeze %dma_start3A_255 : memref<1x128x128xf32, #tpu.memory_space<vmem>> -> memref<128x128xf32, #tpu.memory_space<vmem>>
    tpu.enqueue_dma source(%dma_start3A_256 : memref<128x128xf32, #tpu.memory_space<vmem>>) target(%dma_start3A_252 : memref<128x128xf32, #tpu.memory_space<hbm>>) target_semaphore(%arg14 : memref<!tpu.dma_semaphore, #tpu.memory_space<semaphore_mem>>)
    %add3A_257 = arith.constant 256 : i32
    %add3A_258 = arith.addi %mul3A_2, %add3A_257 : i32
    %run_scoped3A_259 = arith.constant 0 : i32
    "tpu.region"() ({
      %run_scoped3A_377 = tpu.sem_alloc : memref<!tpu.dma_semaphore, #tpu.memory_space<semaphore_mem>>
      %dma_start3A_378 = arith.constant 0 : i32
      %dma_start3A_379 = arith.constant 0 : i32
      %dma_start3A_380 = tpu.memref_slice %arg9[%run_scoped3A_259, %dma_start3A_378, %dma_start3A_379] : memref<2x128x128xf32, #tpu.memory_space<vmem>> -> memref<1x128x128xf32, #tpu.memory_space<vmem>>
      %dma_start3A_381 = tpu.memref_squeeze %dma_start3A_380 : memref<1x128x128xf32, #tpu.memory_space<vmem>> -> memref<128x128xf32, #tpu.memory_space<vmem>>
      %dma_start3A_382 = arith.constant 0 : i32
      %dma_start3A_383 = tpu.memref_slice %arg13[%add3A_258, %dma_start3A_382] : memref<10240x128xf32, #tpu.memory_space<vmem_shared>> -> memref<128x128xf32, #tpu.memory_space<vmem_shared>>
      %dma_start3A_384 = arith.constant 0 : i32
      %dma_start3A_385 = arith.constant 0 : i32
      %dma_start3A_386 = tpu.memref_slice %arg9[%run_scoped3A_259, %dma_start3A_384, %dma_start3A_385] : memref<2x128x128xf32, #tpu.memory_space<vmem>> -> memref<1x128x128xf32, #tpu.memory_space<vmem>>
      %dma_start3A_387 = tpu.memref_squeeze %dma_start3A_386 : memref<1x128x128xf32, #tpu.memory_space<vmem>> -> memref<128x128xf32, #tpu.memory_space<vmem>>
      %dma_start3A_388 = arith.constant 0 : i32
      %dma_start3A_389 = tpu.memref_slice %arg13[%add3A_258, %dma_start3A_388] : memref<10240x128xf32, #tpu.memory_space<vmem_shared>> -> memref<128x128xf32, #tpu.memory_space<vmem_shared>>
      tpu.enqueue_dma source(%dma_start3A_389 : memref<128x128xf32, #tpu.memory_space<vmem_shared>>) target(%dma_start3A_387 : memref<128x128xf32, #tpu.memory_space<vmem>>) target_semaphore(%run_scoped3A_377 : memref<!tpu.dma_semaphore, #tpu.memory_space<semaphore_mem>>)
      %dma_wait3A_390 = arith.constant 0 : i32
      %dma_wait3A_391 = arith.constant 0 : i32
      %dma_wait3A_392 = tpu.memref_slice %arg9[%run_scoped3A_259, %dma_wait3A_390, %dma_wait3A_391] : memref<2x128x128xf32, #tpu.memory_space<vmem>> -> memref<1x128x128xf32, #tpu.memory_space<vmem>>
      %dma_wait3A_393 = tpu.memref_squeeze %dma_wait3A_392 : memref<1x128x128xf32, #tpu.memory_space<vmem>> -> memref<128x128xf32, #tpu.memory_space<vmem>>
      %dma_wait3A_394 = arith.constant 0 : i32
      %dma_wait3A_395 = tpu.memref_slice %arg13[%add3A_258, %dma_wait3A_394] : memref<10240x128xf32, #tpu.memory_space<vmem_shared>> -> memref<128x128xf32, #tpu.memory_space<vmem_shared>>
      %dma_wait3A_396 = arith.constant 0 : i32
      %dma_wait3A_397 = arith.constant 0 : i32
      %dma_wait3A_398 = tpu.memref_slice %arg9[%run_scoped3A_259, %dma_wait3A_396, %dma_wait3A_397] : memref<2x128x128xf32, #tpu.memory_space<vmem>> -> memref<1x128x128xf32, #tpu.memory_space<vmem>>
      %dma_wait3A_399 = tpu.memref_squeeze %dma_wait3A_398 : memref<1x128x128xf32, #tpu.memory_space<vmem>> -> memref<128x128xf32, #tpu.memory_space<vmem>>
      %dma_wait3A_400 = arith.constant 0 : i32
      %dma_wait3A_401 = tpu.memref_slice %arg13[%add3A_258, %dma_wait3A_400] : memref<10240x128xf32, #tpu.memory_space<vmem_shared>> -> memref<128x128xf32, #tpu.memory_space<vmem_shared>>
      tpu.wait_dma2 semaphore(%run_scoped3A_377 : memref<!tpu.dma_semaphore, #tpu.memory_space<semaphore_mem>>) src(%dma_wait3A_401 : memref<128x128xf32, #tpu.memory_space<vmem_shared>>) dst(%dma_wait3A_399 : memref<128x128xf32, #tpu.memory_space<vmem>>)
      tpu.yield
    }) : () -> ()
    %dma_wait3A_260 = arith.constant 1 : i32
    %dma_wait3A_261 = arith.constant 0 : i32
    %dma_wait3A_262 = arith.constant 0 : i32
    %dma_wait3A_263 = tpu.memref_slice %arg9[%dma_wait3A_260, %dma_wait3A_261, %dma_wait3A_262] : memref<2x128x128xf32, #tpu.memory_space<vmem>> -> memref<1x128x128xf32, #tpu.memory_space<vmem>>
    %dma_wait3A_264 = tpu.memref_squeeze %dma_wait3A_263 : memref<1x128x128xf32, #tpu.memory_space<vmem>> -> memref<128x128xf32, #tpu.memory_space<vmem>>
    %dma_wait3A_265 = arith.constant 0 : i32
    %dma_wait3A_266 = arith.constant 0 : i32
    %dma_wait3A_267 = tpu.memref_slice %arg2[%dma_wait3A_265, %dma_wait3A_266] : memref<10000x128xf32, #tpu.memory_space<hbm>> -> memref<128x128xf32, #tpu.memory_space<hbm>>
    %dma_wait3A_268 = arith.constant 0 : i32
    %dma_wait3A_269 = arith.constant 0 : i32
    %dma_wait3A_270 = tpu.memref_slice %arg9[%dma_wait3A_260, %dma_wait3A_268, %dma_wait3A_269] : memref<2x128x128xf32, #tpu.memory_space<vmem>> -> memref<1x128x128xf32, #tpu.memory_space<vmem>>
    %dma_wait3A_271 = tpu.memref_squeeze %dma_wait3A_270 : memref<1x128x128xf32, #tpu.memory_space<vmem>> -> memref<128x128xf32, #tpu.memory_space<vmem>>
    %dma_wait3A_272 = arith.constant 0 : i32
    %dma_wait3A_273 = arith.constant 0 : i32
    %dma_wait3A_274 = tpu.memref_slice %arg2[%dma_wait3A_272, %dma_wait3A_273] : memref<10000x128xf32, #tpu.memory_space<hbm>> -> memref<128x128xf32, #tpu.memory_space<hbm>>
    tpu.wait_dma2 semaphore(%arg14 : memref<!tpu.dma_semaphore, #tpu.memory_space<semaphore_mem>>) src(%dma_wait3A_274 : memref<128x128xf32, #tpu.memory_space<hbm>>) dst(%dma_wait3A_271 : memref<128x128xf32, #tpu.memory_space<vmem>>)
    %add3A_275 = arith.constant 256 : i32
    %add3A_276 = arith.addi %mul3A_2, %add3A_275 : i32
    %dma_start3A_277 = arith.constant 0 : i32
    %dma_start3A_278 = arith.constant 0 : i32
    %dma_start3A_279 = arith.constant 0 : i32
    %dma_start3A_280 = tpu.memref_slice %arg9[%dma_start3A_277, %dma_start3A_278, %dma_start3A_279] : memref<2x128x128xf32, #tpu.memory_space<vmem>> -> memref<1x128x128xf32, #tpu.memory_space<vmem>>
    %dma_start3A_281 = tpu.memref_squeeze %dma_start3A_280 : memref<1x128x128xf32, #tpu.memory_space<vmem>> -> memref<128x128xf32, #tpu.memory_space<vmem>>
    %dma_start3A_282 = arith.constant 0 : i32
    %dma_start3A_283 = tpu.memref_slice %arg6[%arg0, %add3A_276, %dma_start3A_282] : memref<2x10240x128xf32, #tpu.memory_space<hbm>> -> memref<1x128x128xf32, #tpu.memory_space<hbm>>
    %dma_start3A_284 = tpu.memref_squeeze %dma_start3A_283 : memref<1x128x128xf32, #tpu.memory_space<hbm>> -> memref<128x128xf32, #tpu.memory_space<hbm>>
    %dma_start3A_285 = arith.constant 0 : i32
    %dma_start3A_286 = tpu.memref_slice %arg6[%arg0, %add3A_276, %dma_start3A_285] : memref<2x10240x128xf32, #tpu.memory_space<hbm>> -> memref<1x128x128xf32, #tpu.memory_space<hbm>>
    %dma_start3A_287 = tpu.memref_squeeze %dma_start3A_286 : memref<1x128x128xf32, #tpu.memory_space<hbm>> -> memref<128x128xf32, #tpu.memory_space<hbm>>
    %dma_start3A_288 = arith.constant 0 : i32
    %dma_start3A_289 = arith.constant 0 : i32
    %dma_start3A_290 = tpu.memref_slice %arg9[%dma_start3A_277, %dma_start3A_288, %dma_start3A_289] : memref<2x128x128xf32, #tpu.memory_space<vmem>> -> memref<1x128x128xf32, #tpu.memory_space<vmem>>
    %dma_start3A_291 = tpu.memref_squeeze %dma_start3A_290 : memref<1x128x128xf32, #tpu.memory_space<vmem>> -> memref<128x128xf32, #tpu.memory_space<vmem>>
    tpu.enqueue_dma source(%dma_start3A_291 : memref<128x128xf32, #tpu.memory_space<vmem>>) target(%dma_start3A_287 : memref<128x128xf32, #tpu.memory_space<hbm>>) target_semaphore(%arg14 : memref<!tpu.dma_semaphore, #tpu.memory_space<semaphore_mem>>)
    %add3A_292 = arith.constant 384 : i32
    %add3A_293 = arith.addi %mul3A_2, %add3A_292 : i32
    %run_scoped3A_294 = arith.constant 1 : i32
    "tpu.region"() ({
      %run_scoped3A_377 = tpu.sem_alloc : memref<!tpu.dma_semaphore, #tpu.memory_space<semaphore_mem>>
      %dma_start3A_378 = arith.constant 0 : i32
      %dma_start3A_379 = arith.constant 0 : i32
      %dma_start3A_380 = tpu.memref_slice %arg9[%run_scoped3A_294, %dma_start3A_378, %dma_start3A_379] : memref<2x128x128xf32, #tpu.memory_space<vmem>> -> memref<1x128x128xf32, #tpu.memory_space<vmem>>
      %dma_start3A_381 = tpu.memref_squeeze %dma_start3A_380 : memref<1x128x128xf32, #tpu.memory_space<vmem>> -> memref<128x128xf32, #tpu.memory_space<vmem>>
      %dma_start3A_382 = arith.constant 0 : i32
      %dma_start3A_383 = tpu.memref_slice %arg13[%add3A_293, %dma_start3A_382] : memref<10240x128xf32, #tpu.memory_space<vmem_shared>> -> memref<128x128xf32, #tpu.memory_space<vmem_shared>>
      %dma_start3A_384 = arith.constant 0 : i32
      %dma_start3A_385 = arith.constant 0 : i32
      %dma_start3A_386 = tpu.memref_slice %arg9[%run_scoped3A_294, %dma_start3A_384, %dma_start3A_385] : memref<2x128x128xf32, #tpu.memory_space<vmem>> -> memref<1x128x128xf32, #tpu.memory_space<vmem>>
      %dma_start3A_387 = tpu.memref_squeeze %dma_start3A_386 : memref<1x128x128xf32, #tpu.memory_space<vmem>> -> memref<128x128xf32, #tpu.memory_space<vmem>>
      %dma_start3A_388 = arith.constant 0 : i32
      %dma_start3A_389 = tpu.memref_slice %arg13[%add3A_293, %dma_start3A_388] : memref<10240x128xf32, #tpu.memory_space<vmem_shared>> -> memref<128x128xf32, #tpu.memory_space<vmem_shared>>
      tpu.enqueue_dma source(%dma_start3A_389 : memref<128x128xf32, #tpu.memory_space<vmem_shared>>) target(%dma_start3A_387 : memref<128x128xf32, #tpu.memory_space<vmem>>) target_semaphore(%run_scoped3A_377 : memref<!tpu.dma_semaphore, #tpu.memory_space<semaphore_mem>>)
      %dma_wait3A_390 = arith.constant 0 : i32
      %dma_wait3A_391 = arith.constant 0 : i32
      %dma_wait3A_392 = tpu.memref_slice %arg9[%run_scoped3A_294, %dma_wait3A_390, %dma_wait3A_391] : memref<2x128x128xf32, #tpu.memory_space<vmem>> -> memref<1x128x128xf32, #tpu.memory_space<vmem>>
      %dma_wait3A_393 = tpu.memref_squeeze %dma_wait3A_392 : memref<1x128x128xf32, #tpu.memory_space<vmem>> -> memref<128x128xf32, #tpu.memory_space<vmem>>
      %dma_wait3A_394 = arith.constant 0 : i32
      %dma_wait3A_395 = tpu.memref_slice %arg13[%add3A_293, %dma_wait3A_394] : memref<10240x128xf32, #tpu.memory_space<vmem_shared>> -> memref<128x128xf32, #tpu.memory_space<vmem_shared>>
      %dma_wait3A_396 = arith.constant 0 : i32
      %dma_wait3A_397 = arith.constant 0 : i32
      %dma_wait3A_398 = tpu.memref_slice %arg9[%run_scoped3A_294, %dma_wait3A_396, %dma_wait3A_397] : memref<2x128x128xf32, #tpu.memory_space<vmem>> -> memref<1x128x128xf32, #tpu.memory_space<vmem>>
      %dma_wait3A_399 = tpu.memref_squeeze %dma_wait3A_398 : memref<1x128x128xf32, #tpu.memory_space<vmem>> -> memref<128x128xf32, #tpu.memory_space<vmem>>
      %dma_wait3A_400 = arith.constant 0 : i32
      %dma_wait3A_401 = tpu.memref_slice %arg13[%add3A_293, %dma_wait3A_400] : memref<10240x128xf32, #tpu.memory_space<vmem_shared>> -> memref<128x128xf32, #tpu.memory_space<vmem_shared>>
      tpu.wait_dma2 semaphore(%run_scoped3A_377 : memref<!tpu.dma_semaphore, #tpu.memory_space<semaphore_mem>>) src(%dma_wait3A_401 : memref<128x128xf32, #tpu.memory_space<vmem_shared>>) dst(%dma_wait3A_399 : memref<128x128xf32, #tpu.memory_space<vmem>>)
      tpu.yield
    }) : () -> ()
    %dma_wait3A_295 = arith.constant 0 : i32
    %dma_wait3A_296 = arith.constant 0 : i32
    %dma_wait3A_297 = arith.constant 0 : i32
    %dma_wait3A_298 = tpu.memref_slice %arg9[%dma_wait3A_295, %dma_wait3A_296, %dma_wait3A_297] : memref<2x128x128xf32, #tpu.memory_space<vmem>> -> memref<1x128x128xf32, #tpu.memory_space<vmem>>
    %dma_wait3A_299 = tpu.memref_squeeze %dma_wait3A_298 : memref<1x128x128xf32, #tpu.memory_space<vmem>> -> memref<128x128xf32, #tpu.memory_space<vmem>>
    %dma_wait3A_300 = arith.constant 0 : i32
    %dma_wait3A_301 = arith.constant 0 : i32
    %dma_wait3A_302 = tpu.memref_slice %arg2[%dma_wait3A_300, %dma_wait3A_301] : memref<10000x128xf32, #tpu.memory_space<hbm>> -> memref<128x128xf32, #tpu.memory_space<hbm>>
    %dma_wait3A_303 = arith.constant 0 : i32
    %dma_wait3A_304 = arith.constant 0 : i32
    %dma_wait3A_305 = tpu.memref_slice %arg9[%dma_wait3A_295, %dma_wait3A_303, %dma_wait3A_304] : memref<2x128x128xf32, #tpu.memory_space<vmem>> -> memref<1x128x128xf32, #tpu.memory_space<vmem>>
    %dma_wait3A_306 = tpu.memref_squeeze %dma_wait3A_305 : memref<1x128x128xf32, #tpu.memory_space<vmem>> -> memref<128x128xf32, #tpu.memory_space<vmem>>
    %dma_wait3A_307 = arith.constant 0 : i32
    %dma_wait3A_308 = arith.constant 0 : i32
    %dma_wait3A_309 = tpu.memref_slice %arg2[%dma_wait3A_307, %dma_wait3A_308] : memref<10000x128xf32, #tpu.memory_space<hbm>> -> memref<128x128xf32, #tpu.memory_space<hbm>>
    tpu.wait_dma2 semaphore(%arg14 : memref<!tpu.dma_semaphore, #tpu.memory_space<semaphore_mem>>) src(%dma_wait3A_309 : memref<128x128xf32, #tpu.memory_space<hbm>>) dst(%dma_wait3A_306 : memref<128x128xf32, #tpu.memory_space<vmem>>)
    %add3A_310 = arith.constant 384 : i32
    %add3A_311 = arith.addi %mul3A_2, %add3A_310 : i32
    %dma_start3A_312 = arith.constant 1 : i32
    %dma_start3A_313 = arith.constant 0 : i32
    %dma_start3A_314 = arith.constant 0 : i32
    %dma_start3A_315 = tpu.memref_slice %arg9[%dma_start3A_312, %dma_start3A_313, %dma_start3A_314] : memref<2x128x128xf32, #tpu.memory_space<vmem>> -> memref<1x128x128xf32, #tpu.memory_space<vmem>>
    %dma_start3A_316 = tpu.memref_squeeze %dma_start3A_315 : memref<1x128x128xf32, #tpu.memory_space<vmem>> -> memref<128x128xf32, #tpu.memory_space<vmem>>
    %dma_start3A_317 = arith.constant 0 : i32
    %dma_start3A_318 = tpu.memref_slice %arg6[%arg0, %add3A_311, %dma_start3A_317] : memref<2x10240x128xf32, #tpu.memory_space<hbm>> -> memref<1x128x128xf32, #tpu.memory_space<hbm>>
    %dma_start3A_319 = tpu.memref_squeeze %dma_start3A_318 : memref<1x128x128xf32, #tpu.memory_space<hbm>> -> memref<128x128xf32, #tpu.memory_space<hbm>>
    %dma_start3A_320 = arith.constant 0 : i32
    %dma_start3A_321 = tpu.memref_slice %arg6[%arg0, %add3A_311, %dma_start3A_320] : memref<2x10240x128xf32, #tpu.memory_space<hbm>> -> memref<1x128x128xf32, #tpu.memory_space<hbm>>
    %dma_start3A_322 = tpu.memref_squeeze %dma_start3A_321 : memref<1x128x128xf32, #tpu.memory_space<hbm>> -> memref<128x128xf32, #tpu.memory_space<hbm>>
    %dma_start3A_323 = arith.constant 0 : i32
    %dma_start3A_324 = arith.constant 0 : i32
    %dma_start3A_325 = tpu.memref_slice %arg9[%dma_start3A_312, %dma_start3A_323, %dma_start3A_324] : memref<2x128x128xf32, #tpu.memory_space<vmem>> -> memref<1x128x128xf32, #tpu.memory_space<vmem>>
    %dma_start3A_326 = tpu.memref_squeeze %dma_start3A_325 : memref<1x128x128xf32, #tpu.memory_space<vmem>> -> memref<128x128xf32, #tpu.memory_space<vmem>>
    tpu.enqueue_dma source(%dma_start3A_326 : memref<128x128xf32, #tpu.memory_space<vmem>>) target(%dma_start3A_322 : memref<128x128xf32, #tpu.memory_space<hbm>>) target_semaphore(%arg14 : memref<!tpu.dma_semaphore, #tpu.memory_space<semaphore_mem>>)
    %add3A_327 = arith.constant 512 : i32
    %add3A_328 = arith.addi %mul3A_2, %add3A_327 : i32
    %run_scoped3A_329 = arith.constant 0 : i32
    "tpu.region"() ({
      %run_scoped3A_377 = tpu.sem_alloc : memref<!tpu.dma_semaphore, #tpu.memory_space<semaphore_mem>>
      %dma_start3A_378 = arith.constant 0 : i32
      %dma_start3A_379 = arith.constant 0 : i32
      %dma_start3A_380 = tpu.memref_slice %arg9[%run_scoped3A_329, %dma_start3A_378, %dma_start3A_379] : memref<2x128x128xf32, #tpu.memory_space<vmem>> -> memref<1x128x128xf32, #tpu.memory_space<vmem>>
      %dma_start3A_381 = tpu.memref_squeeze %dma_start3A_380 : memref<1x128x128xf32, #tpu.memory_space<vmem>> -> memref<128x128xf32, #tpu.memory_space<vmem>>
      %dma_start3A_382 = arith.constant 0 : i32
      %dma_start3A_383 = tpu.memref_slice %arg13[%add3A_328, %dma_start3A_382] : memref<10240x128xf32, #tpu.memory_space<vmem_shared>> -> memref<128x128xf32, #tpu.memory_space<vmem_shared>>
      %dma_start3A_384 = arith.constant 0 : i32
      %dma_start3A_385 = arith.constant 0 : i32
      %dma_start3A_386 = tpu.memref_slice %arg9[%run_scoped3A_329, %dma_start3A_384, %dma_start3A_385] : memref<2x128x128xf32, #tpu.memory_space<vmem>> -> memref<1x128x128xf32, #tpu.memory_space<vmem>>
      %dma_start3A_387 = tpu.memref_squeeze %dma_start3A_386 : memref<1x128x128xf32, #tpu.memory_space<vmem>> -> memref<128x128xf32, #tpu.memory_space<vmem>>
      %dma_start3A_388 = arith.constant 0 : i32
      %dma_start3A_389 = tpu.memref_slice %arg13[%add3A_328, %dma_start3A_388] : memref<10240x128xf32, #tpu.memory_space<vmem_shared>> -> memref<128x128xf32, #tpu.memory_space<vmem_shared>>
      tpu.enqueue_dma source(%dma_start3A_389 : memref<128x128xf32, #tpu.memory_space<vmem_shared>>) target(%dma_start3A_387 : memref<128x128xf32, #tpu.memory_space<vmem>>) target_semaphore(%run_scoped3A_377 : memref<!tpu.dma_semaphore, #tpu.memory_space<semaphore_mem>>)
      %dma_wait3A_390 = arith.constant 0 : i32
      %dma_wait3A_391 = arith.constant 0 : i32
      %dma_wait3A_392 = tpu.memref_slice %arg9[%run_scoped3A_329, %dma_wait3A_390, %dma_wait3A_391] : memref<2x128x128xf32, #tpu.memory_space<vmem>> -> memref<1x128x128xf32, #tpu.memory_space<vmem>>
      %dma_wait3A_393 = tpu.memref_squeeze %dma_wait3A_392 : memref<1x128x128xf32, #tpu.memory_space<vmem>> -> memref<128x128xf32, #tpu.memory_space<vmem>>
      %dma_wait3A_394 = arith.constant 0 : i32
      %dma_wait3A_395 = tpu.memref_slice %arg13[%add3A_328, %dma_wait3A_394] : memref<10240x128xf32, #tpu.memory_space<vmem_shared>> -> memref<128x128xf32, #tpu.memory_space<vmem_shared>>
      %dma_wait3A_396 = arith.constant 0 : i32
      %dma_wait3A_397 = arith.constant 0 : i32
      %dma_wait3A_398 = tpu.memref_slice %arg9[%run_scoped3A_329, %dma_wait3A_396, %dma_wait3A_397] : memref<2x128x128xf32, #tpu.memory_space<vmem>> -> memref<1x128x128xf32, #tpu.memory_space<vmem>>
      %dma_wait3A_399 = tpu.memref_squeeze %dma_wait3A_398 : memref<1x128x128xf32, #tpu.memory_space<vmem>> -> memref<128x128xf32, #tpu.memory_space<vmem>>
      %dma_wait3A_400 = arith.constant 0 : i32
      %dma_wait3A_401 = tpu.memref_slice %arg13[%add3A_328, %dma_wait3A_400] : memref<10240x128xf32, #tpu.memory_space<vmem_shared>> -> memref<128x128xf32, #tpu.memory_space<vmem_shared>>
      tpu.wait_dma2 semaphore(%run_scoped3A_377 : memref<!tpu.dma_semaphore, #tpu.memory_space<semaphore_mem>>) src(%dma_wait3A_401 : memref<128x128xf32, #tpu.memory_space<vmem_shared>>) dst(%dma_wait3A_399 : memref<128x128xf32, #tpu.memory_space<vmem>>)
      tpu.yield
    }) : () -> ()
    %dma_wait3A_330 = arith.constant 1 : i32
    %dma_wait3A_331 = arith.constant 0 : i32
    %dma_wait3A_332 = arith.constant 0 : i32
    %dma_wait3A_333 = tpu.memref_slice %arg9[%dma_wait3A_330, %dma_wait3A_331, %dma_wait3A_332] : memref<2x128x128xf32, #tpu.memory_space<vmem>> -> memref<1x128x128xf32, #tpu.memory_space<vmem>>
    %dma_wait3A_334 = tpu.memref_squeeze %dma_wait3A_333 : memref<1x128x128xf32, #tpu.memory_space<vmem>> -> memref<128x128xf32, #tpu.memory_space<vmem>>
    %dma_wait3A_335 = arith.constant 0 : i32
    %dma_wait3A_336 = arith.constant 0 : i32
    %dma_wait3A_337 = tpu.memref_slice %arg2[%dma_wait3A_335, %dma_wait3A_336] : memref<10000x128xf32, #tpu.memory_space<hbm>> -> memref<128x128xf32, #tpu.memory_space<hbm>>
    %dma_wait3A_338 = arith.constant 0 : i32
    %dma_wait3A_339 = arith.constant 0 : i32
    %dma_wait3A_340 = tpu.memref_slice %arg9[%dma_wait3A_330, %dma_wait3A_338, %dma_wait3A_339] : memref<2x128x128xf32, #tpu.memory_space<vmem>> -> memref<1x128x128xf32, #tpu.memory_space<vmem>>
    %dma_wait3A_341 = tpu.memref_squeeze %dma_wait3A_340 : memref<1x128x128xf32, #tpu.memory_space<vmem>> -> memref<128x128xf32, #tpu.memory_space<vmem>>
    %dma_wait3A_342 = arith.constant 0 : i32
    %dma_wait3A_343 = arith.constant 0 : i32
    %dma_wait3A_344 = tpu.memref_slice %arg2[%dma_wait3A_342, %dma_wait3A_343] : memref<10000x128xf32, #tpu.memory_space<hbm>> -> memref<128x128xf32, #tpu.memory_space<hbm>>
    tpu.wait_dma2 semaphore(%arg14 : memref<!tpu.dma_semaphore, #tpu.memory_space<semaphore_mem>>) src(%dma_wait3A_344 : memref<128x128xf32, #tpu.memory_space<hbm>>) dst(%dma_wait3A_341 : memref<128x128xf32, #tpu.memory_space<vmem>>)
    %add3A_345 = arith.constant 512 : i32
    %add3A_346 = arith.addi %mul3A_2, %add3A_345 : i32
    %dma_start3A_347 = arith.constant 0 : i32
    %dma_start3A_348 = arith.constant 0 : i32
    %dma_start3A_349 = arith.constant 0 : i32
    %dma_start3A_350 = tpu.memref_slice %arg9[%dma_start3A_347, %dma_start3A_348, %dma_start3A_349] : memref<2x128x128xf32, #tpu.memory_space<vmem>> -> memref<1x128x128xf32, #tpu.memory_space<vmem>>
    %dma_start3A_351 = tpu.memref_squeeze %dma_start3A_350 : memref<1x128x128xf32, #tpu.memory_space<vmem>> -> memref<128x128xf32, #tpu.memory_space<vmem>>
    %dma_start3A_352 = arith.constant 0 : i32
    %dma_start3A_353 = tpu.memref_slice %arg6[%arg0, %add3A_346, %dma_start3A_352] : memref<2x10240x128xf32, #tpu.memory_space<hbm>> -> memref<1x128x128xf32, #tpu.memory_space<hbm>>
    %dma_start3A_354 = tpu.memref_squeeze %dma_start3A_353 : memref<1x128x128xf32, #tpu.memory_space<hbm>> -> memref<128x128xf32, #tpu.memory_space<hbm>>
    %dma_start3A_355 = arith.constant 0 : i32
    %dma_start3A_356 = tpu.memref_slice %arg6[%arg0, %add3A_346, %dma_start3A_355] : memref<2x10240x128xf32, #tpu.memory_space<hbm>> -> memref<1x128x128xf32, #tpu.memory_space<hbm>>
    %dma_start3A_357 = tpu.memref_squeeze %dma_start3A_356 : memref<1x128x128xf32, #tpu.memory_space<hbm>> -> memref<128x128xf32, #tpu.memory_space<hbm>>
    %dma_start3A_358 = arith.constant 0 : i32
    %dma_start3A_359 = arith.constant 0 : i32
    %dma_start3A_360 = tpu.memref_slice %arg9[%dma_start3A_347, %dma_start3A_358, %dma_start3A_359] : memref<2x128x128xf32, #tpu.memory_space<vmem>> -> memref<1x128x128xf32, #tpu.memory_space<vmem>>
    %dma_start3A_361 = tpu.memref_squeeze %dma_start3A_360 : memref<1x128x128xf32, #tpu.memory_space<vmem>> -> memref<128x128xf32, #tpu.memory_space<vmem>>
    tpu.enqueue_dma source(%dma_start3A_361 : memref<128x128xf32, #tpu.memory_space<vmem>>) target(%dma_start3A_357 : memref<128x128xf32, #tpu.memory_space<hbm>>) target_semaphore(%arg14 : memref<!tpu.dma_semaphore, #tpu.memory_space<semaphore_mem>>)
    %dma_wait3A_362 = arith.constant 0 : i32
    %dma_wait3A_363 = arith.constant 0 : i32
    %dma_wait3A_364 = arith.constant 0 : i32
    %dma_wait3A_365 = tpu.memref_slice %arg9[%dma_wait3A_362, %dma_wait3A_363, %dma_wait3A_364] : memref<2x128x128xf32, #tpu.memory_space<vmem>> -> memref<1x128x128xf32, #tpu.memory_space<vmem>>
    %dma_wait3A_366 = tpu.memref_squeeze %dma_wait3A_365 : memref<1x128x128xf32, #tpu.memory_space<vmem>> -> memref<128x128xf32, #tpu.memory_space<vmem>>
    %dma_wait3A_367 = arith.constant 0 : i32
    %dma_wait3A_368 = arith.constant 0 : i32
    %dma_wait3A_369 = tpu.memref_slice %arg2[%dma_wait3A_367, %dma_wait3A_368] : memref<10000x128xf32, #tpu.memory_space<hbm>> -> memref<128x128xf32, #tpu.memory_space<hbm>>
    %dma_wait3A_370 = arith.constant 0 : i32
    %dma_wait3A_371 = arith.constant 0 : i32
    %dma_wait3A_372 = tpu.memref_slice %arg9[%dma_wait3A_362, %dma_wait3A_370, %dma_wait3A_371] : memref<2x128x128xf32, #tpu.memory_space<vmem>> -> memref<1x128x128xf32, #tpu.memory_space<vmem>>
    %dma_wait3A_373 = tpu.memref_squeeze %dma_wait3A_372 : memref<1x128x128xf32, #tpu.memory_space<vmem>> -> memref<128x128xf32, #tpu.memory_space<vmem>>
    %dma_wait3A_374 = arith.constant 0 : i32
    %dma_wait3A_375 = arith.constant 0 : i32
    %dma_wait3A_376 = tpu.memref_slice %arg2[%dma_wait3A_374, %dma_wait3A_375] : memref<10000x128xf32, #tpu.memory_space<hbm>> -> memref<128x128xf32, #tpu.memory_space<hbm>>
    tpu.wait_dma2 semaphore(%arg14 : memref<!tpu.dma_semaphore, #tpu.memory_space<semaphore_mem>>) src(%dma_wait3A_376 : memref<128x128xf32, #tpu.memory_space<hbm>>) dst(%dma_wait3A_373 : memref<128x128xf32, #tpu.memory_space<vmem>>)
    return
  }
}

module attributes {stable_mosaic.version = 14 : i64} {
  func.func @_mlp_body(%arg0: memref<10000x128xf32, #tpu.memory_space<vmem>>, %arg1: memref<2x10240x128xf32, #tpu.memory_space<vmem>>, %arg2: memref<2x10240x16xf32, #tpu.memory_space<vmem>>, %arg3: memref<128x128xf32, #tpu.memory_space<vmem>>, %arg4: memref<16x128xf32, #tpu.memory_space<vmem>>, %arg5: memref<128xf32, #tpu.memory_space<vmem>>, %arg6: memref<128xf32, #tpu.memory_space<vmem>>, %arg7: memref<128xf32, #tpu.memory_space<vmem>>, %arg8: memref<128x128xf32, #tpu.memory_space<vmem>>, %arg9: memref<128xf32, #tpu.memory_space<vmem>>, %arg10: memref<128xf32, #tpu.memory_space<vmem>>, %arg11: memref<128xf32, #tpu.memory_space<vmem>>, %arg12: memref<10000x128xf32, #tpu.memory_space<vmem>>) attributes {dimension_semantics = [], scalar_prefetch = 0 : i64, scratch_operands = 0 : i64, tpu.core_type = #tpu.core_type<tc>} {
    %get3A = arith.constant 0 : index
    %get3A_0 = arith.constant 0 : index
    %get3A_1 = vector.load %arg0[%get3A, %get3A_0] : memref<10000x128xf32, #tpu.memory_space<vmem>>, vector<10000x128xf32>
    %get3A_2 = arith.constant 0 : index
    %get3A_3 = arith.constant 0 : index
    %get3A_4 = arith.constant 0 : index
    %get3A_5 = vector.load %arg1[%get3A_2, %get3A_3, %get3A_4] : memref<2x10240x128xf32, #tpu.memory_space<vmem>>, vector<1x10000x128xf32>
    %get3A_6 = vector.shape_cast %get3A_5 : vector<1x10000x128xf32> to vector<10000x128xf32>
    %add3A = arith.addf %get3A_1, %get3A_6 : vector<10000x128xf32>
    %get3A_7 = arith.constant 1 : index
    %get3A_8 = arith.constant 0 : index
    %get3A_9 = arith.constant 0 : index
    %get3A_10 = vector.load %arg1[%get3A_7, %get3A_8, %get3A_9] : memref<2x10240x128xf32, #tpu.memory_space<vmem>>, vector<1x10000x128xf32>
    %get3A_11 = vector.shape_cast %get3A_10 : vector<1x10000x128xf32> to vector<10000x128xf32>
    %add3A_12 = arith.addf %add3A, %get3A_11 : vector<10000x128xf32>
    %get3A_13 = arith.constant 0 : index
    %get3A_14 = arith.constant 0 : index
    %get3A_15 = arith.constant 0 : index
    %get3A_16 = vector.load %arg2[%get3A_13, %get3A_14, %get3A_15] : memref<2x10240x16xf32, #tpu.memory_space<vmem>>, vector<1x10000x16xf32>
    %get3A_17 = vector.shape_cast %get3A_16 : vector<1x10000x16xf32> to vector<10000x16xf32>
    %get3A_18 = arith.constant 1 : index
    %get3A_19 = arith.constant 0 : index
    %get3A_20 = arith.constant 0 : index
    %get3A_21 = vector.load %arg2[%get3A_18, %get3A_19, %get3A_20] : memref<2x10240x16xf32, #tpu.memory_space<vmem>>, vector<1x10000x16xf32>
    %get3A_22 = vector.shape_cast %get3A_21 : vector<1x10000x16xf32> to vector<10000x16xf32>
    %add3A_23 = arith.addf %get3A_17, %get3A_22 : vector<10000x16xf32>
    %add3A_24 = arith.constant 1.000000e+00 : f32
    %add3A_25 = vector.broadcast %add3A_24 : f32 to vector<10000x16xf32>
    %add3A_26 = arith.addf %add3A_23, %add3A_25 : vector<10000x16xf32>
    %get3A_27 = arith.constant 0 : index
    %get3A_28 = arith.constant 0 : index
    %get3A_29 = vector.load %arg3[%get3A_27, %get3A_28] : memref<128x128xf32, #tpu.memory_space<vmem>>, vector<128x128xf32>
    %dot_general3A = arith.constant dense<0.000000e+00> : vector<10000x128xf32>
    %dot_general3A_30 = tpu.matmul %add3A_12, %get3A_29, %dot_general3A {dimension_numbers = #tpu.dot_dimension_numbers<[1], [0], [0], [1], [0, 0, 1, 1], [], []>, precision = #tpu.contract_precision<fp32>, transpose_lhs_hint = false} : vector<10000x128xf32>, vector<128x128xf32>, vector<10000x128xf32> -> vector<10000x128xf32>
    %get3A_31 = arith.constant 0 : index
    %get3A_32 = arith.constant 0 : index
    %get3A_33 = vector.load %arg4[%get3A_31, %get3A_32] : memref<16x128xf32, #tpu.memory_space<vmem>>, vector<16x128xf32>
    %dot_general3A_34 = arith.constant dense<0.000000e+00> : vector<10000x128xf32>
    %dot_general3A_35 = tpu.matmul %add3A_26, %get3A_33, %dot_general3A_34 {dimension_numbers = #tpu.dot_dimension_numbers<[1], [0], [0], [1], [0, 0, 1, 1], [], []>, precision = #tpu.contract_precision<fp32>, transpose_lhs_hint = false} : vector<10000x16xf32>, vector<16x128xf32>, vector<10000x128xf32> -> vector<10000x128xf32>
    %add3A_36 = arith.addf %dot_general3A_30, %dot_general3A_35 : vector<10000x128xf32>
    %get3A_37 = arith.constant 0 : index
    %get3A_38 = vector.load %arg5[%get3A_37] : memref<128xf32, #tpu.memory_space<vmem>>, vector<128xf32>
    %broadcast_in_dim3A = vector.shape_cast %get3A_38 : vector<128xf32> to vector<1x128xf32>
    %add3A_39 = vector.broadcast %broadcast_in_dim3A : vector<1x128xf32> to vector<10000x128xf32>
    %add3A_40 = arith.addf %add3A_36, %add3A_39 : vector<10000x128xf32>
    %get3A_41 = arith.constant 0 : index
    %get3A_42 = vector.load %arg6[%get3A_41] : memref<128xf32, #tpu.memory_space<vmem>>, vector<128xf32>
    %get3A_43 = arith.constant 0 : index
    %get3A_44 = vector.load %arg7[%get3A_43] : memref<128xf32, #tpu.memory_space<vmem>>, vector<128xf32>
    %reduce_sum3A = arith.constant dense<0.000000e+00> : vector<128xf32>
    %reduce_sum3A_45 = vector.multi_reduction <add>, %add3A_40, %reduce_sum3A [0] : vector<10000x128xf32> to vector<128xf32>
    %broadcast_in_dim3A_46 = vector.shape_cast %reduce_sum3A_45 : vector<128xf32> to vector<1x128xf32>
    %div3A = arith.constant 1.000000e+04 : f32
    %div3A_47 = vector.broadcast %div3A : f32 to vector<1x128xf32>
    %div3A_48 = arith.divf %broadcast_in_dim3A_46, %div3A_47 : vector<1x128xf32>
    %sub3A = vector.broadcast %div3A_48 : vector<1x128xf32> to vector<10000x128xf32>
    %sub3A_49 = arith.subf %add3A_40, %sub3A : vector<10000x128xf32>
    %mul3A = arith.mulf %sub3A_49, %sub3A_49 : vector<10000x128xf32>
    %reduce_sum3A_50 = arith.constant dense<0.000000e+00> : vector<128xf32>
    %reduce_sum3A_51 = vector.multi_reduction <add>, %mul3A, %reduce_sum3A_50 [0] : vector<10000x128xf32> to vector<128xf32>
    %broadcast_in_dim3A_52 = vector.shape_cast %reduce_sum3A_51 : vector<128xf32> to vector<1x128xf32>
    %div3A_53 = arith.constant 1.000000e+04 : f32
    %div3A_54 = vector.broadcast %div3A_53 : f32 to vector<1x128xf32>
    %div3A_55 = arith.divf %broadcast_in_dim3A_52, %div3A_54 : vector<1x128xf32>
    %broadcast_in_dim3A_56 = vector.shape_cast %get3A_42 : vector<128xf32> to vector<1x128xf32>
    %mul3A_57 = vector.broadcast %broadcast_in_dim3A_56 : vector<1x128xf32> to vector<10000x128xf32>
    %mul3A_58 = arith.mulf %mul3A_57, %sub3A_49 : vector<10000x128xf32>
    %add3A_59 = arith.constant 9.99999974E-6 : f32
    %add3A_60 = vector.broadcast %add3A_59 : f32 to vector<1x128xf32>
    %add3A_61 = arith.addf %div3A_55, %add3A_60 : vector<1x128xf32>
    %rsqrt3A = math.rsqrt %add3A_61 : vector<1x128xf32>
    %mul3A_62 = vector.broadcast %rsqrt3A : vector<1x128xf32> to vector<10000x128xf32>
    %mul3A_63 = arith.mulf %mul3A_58, %mul3A_62 : vector<10000x128xf32>
    %broadcast_in_dim3A_64 = vector.shape_cast %get3A_44 : vector<128xf32> to vector<1x128xf32>
    %add3A_65 = vector.broadcast %broadcast_in_dim3A_64 : vector<1x128xf32> to vector<10000x128xf32>
    %add3A_66 = arith.addf %mul3A_63, %add3A_65 : vector<10000x128xf32>
    %max3A = arith.constant 0.000000e+00 : f32
    %max3A_67 = vector.broadcast %max3A : f32 to vector<10000x128xf32>
    %max3A_68 = arith.maximumf %add3A_66, %max3A_67 : vector<10000x128xf32>
    %get3A_69 = arith.constant 0 : index
    %get3A_70 = arith.constant 0 : index
    %get3A_71 = vector.load %arg8[%get3A_69, %get3A_70] : memref<128x128xf32, #tpu.memory_space<vmem>>, vector<128x128xf32>
    %dot_general3A_72 = arith.constant dense<0.000000e+00> : vector<10000x128xf32>
    %dot_general3A_73 = tpu.matmul %max3A_68, %get3A_71, %dot_general3A_72 {dimension_numbers = #tpu.dot_dimension_numbers<[1], [0], [0], [1], [0, 0, 1, 1], [], []>, precision = #tpu.contract_precision<fp32>, transpose_lhs_hint = false} : vector<10000x128xf32>, vector<128x128xf32>, vector<10000x128xf32> -> vector<10000x128xf32>
    %get3A_74 = arith.constant 0 : index
    %get3A_75 = vector.load %arg9[%get3A_74] : memref<128xf32, #tpu.memory_space<vmem>>, vector<128xf32>
    %broadcast_in_dim3A_76 = vector.shape_cast %get3A_75 : vector<128xf32> to vector<1x128xf32>
    %add3A_77 = vector.broadcast %broadcast_in_dim3A_76 : vector<1x128xf32> to vector<10000x128xf32>
    %add3A_78 = arith.addf %dot_general3A_73, %add3A_77 : vector<10000x128xf32>
    %get3A_79 = arith.constant 0 : index
    %get3A_80 = vector.load %arg10[%get3A_79] : memref<128xf32, #tpu.memory_space<vmem>>, vector<128xf32>
    %get3A_81 = arith.constant 0 : index
    %get3A_82 = vector.load %arg11[%get3A_81] : memref<128xf32, #tpu.memory_space<vmem>>, vector<128xf32>
    %reduce_sum3A_83 = arith.constant dense<0.000000e+00> : vector<128xf32>
    %reduce_sum3A_84 = vector.multi_reduction <add>, %add3A_78, %reduce_sum3A_83 [0] : vector<10000x128xf32> to vector<128xf32>
    %broadcast_in_dim3A_85 = vector.shape_cast %reduce_sum3A_84 : vector<128xf32> to vector<1x128xf32>
    %div3A_86 = arith.constant 1.000000e+04 : f32
    %div3A_87 = vector.broadcast %div3A_86 : f32 to vector<1x128xf32>
    %div3A_88 = arith.divf %broadcast_in_dim3A_85, %div3A_87 : vector<1x128xf32>
    %sub3A_89 = vector.broadcast %div3A_88 : vector<1x128xf32> to vector<10000x128xf32>
    %sub3A_90 = arith.subf %add3A_78, %sub3A_89 : vector<10000x128xf32>
    %mul3A_91 = arith.mulf %sub3A_90, %sub3A_90 : vector<10000x128xf32>
    %reduce_sum3A_92 = arith.constant dense<0.000000e+00> : vector<128xf32>
    %reduce_sum3A_93 = vector.multi_reduction <add>, %mul3A_91, %reduce_sum3A_92 [0] : vector<10000x128xf32> to vector<128xf32>
    %broadcast_in_dim3A_94 = vector.shape_cast %reduce_sum3A_93 : vector<128xf32> to vector<1x128xf32>
    %div3A_95 = arith.constant 1.000000e+04 : f32
    %div3A_96 = vector.broadcast %div3A_95 : f32 to vector<1x128xf32>
    %div3A_97 = arith.divf %broadcast_in_dim3A_94, %div3A_96 : vector<1x128xf32>
    %broadcast_in_dim3A_98 = vector.shape_cast %get3A_80 : vector<128xf32> to vector<1x128xf32>
    %mul3A_99 = vector.broadcast %broadcast_in_dim3A_98 : vector<1x128xf32> to vector<10000x128xf32>
    %mul3A_100 = arith.mulf %mul3A_99, %sub3A_90 : vector<10000x128xf32>
    %add3A_101 = arith.constant 9.99999974E-6 : f32
    %add3A_102 = vector.broadcast %add3A_101 : f32 to vector<1x128xf32>
    %add3A_103 = arith.addf %div3A_97, %add3A_102 : vector<1x128xf32>
    %rsqrt3A_104 = math.rsqrt %add3A_103 : vector<1x128xf32>
    %mul3A_105 = vector.broadcast %rsqrt3A_104 : vector<1x128xf32> to vector<10000x128xf32>
    %mul3A_106 = arith.mulf %mul3A_100, %mul3A_105 : vector<10000x128xf32>
    %broadcast_in_dim3A_107 = vector.shape_cast %get3A_82 : vector<128xf32> to vector<1x128xf32>
    %add3A_108 = vector.broadcast %broadcast_in_dim3A_107 : vector<1x128xf32> to vector<10000x128xf32>
    %add3A_109 = arith.addf %mul3A_106, %add3A_108 : vector<10000x128xf32>
    %max3A_110 = arith.constant 0.000000e+00 : f32
    %max3A_111 = vector.broadcast %max3A_110 : f32 to vector<10000x128xf32>
    %max3A_112 = arith.maximumf %add3A_109, %max3A_111 : vector<10000x128xf32>
    %swap3A = arith.constant 0 : index
    %swap3A_113 = arith.constant 0 : index
    %swap3A_114 = vector.load %arg12[%swap3A, %swap3A_113] : memref<10000x128xf32, #tpu.memory_space<vmem>>, vector<10000x128xf32>
    tpu.vector_store %arg12[%swap3A, %swap3A_113], %max3A_112 {strides = array<i32>} : memref<10000x128xf32, #tpu.memory_space<vmem>>, vector<10000x128xf32>,
    return
  }
}

module attributes {stable_mosaic.version = 14 : i64} {
  func.func @_pool_body(%arg0: memref<10000xi32, #tpu.memory_space<vmem>>, %arg1: memref<10000x128xf32, #tpu.memory_space<vmem>>, %arg2: memref<10000x128xf32, #tpu.memory_space<vmem>>, %arg3: memref<10000x128xf32, #tpu.memory_space<vmem>>, %arg4: memref<128x64xf32, #tpu.memory_space<vmem>>, %arg5: memref<128x64xf32, #tpu.memory_space<vmem>>, %arg6: memref<128x64xf32, #tpu.memory_space<vmem>>, %arg7: memref<64xf32, #tpu.memory_space<vmem>>, %arg8: memref<64xf32, #tpu.memory_space<vmem>>, %arg9: memref<64xf32, #tpu.memory_space<vmem>>, %arg10: memref<64x64xf32, #tpu.memory_space<vmem>>) attributes {dimension_semantics = [], scalar_prefetch = 0 : i64, scratch_operands = 0 : i64, tpu.core_type = #tpu.core_type<tc>} {
    %get3A = arith.constant 0 : index
    %get3A_0 = vector.load %arg0[%get3A] : memref<10000xi32, #tpu.memory_space<vmem>>, vector<10000xi32>
    %iota3A = tpu.iota {dimensions = array<i32: 0>} : vector<64x10000xi32>
    %broadcast_in_dim3A = vector.shape_cast %get3A_0 : vector<10000xi32> to vector<1x10000xi32>
    %eq3A = vector.broadcast %broadcast_in_dim3A : vector<1x10000xi32> to vector<64x10000xi32>
    %eq3A_1 = arith.cmpi eq, %iota3A, %eq3A : vector<64x10000xi32>
    %jit3A = arith.constant 1.000000e+00 : f32
    %jit3A_2 = arith.constant 0.000000e+00 : f32
    %broadcast_in_dim3A_3 = vector.broadcast %jit3A : f32 to vector<64x10000xf32>
    %broadcast_in_dim3A_4 = vector.broadcast %jit3A_2 : f32 to vector<64x10000xf32>
    %select_n3A = arith.select %eq3A_1, %broadcast_in_dim3A_3, %broadcast_in_dim3A_4 : vector<64x10000xi1>, vector<64x10000xf32>
    %get3A_5 = arith.constant 0 : index
    %get3A_6 = arith.constant 0 : index
    %get3A_7 = vector.load %arg1[%get3A_5, %get3A_6] : memref<10000x128xf32, #tpu.memory_space<vmem>>, vector<10000x128xf32>
    %dot_general3A = arith.constant dense<0.000000e+00> : vector<64x128xf32>
    %dot_general3A_8 = tpu.matmul %select_n3A, %get3A_7, %dot_general3A {dimension_numbers = #tpu.dot_dimension_numbers<[1], [0], [0], [1], [0, 0, 1, 1], [], []>, precision = #tpu.contract_precision<fp32>, transpose_lhs_hint = false} : vector<64x10000xf32>, vector<10000x128xf32>, vector<64x128xf32> -> vector<64x128xf32>
    %get3A_9 = arith.constant 0 : index
    %get3A_10 = arith.constant 0 : index
    %get3A_11 = vector.load %arg2[%get3A_9, %get3A_10] : memref<10000x128xf32, #tpu.memory_space<vmem>>, vector<10000x128xf32>
    %dot_general3A_12 = arith.constant dense<0.000000e+00> : vector<64x128xf32>
    %dot_general3A_13 = tpu.matmul %select_n3A, %get3A_11, %dot_general3A_12 {dimension_numbers = #tpu.dot_dimension_numbers<[1], [0], [0], [1], [0, 0, 1, 1], [], []>, precision = #tpu.contract_precision<fp32>, transpose_lhs_hint = false} : vector<64x10000xf32>, vector<10000x128xf32>, vector<64x128xf32> -> vector<64x128xf32>
    %get3A_14 = arith.constant 0 : index
    %get3A_15 = arith.constant 0 : index
    %get3A_16 = vector.load %arg3[%get3A_14, %get3A_15] : memref<10000x128xf32, #tpu.memory_space<vmem>>, vector<10000x128xf32>
    %dot_general3A_17 = arith.constant dense<0.000000e+00> : vector<64x128xf32>
    %dot_general3A_18 = tpu.matmul %select_n3A, %get3A_16, %dot_general3A_17 {dimension_numbers = #tpu.dot_dimension_numbers<[1], [0], [0], [1], [0, 0, 1, 1], [], []>, precision = #tpu.contract_precision<fp32>, transpose_lhs_hint = false} : vector<64x10000xf32>, vector<10000x128xf32>, vector<64x128xf32> -> vector<64x128xf32>
    %get3A_19 = arith.constant 0 : index
    %get3A_20 = arith.constant 0 : index
    %get3A_21 = vector.load %arg4[%get3A_19, %get3A_20] : memref<128x64xf32, #tpu.memory_space<vmem>>, vector<128x64xf32>
    %dot_general3A_22 = arith.constant dense<0.000000e+00> : vector<64x64xf32>
    %dot_general3A_23 = tpu.matmul %dot_general3A_8, %get3A_21, %dot_general3A_22 {dimension_numbers = #tpu.dot_dimension_numbers<[1], [0], [0], [1], [0, 0, 1, 1], [], []>, precision = #tpu.contract_precision<fp32>, transpose_lhs_hint = false} : vector<64x128xf32>, vector<128x64xf32>, vector<64x64xf32> -> vector<64x64xf32>
    %get3A_24 = arith.constant 0 : index
    %get3A_25 = arith.constant 0 : index
    %get3A_26 = vector.load %arg5[%get3A_24, %get3A_25] : memref<128x64xf32, #tpu.memory_space<vmem>>, vector<128x64xf32>
    %dot_general3A_27 = arith.constant dense<0.000000e+00> : vector<64x64xf32>
    %dot_general3A_28 = tpu.matmul %dot_general3A_13, %get3A_26, %dot_general3A_27 {dimension_numbers = #tpu.dot_dimension_numbers<[1], [0], [0], [1], [0, 0, 1, 1], [], []>, precision = #tpu.contract_precision<fp32>, transpose_lhs_hint = false} : vector<64x128xf32>, vector<128x64xf32>, vector<64x64xf32> -> vector<64x64xf32>
    %add3A = arith.addf %dot_general3A_23, %dot_general3A_28 : vector<64x64xf32>
    %get3A_29 = arith.constant 0 : index
    %get3A_30 = arith.constant 0 : index
    %get3A_31 = vector.load %arg6[%get3A_29, %get3A_30] : memref<128x64xf32, #tpu.memory_space<vmem>>, vector<128x64xf32>
    %dot_general3A_32 = arith.constant dense<0.000000e+00> : vector<64x64xf32>
    %dot_general3A_33 = tpu.matmul %dot_general3A_18, %get3A_31, %dot_general3A_32 {dimension_numbers = #tpu.dot_dimension_numbers<[1], [0], [0], [1], [0, 0, 1, 1], [], []>, precision = #tpu.contract_precision<fp32>, transpose_lhs_hint = false} : vector<64x128xf32>, vector<128x64xf32>, vector<64x64xf32> -> vector<64x64xf32>
    %add3A_34 = arith.addf %add3A, %dot_general3A_33 : vector<64x64xf32>
    %get3A_35 = arith.constant 0 : index
    %get3A_36 = vector.load %arg7[%get3A_35] : memref<64xf32, #tpu.memory_space<vmem>>, vector<64xf32>
    %broadcast_in_dim3A_37 = vector.shape_cast %get3A_36 : vector<64xf32> to vector<1x64xf32>
    %add3A_38 = vector.broadcast %broadcast_in_dim3A_37 : vector<1x64xf32> to vector<64x64xf32>
    %add3A_39 = arith.addf %add3A_34, %add3A_38 : vector<64x64xf32>
    %get3A_40 = arith.constant 0 : index
    %get3A_41 = vector.load %arg8[%get3A_40] : memref<64xf32, #tpu.memory_space<vmem>>, vector<64xf32>
    %broadcast_in_dim3A_42 = vector.shape_cast %get3A_41 : vector<64xf32> to vector<1x64xf32>
    %add3A_43 = vector.broadcast %broadcast_in_dim3A_42 : vector<1x64xf32> to vector<64x64xf32>
    %add3A_44 = arith.addf %add3A_39, %add3A_43 : vector<64x64xf32>
    %get3A_45 = arith.constant 0 : index
    %get3A_46 = vector.load %arg9[%get3A_45] : memref<64xf32, #tpu.memory_space<vmem>>, vector<64xf32>
    %broadcast_in_dim3A_47 = vector.shape_cast %get3A_46 : vector<64xf32> to vector<1x64xf32>
    %add3A_48 = vector.broadcast %broadcast_in_dim3A_47 : vector<1x64xf32> to vector<64x64xf32>
    %add3A_49 = arith.addf %add3A_44, %add3A_48 : vector<64x64xf32>
    %swap3A = arith.constant 0 : index
    %swap3A_50 = arith.constant 0 : index
    %swap3A_51 = vector.load %arg10[%swap3A, %swap3A_50] : memref<64x64xf32, #tpu.memory_space<vmem>>, vector<64x64xf32>
    tpu.vector_store %arg10[%swap3A, %swap3A_50], %add3A_49 {strides = array<i32>} : memref<64x64xf32, #tpu.memory_space<vmem>>, vector<64x64xf32>,
    return
  }
}

</mosaic_0001>

<sc_bundles>
// kernel: edges_sc.3.cloned.1.call-start
scs
__scs_entry_jumppad:
0x0: {  	(pc) =	sbr.rel $0x88, $3  }
0x1: {  	(tag) =	ssettag $0x0;
	lr =	simm.s32 $0x1  }
0x2: {  	[smem:$0x3F87] =	sst lr;
	_ =	strace $0xD0000000  }
0x3: {  	_ = 	snop  }
0x4: {  	_ = 	snop  }
0x5: {  	_ = 	snop  }
0x6: {  	_ = 	snop  }
0x7: {  	_ = 	snop  }
__scs_overlays_trampoline_lowered:
0x8: {  	[smem:$0x3F96] =	sst s0  }
0x9: {  	[smem:$0x3F97] =	sst s1  }
0xa: {  	[smem:$0x3F98] =	sst s2  }
0xb: {  	[smem:$0x3F99] =	sst s3  }
0xc: {  	[smem:$0x3F9A] =	sst s4  }
0xd: {  	[smem:$0x3F9B] =	sst s5  }
0xe: {  	[smem:$0x3F9C] =	sst s6  }
0xf: {  	[smem:$0x3F9D] =	sst s7  }
0x10: {  	[smem:$0x3F9E] =	sst s8  }
0x11: {  	[smem:$0x3F9F] =	sst s9;
	s0 =	simm.s32 @!p0 $0x0  }
0x12: {  	s1 =	sld [smem:$0x3F85];
	s0 =	simm.s32 @p0 $0x1  }
0x13: {  	[smem:$0x3FA0] =	sst s0;
	s0 =	simm.s32 @!p1 $0x0  }
0x14: {  	s2 =	sld [smem:$0x3F84];
	s0 =	simm.s32 @p1 $0x1  }
0x15: {  	[smem:$0x3FA1] =	sst s0;
	s0 =	simm.s32 @!p2 $0x0  }
0x16: {  	s3 =	sld [smem:$0x3FDB];
	s0 =	simm.s32 @p2 $0x1  }
0x17: {  	s4 =	simm.s32 $0x1BF5;
	[smem:$0x3FA3] =	sst s0  }
0x18: {  	s0 =	sld [smem:$0x3F86];
	_ =	swait.ge [sflag:s4], $0x0  }
0x19: {  	s7 =	sld [smem:$0x3F87]  }
0x1a: {  	s8 =	sadd.s32 $0xFFFFE003, lr  }
0x1b: {  	s9 =	sadd.s32 $0xFFFFFEF7, lr;
	s5 =	simm.s32 $0xFFFFFFFF;
	p2 =	slt.u32 s8, $0xFFFFF086  }
0x1c: {  	p1 =	slt.u32 s9, $0xF7A;
	s5 =	simm.s32 @!p2 $0x0  }
0x1d: {  	s5 =	simm.s32 @p1 $0x1;
	p0 =	seq.s32 s7, s2  }
0x1e: {  	s7 =	smul.u32 @!p0 $0xF7A, s2;
	p2 =	seq.s32 @!p0 s5, $0x0  }
0x1f: {  	s9 =	smul.u32 $0xF7A, s1;
	s8 =	simm.s32 @!p0 $0x1BF5;
	p2 =	por !p2, p0  }
0x20: {  	[sflag:s8] =	ssyncset.s32 @!p0 $0xFFFFF086;
	s6 =	sadd.s32 @!p0 s3, s7;
	s7 =	simm.s32 @!p0 $0x108  }
0x21: {  	s3 =	sadd.s32 s3, s9;
	s6 =	sadd.s32 @!p0 $0x88, s6;
	s7 =	simm.s32 @p2 $0x1082  }
0x22: {  	[simem:s7], [sflag:s8] =	dma.local @!p0 [hbm:s6], $0xF7A  }
0x23: {  	s9 =	sor.u32 $0xD0000000, s2;
	s6 =	simm.s32 $0x108;
	_ =	swait.ge @!p0 [sflag:s8], $0x0  }
0x24: {  	s3 =	sadd.s32 $0x88, s3;
	s6 =	simm.s32 @!p1 $0x1082;
	[sflag:s4] =	ssyncset.s32 $0xFFFFF086  }
0x25: {  	[simem:s6], [sflag:s4] =	dma.local [hbm:s3], $0xF7A  }
0x26: {  	[smem:$0x3F87] =	sst s1;
	(tag) =	ssettag s2;
	_ =	strace s9  }
0x27: {  	s1 =	sld [smem:$0x3F97]  }
0x28: {  	s2 =	sld [smem:$0x3F98]  }
0x29: {  	s4 =	sld [smem:$0x3F9A]  }
0x2a: {  	p0 =	seq.s32 s5, $0x0;
	s5 =	sld [smem:$0x3F9B]  }
0x2b: {  	s6 =	sld [smem:$0x3F9C]  }
0x2c: {  	s7 =	sld [smem:$0x3F9D]  }
0x2d: {  	s3 =	simm.s32 $0x108;
	s8 =	sld [smem:$0x3F9E]  }
0x2e: {  	s3 =	simm.s32 @!p0 $0x1082;
	s9 =	sld [smem:$0x3F9F]  }
0x2f: {  	lr =	sadd.s32 s0, s3;
	s0 =	sld [smem:$0x3F96]  }
0x30: {  	s3 =	sld [smem:$0x3F99]  }
0x31: {  	[smem:$0x3FA2] =	sst s10  }
0x32: {  	s10 =	sld [smem:$0x3FA0];
	_ =	sdelay $0x3  }
0x33: {  	p0 =	seq.s32 s10, $0x1;
	s10 =	sld [smem:$0x3FA2];
	_ =	sdelay $0x3  }
0x34: {  	[smem:$0x3FA2] =	sst s10  }
0x35: {  	s10 =	sld [smem:$0x3FA1];
	_ =	sdelay $0x3  }
0x36: {  	p1 =	seq.s32 s10, $0x1;
	s10 =	sld [smem:$0x3FA2];
	_ =	sdelay $0x3  }
0x37: {  	[smem:$0x3FA2] =	sst s10  }
0x38: {  	s10 =	sld [smem:$0x3FA3]  }
0x39: {  	_ = 	snop;
	(pc) =	sbr.ind lr, $3  }
0x3a: {  	_ = 	snop  }
0x3b: {  	_ = 	snop  }
0x3c: {  	p2 =	seq.s32 s10, $0x1;
	s10 =	sld [smem:$0x3FA2]  }
0x3d: {  	_ =	shalt  }
0x3e: {  	_ =	shalt  }
0x3f: {  	_ =	shalt  }
0x40: {  	_ =	shalt  }
0x41: {  	_ =	shalt  }
0x42: {  	_ =	shalt  }
0x43: {  	_ =	shalt  }
0x44: {  	_ =	shalt  }
0x45: {  	_ =	shalt  }
0x46: {  	_ =	shalt  }
0x47: {  	_ =	shalt  }
0x48: {  	_ =	shalt  }
0x49: {  	_ =	shalt  }
0x4a: {  	_ =	shalt  }
0x4b: {  	_ =	shalt  }
0x4c: {  	_ =	shalt  }
0x4d: {  	_ =	shalt  }
0x4e: {  	_ =	shalt  }
0x4f: {  	_ =	shalt  }
0x50: {  	_ =	shalt  }
0x51: {  	_ =	shalt  }
0x52: {  	_ =	shalt  }
0x53: {  	_ =	shalt  }
0x54: {  	_ =	shalt  }
0x55: {  	_ =	shalt  }
0x56: {  	_ =	shalt  }
0x57: {  	_ =	shalt  }
0x58: {  	_ =	shalt  }
0x59: {  	_ =	shalt  }
0x5a: {  	_ =	shalt  }
0x5b: {  	_ =	shalt  }
0x5c: {  	_ =	shalt  }
0x5d: {  	_ =	shalt  }
0x5e: {  	_ =	shalt  }
0x5f: {  	_ =	shalt  }
0x60: {  	_ =	shalt  }
0x61: {  	_ =	shalt  }
0x62: {  	_ =	shalt  }
0x63: {  	_ =	shalt  }
0x64: {  	_ =	shalt  }
0x65: {  	_ =	shalt  }
0x66: {  	_ =	shalt  }
0x67: {  	_ =	shalt  }
0x68: {  	_ =	shalt  }
0x69: {  	_ =	shalt  }
0x6a: {  	_ =	shalt  }
0x6b: {  	_ =	shalt  }
0x6c: {  	_ =	shalt  }
0x6d: {  	_ =	shalt  }
0x6e: {  	_ =	shalt  }
0x6f: {  	_ =	shalt  }
0x70: {  	_ =	shalt  }
0x71: {  	_ =	shalt  }
0x72: {  	_ =	shalt  }
0x73: {  	_ =	shalt  }
0x74: {  	_ =	shalt  }
0x75: {  	_ =	shalt  }
0x76: {  	_ =	shalt  }
0x77: {  	_ =	shalt  }
0x78: {  	_ =	shalt  }
0x79: {  	_ =	shalt  }
0x7a: {  	_ =	shalt  }
0x7b: {  	_ =	shalt  }
0x7c: {  	_ =	shalt  }
0x7d: {  	_ =	shalt  }
0x7e: {  	_ =	shalt  }
0x7f: {  	_ =	shalt  }
0x80: {  	_ =	shalt  }
0x81: {  	_ =	shalt  }
0x82: {  	_ =	shalt  }
0x83: {  	_ =	shalt  }
0x84: {  	_ =	shalt  }
0x85: {  	_ =	shalt  }
0x86: {  	_ =	shalt  }
0x87: {  	_ =	shalt  }
.Lfunc_end0:
.L_simem_size_0:
called_computation_lowered:
.L_overlay_start_0:
0x88: {  	s2 =	sld [smem:$0x3FD9]  }
0x89: {  	s3 =	sld [smem:$0x3FFE];
	_ =	sdelay $0x1  }
0x8a: {  	s1 =	srdreg.scid  }
0x8b: {  	s0 =	sand.u32 $0x1, s1  }
0x8c: {  	s17 =	sshll.u32 s0, $0xA;
	s2 =	sadd.s32 s3, s2  }
0x8d: {  	s2 =	sadd.s32 s2, s17  }
0x8e: {  	[smem:$0x3FAE] =	sst s2  }
0x8f: {  	_ = 	snop  }
0x90: {  	s2 =	sld [smem:$0x3FD0];
	(tm) =	ssettm $0x1  }
0x91: {  	s18 =	sld [smem:$0x3FFB];
	_ =	sdelay $0x3  }
0x92: {  	_ =	strace s18  }
0x93: {  	s3 =	sld [smem:$0x3FFC];
	_ =	sdelay $0x3  }
0x94: {  	_ =	strace s3  }
0x95: {  	s3 =	sld [smem:$0x3FFD];
	_ =	sdelay $0x3  }
0x96: {  	_ =	strace s3  }
0x97: {  	_ =	strace $0x8FFFFFFF  }
0x98: {  	s19 =	sld [smem:$0x3FDB];
	_ =	sdelay $0x1  }
0x99: {  	s4 =	simm.s32 $_scs_section_size  }
0x9a: {  	s5 =	simm.s32 $_size__tile_overlayer_lowered;
	s6 =	simm.s32 $_tile_overlayer_lowered  }
0x9b: {  	s22 =	simm.s32 $0x1BFF;
	s21 =	sshll.u32 s6, $0x1;
	s3 =	sadd.s32 s4, s19  }
0x9c: {  	s7 =	simm.s32 $0x0;
	s20 =	sshll.u32 s5, $0x1;
	s5 =	sadd.s32 s21, s3  }
0x9d: {  	[timem:s7], [sflag:s22] =	dma.local [hbm:s5], s20  }
0x9e: {  	_ =	swait.ge [sflag:s22], s20  }
0x9f: {  	s4 =	ssub.s32 $0x0, s20;
	[sflag:s22] =	ssyncset.done $0x0  }
0xa0: {  	[sflag:s22] =	ssyncadd.s32 s4;
	_ =	sdelay $0x1  }
0xa1: {  	s23 =	simm.s32 $0x1B8B  }
0xa2: {  	_ =	swait.ge [sflag:s23], $0x1  }
0xa3: {  	[sflag:s23] =	ssyncset.done $0x0  }
0xa4: {  	s25 =	simm.s32 $0x1B8E;
	s24 =	sld [smem:$0x3FFE];
	[sflag:s23] =	ssyncadd.s32 $0xFFFFFFFF  }
0xa5: {  	s26 =	simm.s32 $execute0_lowered;
	[smem:$0x3FD2] =	sst s25  }
0xa6: {  	s5 =	sshll.u32 s26, $0x1;
	_ =	strace $0x80000046;
	[dreg:$0x1] =	wrdreg $0xFFFFFFFF  }
0xa7: {  	s28 =	simm.s32 $_size_execute0_lowered;
	s3 =	sadd.s32 s3, s5;
	[dreg:$0x0] =	wrdreg $0x0  }
0xa8: {  	s5 =	sshll.u32 s28, $0x1;
	[dreg:$0x2] =	wrdreg s3  }
0xa9: {  	[dreg:$0x3] =	wrdreg s5  }
0xaa: {  	[dreg:$0x4] =	wrdreg $0xC0  }
0xab: {  	_ =	task [dreg:s7], $0x5FFFF  }
0xac: {  	[dreg:$0x1] =	wrdreg $0xFFFFFFFF  }
0xad: {  	[dreg:$0x0] =	wrdreg $0x60  }
0xae: {  	[dreg:$0x2] =	wrdreg s24  }
0xaf: {  	[dreg:$0x3] =	wrdreg s2  }
0xb0: {  	[dreg:$0x4] =	wrdreg $0x12100  }
0xb1: {  	[dreg:$0x5] =	wrdreg $0x9  }
0xb2: {  	_ =	task.clear_ibuf [dreg:s7], $0x6FFFF;
	_ =	strace $0x90000046  }
0xb3: {  	s29 =	simm.s32 $0x9;
	_ =	strace $0x80000048  }
0xb4: {  	_ =	swait.ge [sflag:s29], $0x1  }
0xb5: {  	[sflag:s29] =	ssyncadd.s32 $0xFFFFFFFF  }
0xb6: {  	_ =	strace $0x90000048  }
0xb7: {  	_ =	sfence  }
0xb8: {  	s30 =	sld [smem:$0x0];
	_ =	sdelay $0x2  }
0xb9: {  	s31 =	sshll.u32 s1, $0xD;
	s1 =	sshrl.u32 s1, $0x2  }
0xba: {  	s3 =	sand.u32 $0x4000, s31;
	s1 =	sadd.s32 s1, s30  }
0xbb: {  	s0 =	sor.u32 s3, s0;
	s1 =	sshll.u32 s1, $0x11  }
0xbc: {  	s0 =	sor.u32 s1, s0  }
0xbd: {  	s0 =	sadd.s32 $0x8F2B, s0  }
0xbe: {  	[sflag:s0] =	ssyncadd.remote.s32 $0x1  }
0xbf: {  	_ =	sfence.sel $0xFFFF  }
0xc0: {  	[dreg:$0x0] =	wrdreg $0xFFFFFFFF;
	(pc) =	sbr.abs _section_cstart, $3  }
0xc1: {  	[dreg:$0x1] =	wrdreg $0xFFFFFFFF  }
0xc2: {  	_ =	task.clear_ibuf [dreg:s7], $0x2FFFF;
	_ =	strace $0x9FFFFFFF  }
0xc3: {  	(tm) =	ssettm $0x7FFFFFFF  }
tec
execute0_lowered:
.L_overlay_start_1:
0x0: {  	(tag) =	ssettag $0x1  }
0x1: {  	s0 =	rddreg [dreg:$0x0]  }
0x2: {  	s2 =	rddreg [dreg:$0x2];
	s3 =	simm.s32 $0x0  }
0x3: {  	s1 =	srdreg.scid;
	s26 =	stileid.u32;
	s28 =	simm.s32 $0x900  }
0x4: {  	s29 =	simm.s32 $0x1;
	s30 =	simm.s32 $0x1100;
	s31 =	simm.s32 $0x1110  }
0x5: {  	[smem:$0x7FF] =	sst s3;
	s4 =	sadd.s32 $0x18800, s0;
	s1 =	sand.u32 $0x1, s1  }
0x6: {  	s10 =	sadd.s32 $0xEA00, s0;
	s12 =	smul.u32 $0x2800, s26;
	s0 =	sadd.s32 $0xB4C00, s0  }
0x7: {  	s7 =	sshll.u32 s26, $0x1;
	_ =	strace $0x80000047;
	s19 =	smul.u32 $0x28000, s1  }
0x8: {  	s5 =	ssub.s32 $0x2, s1;
	s9 =	sor.u32 s1, s7;
	s1 =	smul.u32 $0x2710, s1  }
0x9: {  	s6 =	sshrl.u32 s5, $0x1;
	s13 =	sadd.s32 $0x800, s12;
	s14 =	sadd.s32 $0x1000, s12  }
0xa: {  	s15 =	sadd.s32 $0x1800, s12;
	s16 =	smul.u32 $0x2710, s9;
	s17 =	sadd.s32 $0x2000, s12  }
0xb: {  	s11 =	smul.u32 $0x4E20, s9;
	s21 =	ssub.s32 s5, s6;
	s5 =	sadd.s32 s12, s2  }
0xc: {  	s6 =	sadd.s32 s13, s2;
	s7 =	sadd.s32 s14, s2;
	s8 =	sadd.s32 s15, s2  }
0xd: {  	s9 =	sadd.s32 s17, s2;
	s20 =	sadd.s32 s12, s19;
	s22 =	sadd.s32 s19, s13  }
0xe: {  	s23 =	sadd.s32 s19, s14;
	s24 =	sadd.s32 s19, s15;
	s25 =	sadd.s32 s19, s17  }
0xf: {  	s14 =	smul.u32 $0x4E20, s26;
	s18 =	sshrl.u32 s16, $0x3;
	s11 =	sadd.s32 s4, s11  }
0x10: {  	s20 =	sshrl.u32 s20, $0x3;
	s22 =	sshrl.u32 s22, $0x3;
	s23 =	sshrl.u32 s23, $0x3  }
0x11: {  	s24 =	sshrl.u32 s24, $0x3;
	s25 =	sshrl.u32 s25, $0x3;
	s21 =	smax.u32 s21, $0x1  }
0x12: {  	s18 =	sadd.s32 s10, s18;
	[dreg:$0x5] =	wrdreg s11;
	s11 =	sadd.s32 $0x80, s16  }
0x13: {  	s1 =	sadd.s32 s1, s14;
	[dreg:$0x4] =	wrdreg s18;
	s19 =	sshrl.u32 s11, $0x3  }
0x14: {  	s26 =	sshll.u32 s11, $0x1;
	s18 =	sadd.s32 $0x2700, s16;
	s16 =	sadd.s32 s0, s20  }
0x15: {  	s1 =	sadd.s32 $0x100, s1;
	s20 =	sadd.s32 s0, s25;
	s25 =	simm.s32 $0x2  }
0x16: {  	s15 =	sadd.s32 s10, s19;
	s17 =	sadd.s32 s4, s26;
	s19 =	sshrl.u32 s18, $0x3  }
0x17: {  	s26 =	sshll.u32 s1, $0x1;
	s1 =	sshrl.u32 s1, $0x3;
	[dreg:$0x6] =	wrdreg s15  }
0x18: {  	[dreg:$0x7] =	wrdreg s17;
	s15 =	sshll.u32 s18, $0x1;
	s14 =	sadd.s32 s10, s19  }
0x19: {  	s17 =	sadd.s32 s0, s22;
	s18 =	sadd.s32 s0, s23;
	s19 =	sadd.s32 s0, s24  }
0x1a: {  	s0 =	sadd.s32 s26, s4;
	s10 =	sadd.s32 s1, s10;
	s24 =	simm.s32 $0x100  }
0x1b: {  	s26 =	simm.s32 $0x80;
	s15 =	sadd.s32 s4, s15;
	s4 =	simm.s32 $0x0  }
.LBB2_1:
0x1c: {  	s1 =	rddreg [dreg:$0x1]  }
0x1d: {  	[tilespmem:s24], [sflag:$0x2] =	stream.linear.gather [hbm4b:s1+s3], $0x800, $0x38;
	[tilespmem:$0x3A10] =	vst v63  }
0x1e: {  	_ =	swait.ge [sflag:s25], $0x800  }
0x1f: {  	[sflag:s25] =	ssyncset.done $0x0  }
0x20: {  	[sflag:s25] =	ssyncadd.s32 $0xFFFFF800  }
0x21: {  	[spmem:s5] =	stream.linear.scatter [tilespmem:s24], [sflag:$0x2], $0x800, $0x38;
	[tilespmem:$0x3A10] =	vst v63  }
0x22: {  	_ =	swait.ge [sflag:s25], $0x800  }
0x23: {  	[sflag:s25] =	ssyncset.done $0x0  }
0x24: {  	[sflag:s25] =	ssyncadd.s32 $0xFFFFF800  }
0x25: {  	[spmem:s6] =	stream.linear.scatter [tilespmem:s24], [sflag:$0x2], $0x800, $0x38;
	[tilespmem:$0x3A10] =	vst v63  }
0x26: {  	_ =	swait.ge [sflag:s25], $0x800  }
0x27: {  	[sflag:s25] =	ssyncset.done $0x0  }
0x28: {  	[sflag:s25] =	ssyncadd.s32 $0xFFFFF800  }
0x29: {  	[spmem:s7] =	stream.linear.scatter [tilespmem:s24], [sflag:$0x2], $0x800, $0x38;
	[tilespmem:$0x3A10] =	vst v63  }
0x2a: {  	_ =	swait.ge [sflag:s25], $0x800  }
0x2b: {  	[sflag:s25] =	ssyncset.done $0x0  }
0x2c: {  	[sflag:s25] =	ssyncadd.s32 $0xFFFFF800  }
0x2d: {  	[spmem:s8] =	stream.linear.scatter [tilespmem:s24], [sflag:$0x2], $0x800, $0x38;
	[tilespmem:$0x3A10] =	vst v63  }
0x2e: {  	_ =	swait.ge [sflag:s25], $0x800  }
0x2f: {  	[sflag:s25] =	ssyncset.done $0x0  }
0x30: {  	[sflag:s25] =	ssyncadd.s32 $0xFFFFF800  }
0x31: {  	[spmem:s9] =	stream.linear.scatter [tilespmem:s24], [sflag:$0x2], $0x800, $0x38;
	[tilespmem:$0x3A10] =	vst v63  }
0x32: {  	_ =	swait.ge [sflag:s25], $0x800  }
0x33: {  	[sflag:s25] =	ssyncset.done $0x0  }
0x34: {  	[sflag:s25] =	ssyncadd.s32 $0xFFFFF800  }
0x35: {  	[bflag:$0x0] =	sbarrier.arrive $0xFFFF  }
0x36: {  	s13 =	rddreg [dreg:$0x4]  }
0x37: {  	[tilespmem:s3], [sflag:$0x2] =	stream.linear.gather [hbm4b:s13+s3], $0x80, $0x38;
	[tilespmem:$0x3A10] =	vst v63  }
0x38: {  	_ =	swait.ge [sflag:s25], $0x80  }
0x39: {  	[sflag:s25] =	ssyncset.done $0x0  }
0x3a: {  	s22 =	rddreg [dreg:$0x5];
	[sflag:s25] =	ssyncadd.s32 $0xFFFFFF80  }
0x3b: {  	[tilespmem:s24], [sflag:$0x2] =	stream.linear.gather [hbm4b:s22+s3], $0x800, $0x38;
	[tilespmem:$0x3A10] =	vst v63  }
0x3c: {  	_ =	swait.ge [sflag:s25], $0x800  }
0x3d: {  	[sflag:s25] =	ssyncset.done $0x0  }
0x3e: {  	[sflag:s25] =	ssyncadd.s32 $0xFFFFF800  }
0x3f: {  	[spmem:s2] =	stream.indirect.scatter.add.f32 [tilespmem:s24], [sflag:$0x1], $0x10, s3, s26, $0xb8;
	[tilespmem:$0x3A10] =	vst v63  }
0x40: {  	s23 =	rddreg [dreg:$0x6]  }
0x41: {  	[tilespmem:s26], [sflag:$0x2] =	stream.linear.gather [hbm4b:s23+s3], $0x80, $0x38;
	[tilespmem:$0x3A10] =	vst v63  }
0x42: {  	_ =	swait.ge [sflag:s25], $0x80  }
0x43: {  	[sflag:s25] =	ssyncset.done $0x0  }
0x44: {  	s11 =	rddreg [dreg:$0x7];
	[sflag:s25] =	ssyncadd.s32 $0xFFFFFF80  }
0x45: {  	[tilespmem:s28], [sflag:$0x2] =	stream.linear.gather [hbm4b:s11+s3], $0x800, $0x38;
	[tilespmem:$0x3A10] =	vst v63  }
0x46: {  	_ =	swait.ge [sflag:s25], $0x800  }
0x47: {  	[sflag:s25] =	ssyncset.done $0x0  }
0x48: {  	[sflag:s25] =	ssyncadd.s32 $0xFFFFF800  }
0x49: {  	s12 =	sand.u32 $0x1, s29;
	_ =	swait.ge [sflag:s29], $0x800  }
0x4a: {  	s1 =	sshll.u32 s12, $0x7;
	s23 =	sshll.u32 s12, $0xB;
	[sflag:s29] =	ssyncset.done $0x0  }
0x4b: {  	s22 =	sxor.u32 $0x1, s12;
	s23 =	sor.u32 $0x100, s23;
	[sflag:s29] =	ssyncadd.s32 $0xFFFFF800  }
0x4c: {  	[spmem:s2] =	stream.indirect.scatter.add.f32 [tilespmem:s23], [sflag:$0x1], $0x10, s1, s26, $0xb8;
	[tilespmem:$0x3A10] =	vst v63  }
0x4d: {  	s13 =	sshll.u32 s22, $0x7  }
0x4e: {  	[tilespmem:s13], [sflag:$0x2] =	stream.linear.gather [hbm4b:s10+s3], $0x80, $0x38;
	[tilespmem:$0x3A10] =	vst v63  }
0x4f: {  	_ =	swait.ge [sflag:s25], $0x80  }
0x50: {  	s23 =	sshll.u32 s22, $0xB;
	[sflag:s25] =	ssyncset.done $0x0  }
0x51: {  	s1 =	sor.u32 $0x100, s23;
	[sflag:s25] =	ssyncadd.s32 $0xFFFFFF80  }
0x52: {  	[tilespmem:s1], [sflag:$0x2] =	stream.linear.gather [hbm4b:s0+s3], $0x800, $0x38;
	[tilespmem:$0x3A10] =	vst v63  }
0x53: {  	s22 =	smov.u32 s0;
	_ =	swait.ge [sflag:s25], $0x800  }
0x54: {  	s23 =	smov.u32 s10;
	s1 =	simm.s32 $0x2;
	[sflag:s25] =	ssyncset.done $0x0  }
.LBB2_2:
0x55: {  	[sflag:s25] =	ssyncadd.s32 $0xFFFFF800;
	s22 =	sadd.s32 $0x100, s22;
	s23 =	sadd.s32 $0x10, s23  }
0x56: {  	s11 =	sand.u32 $0x1, s1;
	p0 =	sne.s32 s1, $0x4C;
	_ =	swait.ge [sflag:s29], $0x800  }
0x57: {  	s12 =	sxor.u32 $0x1, s11;
	s13 =	sshll.u32 s11, $0xB;
	[sflag:s29] =	ssyncset.done $0x0  }
0x58: {  	s11 =	sshll.u32 s11, $0x7;
	s13 =	sor.u32 $0x100, s13;
	[sflag:s29] =	ssyncadd.s32 $0xFFFFF800  }
0x59: {  	[spmem:s2] =	stream.indirect.scatter.add.f32 [tilespmem:s13], [sflag:$0x1], $0x10, s11, s26, $0xb8;
	[tilespmem:$0x3A10] =	vst v63  }
0x5a: {  	s1 =	sadd.s32 $0x1, s1;
	s11 =	sshll.u32 s12, $0xB;
	s12 =	sshll.u32 s12, $0x7  }
0x5b: {  	[tilespmem:s12], [sflag:$0x2] =	stream.linear.gather [hbm4b:s23+s3], $0x80, $0x38;
	[tilespmem:$0x3A10] =	vst v63  }
0x5c: {  	_ =	swait.ge [sflag:s25], $0x80  }
.Ltmp0:
0x5d: {  	[sflag:s25] =	ssyncset.done $0x0;
	(pc) =	sbr.rel @p0 .LBB2_2-.Ltmp0, $4  }
0x5e: {  	s11 =	sor.u32 $0x100, s11;
	[sflag:s25] =	ssyncadd.s32 $0xFFFFFF80  }
0x5f: {  	[tilespmem:s11], [sflag:$0x2] =	stream.linear.gather [hbm4b:s22+s3], $0x800, $0x38;
	[tilespmem:$0x3A10] =	vst v63  }
0x60: {  	_ =	swait.ge [sflag:s25], $0x800  }
0x61: {  	[sflag:s25] =	ssyncset.done $0x0  }
0x62: {  	[sflag:s25] =	ssyncadd.s32 $0xFFFFF800  }
0x63: {  	_ =	swait.ge [sflag:s29], $0x800  }
0x64: {  	[sflag:s29] =	ssyncset.done $0x0  }
0x65: {  	[sflag:s29] =	ssyncadd.s32 $0xFFFFF800  }
0x66: {  	[spmem:s2] =	stream.indirect.scatter.add.f32 [tilespmem:s28], [sflag:$0x1], $0x10, s26, s26, $0xb8;
	[tilespmem:$0x3A10] =	vst v63  }
0x67: {  	_ =	swait.ge [sflag:s29], $0x800  }
0x68: {  	[sflag:s29] =	ssyncset.done $0x0  }
0x69: {  	[sflag:s29] =	ssyncadd.s32 $0xFFFFF800  }
0x6a: {  	[tilespmem:s30], [sflag:$0x2] =	stream.linear.gather [hbm4b:s14+s3], $0x10, $0x38;
	[tilespmem:$0x3A10] =	vst v63  }
0x6b: {  	_ =	swait.ge [sflag:s25], $0x10  }
0x6c: {  	[sflag:s25] =	ssyncset.done $0x0  }
0x6d: {  	[sflag:s25] =	ssyncadd.s32 $0xFFFFFFF0  }
0x6e: {  	[tilespmem:s31], [sflag:$0x2] =	stream.linear.gather [hbm4b:s15+s3], $0x100, $0x38;
	[tilespmem:$0x3A10] =	vst v63  }
0x6f: {  	_ =	swait.ge [sflag:s25], $0x100  }
0x70: {  	[sflag:s25] =	ssyncset.done $0x0  }
0x71: {  	s1 =	simm.s32 $0x10;
	[sflag:s25] =	ssyncadd.s32 $0xFFFFFF00  }
0x72: {  	[spmem:s2] =	stream.indirect.scatter.add.f32 [tilespmem:s31], [sflag:$0x2], $0x10, s30, s1, $0xb8;
	[tilespmem:$0x3A10] =	vst v63  }
0x73: {  	_ =	swait.ge [sflag:s25], $0x100  }
0x74: {  	[sflag:s25] =	ssyncset.done $0x0  }
0x75: {  	[sflag:s25] =	ssyncadd.s32 $0xFFFFFF00  }
0x76: {  	[bflag:$0x0] =	sbarrier.arrive $0xFFFF  }
0x77: {  	[tilespmem:s24], [sflag:$0x2] =	stream.linear.gather [spmem:s5], $0x800, $0x38;
	[tilespmem:$0x3A10] =	vst v63  }
0x78: {  	_ =	swait.ge [sflag:s25], $0x800  }
0x79: {  	[sflag:s25] =	ssyncset.done $0x0  }
0x7a: {  	[sflag:s25] =	ssyncadd.s32 $0xFFFFF800  }
0x7b: {  	[hbm4b:s16+s3] =	stream.linear.scatter [tilespmem:s24], [sflag:$0x2], $0x800, $0x38;
	[tilespmem:$0x3A10] =	vst v63  }
0x7c: {  	_ =	swait.ge [sflag:s25], $0x800  }
0x7d: {  	[sflag:s25] =	ssyncset.done $0x0  }
0x7e: {  	[sflag:s25] =	ssyncadd.s32 $0xFFFFF800  }
0x7f: {  	[tilespmem:s24], [sflag:$0x2] =	stream.linear.gather [spmem:s6], $0x800, $0x38;
	[tilespmem:$0x3A10] =	vst v63  }
0x80: {  	_ =	swait.ge [sflag:s25], $0x800  }
0x81: {  	[sflag:s25] =	ssyncset.done $0x0  }
0x82: {  	[sflag:s25] =	ssyncadd.s32 $0xFFFFF800  }
0x83: {  	[hbm4b:s17+s3] =	stream.linear.scatter [tilespmem:s24], [sflag:$0x2], $0x800, $0x38;
	[tilespmem:$0x3A10] =	vst v63  }
0x84: {  	_ =	swait.ge [sflag:s25], $0x800  }
0x85: {  	[sflag:s25] =	ssyncset.done $0x0  }
0x86: {  	[sflag:s25] =	ssyncadd.s32 $0xFFFFF800  }
0x87: {  	[tilespmem:s24], [sflag:$0x2] =	stream.linear.gather [spmem:s7], $0x800, $0x38;
	[tilespmem:$0x3A10] =	vst v63  }
0x88: {  	_ =	swait.ge [sflag:s25], $0x800  }
0x89: {  	[sflag:s25] =	ssyncset.done $0x0  }
0x8a: {  	[sflag:s25] =	ssyncadd.s32 $0xFFFFF800  }
0x8b: {  	[hbm4b:s18+s3] =	stream.linear.scatter [tilespmem:s24], [sflag:$0x2], $0x800, $0x38;
	[tilespmem:$0x3A10] =	vst v63  }
0x8c: {  	_ =	swait.ge [sflag:s25], $0x800  }
0x8d: {  	[sflag:s25] =	ssyncset.done $0x0  }
0x8e: {  	[sflag:s25] =	ssyncadd.s32 $0xFFFFF800  }
0x8f: {  	[tilespmem:s24], [sflag:$0x2] =	stream.linear.gather [spmem:s8], $0x800, $0x38;
	[tilespmem:$0x3A10] =	vst v63  }
0x90: {  	_ =	swait.ge [sflag:s25], $0x800  }
0x91: {  	[sflag:s25] =	ssyncset.done $0x0  }
0x92: {  	[sflag:s25] =	ssyncadd.s32 $0xFFFFF800  }
0x93: {  	[hbm4b:s19+s3] =	stream.linear.scatter [tilespmem:s24], [sflag:$0x2], $0x800, $0x38;
	[tilespmem:$0x3A10] =	vst v63  }
0x94: {  	_ =	swait.ge [sflag:s25], $0x800  }
0x95: {  	[sflag:s25] =	ssyncset.done $0x0  }
0x96: {  	[sflag:s25] =	ssyncadd.s32 $0xFFFFF800  }
0x97: {  	[tilespmem:s24], [sflag:$0x2] =	stream.linear.gather [spmem:s9], $0x800, $0x38;
	[tilespmem:$0x3A10] =	vst v63  }
0x98: {  	s4 =	sadd.s32 $0x1, s4;
	_ =	swait.ge [sflag:s25], $0x800  }
0x99: {  	p0 =	sne.s32 s4, s21;
	[sflag:s25] =	ssyncset.done $0x0  }
.Ltmp1:
0x9a: {  	[sflag:s25] =	ssyncadd.s32 $0xFFFFF800;
	(pc) =	sbr.rel @p0 .LBB2_1-.Ltmp1, $4  }
0x9b: {  	[hbm4b:s20+s3] =	stream.linear.scatter [tilespmem:s24], [sflag:$0x2], $0x800, $0x38;
	[tilespmem:$0x3A10] =	vst v63  }
0x9c: {  	_ =	swait.ge [sflag:s25], $0x800  }
0x9d: {  	[sflag:s25] =	ssyncset.done $0x0  }
0x9e: {  	[sflag:s25] =	ssyncadd.s32 $0xFFFFF800  }
0x9f: {  	_ =	sfence.sel $0x180000  }
0xa0: {  	[bflag:$0x0] =	sbarrier.arrive $0xFFFF  }
0xa1: {  	_ =	strace $0x90000047  }
0xa2: {  	s0 =	stileid.u32;
	[bflag:$0x2] =	sbarrier.arrive $0xFFFF  }
0xa3: {  	p0 =	sne.s32 s0, $0x0;
	s0 =	rddreg [dreg:$0x3]  }
0xa4: {  	s0 =	sadd.s32 @!p0 $0x100000, s0  }
0xa5: {  	[sflag:s0] =	ssyncadd.tile.s32 @!p0 $0x1;
	_ =	shalt  }
.Lfunc_end2:
_tile_overlayer_lowered:
.L_overlay_start_2:
0xa6: {  	(tag) =	ssettag $0x2  }
0xa7: {  	s0 =	rddreg [dreg:$0x0];
	s2 =	stileid.u32  }
0xa8: {  	s1 =	rddreg [dreg:$0x1];
	p0 =	sne.s32 s2, $0x0  }
0xa9: {  	s3 =	rddreg [dreg:$0x2];
	[bflag:$0x3] =	sbarrier.arrive $0xFFFF;
	s2 =	simm.s32 @!p0 $0x1C02  }
0xaa: {  	[timem:s3], [sflag:s2] =	dma.local @!p0 [hbm:s0], s1  }
0xab: {  	s0 =	simm.s32 @!p0 $0x2  }
0xac: {  	_ =	swait.ge @!p0 [sflag:s0], s1  }
0xad: {  	s1 =	ssub.s32 @!p0 $0x0, s1;
	[sflag:s0] =	ssyncset.done @!p0 $0x0  }
0xae: {  	[sflag:s0] =	ssyncadd.s32 @!p0 s1  }
0xaf: {  	[bflag:$0x3] =	sbarrier.arrive $0xFFFF  }
0xb0: {  	_ =	shalt  }

// kernel: spmm_sc.4.cloned.1.call-start
scs
__scs_entry_jumppad:
0x0: {  	(pc) =	sbr.rel $0x88, $3  }
0x1: {  	(tag) =	ssettag $0x0;
	lr =	simm.s32 $0x1  }
0x2: {  	[smem:$0x3F87] =	sst lr;
	_ =	strace $0xD0000000  }
0x3: {  	_ = 	snop  }
0x4: {  	_ = 	snop  }
0x5: {  	_ = 	snop  }
0x6: {  	_ = 	snop  }
0x7: {  	_ = 	snop  }
__scs_overlays_trampoline_lowered:
0x8: {  	[smem:$0x3F96] =	sst s0  }
0x9: {  	[smem:$0x3F97] =	sst s1  }
0xa: {  	[smem:$0x3F98] =	sst s2  }
0xb: {  	[smem:$0x3F99] =	sst s3  }
0xc: {  	[smem:$0x3F9A] =	sst s4  }
0xd: {  	[smem:$0x3F9B] =	sst s5  }
0xe: {  	[smem:$0x3F9C] =	sst s6  }
0xf: {  	[smem:$0x3F9D] =	sst s7  }
0x10: {  	[smem:$0x3F9E] =	sst s8  }
0x11: {  	[smem:$0x3F9F] =	sst s9;
	s0 =	simm.s32 @!p0 $0x0  }
0x12: {  	s1 =	sld [smem:$0x3F85];
	s0 =	simm.s32 @p0 $0x1  }
0x13: {  	[smem:$0x3FA0] =	sst s0;
	s0 =	simm.s32 @!p1 $0x0  }
0x14: {  	s2 =	sld [smem:$0x3F84];
	s0 =	simm.s32 @p1 $0x1  }
0x15: {  	[smem:$0x3FA1] =	sst s0;
	s0 =	simm.s32 @!p2 $0x0  }
0x16: {  	s3 =	sld [smem:$0x3FDB];
	s0 =	simm.s32 @p2 $0x1  }
0x17: {  	s4 =	simm.s32 $0x1BF5;
	[smem:$0x3FA3] =	sst s0  }
0x18: {  	s0 =	sld [smem:$0x3F86];
	_ =	swait.ge [sflag:s4], $0x0  }
0x19: {  	s7 =	sld [smem:$0x3F87]  }
0x1a: {  	s8 =	sadd.s32 $0xFFFFE003, lr  }
0x1b: {  	s9 =	sadd.s32 $0xFFFFFEF7, lr;
	s5 =	simm.s32 $0xFFFFFFFF;
	p2 =	slt.u32 s8, $0xFFFFF086  }
0x1c: {  	p1 =	slt.u32 s9, $0xF7A;
	s5 =	simm.s32 @!p2 $0x0  }
0x1d: {  	s5 =	simm.s32 @p1 $0x1;
	p0 =	seq.s32 s7, s2  }
0x1e: {  	s7 =	smul.u32 @!p0 $0xF7A, s2;
	p2 =	seq.s32 @!p0 s5, $0x0  }
0x1f: {  	s9 =	smul.u32 $0xF7A, s1;
	s8 =	simm.s32 @!p0 $0x1BF5;
	p2 =	por !p2, p0  }
0x20: {  	[sflag:s8] =	ssyncset.s32 @!p0 $0xFFFFF086;
	s6 =	sadd.s32 @!p0 s3, s7;
	s7 =	simm.s32 @!p0 $0x108  }
0x21: {  	s3 =	sadd.s32 s3, s9;
	s6 =	sadd.s32 @!p0 $0x88, s6;
	s7 =	simm.s32 @p2 $0x1082  }
0x22: {  	[simem:s7], [sflag:s8] =	dma.local @!p0 [hbm:s6], $0xF7A  }
0x23: {  	s9 =	sor.u32 $0xD0000000, s2;
	s6 =	simm.s32 $0x108;
	_ =	swait.ge @!p0 [sflag:s8], $0x0  }
0x24: {  	s3 =	sadd.s32 $0x88, s3;
	s6 =	simm.s32 @!p1 $0x1082;
	[sflag:s4] =	ssyncset.s32 $0xFFFFF086  }
0x25: {  	[simem:s6], [sflag:s4] =	dma.local [hbm:s3], $0xF7A  }
0x26: {  	[smem:$0x3F87] =	sst s1;
	(tag) =	ssettag s2;
	_ =	strace s9  }
0x27: {  	s1 =	sld [smem:$0x3F97]  }
0x28: {  	s2 =	sld [smem:$0x3F98]  }
0x29: {  	s4 =	sld [smem:$0x3F9A]  }
0x2a: {  	p0 =	seq.s32 s5, $0x0;
	s5 =	sld [smem:$0x3F9B]  }
0x2b: {  	s6 =	sld [smem:$0x3F9C]  }
0x2c: {  	s7 =	sld [smem:$0x3F9D]  }
0x2d: {  	s3 =	simm.s32 $0x108;
	s8 =	sld [smem:$0x3F9E]  }
0x2e: {  	s3 =	simm.s32 @!p0 $0x1082;
	s9 =	sld [smem:$0x3F9F]  }
0x2f: {  	lr =	sadd.s32 s0, s3;
	s0 =	sld [smem:$0x3F96]  }
0x30: {  	s3 =	sld [smem:$0x3F99]  }
0x31: {  	[smem:$0x3FA2] =	sst s10  }
0x32: {  	s10 =	sld [smem:$0x3FA0];
	_ =	sdelay $0x3  }
0x33: {  	p0 =	seq.s32 s10, $0x1;
	s10 =	sld [smem:$0x3FA2];
	_ =	sdelay $0x3  }
0x34: {  	[smem:$0x3FA2] =	sst s10  }
0x35: {  	s10 =	sld [smem:$0x3FA1];
	_ =	sdelay $0x3  }
0x36: {  	p1 =	seq.s32 s10, $0x1;
	s10 =	sld [smem:$0x3FA2];
	_ =	sdelay $0x3  }
0x37: {  	[smem:$0x3FA2] =	sst s10  }
0x38: {  	s10 =	sld [smem:$0x3FA3]  }
0x39: {  	_ = 	snop;
	(pc) =	sbr.ind lr, $3  }
0x3a: {  	_ = 	snop  }
0x3b: {  	_ = 	snop  }
0x3c: {  	p2 =	seq.s32 s10, $0x1;
	s10 =	sld [smem:$0x3FA2]  }
0x3d: {  	_ =	shalt  }
0x3e: {  	_ =	shalt  }
0x3f: {  	_ =	shalt  }
0x40: {  	_ =	shalt  }
0x41: {  	_ =	shalt  }
0x42: {  	_ =	shalt  }
0x43: {  	_ =	shalt  }
0x44: {  	_ =	shalt  }
0x45: {  	_ =	shalt  }
0x46: {  	_ =	shalt  }
0x47: {  	_ =	shalt  }
0x48: {  	_ =	shalt  }
0x49: {  	_ =	shalt  }
0x4a: {  	_ =	shalt  }
0x4b: {  	_ =	shalt  }
0x4c: {  	_ =	shalt  }
0x4d: {  	_ =	shalt  }
0x4e: {  	_ =	shalt  }
0x4f: {  	_ =	shalt  }
0x50: {  	_ =	shalt  }
0x51: {  	_ =	shalt  }
0x52: {  	_ =	shalt  }
0x53: {  	_ =	shalt  }
0x54: {  	_ =	shalt  }
0x55: {  	_ =	shalt  }
0x56: {  	_ =	shalt  }
0x57: {  	_ =	shalt  }
0x58: {  	_ =	shalt  }
0x59: {  	_ =	shalt  }
0x5a: {  	_ =	shalt  }
0x5b: {  	_ =	shalt  }
0x5c: {  	_ =	shalt  }
0x5d: {  	_ =	shalt  }
0x5e: {  	_ =	shalt  }
0x5f: {  	_ =	shalt  }
0x60: {  	_ =	shalt  }
0x61: {  	_ =	shalt  }
0x62: {  	_ =	shalt  }
0x63: {  	_ =	shalt  }
0x64: {  	_ =	shalt  }
0x65: {  	_ =	shalt  }
0x66: {  	_ =	shalt  }
0x67: {  	_ =	shalt  }
0x68: {  	_ =	shalt  }
0x69: {  	_ =	shalt  }
0x6a: {  	_ =	shalt  }
0x6b: {  	_ =	shalt  }
0x6c: {  	_ =	shalt  }
0x6d: {  	_ =	shalt  }
0x6e: {  	_ =	shalt  }
0x6f: {  	_ =	shalt  }
0x70: {  	_ =	shalt  }
0x71: {  	_ =	shalt  }
0x72: {  	_ =	shalt  }
0x73: {  	_ =	shalt  }
0x74: {  	_ =	shalt  }
0x75: {  	_ =	shalt  }
0x76: {  	_ =	shalt  }
0x77: {  	_ =	shalt  }
0x78: {  	_ =	shalt  }
0x79: {  	_ =	shalt  }
0x7a: {  	_ =	shalt  }
0x7b: {  	_ =	shalt  }
0x7c: {  	_ =	shalt  }
0x7d: {  	_ =	shalt  }
0x7e: {  	_ =	shalt  }
0x7f: {  	_ =	shalt  }
0x80: {  	_ =	shalt  }
0x81: {  	_ =	shalt  }
0x82: {  	_ =	shalt  }
0x83: {  	_ =	shalt  }
0x84: {  	_ =	shalt  }
0x85: {  	_ =	shalt  }
0x86: {  	_ =	shalt  }
0x87: {  	_ =	shalt  }
.Lfunc_end0:
.L_simem_size_0:
called_computation.1_lowered:
.L_overlay_start_0:
0x88: {  	s2 =	sld [smem:$0x3FD9]  }
0x89: {  	s3 =	sld [smem:$0x3FFE];
	_ =	sdelay $0x1  }
0x8a: {  	s1 =	srdreg.scid  }
0x8b: {  	s0 =	sand.u32 $0x1, s1  }
0x8c: {  	s17 =	sshll.u32 s0, $0xA;
	s2 =	sadd.s32 s3, s2  }
0x8d: {  	s2 =	sadd.s32 s2, s17  }
0x8e: {  	[smem:$0x3FAE] =	sst s2  }
0x8f: {  	_ = 	snop  }
0x90: {  	s18 =	sld [smem:$0x3FC9];
	(tm) =	ssettm $0x1  }
0x91: {  	s19 =	sld [smem:$0x3FFB];
	_ =	sdelay $0x3  }
0x92: {  	_ =	strace s19  }
0x93: {  	s2 =	sld [smem:$0x3FFC];
	_ =	sdelay $0x3  }
0x94: {  	_ =	strace s2  }
0x95: {  	s2 =	sld [smem:$0x3FFD];
	_ =	sdelay $0x3  }
0x96: {  	_ =	strace s2  }
0x97: {  	_ =	strace $0x8FFFFFFF  }
0x98: {  	s20 =	sld [smem:$0x3FDB];
	_ =	sdelay $0x1  }
0x99: {  	s4 =	simm.s32 $_scs_section_size  }
0x9a: {  	s5 =	simm.s32 $_size__tile_overlayer_lowered;
	s6 =	simm.s32 $_tile_overlayer_lowered  }
0x9b: {  	s7 =	simm.s32 $0x1BFF;
	s21 =	sshll.u32 s6, $0x1;
	s4 =	sadd.s32 s4, s20  }
0x9c: {  	s22 =	simm.s32 $0x0;
	s5 =	sshll.u32 s5, $0x1;
	s6 =	sadd.s32 s21, s4  }
0x9d: {  	[timem:s22], [sflag:s7] =	dma.local [hbm:s6], s5  }
0x9e: {  	_ =	swait.ge [sflag:s7], s5  }
0x9f: {  	s5 =	ssub.s32 $0x0, s5;
	[sflag:s7] =	ssyncset.done $0x0  }
0xa0: {  	[sflag:s7] =	ssyncadd.s32 s5;
	_ =	sdelay $0x1  }
0xa1: {  	s23 =	simm.s32 $0x1B8B  }
0xa2: {  	_ =	swait.ge [sflag:s23], $0x1  }
0xa3: {  	[sflag:s23] =	ssyncset.done $0x0  }
0xa4: {  	[sflag:s23] =	ssyncadd.s32 $0xFFFFFFFF  }
0xa5: {  	s5 =	sld [smem:$0x0]  }
0xa6: {  	s6 =	sand.u32 $0xFFFFFFFE, s1  }
0xa7: {  	p0 =	sne.s32 s1, s6  }
0xa8: {  	s6 =	sshll.u32 @p0 s6, $0xE  }
0xa9: {  	s6 =	sadd.s32 @p0 $0x11B8D, s6;
	s7 =	sshll.u32 @p0 s5, $0x11  }
0xaa: {  	s6 =	sor.u32 @p0 s7, s6  }
0xab: {  	[sflag:s6] =	ssyncadd.remote.s32 @p0 $0x1;
	_ =	sdelay $0x1  }
0xac: {  	s6 =	simm.s32 @p0 $0x1B8D  }
0xad: {  	_ =	swait.eq @p0 [sflag:s6], $0x1  }
0xae: {  	[sflag:s6] =	ssyncadd.s32 @p0 $0xFFFFFFFF  }
0xaf: {  	s7 =	sshll.u32 @!p0 s1, $0xE  }
0xb0: {  	s7 =	sor.u32 @!p0 $0x4000, s7;
	s6 =	simm.s32 @!p0 $0x1B8D  }
0xb1: {  	s5 =	sshll.u32 @!p0 s5, $0x11;
	s7 =	sadd.s32 @!p0 $0x11B8D, s7;
	_ =	swait.eq @!p0 [sflag:s6], $0x1  }
0xb2: {  	s5 =	sor.u32 @!p0 s5, s7;
	[sflag:s6] =	ssyncadd.s32 @!p0 $0xFFFFFFFF  }
0xb3: {  	s25 =	simm.s32 $0x1B8E;
	s24 =	sld [smem:$0x3FFE];
	[sflag:s5] =	ssyncadd.remote.s32 @!p0 $0x1  }
0xb4: {  	s26 =	simm.s32 $execute0_lowered;
	[smem:$0x3FD2] =	sst s25  }
0xb5: {  	s6 =	sshll.u32 s26, $0x1;
	_ =	strace $0x80000049;
	[dreg:$0x1] =	wrdreg $0xFFFFFFFF  }
0xb6: {  	s28 =	simm.s32 $_size_execute0_lowered;
	s4 =	sadd.s32 s4, s6;
	[dreg:$0x0] =	wrdreg $0x0  }
0xb7: {  	s6 =	sshll.u32 s28, $0x1;
	[dreg:$0x2] =	wrdreg s4  }
0xb8: {  	[dreg:$0x3] =	wrdreg s6  }
0xb9: {  	[dreg:$0x4] =	wrdreg $0xC0  }
0xba: {  	_ =	task [dreg:s22], $0x5FFFF  }
0xbb: {  	[dreg:$0x1] =	wrdreg $0xFFFFFFFF  }
0xbc: {  	[dreg:$0x0] =	wrdreg $0x60  }
0xbd: {  	[dreg:$0x2] =	wrdreg s18  }
0xbe: {  	[dreg:$0x3] =	wrdreg s24  }
0xbf: {  	[dreg:$0x4] =	wrdreg $0x8D000  }
0xc0: {  	[dreg:$0x5] =	wrdreg $0xA  }
0xc1: {  	_ =	task.clear_ibuf [dreg:s22], $0x6FFFF;
	_ =	strace $0x90000049  }
0xc2: {  	s29 =	simm.s32 $0xA;
	_ =	strace $0x8000004B  }
0xc3: {  	_ =	swait.ge [sflag:s29], $0x1  }
0xc4: {  	[sflag:s29] =	ssyncadd.s32 $0xFFFFFFFF  }
0xc5: {  	_ =	strace $0x9000004B  }
0xc6: {  	_ =	sfence  }
0xc7: {  	s30 =	sld [smem:$0x0];
	_ =	sdelay $0x2  }
0xc8: {  	s31 =	sshll.u32 s1, $0xD;
	s1 =	sshrl.u32 s1, $0x2  }
0xc9: {  	s4 =	sand.u32 $0x4000, s31;
	s1 =	sadd.s32 s1, s30  }
0xca: {  	s0 =	sor.u32 s4, s0;
	s1 =	sshll.u32 s1, $0x11  }
0xcb: {  	s0 =	sor.u32 s1, s0  }
0xcc: {  	s0 =	sadd.s32 $0x8F2B, s0  }
0xcd: {  	[sflag:s0] =	ssyncadd.remote.s32 $0x1  }
0xce: {  	_ =	sfence.sel $0xFFFF  }
0xcf: {  	[dreg:$0x0] =	wrdreg $0xFFFFFFFF;
	(pc) =	sbr.abs _section_cstart, $3  }
0xd0: {  	[dreg:$0x1] =	wrdreg $0xFFFFFFFF  }
0xd1: {  	_ =	task.clear_ibuf [dreg:s22], $0x2FFFF;
	_ =	strace $0x9FFFFFFF  }
0xd2: {  	(tm) =	ssettm $0x7FFFFFFF  }
0xd3: {  	_ =	shalt  }
tec
execute0_lowered:
.L_overlay_start_1:
0x0: {  	(tag) =	ssettag $0x1  }
0x1: {  	s0 =	rddreg [dreg:$0x0]  }
0x2: {  	s2 =	rddreg [dreg:$0x1]  }
0x3: {  	s1 =	rddreg [dreg:$0x2]  }
0x4: {  	s3 =	simm.s32 $0x0;
	s5 =	srdreg.scid;
	s18 =	stileid.u32  }
0x5: {  	s28 =	simm.s32 $0x3;
	s30 =	simm.s32 $0x80;
	s31 =	simm.s32 $0x280  }
0x6: {  	[smem:$0x7FF] =	sst s3;
	s4 =	sadd.s32 $0xEA00, s2;
	s9 =	smul.u32 $0x14000, s18  }
0x7: {  	s6 =	sadd.s32 $0x4C00, s2;
	s5 =	sand.u32 $0x1, s5;
	s29 =	smul.u32 $0x4E20, s18  }
0x8: {  	s7 =	sshll.u32 s18, $0x1;
	s10 =	sadd.s32 $0xBF400, s2;
	s17 =	smul.u32 $0x140000, s5  }
0x9: {  	s8 =	ssub.s32 $0x2, s5;
	s7 =	sor.u32 s5, s7;
	s5 =	smul.u32 $0x2710, s5  }
0xa: {  	s2 =	sadd.s32 $0xBEC00, s2;
	s11 =	sshrl.u32 s8, $0x1;
	s7 =	smul.u32 $0x2710, s7  }
0xb: {  	s12 =	sadd.s32 $0x8000, s9;
	s13 =	sadd.s32 $0xC000, s9;
	s14 =	sadd.s32 $0x10000, s9  }
0xc: {  	s8 =	ssub.s32 s8, s11;
	s11 =	sadd.s32 $0x4000, s9;
	s9 =	sadd.s32 s9, s17  }
0xd: {  	s19 =	sadd.s32 s17, s12;
	s5 =	sadd.s32 s5, s29;
	s20 =	sadd.s32 s17, s13  }
0xe: {  	s7 =	sshrl.u32 s7, $0x3;
	s26 =	sadd.s32 s17, s11;
	s9 =	sshrl.u32 s9, $0x3  }
0xf: {  	s5 =	sadd.s32 $0x180, s5;
	s29 =	smax.u32 s8, $0x1;
	s15 =	sadd.s32 s4, s7  }
0x10: {  	s8 =	simm.s32 $0x10;
	s21 =	sadd.s32 s6, s7;
	[dreg:$0x4] =	wrdreg s15  }
0x11: {  	s22 =	sadd.s32 $0x10, s7;
	s9 =	sadd.s32 s10, s9;
	[dreg:$0x5] =	wrdreg s21  }
0x12: {  	s23 =	sadd.s32 $0x20, s7;
	s16 =	sadd.s32 s4, s22;
	[dreg:$0xa] =	wrdreg s9  }
0x13: {  	s7 =	sadd.s32 $0x4E0, s7;
	s15 =	sadd.s32 s6, s22;
	[dreg:$0x6] =	wrdreg s16  }
0x14: {  	s5 =	sshrl.u32 s5, $0x3;
	s24 =	sadd.s32 s4, s23;
	[dreg:$0x7] =	wrdreg s15  }
0x15: {  	s25 =	sadd.s32 s6, s23;
	s9 =	sshrl.u32 s19, $0x3;
	[dreg:$0x8] =	wrdreg s24  }
0x16: {  	s21 =	sadd.s32 s17, s14;
	s19 =	sadd.s32 s5, s4;
	[dreg:$0x9] =	wrdreg s25  }
0x17: {  	s15 =	sshrl.u32 s26, $0x3;
	s9 =	sadd.s32 s10, s9;
	s23 =	sshrl.u32 s21, $0x3  }
0x18: {  	s24 =	sadd.s32 s4, s7;
	s7 =	sadd.s32 s6, s7;
	s25 =	smul.u32 $0x50000, s18  }
0x19: {  	s18 =	sadd.s32 s5, s6;
	s16 =	simm.s32 $0x4400;
	[dreg:$0xc] =	wrdreg s9  }
0x1a: {  	s4 =	simm.s32 $0x2;
	s5 =	simm.s32 $0x400;
	[dreg:$0xf] =	wrdreg s24  }
0x1b: {  	s15 =	sadd.s32 s10, s15;
	s9 =	sadd.s32 s10, s23;
	[dreg:$0x10] =	wrdreg s7  }
0x1c: {  	s23 =	sadd.s32 s12, s1;
	s24 =	sadd.s32 s13, s1;
	[dreg:$0xb] =	wrdreg s15  }
0x1d: {  	s7 =	simm.s32 $0x8480;
	s15 =	sshrl.u32 s20, $0x3;
	[dreg:$0xe] =	wrdreg s9  }
0x1e: {  	s26 =	sshrl.u32 s25, $0x2;
	s25 =	sadd.s32 s14, s1;
	s22 =	sadd.s32 s10, s15  }
0x1f: {  	s9 =	simm.s32 $0x8500;
	s21 =	sadd.s32 s26, s1;
	[dreg:$0xd] =	wrdreg s22  }
0x20: {  	s10 =	simm.s32 $0x0;
	_ =	strace $0x8000004A;
	[dreg:$0x11] =	wrdreg s2  }
0x21: {  	s22 =	sadd.s32 s11, s1;
	[dreg:$0x12] =	wrdreg s29;
	s2 =	simm.s32 $0x1  }
.LBB2_1:
0x22: {  	s6 =	rddreg [dreg:$0x11]  }
0x23: {  	[tilespmem:s5], [sflag:$0x3] =	stream.linear.gather [hbm4b:s6+s3], $0x4000, $0x38;
	[tilespmem:$0x1CD00] =	vst v63  }
0x24: {  	_ =	swait.ge [sflag:s28], $0x4000  }
0x25: {  	[sflag:s28] =	ssyncset.done $0x0  }
0x26: {  	[sflag:s28] =	ssyncadd.s32 $0xFFFFC000  }
0x27: {  	[spmem:s21] =	stream.linear.scatter [tilespmem:s5], [sflag:$0x3], $0x4000, $0x38;
	[tilespmem:$0x1CD00] =	vst v63  }
0x28: {  	_ =	swait.ge [sflag:s28], $0x4000  }
0x29: {  	[sflag:s28] =	ssyncset.done $0x0  }
0x2a: {  	[sflag:s28] =	ssyncadd.s32 $0xFFFFC000  }
0x2b: {  	[spmem:s22] =	stream.linear.scatter [tilespmem:s5], [sflag:$0x3], $0x4000, $0x38;
	[tilespmem:$0x1CD00] =	vst v63  }
0x2c: {  	_ =	swait.ge [sflag:s28], $0x4000  }
0x2d: {  	[sflag:s28] =	ssyncset.done $0x0  }
0x2e: {  	[sflag:s28] =	ssyncadd.s32 $0xFFFFC000  }
0x2f: {  	[spmem:s23] =	stream.linear.scatter [tilespmem:s5], [sflag:$0x3], $0x4000, $0x38;
	[tilespmem:$0x1CD00] =	vst v63  }
0x30: {  	_ =	swait.ge [sflag:s28], $0x4000  }
0x31: {  	[sflag:s28] =	ssyncset.done $0x0  }
0x32: {  	[sflag:s28] =	ssyncadd.s32 $0xFFFFC000  }
0x33: {  	[spmem:s24] =	stream.linear.scatter [tilespmem:s5], [sflag:$0x3], $0x4000, $0x38;
	[tilespmem:$0x1CD00] =	vst v63  }
0x34: {  	_ =	swait.ge [sflag:s28], $0x4000  }
0x35: {  	[sflag:s28] =	ssyncset.done $0x0  }
0x36: {  	[sflag:s28] =	ssyncadd.s32 $0xFFFFC000  }
0x37: {  	[spmem:s25] =	stream.linear.scatter [tilespmem:s5], [sflag:$0x3], $0x4000, $0x38;
	[tilespmem:$0x1CD00] =	vst v63  }
0x38: {  	_ =	swait.ge [sflag:s28], $0x4000  }
0x39: {  	[sflag:s28] =	ssyncset.done $0x0  }
0x3a: {  	[sflag:s28] =	ssyncadd.s32 $0xFFFFC000  }
0x3b: {  	[bflag:$0x0] =	sbarrier.arrive $0xFFFF  }
0x3c: {  	s20 =	rddreg [dreg:$0x4]  }
0x3d: {  	[tilespmem:s3], [sflag:$0x3] =	stream.linear.gather [hbm4b:s20+s3], $0x80, $0x38;
	[tilespmem:$0x1CD00] =	vst v63  }
0x3e: {  	_ =	swait.ge [sflag:s28], $0x80  }
0x3f: {  	[sflag:s28] =	ssyncset.done $0x0  }
0x40: {  	s11 =	simm.s32 $0x200;
	s26 =	rddreg [dreg:$0x5];
	[sflag:s28] =	ssyncadd.s32 $0xFFFFFF80  }
0x41: {  	[tilespmem:s11], [sflag:$0x3] =	stream.linear.gather [hbm4b:s26+s3], $0x80, $0x38;
	[tilespmem:$0x1CD00] =	vst v63  }
0x42: {  	_ =	swait.ge [sflag:s28], $0x80  }
0x43: {  	[sflag:s28] =	ssyncset.done $0x0  }
0x44: {  	s29 =	rddreg [dreg:$0x6];
	[sflag:s28] =	ssyncadd.s32 $0xFFFFFF80  }
0x45: {  	[tilespmem:s30], [sflag:$0x3] =	stream.linear.gather [hbm4b:s29+s3], $0x80, $0x38;
	[tilespmem:$0x1CD00] =	vst v63  }
0x46: {  	_ =	swait.ge [sflag:s28], $0x80  }
0x47: {  	[sflag:s28] =	ssyncset.done $0x0  }
0x48: {  	s12 =	rddreg [dreg:$0x7];
	[sflag:s28] =	ssyncadd.s32 $0xFFFFFF80  }
0x49: {  	[tilespmem:s31], [sflag:$0x3] =	stream.linear.gather [hbm4b:s12+s3], $0x80, $0x38;
	[tilespmem:$0x1CD00] =	vst v63  }
0x4a: {  	_ =	swait.ge [sflag:s28], $0x80  }
0x4b: {  	[sflag:s28] =	ssyncset.done $0x0  }
0x4c: {  	[sflag:s28] =	ssyncadd.s32 $0xFFFFFF80  }
0x4d: {  	[tilespmem:s5], [sflag:$0x1] =	stream.indirect.gather [hbm4b:s0+s30], $0x80, s11, s30, $0xb8;
	[tilespmem:$0x1CD00] =	vst v63  }
0x4e: {  	_ =	swait.ge [sflag:s2], $0x4000  }
0x4f: {  	[sflag:s2] =	ssyncset.done $0x0  }
0x50: {  	[sflag:s2] =	ssyncadd.s32 $0xFFFFC000  }
0x51: {  	[tilespmem:s16], [sflag:$0x1] =	stream.indirect.gather [hbm4b:s0+s30], $0x80, s31, s30, $0xb8;
	[tilespmem:$0x1CD00] =	vst v63  }
0x52: {  	_ = 	snop  }
0x53: {  	[spmem:s1] =	stream.indirect.scatter.add.f32 [tilespmem:s5], [sflag:$0x2], $0x80, s3, s30, $0xb8;
	[tilespmem:$0x1CD00] =	vst v63  }
0x54: {  	s14 =	simm.s32 $0x100;
	s13 =	rddreg [dreg:$0x8]  }
0x55: {  	[tilespmem:s14], [sflag:$0x3] =	stream.linear.gather [hbm4b:s13+s3], $0x80, $0x38;
	[tilespmem:$0x1CD00] =	vst v63  }
0x56: {  	_ =	swait.ge [sflag:s28], $0x80  }
0x57: {  	[sflag:s28] =	ssyncset.done $0x0  }
0x58: {  	s17 =	simm.s32 $0x300;
	s15 =	rddreg [dreg:$0x9];
	[sflag:s28] =	ssyncadd.s32 $0xFFFFFF80  }
0x59: {  	[tilespmem:s17], [sflag:$0x3] =	stream.linear.gather [hbm4b:s15+s3], $0x80, $0x38;
	[tilespmem:$0x1CD00] =	vst v63  }
0x5a: {  	_ =	swait.ge [sflag:s28], $0x80  }
0x5b: {  	[sflag:s28] =	ssyncset.done $0x0  }
0x5c: {  	[sflag:s28] =	ssyncadd.s32 $0xFFFFFF80  }
0x5d: {  	_ =	swait.ge [sflag:s2], $0x4000  }
0x5e: {  	[sflag:s2] =	ssyncset.done $0x0  }
0x5f: {  	s20 =	simm.s32 $0x4000;
	s12 =	simm.s32 $0x200;
	[sflag:s2] =	ssyncadd.s32 $0xFFFFC000  }
0x60: {  	s12 =	sand.u32 $0x600, s12;
	s13 =	sand.u32 $0x600, s5;
	_ =	swait.ge [sflag:s4], $0x4000  }
0x61: {  	s11 =	sand.u32 $0x4000, s20;
	s13 =	sshrl.u32 s13, $0x2;
	[sflag:s4] =	ssyncset.done $0x0  }
0x62: {  	s14 =	sxor.u32 $0x4400, s11;
	s13 =	sor.u32 $0x200, s13;
	[sflag:s4] =	ssyncadd.s32 $0xFFFFC000  }
0x63: {  	[tilespmem:s14], [sflag:$0x1] =	stream.indirect.gather [hbm4b:s0+s30], $0x80, s13, s30, $0xb8;
	[tilespmem:$0x1CD00] =	vst v63  }
0x64: {  	s26 =	simm.s32 $0x180;
	s12 =	sshrl.u32 s12, $0x2;
	s11 =	sor.u32 $0x400, s11  }
0x65: {  	[spmem:s1] =	stream.indirect.scatter.add.f32 [tilespmem:s11], [sflag:$0x2], $0x80, s12, s30, $0xb8;
	[tilespmem:$0x1CD00] =	vst v63  }
0x66: {  	s29 =	sand.u32 $0x180, s26  }
0x67: {  	[tilespmem:s29], [sflag:$0x3] =	stream.linear.gather [hbm4b:s19+s3], $0x80, $0x38;
	[tilespmem:$0x1CD00] =	vst v63  }
0x68: {  	_ =	swait.ge [sflag:s28], $0x80  }
0x69: {  	[sflag:s28] =	ssyncset.done $0x0  }
0x6a: {  	s15 =	simm.s32 $0x400;
	s11 =	sor.u32 $0x200, s29;
	[sflag:s28] =	ssyncadd.s32 $0xFFFFFF80  }
0x6b: {  	[tilespmem:s11], [sflag:$0x3] =	stream.linear.gather [hbm4b:s18+s3], $0x80, $0x38;
	[tilespmem:$0x1CD00] =	vst v63  }
0x6c: {  	s13 =	sadd.s32 $0x10, s19;
	s14 =	simm.s32 $0x1;
	_ =	swait.ge [sflag:s28], $0x80  }
0x6d: {  	s12 =	sadd.s32 $0x10, s18;
	s11 =	simm.s32 $0x200;
	[sflag:s28] =	ssyncset.done $0x0  }
.LBB2_2:
0x6e: {  	s14 =	sadd.s32 $0x1, s14  }
0x6f: {  	[sflag:s28] =	ssyncadd.s32 $0xFFFFFF80;
	s15 =	sadd.s32 $0x200, s15;
	s17 =	smov.u32 s11  }
0x70: {  	p0 =	sne.s32 s11, $0x2680;
	s11 =	sadd.s32 $0x80, s11;
	_ =	swait.ge [sflag:s2], $0x4000  }
0x71: {  	[sflag:s2] =	ssyncset.done $0x0  }
0x72: {  	s20 =	sshll.u32 s14, $0xE;
	s29 =	sadd.s32 $0xFFFFFE00, s15;
	[sflag:s2] =	ssyncadd.s32 $0xFFFFC000  }
0x73: {  	s26 =	sand.u32 $0x600, s15;
	s29 =	sand.u32 $0x600, s29;
	_ =	swait.ge [sflag:s4], $0x4000  }
0x74: {  	s20 =	sand.u32 $0x4000, s20;
	s26 =	sshrl.u32 s26, $0x2;
	[sflag:s4] =	ssyncset.done $0x0  }
0x75: {  	s6 =	sxor.u32 $0x4400, s20;
	s26 =	sor.u32 $0x200, s26;
	[sflag:s4] =	ssyncadd.s32 $0xFFFFC000  }
0x76: {  	[tilespmem:s6], [sflag:$0x1] =	stream.indirect.gather [hbm4b:s0+s30], $0x80, s26, s30, $0xb8;
	[tilespmem:$0x1CD00] =	vst v63  }
0x77: {  	s6 =	sor.u32 $0x400, s20;
	s20 =	sshrl.u32 s29, $0x2  }
0x78: {  	[spmem:s1] =	stream.indirect.scatter.add.f32 [tilespmem:s6], [sflag:$0x2], $0x80, s20, s30, $0xb8;
	[tilespmem:$0x1CD00] =	vst v63  }
0x79: {  	s6 =	sand.u32 $0x180, s17  }
0x7a: {  	[tilespmem:s6], [sflag:$0x3] =	stream.linear.gather [hbm4b:s13+s3], $0x80, $0x38;
	[tilespmem:$0x1CD00] =	vst v63  }
0x7b: {  	_ =	swait.ge [sflag:s28], $0x80  }
.Ltmp0:
0x7c: {  	[sflag:s28] =	ssyncset.done $0x0;
	(pc) =	sbr.rel @p0 .LBB2_2-.Ltmp0, $4  }
0x7d: {  	s6 =	sor.u32 $0x200, s6;
	[sflag:s28] =	ssyncadd.s32 $0xFFFFFF80  }
0x7e: {  	[tilespmem:s6], [sflag:$0x3] =	stream.linear.gather [hbm4b:s12+s3], $0x80, $0x38;
	[tilespmem:$0x1CD00] =	vst v63  }
0x7f: {  	_ =	swait.ge [sflag:s28], $0x80  }
0x80: {  	s13 =	sadd.s32 $0x10, s13;
	s12 =	sadd.s32 $0x10, s12;
	[sflag:s28] =	ssyncset.done $0x0  }
0x81: {  	[sflag:s28] =	ssyncadd.s32 $0xFFFFFF80  }
0x82: {  	_ =	swait.ge [sflag:s2], $0x4000  }
0x83: {  	[sflag:s2] =	ssyncset.done $0x0  }
0x84: {  	[sflag:s2] =	ssyncadd.s32 $0xFFFFC000  }
0x85: {  	_ =	swait.ge [sflag:s4], $0x4000  }
0x86: {  	[sflag:s4] =	ssyncset.done $0x0  }
0x87: {  	[sflag:s4] =	ssyncadd.s32 $0xFFFFC000  }
0x88: {  	[tilespmem:s16], [sflag:$0x1] =	stream.indirect.gather [hbm4b:s0+s30], $0x80, s31, s30, $0xb8;
	[tilespmem:$0x1CD00] =	vst v63  }
0x89: {  	_ = 	snop  }
0x8a: {  	[spmem:s1] =	stream.indirect.scatter.add.f32 [tilespmem:s5], [sflag:$0x2], $0x80, s3, s30, $0xb8;
	[tilespmem:$0x1CD00] =	vst v63  }
0x8b: {  	_ =	swait.ge [sflag:s2], $0x4000  }
0x8c: {  	[sflag:s2] =	ssyncset.done $0x0  }
0x8d: {  	[sflag:s2] =	ssyncadd.s32 $0xFFFFC000  }
0x8e: {  	_ =	swait.ge [sflag:s4], $0x4000  }
0x8f: {  	[sflag:s4] =	ssyncset.done $0x0  }
0x90: {  	[sflag:s4] =	ssyncadd.s32 $0xFFFFC000  }
0x91: {  	[spmem:s1] =	stream.indirect.scatter.add.f32 [tilespmem:s16], [sflag:$0x2], $0x80, s30, s30, $0xb8;
	[tilespmem:$0x1CD00] =	vst v63  }
0x92: {  	_ =	swait.ge [sflag:s4], $0x4000  }
0x93: {  	[sflag:s4] =	ssyncset.done $0x0  }
0x94: {  	s11 =	simm.s32 $0x8400;
	s6 =	rddreg [dreg:$0xf];
	[sflag:s4] =	ssyncadd.s32 $0xFFFFC000  }
0x95: {  	[tilespmem:s11], [sflag:$0x3] =	stream.linear.gather [hbm4b:s6+s3], $0x10, $0x38;
	[tilespmem:$0x1CD00] =	vst v63  }
0x96: {  	_ =	swait.ge [sflag:s28], $0x10  }
0x97: {  	[sflag:s28] =	ssyncset.done $0x0  }
0x98: {  	s13 =	rddreg [dreg:$0x10];
	[sflag:s28] =	ssyncadd.s32 $0xFFFFFFF0  }
0x99: {  	[tilespmem:s7], [sflag:$0x3] =	stream.linear.gather [hbm4b:s13+s3], $0x10, $0x38;
	[tilespmem:$0x1CD00] =	vst v63  }
0x9a: {  	_ =	swait.ge [sflag:s28], $0x10  }
0x9b: {  	[sflag:s28] =	ssyncset.done $0x0  }
0x9c: {  	[sflag:s28] =	ssyncadd.s32 $0xFFFFFFF0  }
0x9d: {  	[tilespmem:s9], [sflag:$0x1] =	stream.indirect.gather [hbm4b:s0+s8], $0x80, s7, s8, $0xb8;
	[tilespmem:$0x1CD00] =	vst v63  }
0x9e: {  	_ =	swait.ge [sflag:s2], $0x800  }
0x9f: {  	[sflag:s2] =	ssyncset.done $0x0  }
0xa0: {  	[sflag:s2] =	ssyncadd.s32 $0xFFFFF800  }
0xa1: {  	[spmem:s1] =	stream.indirect.scatter.add.f32 [tilespmem:s9], [sflag:$0x3], $0x80, s11, s8, $0xb8;
	[tilespmem:$0x1CD00] =	vst v63  }
0xa2: {  	_ =	swait.ge [sflag:s28], $0x800  }
0xa3: {  	[sflag:s28] =	ssyncset.done $0x0  }
0xa4: {  	[sflag:s28] =	ssyncadd.s32 $0xFFFFF800  }
0xa5: {  	[bflag:$0x0] =	sbarrier.arrive $0xFFFF  }
0xa6: {  	[tilespmem:s5], [sflag:$0x3] =	stream.linear.gather [spmem:s21], $0x4000, $0x38;
	[tilespmem:$0x1CD00] =	vst v63  }
0xa7: {  	_ =	swait.ge [sflag:s28], $0x4000  }
0xa8: {  	[sflag:s28] =	ssyncset.done $0x0  }
0xa9: {  	s14 =	rddreg [dreg:$0xa];
	[sflag:s28] =	ssyncadd.s32 $0xFFFFC000  }
0xaa: {  	[hbm4b:s14+s3] =	stream.linear.scatter [tilespmem:s5], [sflag:$0x1], $0x4000, $0x38;
	[tilespmem:$0x1CD00] =	vst v63  }
0xab: {  	_ = 	snop  }
0xac: {  	[tilespmem:s16], [sflag:$0x3] =	stream.linear.gather [spmem:s22], $0x4000, $0x38;
	[tilespmem:$0x1CD00] =	vst v63  }
0xad: {  	_ =	swait.ge [sflag:s28], $0x4000  }
0xae: {  	[sflag:s28] =	ssyncset.done $0x0  }
0xaf: {  	[sflag:s28] =	ssyncadd.s32 $0xFFFFC000  }
0xb0: {  	_ =	swait.ge [sflag:s2], $0x4000  }
0xb1: {  	[sflag:s2] =	ssyncset.done $0x0  }
0xb2: {  	s15 =	rddreg [dreg:$0xb];
	[sflag:s2] =	ssyncadd.s32 $0xFFFFC000  }
0xb3: {  	[hbm4b:s15+s3] =	stream.linear.scatter [tilespmem:s16], [sflag:$0x1], $0x4000, $0x38;
	[tilespmem:$0x1CD00] =	vst v63  }
0xb4: {  	_ = 	snop  }
0xb5: {  	[tilespmem:s5], [sflag:$0x3] =	stream.linear.gather [spmem:s23], $0x4000, $0x38;
	[tilespmem:$0x1CD00] =	vst v63  }
0xb6: {  	_ =	swait.ge [sflag:s28], $0x4000  }
0xb7: {  	[sflag:s28] =	ssyncset.done $0x0  }
0xb8: {  	[sflag:s28] =	ssyncadd.s32 $0xFFFFC000  }
0xb9: {  	_ =	swait.ge [sflag:s2], $0x4000  }
0xba: {  	[sflag:s2] =	ssyncset.done $0x0  }
0xbb: {  	s17 =	rddreg [dreg:$0xc];
	[sflag:s2] =	ssyncadd.s32 $0xFFFFC000  }
0xbc: {  	[hbm4b:s17+s3] =	stream.linear.scatter [tilespmem:s5], [sflag:$0x1], $0x4000, $0x38;
	[tilespmem:$0x1CD00] =	vst v63  }
0xbd: {  	_ = 	snop  }
0xbe: {  	[tilespmem:s16], [sflag:$0x3] =	stream.linear.gather [spmem:s24], $0x4000, $0x38;
	[tilespmem:$0x1CD00] =	vst v63  }
0xbf: {  	_ =	swait.ge [sflag:s28], $0x4000  }
0xc0: {  	[sflag:s28] =	ssyncset.done $0x0  }
0xc1: {  	[sflag:s28] =	ssyncadd.s32 $0xFFFFC000  }
0xc2: {  	_ =	swait.ge [sflag:s2], $0x4000  }
0xc3: {  	[sflag:s2] =	ssyncset.done $0x0  }
0xc4: {  	s20 =	rddreg [dreg:$0xd];
	[sflag:s2] =	ssyncadd.s32 $0xFFFFC000  }
0xc5: {  	[hbm4b:s20+s3] =	stream.linear.scatter [tilespmem:s16], [sflag:$0x1], $0x4000, $0x38;
	[tilespmem:$0x1CD00] =	vst v63  }
0xc6: {  	_ = 	snop  }
0xc7: {  	[tilespmem:s5], [sflag:$0x3] =	stream.linear.gather [spmem:s25], $0x4000, $0x38;
	[tilespmem:$0x1CD00] =	vst v63  }
0xc8: {  	_ =	swait.ge [sflag:s28], $0x4000  }
0xc9: {  	[sflag:s28] =	ssyncset.done $0x0  }
0xca: {  	[sflag:s28] =	ssyncadd.s32 $0xFFFFC000  }
0xcb: {  	_ =	swait.ge [sflag:s2], $0x4000  }
0xcc: {  	[sflag:s2] =	ssyncset.done $0x0  }
0xcd: {  	s26 =	rddreg [dreg:$0xe];
	[sflag:s2] =	ssyncadd.s32 $0xFFFFC000  }
0xce: {  	[hbm4b:s26+s3] =	stream.linear.scatter [tilespmem:s5], [sflag:$0x1], $0x4000, $0x38;
	[tilespmem:$0x1CD00] =	vst v63  }
0xcf: {  	_ =	swait.ge [sflag:s2], $0x4000  }
0xd0: {  	s10 =	sadd.s32 $0x1, s10;
	s29 =	rddreg [dreg:$0x12]  }
0xd1: {  	p0 =	sne.s32 s10, s29  }
.Ltmp1:
0xd2: {  	_ = 	snop;
	(pc) =	sbr.rel @p0 .LBB2_1-.Ltmp1, $3  }
0xd3: {  	_ =	sdelay $0x1  }
0xd4: {  	[sflag:s2] =	ssyncset.done $0x0  }
0xd5: {  	[sflag:s2] =	ssyncadd.s32 $0xFFFFC000  }
0xd6: {  	_ =	sfence.sel $0x180000  }
0xd7: {  	[bflag:$0x0] =	sbarrier.arrive $0xFFFF  }
0xd8: {  	_ =	strace $0x9000004A  }
0xd9: {  	s0 =	stileid.u32;
	[bflag:$0x2] =	sbarrier.arrive $0xFFFF  }
0xda: {  	p0 =	sne.s32 s0, $0x0;
	s0 =	rddreg [dreg:$0x3]  }
0xdb: {  	s0 =	sadd.s32 @!p0 $0x100000, s0  }
0xdc: {  	[sflag:s0] =	ssyncadd.tile.s32 @!p0 $0x1;
	_ =	shalt  }
.Lfunc_end2:
_tile_overlayer_lowered:
.L_overlay_start_2:
0xdd: {  	(tag) =	ssettag $0x2  }
0xde: {  	s0 =	rddreg [dreg:$0x0];
	s2 =	stileid.u32  }
0xdf: {  	s1 =	rddreg [dreg:$0x1];
	p0 =	sne.s32 s2, $0x0  }
0xe0: {  	s3 =	rddreg [dreg:$0x2];
	[bflag:$0x3] =	sbarrier.arrive $0xFFFF;
	s2 =	simm.s32 @!p0 $0x1C03  }
0xe1: {  	[timem:s3], [sflag:s2] =	dma.local @!p0 [hbm:s0], s1  }
0xe2: {  	s0 =	simm.s32 @!p0 $0x3  }
0xe3: {  	_ =	swait.ge @!p0 [sflag:s0], s1  }
0xe4: {  	s1 =	ssub.s32 @!p0 $0x0, s1;
	[sflag:s0] =	ssyncset.done @!p0 $0x0  }
0xe5: {  	[sflag:s0] =	ssyncadd.s32 @!p0 s1  }
0xe6: {  	[bflag:$0x3] =	sbarrier.arrive $0xFFFF  }
0xe7: {  	_ =	shalt  }

// kernel: spmm_sc.7.cloned.1.call-start
scs
__scs_entry_jumppad:
0x0: {  	(pc) =	sbr.rel $0x88, $3  }
0x1: {  	(tag) =	ssettag $0x0;
	lr =	simm.s32 $0x1  }
0x2: {  	[smem:$0x3F87] =	sst lr;
	_ =	strace $0xD0000000  }
0x3: {  	_ = 	snop  }
0x4: {  	_ = 	snop  }
0x5: {  	_ = 	snop  }
0x6: {  	_ = 	snop  }
0x7: {  	_ = 	snop  }
__scs_overlays_trampoline_lowered:
0x8: {  	[smem:$0x3F96] =	sst s0  }
0x9: {  	[smem:$0x3F97] =	sst s1  }
0xa: {  	[smem:$0x3F98] =	sst s2  }
0xb: {  	[smem:$0x3F99] =	sst s3  }
0xc: {  	[smem:$0x3F9A] =	sst s4  }
0xd: {  	[smem:$0x3F9B] =	sst s5  }
0xe: {  	[smem:$0x3F9C] =	sst s6  }
0xf: {  	[smem:$0x3F9D] =	sst s7  }
0x10: {  	[smem:$0x3F9E] =	sst s8  }
0x11: {  	[smem:$0x3F9F] =	sst s9;
	s0 =	simm.s32 @!p0 $0x0  }
0x12: {  	s1 =	sld [smem:$0x3F85];
	s0 =	simm.s32 @p0 $0x1  }
0x13: {  	[smem:$0x3FA0] =	sst s0;
	s0 =	simm.s32 @!p1 $0x0  }
0x14: {  	s2 =	sld [smem:$0x3F84];
	s0 =	simm.s32 @p1 $0x1  }
0x15: {  	[smem:$0x3FA1] =	sst s0;
	s0 =	simm.s32 @!p2 $0x0  }
0x16: {  	s3 =	sld [smem:$0x3FDB];
	s0 =	simm.s32 @p2 $0x1  }
0x17: {  	s4 =	simm.s32 $0x1BF5;
	[smem:$0x3FA3] =	sst s0  }
0x18: {  	s0 =	sld [smem:$0x3F86];
	_ =	swait.ge [sflag:s4], $0x0  }
0x19: {  	s7 =	sld [smem:$0x3F87]  }
0x1a: {  	s8 =	sadd.s32 $0xFFFFE003, lr  }
0x1b: {  	s9 =	sadd.s32 $0xFFFFFEF7, lr;
	s5 =	simm.s32 $0xFFFFFFFF;
	p2 =	slt.u32 s8, $0xFFFFF086  }
0x1c: {  	p1 =	slt.u32 s9, $0xF7A;
	s5 =	simm.s32 @!p2 $0x0  }
0x1d: {  	s5 =	simm.s32 @p1 $0x1;
	p0 =	seq.s32 s7, s2  }
0x1e: {  	s7 =	smul.u32 @!p0 $0xF7A, s2;
	p2 =	seq.s32 @!p0 s5, $0x0  }
0x1f: {  	s9 =	smul.u32 $0xF7A, s1;
	s8 =	simm.s32 @!p0 $0x1BF5;
	p2 =	por !p2, p0  }
0x20: {  	[sflag:s8] =	ssyncset.s32 @!p0 $0xFFFFF086;
	s6 =	sadd.s32 @!p0 s3, s7;
	s7 =	simm.s32 @!p0 $0x108  }
0x21: {  	s3 =	sadd.s32 s3, s9;
	s6 =	sadd.s32 @!p0 $0x88, s6;
	s7 =	simm.s32 @p2 $0x1082  }
0x22: {  	[simem:s7], [sflag:s8] =	dma.local @!p0 [hbm:s6], $0xF7A  }
0x23: {  	s9 =	sor.u32 $0xD0000000, s2;
	s6 =	simm.s32 $0x108;
	_ =	swait.ge @!p0 [sflag:s8], $0x0  }
0x24: {  	s3 =	sadd.s32 $0x88, s3;
	s6 =	simm.s32 @!p1 $0x1082;
	[sflag:s4] =	ssyncset.s32 $0xFFFFF086  }
0x25: {  	[simem:s6], [sflag:s4] =	dma.local [hbm:s3], $0xF7A  }
0x26: {  	[smem:$0x3F87] =	sst s1;
	(tag) =	ssettag s2;
	_ =	strace s9  }
0x27: {  	s1 =	sld [smem:$0x3F97]  }
0x28: {  	s2 =	sld [smem:$0x3F98]  }
0x29: {  	s4 =	sld [smem:$0x3F9A]  }
0x2a: {  	p0 =	seq.s32 s5, $0x0;
	s5 =	sld [smem:$0x3F9B]  }
0x2b: {  	s6 =	sld [smem:$0x3F9C]  }
0x2c: {  	s7 =	sld [smem:$0x3F9D]  }
0x2d: {  	s3 =	simm.s32 $0x108;
	s8 =	sld [smem:$0x3F9E]  }
0x2e: {  	s3 =	simm.s32 @!p0 $0x1082;
	s9 =	sld [smem:$0x3F9F]  }
0x2f: {  	lr =	sadd.s32 s0, s3;
	s0 =	sld [smem:$0x3F96]  }
0x30: {  	s3 =	sld [smem:$0x3F99]  }
0x31: {  	[smem:$0x3FA2] =	sst s10  }
0x32: {  	s10 =	sld [smem:$0x3FA0];
	_ =	sdelay $0x3  }
0x33: {  	p0 =	seq.s32 s10, $0x1;
	s10 =	sld [smem:$0x3FA2];
	_ =	sdelay $0x3  }
0x34: {  	[smem:$0x3FA2] =	sst s10  }
0x35: {  	s10 =	sld [smem:$0x3FA1];
	_ =	sdelay $0x3  }
0x36: {  	p1 =	seq.s32 s10, $0x1;
	s10 =	sld [smem:$0x3FA2];
	_ =	sdelay $0x3  }
0x37: {  	[smem:$0x3FA2] =	sst s10  }
0x38: {  	s10 =	sld [smem:$0x3FA3]  }
0x39: {  	_ = 	snop;
	(pc) =	sbr.ind lr, $3  }
0x3a: {  	_ = 	snop  }
0x3b: {  	_ = 	snop  }
0x3c: {  	p2 =	seq.s32 s10, $0x1;
	s10 =	sld [smem:$0x3FA2]  }
0x3d: {  	_ =	shalt  }
0x3e: {  	_ =	shalt  }
0x3f: {  	_ =	shalt  }
0x40: {  	_ =	shalt  }
0x41: {  	_ =	shalt  }
0x42: {  	_ =	shalt  }
0x43: {  	_ =	shalt  }
0x44: {  	_ =	shalt  }
0x45: {  	_ =	shalt  }
0x46: {  	_ =	shalt  }
0x47: {  	_ =	shalt  }
0x48: {  	_ =	shalt  }
0x49: {  	_ =	shalt  }
0x4a: {  	_ =	shalt  }
0x4b: {  	_ =	shalt  }
0x4c: {  	_ =	shalt  }
0x4d: {  	_ =	shalt  }
0x4e: {  	_ =	shalt  }
0x4f: {  	_ =	shalt  }
0x50: {  	_ =	shalt  }
0x51: {  	_ =	shalt  }
0x52: {  	_ =	shalt  }
0x53: {  	_ =	shalt  }
0x54: {  	_ =	shalt  }
0x55: {  	_ =	shalt  }
0x56: {  	_ =	shalt  }
0x57: {  	_ =	shalt  }
0x58: {  	_ =	shalt  }
0x59: {  	_ =	shalt  }
0x5a: {  	_ =	shalt  }
0x5b: {  	_ =	shalt  }
0x5c: {  	_ =	shalt  }
0x5d: {  	_ =	shalt  }
0x5e: {  	_ =	shalt  }
0x5f: {  	_ =	shalt  }
0x60: {  	_ =	shalt  }
0x61: {  	_ =	shalt  }
0x62: {  	_ =	shalt  }
0x63: {  	_ =	shalt  }
0x64: {  	_ =	shalt  }
0x65: {  	_ =	shalt  }
0x66: {  	_ =	shalt  }
0x67: {  	_ =	shalt  }
0x68: {  	_ =	shalt  }
0x69: {  	_ =	shalt  }
0x6a: {  	_ =	shalt  }
0x6b: {  	_ =	shalt  }
0x6c: {  	_ =	shalt  }
0x6d: {  	_ =	shalt  }
0x6e: {  	_ =	shalt  }
0x6f: {  	_ =	shalt  }
0x70: {  	_ =	shalt  }
0x71: {  	_ =	shalt  }
0x72: {  	_ =	shalt  }
0x73: {  	_ =	shalt  }
0x74: {  	_ =	shalt  }
0x75: {  	_ =	shalt  }
0x76: {  	_ =	shalt  }
0x77: {  	_ =	shalt  }
0x78: {  	_ =	shalt  }
0x79: {  	_ =	shalt  }
0x7a: {  	_ =	shalt  }
0x7b: {  	_ =	shalt  }
0x7c: {  	_ =	shalt  }
0x7d: {  	_ =	shalt  }
0x7e: {  	_ =	shalt  }
0x7f: {  	_ =	shalt  }
0x80: {  	_ =	shalt  }
0x81: {  	_ =	shalt  }
0x82: {  	_ =	shalt  }
0x83: {  	_ =	shalt  }
0x84: {  	_ =	shalt  }
0x85: {  	_ =	shalt  }
0x86: {  	_ =	shalt  }
0x87: {  	_ =	shalt  }
.Lfunc_end0:
.L_simem_size_0:
called_computation.2_lowered:
.L_overlay_start_0:
0x88: {  	s2 =	sld [smem:$0x3FD9]  }
0x89: {  	s3 =	sld [smem:$0x3FFE];
	_ =	sdelay $0x1  }
0x8a: {  	s1 =	srdreg.scid  }
0x8b: {  	s0 =	sand.u32 $0x1, s1  }
0x8c: {  	s16 =	sshll.u32 s0, $0xA;
	s2 =	sadd.s32 s3, s2  }
0x8d: {  	s2 =	sadd.s32 s2, s16  }
0x8e: {  	[smem:$0x3FAE] =	sst s2  }
0x8f: {  	_ = 	snop  }
0x90: {  	(tm) =	ssettm $0x1  }
0x91: {  	s17 =	sld [smem:$0x3FFB];
	_ =	sdelay $0x3  }
0x92: {  	_ =	strace s17  }
0x93: {  	s2 =	sld [smem:$0x3FFC];
	_ =	sdelay $0x3  }
0x94: {  	_ =	strace s2  }
0x95: {  	s2 =	sld [smem:$0x3FFD];
	_ =	sdelay $0x3  }
0x96: {  	_ =	strace s2  }
0x97: {  	_ =	strace $0x8FFFFFFF  }
0x98: {  	s18 =	sld [smem:$0x3FDB];
	_ =	sdelay $0x1  }
0x99: {  	s19 =	simm.s32 $_scs_section_size  }
0x9a: {  	s4 =	simm.s32 $_size__tile_overlayer_lowered;
	s5 =	simm.s32 $_tile_overlayer_lowered  }
0x9b: {  	s22 =	simm.s32 $0x1BFF;
	s21 =	sshll.u32 s5, $0x1;
	s2 =	sadd.s32 s19, s18  }
0x9c: {  	s6 =	simm.s32 $0x0;
	s20 =	sshll.u32 s4, $0x1;
	s4 =	sadd.s32 s21, s2  }
0x9d: {  	[timem:s6], [sflag:s22] =	dma.local [hbm:s4], s20  }
0x9e: {  	_ =	swait.ge [sflag:s22], s20  }
0x9f: {  	s3 =	ssub.s32 $0x0, s20;
	[sflag:s22] =	ssyncset.done $0x0  }
0xa0: {  	[sflag:s22] =	ssyncadd.s32 s3;
	_ =	sdelay $0x1  }
0xa1: {  	s23 =	simm.s32 $0x1B8B  }
0xa2: {  	_ =	swait.ge [sflag:s23], $0x1  }
0xa3: {  	[sflag:s23] =	ssyncset.done $0x0  }
0xa4: {  	s25 =	simm.s32 $0x1B8E;
	s24 =	sld [smem:$0x3FFE];
	[sflag:s23] =	ssyncadd.s32 $0xFFFFFFFF  }
0xa5: {  	s26 =	simm.s32 $execute0_lowered;
	[smem:$0x3FD2] =	sst s25  }
0xa6: {  	s4 =	sshll.u32 s26, $0x1;
	_ =	strace $0x8000004C;
	[dreg:$0x1] =	wrdreg $0xFFFFFFFF  }
0xa7: {  	s28 =	simm.s32 $_size_execute0_lowered;
	s2 =	sadd.s32 s2, s4;
	[dreg:$0x0] =	wrdreg $0x0  }
0xa8: {  	s4 =	sshll.u32 s28, $0x1;
	[dreg:$0x2] =	wrdreg s2  }
0xa9: {  	[dreg:$0x3] =	wrdreg s4  }
0xaa: {  	[dreg:$0x4] =	wrdreg $0xC0  }
0xab: {  	_ =	task [dreg:s6], $0x5FFFF  }
0xac: {  	[dreg:$0x1] =	wrdreg $0xFFFFFFFF  }
0xad: {  	[dreg:$0x0] =	wrdreg $0x60  }
0xae: {  	[dreg:$0x2] =	wrdreg s24  }
0xaf: {  	[dreg:$0x3] =	wrdreg $0x8D000  }
0xb0: {  	[dreg:$0x4] =	wrdreg $0x9  }
0xb1: {  	_ =	task.clear_ibuf [dreg:s6], $0x5FFFF;
	_ =	strace $0x9000004C  }
0xb2: {  	s29 =	simm.s32 $0x9;
	_ =	strace $0x8000004E  }
0xb3: {  	_ =	swait.ge [sflag:s29], $0x1  }
0xb4: {  	[sflag:s29] =	ssyncadd.s32 $0xFFFFFFFF  }
0xb5: {  	_ =	strace $0x9000004E  }
0xb6: {  	_ =	sfence  }
0xb7: {  	s30 =	sld [smem:$0x0];
	_ =	sdelay $0x2  }
0xb8: {  	s31 =	sshll.u32 s1, $0xD;
	s1 =	sshrl.u32 s1, $0x2  }
0xb9: {  	s3 =	sand.u32 $0x4000, s31;
	s1 =	sadd.s32 s1, s30  }
0xba: {  	s0 =	sor.u32 s3, s0;
	s1 =	sshll.u32 s1, $0x11  }
0xbb: {  	s0 =	sor.u32 s1, s0  }
0xbc: {  	s0 =	sadd.s32 $0x8F2B, s0  }
0xbd: {  	[sflag:s0] =	ssyncadd.remote.s32 $0x1  }
0xbe: {  	_ =	sfence.sel $0xFFFF  }
0xbf: {  	[dreg:$0x0] =	wrdreg $0xFFFFFFFF;
	(pc) =	sbr.abs _section_cstart, $3  }
0xc0: {  	[dreg:$0x1] =	wrdreg $0xFFFFFFFF  }
0xc1: {  	_ =	task.clear_ibuf [dreg:s6], $0x2FFFF;
	_ =	strace $0x9FFFFFFF  }
0xc2: {  	(tm) =	ssettm $0x7FFFFFFF  }
0xc3: {  	_ =	shalt  }
tec
execute0_lowered:
.L_overlay_start_1:
0x0: {  	(tag) =	ssettag $0x1  }
0x1: {  	s0 =	rddreg [dreg:$0x0]  }
0x2: {  	s1 =	rddreg [dreg:$0x1];
	s3 =	simm.s32 $0x0  }
0x3: {  	s4 =	srdreg.scid;
	s17 =	stileid.u32;
	s28 =	simm.s32 $0x3  }
0x4: {  	s30 =	simm.s32 $0x80;
	s31 =	simm.s32 $0x280;
	[smem:$0x7FF] =	sst s3  }
0x5: {  	s2 =	sadd.s32 $0xEA00, s0;
	s5 =	sadd.s32 $0x4C00, s0;
	s8 =	smul.u32 $0x14000, s17  }
0x6: {  	s4 =	sand.u32 $0x1, s4;
	s6 =	sshll.u32 s17, $0x1;
	s29 =	smul.u32 $0x4E20, s17  }
0x7: {  	s9 =	sadd.s32 $0xBF400, s0;
	s7 =	ssub.s32 $0x2, s4;
	s16 =	smul.u32 $0x140000, s4  }
0x8: {  	s6 =	sor.u32 s4, s6;
	s4 =	smul.u32 $0x2710, s4;
	s10 =	sshrl.u32 s7, $0x1  }
0x9: {  	s6 =	smul.u32 $0x2710, s6;
	s11 =	sadd.s32 $0x8000, s8;
	s12 =	sadd.s32 $0xC000, s8  }
0xa: {  	s13 =	sadd.s32 $0x10000, s8;
	s7 =	ssub.s32 s7, s10;
	s10 =	sadd.s32 $0x4000, s8  }
0xb: {  	s8 =	sadd.s32 s8, s16;
	s19 =	sadd.s32 s16, s11;
	s4 =	sadd.s32 s4, s29  }
0xc: {  	s20 =	sadd.s32 s16, s12;
	s6 =	sshrl.u32 s6, $0x3;
	s26 =	sadd.s32 s16, s10  }
0xd: {  	s8 =	sshrl.u32 s8, $0x3;
	s4 =	sadd.s32 $0x180, s4;
	s29 =	smax.u32 s7, $0x1  }
0xe: {  	s7 =	simm.s32 $0x8480;
	s14 =	sadd.s32 s2, s6;
	s21 =	sadd.s32 s5, s6  }
0xf: {  	s22 =	sadd.s32 $0x10, s6;
	s23 =	sadd.s32 $0x20, s6;
	[dreg:$0x3] =	wrdreg s14  }
0x10: {  	s6 =	sadd.s32 $0x4E0, s6;
	s8 =	sadd.s32 s9, s8;
	[dreg:$0x4] =	wrdreg s21  }
0x11: {  	s4 =	sshrl.u32 s4, $0x3;
	s15 =	sadd.s32 s2, s22;
	[dreg:$0x9] =	wrdreg s8  }
0x12: {  	s14 =	sadd.s32 s5, s22;
	s24 =	sadd.s32 s2, s23;
	[dreg:$0x5] =	wrdreg s15  }
0x13: {  	s25 =	sadd.s32 s5, s23;
	s8 =	sshrl.u32 s19, $0x3;
	[dreg:$0x6] =	wrdreg s14  }
0x14: {  	s21 =	sadd.s32 s16, s13;
	s19 =	sadd.s32 $0x68800, s0;
	[dreg:$0x7] =	wrdreg s24  }
0x15: {  	s0 =	sadd.s32 $0xBEC00, s0;
	[dreg:$0x8] =	wrdreg s25;
	s14 =	sshrl.u32 s26, $0x3  }
0x16: {  	s8 =	sadd.s32 s9, s8;
	s23 =	sshrl.u32 s21, $0x3;
	s24 =	sadd.s32 s2, s6  }
0x17: {  	s6 =	sadd.s32 s5, s6;
	s25 =	smul.u32 $0x50000, s17;
	[dreg:$0xb] =	wrdreg s8  }
0x18: {  	s17 =	sadd.s32 s4, s5;
	s5 =	simm.s32 $0x400;
	[dreg:$0xe] =	wrdreg s24  }
0x19: {  	s18 =	sadd.s32 s9, s14;
	s14 =	sshrl.u32 s20, $0x3;
	[dreg:$0xf] =	wrdreg s6  }
0x1a: {  	s8 =	sadd.s32 s9, s23;
	s23 =	sadd.s32 s11, s1;
	[dreg:$0xa] =	wrdreg s18  }
0x1b: {  	s24 =	sadd.s32 s12, s1;
	s22 =	sadd.s32 s9, s14;
	[dreg:$0xd] =	wrdreg s8  }
0x1c: {  	s18 =	sadd.s32 s4, s2;
	s26 =	sshrl.u32 s25, $0x2;
	s25 =	sadd.s32 s13, s1  }
0x1d: {  	s2 =	simm.s32 $0x1;
	s4 =	simm.s32 $0x2;
	s8 =	simm.s32 $0x10  }
0x1e: {  	s9 =	simm.s32 $0x8500;
	[dreg:$0xc] =	wrdreg s22;
	s21 =	sadd.s32 s26, s1  }
0x1f: {  	s22 =	sadd.s32 s10, s1;
	_ =	strace $0x8000004D;
	[dreg:$0x10] =	wrdreg s0  }
0x20: {  	s10 =	simm.s32 $0x0;
	[dreg:$0x11] =	wrdreg s29;
	s0 =	simm.s32 $0x4400  }
.LBB2_1:
0x21: {  	s6 =	rddreg [dreg:$0x10]  }
0x22: {  	[tilespmem:s5], [sflag:$0x3] =	stream.linear.gather [hbm4b:s6+s3], $0x4000, $0x38;
	[tilespmem:$0x1CD00] =	vst v63  }
0x23: {  	_ =	swait.ge [sflag:s28], $0x4000  }
0x24: {  	[sflag:s28] =	ssyncset.done $0x0  }
0x25: {  	[sflag:s28] =	ssyncadd.s32 $0xFFFFC000  }
0x26: {  	[spmem:s21] =	stream.linear.scatter [tilespmem:s5], [sflag:$0x3], $0x4000, $0x38;
	[tilespmem:$0x1CD00] =	vst v63  }
0x27: {  	_ =	swait.ge [sflag:s28], $0x4000  }
0x28: {  	[sflag:s28] =	ssyncset.done $0x0  }
0x29: {  	[sflag:s28] =	ssyncadd.s32 $0xFFFFC000  }
0x2a: {  	[spmem:s22] =	stream.linear.scatter [tilespmem:s5], [sflag:$0x3], $0x4000, $0x38;
	[tilespmem:$0x1CD00] =	vst v63  }
0x2b: {  	_ =	swait.ge [sflag:s28], $0x4000  }
0x2c: {  	[sflag:s28] =	ssyncset.done $0x0  }
0x2d: {  	[sflag:s28] =	ssyncadd.s32 $0xFFFFC000  }
0x2e: {  	[spmem:s23] =	stream.linear.scatter [tilespmem:s5], [sflag:$0x3], $0x4000, $0x38;
	[tilespmem:$0x1CD00] =	vst v63  }
0x2f: {  	_ =	swait.ge [sflag:s28], $0x4000  }
0x30: {  	[sflag:s28] =	ssyncset.done $0x0  }
0x31: {  	[sflag:s28] =	ssyncadd.s32 $0xFFFFC000  }
0x32: {  	[spmem:s24] =	stream.linear.scatter [tilespmem:s5], [sflag:$0x3], $0x4000, $0x38;
	[tilespmem:$0x1CD00] =	vst v63  }
0x33: {  	_ =	swait.ge [sflag:s28], $0x4000  }
0x34: {  	[sflag:s28] =	ssyncset.done $0x0  }
0x35: {  	[sflag:s28] =	ssyncadd.s32 $0xFFFFC000  }
0x36: {  	[spmem:s25] =	stream.linear.scatter [tilespmem:s5], [sflag:$0x3], $0x4000, $0x38;
	[tilespmem:$0x1CD00] =	vst v63  }
0x37: {  	_ =	swait.ge [sflag:s28], $0x4000  }
0x38: {  	[sflag:s28] =	ssyncset.done $0x0  }
0x39: {  	[sflag:s28] =	ssyncadd.s32 $0xFFFFC000  }
0x3a: {  	[bflag:$0x0] =	sbarrier.arrive $0xFFFF  }
0x3b: {  	s20 =	rddreg [dreg:$0x3]  }
0x3c: {  	[tilespmem:s3], [sflag:$0x3] =	stream.linear.gather [hbm4b:s20+s3], $0x80, $0x38;
	[tilespmem:$0x1CD00] =	vst v63  }
0x3d: {  	_ =	swait.ge [sflag:s28], $0x80  }
0x3e: {  	[sflag:s28] =	ssyncset.done $0x0  }
0x3f: {  	s11 =	simm.s32 $0x200;
	s26 =	rddreg [dreg:$0x4];
	[sflag:s28] =	ssyncadd.s32 $0xFFFFFF80  }
0x40: {  	[tilespmem:s11], [sflag:$0x3] =	stream.linear.gather [hbm4b:s26+s3], $0x80, $0x38;
	[tilespmem:$0x1CD00] =	vst v63  }
0x41: {  	_ =	swait.ge [sflag:s28], $0x80  }
0x42: {  	[sflag:s28] =	ssyncset.done $0x0  }
0x43: {  	s29 =	rddreg [dreg:$0x5];
	[sflag:s28] =	ssyncadd.s32 $0xFFFFFF80  }
0x44: {  	[tilespmem:s30], [sflag:$0x3] =	stream.linear.gather [hbm4b:s29+s3], $0x80, $0x38;
	[tilespmem:$0x1CD00] =	vst v63  }
0x45: {  	_ =	swait.ge [sflag:s28], $0x80  }
0x46: {  	[sflag:s28] =	ssyncset.done $0x0  }
0x47: {  	s12 =	rddreg [dreg:$0x6];
	[sflag:s28] =	ssyncadd.s32 $0xFFFFFF80  }
0x48: {  	[tilespmem:s31], [sflag:$0x3] =	stream.linear.gather [hbm4b:s12+s3], $0x80, $0x38;
	[tilespmem:$0x1CD00] =	vst v63  }
0x49: {  	_ =	swait.ge [sflag:s28], $0x80  }
0x4a: {  	[sflag:s28] =	ssyncset.done $0x0  }
0x4b: {  	[sflag:s28] =	ssyncadd.s32 $0xFFFFFF80  }
0x4c: {  	[tilespmem:s5], [sflag:$0x1] =	stream.indirect.gather [hbm4b:s19+s30], $0x80, s11, s30, $0xb8;
	[tilespmem:$0x1CD00] =	vst v63  }
0x4d: {  	_ =	swait.ge [sflag:s2], $0x4000  }
0x4e: {  	[sflag:s2] =	ssyncset.done $0x0  }
0x4f: {  	[sflag:s2] =	ssyncadd.s32 $0xFFFFC000  }
0x50: {  	[tilespmem:s0], [sflag:$0x1] =	stream.indirect.gather [hbm4b:s19+s30], $0x80, s31, s30, $0xb8;
	[tilespmem:$0x1CD00] =	vst v63  }
0x51: {  	_ = 	snop  }
0x52: {  	[spmem:s1] =	stream.indirect.scatter.add.f32 [tilespmem:s5], [sflag:$0x2], $0x80, s3, s30, $0xb8;
	[tilespmem:$0x1CD00] =	vst v63  }
0x53: {  	s14 =	simm.s32 $0x100;
	s13 =	rddreg [dreg:$0x7]  }
0x54: {  	[tilespmem:s14], [sflag:$0x3] =	stream.linear.gather [hbm4b:s13+s3], $0x80, $0x38;
	[tilespmem:$0x1CD00] =	vst v63  }
0x55: {  	_ =	swait.ge [sflag:s28], $0x80  }
0x56: {  	[sflag:s28] =	ssyncset.done $0x0  }
0x57: {  	s16 =	simm.s32 $0x300;
	s15 =	rddreg [dreg:$0x8];
	[sflag:s28] =	ssyncadd.s32 $0xFFFFFF80  }
0x58: {  	[tilespmem:s16], [sflag:$0x3] =	stream.linear.gather [hbm4b:s15+s3], $0x80, $0x38;
	[tilespmem:$0x1CD00] =	vst v63  }
0x59: {  	_ =	swait.ge [sflag:s28], $0x80  }
0x5a: {  	[sflag:s28] =	ssyncset.done $0x0  }
0x5b: {  	[sflag:s28] =	ssyncadd.s32 $0xFFFFFF80  }
0x5c: {  	_ =	swait.ge [sflag:s2], $0x4000  }
0x5d: {  	[sflag:s2] =	ssyncset.done $0x0  }
0x5e: {  	s20 =	simm.s32 $0x4000;
	s12 =	simm.s32 $0x200;
	[sflag:s2] =	ssyncadd.s32 $0xFFFFC000  }
0x5f: {  	s12 =	sand.u32 $0x600, s12;
	s13 =	sand.u32 $0x600, s5;
	_ =	swait.ge [sflag:s4], $0x4000  }
0x60: {  	s11 =	sand.u32 $0x4000, s20;
	s13 =	sshrl.u32 s13, $0x2;
	[sflag:s4] =	ssyncset.done $0x0  }
0x61: {  	s14 =	sxor.u32 $0x4400, s11;
	s13 =	sor.u32 $0x200, s13;
	[sflag:s4] =	ssyncadd.s32 $0xFFFFC000  }
0x62: {  	[tilespmem:s14], [sflag:$0x1] =	stream.indirect.gather [hbm4b:s19+s30], $0x80, s13, s30, $0xb8;
	[tilespmem:$0x1CD00] =	vst v63  }
0x63: {  	s26 =	simm.s32 $0x180;
	s12 =	sshrl.u32 s12, $0x2;
	s11 =	sor.u32 $0x400, s11  }
0x64: {  	[spmem:s1] =	stream.indirect.scatter.add.f32 [tilespmem:s11], [sflag:$0x2], $0x80, s12, s30, $0xb8;
	[tilespmem:$0x1CD00] =	vst v63  }
0x65: {  	s29 =	sand.u32 $0x180, s26  }
0x66: {  	[tilespmem:s29], [sflag:$0x3] =	stream.linear.gather [hbm4b:s18+s3], $0x80, $0x38;
	[tilespmem:$0x1CD00] =	vst v63  }
0x67: {  	_ =	swait.ge [sflag:s28], $0x80  }
0x68: {  	[sflag:s28] =	ssyncset.done $0x0  }
0x69: {  	s15 =	simm.s32 $0x400;
	s11 =	sor.u32 $0x200, s29;
	[sflag:s28] =	ssyncadd.s32 $0xFFFFFF80  }
0x6a: {  	[tilespmem:s11], [sflag:$0x3] =	stream.linear.gather [hbm4b:s17+s3], $0x80, $0x38;
	[tilespmem:$0x1CD00] =	vst v63  }
0x6b: {  	s13 =	sadd.s32 $0x10, s18;
	s14 =	simm.s32 $0x1;
	_ =	swait.ge [sflag:s28], $0x80  }
0x6c: {  	s12 =	sadd.s32 $0x10, s17;
	s11 =	simm.s32 $0x200;
	[sflag:s28] =	ssyncset.done $0x0  }
.LBB2_2:
0x6d: {  	s14 =	sadd.s32 $0x1, s14  }
0x6e: {  	[sflag:s28] =	ssyncadd.s32 $0xFFFFFF80;
	s15 =	sadd.s32 $0x200, s15;
	s16 =	smov.u32 s11  }
0x6f: {  	p0 =	sne.s32 s11, $0x2680;
	s11 =	sadd.s32 $0x80, s11;
	_ =	swait.ge [sflag:s2], $0x4000  }
0x70: {  	[sflag:s2] =	ssyncset.done $0x0  }
0x71: {  	s20 =	sshll.u32 s14, $0xE;
	s29 =	sadd.s32 $0xFFFFFE00, s15;
	[sflag:s2] =	ssyncadd.s32 $0xFFFFC000  }
0x72: {  	s26 =	sand.u32 $0x600, s15;
	s29 =	sand.u32 $0x600, s29;
	_ =	swait.ge [sflag:s4], $0x4000  }
0x73: {  	s20 =	sand.u32 $0x4000, s20;
	s26 =	sshrl.u32 s26, $0x2;
	[sflag:s4] =	ssyncset.done $0x0  }
0x74: {  	s6 =	sxor.u32 $0x4400, s20;
	s26 =	sor.u32 $0x200, s26;
	[sflag:s4] =	ssyncadd.s32 $0xFFFFC000  }
0x75: {  	[tilespmem:s6], [sflag:$0x1] =	stream.indirect.gather [hbm4b:s19+s30], $0x80, s26, s30, $0xb8;
	[tilespmem:$0x1CD00] =	vst v63  }
0x76: {  	s6 =	sor.u32 $0x400, s20;
	s20 =	sshrl.u32 s29, $0x2  }
0x77: {  	[spmem:s1] =	stream.indirect.scatter.add.f32 [tilespmem:s6], [sflag:$0x2], $0x80, s20, s30, $0xb8;
	[tilespmem:$0x1CD00] =	vst v63  }
0x78: {  	s6 =	sand.u32 $0x180, s16  }
0x79: {  	[tilespmem:s6], [sflag:$0x3] =	stream.linear.gather [hbm4b:s13+s3], $0x80, $0x38;
	[tilespmem:$0x1CD00] =	vst v63  }
0x7a: {  	_ =	swait.ge [sflag:s28], $0x80  }
.Ltmp0:
0x7b: {  	[sflag:s28] =	ssyncset.done $0x0;
	(pc) =	sbr.rel @p0 .LBB2_2-.Ltmp0, $4  }
0x7c: {  	s6 =	sor.u32 $0x200, s6;
	[sflag:s28] =	ssyncadd.s32 $0xFFFFFF80  }
0x7d: {  	[tilespmem:s6], [sflag:$0x3] =	stream.linear.gather [hbm4b:s12+s3], $0x80, $0x38;
	[tilespmem:$0x1CD00] =	vst v63  }
0x7e: {  	_ =	swait.ge [sflag:s28], $0x80  }
0x7f: {  	s13 =	sadd.s32 $0x10, s13;
	s12 =	sadd.s32 $0x10, s12;
	[sflag:s28] =	ssyncset.done $0x0  }
0x80: {  	[sflag:s28] =	ssyncadd.s32 $0xFFFFFF80  }
0x81: {  	_ =	swait.ge [sflag:s2], $0x4000  }
0x82: {  	[sflag:s2] =	ssyncset.done $0x0  }
0x83: {  	[sflag:s2] =	ssyncadd.s32 $0xFFFFC000  }
0x84: {  	_ =	swait.ge [sflag:s4], $0x4000  }
0x85: {  	[sflag:s4] =	ssyncset.done $0x0  }
0x86: {  	[sflag:s4] =	ssyncadd.s32 $0xFFFFC000  }
0x87: {  	[tilespmem:s0], [sflag:$0x1] =	stream.indirect.gather [hbm4b:s19+s30], $0x80, s31, s30, $0xb8;
	[tilespmem:$0x1CD00] =	vst v63  }
0x88: {  	_ = 	snop  }
0x89: {  	[spmem:s1] =	stream.indirect.scatter.add.f32 [tilespmem:s5], [sflag:$0x2], $0x80, s3, s30, $0xb8;
	[tilespmem:$0x1CD00] =	vst v63  }
0x8a: {  	_ =	swait.ge [sflag:s2], $0x4000  }
0x8b: {  	[sflag:s2] =	ssyncset.done $0x0  }
0x8c: {  	[sflag:s2] =	ssyncadd.s32 $0xFFFFC000  }
0x8d: {  	_ =	swait.ge [sflag:s4], $0x4000  }
0x8e: {  	[sflag:s4] =	ssyncset.done $0x0  }
0x8f: {  	[sflag:s4] =	ssyncadd.s32 $0xFFFFC000  }
0x90: {  	[spmem:s1] =	stream.indirect.scatter.add.f32 [tilespmem:s0], [sflag:$0x2], $0x80, s30, s30, $0xb8;
	[tilespmem:$0x1CD00] =	vst v63  }
0x91: {  	_ =	swait.ge [sflag:s4], $0x4000  }
0x92: {  	[sflag:s4] =	ssyncset.done $0x0  }
0x93: {  	s11 =	simm.s32 $0x8400;
	s6 =	rddreg [dreg:$0xe];
	[sflag:s4] =	ssyncadd.s32 $0xFFFFC000  }
0x94: {  	[tilespmem:s11], [sflag:$0x3] =	stream.linear.gather [hbm4b:s6+s3], $0x10, $0x38;
	[tilespmem:$0x1CD00] =	vst v63  }
0x95: {  	_ =	swait.ge [sflag:s28], $0x10  }
0x96: {  	[sflag:s28] =	ssyncset.done $0x0  }
0x97: {  	s13 =	rddreg [dreg:$0xf];
	[sflag:s28] =	ssyncadd.s32 $0xFFFFFFF0  }
0x98: {  	[tilespmem:s7], [sflag:$0x3] =	stream.linear.gather [hbm4b:s13+s3], $0x10, $0x38;
	[tilespmem:$0x1CD00] =	vst v63  }
0x99: {  	_ =	swait.ge [sflag:s28], $0x10  }
0x9a: {  	[sflag:s28] =	ssyncset.done $0x0  }
0x9b: {  	[sflag:s28] =	ssyncadd.s32 $0xFFFFFFF0  }
0x9c: {  	[tilespmem:s9], [sflag:$0x1] =	stream.indirect.gather [hbm4b:s19+s8], $0x80, s7, s8, $0xb8;
	[tilespmem:$0x1CD00] =	vst v63  }
0x9d: {  	_ =	swait.ge [sflag:s2], $0x800  }
0x9e: {  	[sflag:s2] =	ssyncset.done $0x0  }
0x9f: {  	[sflag:s2] =	ssyncadd.s32 $0xFFFFF800  }
0xa0: {  	[spmem:s1] =	stream.indirect.scatter.add.f32 [tilespmem:s9], [sflag:$0x3], $0x80, s11, s8, $0xb8;
	[tilespmem:$0x1CD00] =	vst v63  }
0xa1: {  	_ =	swait.ge [sflag:s28], $0x800  }
0xa2: {  	[sflag:s28] =	ssyncset.done $0x0  }
0xa3: {  	[sflag:s28] =	ssyncadd.s32 $0xFFFFF800  }
0xa4: {  	[bflag:$0x0] =	sbarrier.arrive $0xFFFF  }
0xa5: {  	[tilespmem:s5], [sflag:$0x3] =	stream.linear.gather [spmem:s21], $0x4000, $0x38;
	[tilespmem:$0x1CD00] =	vst v63  }
0xa6: {  	_ =	swait.ge [sflag:s28], $0x4000  }
0xa7: {  	[sflag:s28] =	ssyncset.done $0x0  }
0xa8: {  	s14 =	rddreg [dreg:$0x9];
	[sflag:s28] =	ssyncadd.s32 $0xFFFFC000  }
0xa9: {  	[hbm4b:s14+s3] =	stream.linear.scatter [tilespmem:s5], [sflag:$0x1], $0x4000, $0x38;
	[tilespmem:$0x1CD00] =	vst v63  }
0xaa: {  	_ = 	snop  }
0xab: {  	[tilespmem:s0], [sflag:$0x3] =	stream.linear.gather [spmem:s22], $0x4000, $0x38;
	[tilespmem:$0x1CD00] =	vst v63  }
0xac: {  	_ =	swait.ge [sflag:s28], $0x4000  }
0xad: {  	[sflag:s28] =	ssyncset.done $0x0  }
0xae: {  	[sflag:s28] =	ssyncadd.s32 $0xFFFFC000  }
0xaf: {  	_ =	swait.ge [sflag:s2], $0x4000  }
0xb0: {  	[sflag:s2] =	ssyncset.done $0x0  }
0xb1: {  	s15 =	rddreg [dreg:$0xa];
	[sflag:s2] =	ssyncadd.s32 $0xFFFFC000  }
0xb2: {  	[hbm4b:s15+s3] =	stream.linear.scatter [tilespmem:s0], [sflag:$0x1], $0x4000, $0x38;
	[tilespmem:$0x1CD00] =	vst v63  }
0xb3: {  	_ = 	snop  }
0xb4: {  	[tilespmem:s5], [sflag:$0x3] =	stream.linear.gather [spmem:s23], $0x4000, $0x38;
	[tilespmem:$0x1CD00] =	vst v63  }
0xb5: {  	_ =	swait.ge [sflag:s28], $0x4000  }
0xb6: {  	[sflag:s28] =	ssyncset.done $0x0  }
0xb7: {  	[sflag:s28] =	ssyncadd.s32 $0xFFFFC000  }
0xb8: {  	_ =	swait.ge [sflag:s2], $0x4000  }
0xb9: {  	[sflag:s2] =	ssyncset.done $0x0  }
0xba: {  	s16 =	rddreg [dreg:$0xb];
	[sflag:s2] =	ssyncadd.s32 $0xFFFFC000  }
0xbb: {  	[hbm4b:s16+s3] =	stream.linear.scatter [tilespmem:s5], [sflag:$0x1], $0x4000, $0x38;
	[tilespmem:$0x1CD00] =	vst v63  }
0xbc: {  	_ = 	snop  }
0xbd: {  	[tilespmem:s0], [sflag:$0x3] =	stream.linear.gather [spmem:s24], $0x4000, $0x38;
	[tilespmem:$0x1CD00] =	vst v63  }
0xbe: {  	_ =	swait.ge [sflag:s28], $0x4000  }
0xbf: {  	[sflag:s28] =	ssyncset.done $0x0  }
0xc0: {  	[sflag:s28] =	ssyncadd.s32 $0xFFFFC000  }
0xc1: {  	_ =	swait.ge [sflag:s2], $0x4000  }
0xc2: {  	[sflag:s2] =	ssyncset.done $0x0  }
0xc3: {  	s20 =	rddreg [dreg:$0xc];
	[sflag:s2] =	ssyncadd.s32 $0xFFFFC000  }
0xc4: {  	[hbm4b:s20+s3] =	stream.linear.scatter [tilespmem:s0], [sflag:$0x1], $0x4000, $0x38;
	[tilespmem:$0x1CD00] =	vst v63  }
0xc5: {  	_ = 	snop  }
0xc6: {  	[tilespmem:s5], [sflag:$0x3] =	stream.linear.gather [spmem:s25], $0x4000, $0x38;
	[tilespmem:$0x1CD00] =	vst v63  }
0xc7: {  	_ =	swait.ge [sflag:s28], $0x4000  }
0xc8: {  	[sflag:s28] =	ssyncset.done $0x0  }
0xc9: {  	[sflag:s28] =	ssyncadd.s32 $0xFFFFC000  }
0xca: {  	_ =	swait.ge [sflag:s2], $0x4000  }
0xcb: {  	[sflag:s2] =	ssyncset.done $0x0  }
0xcc: {  	s26 =	rddreg [dreg:$0xd];
	[sflag:s2] =	ssyncadd.s32 $0xFFFFC000  }
0xcd: {  	[hbm4b:s26+s3] =	stream.linear.scatter [tilespmem:s5], [sflag:$0x1], $0x4000, $0x38;
	[tilespmem:$0x1CD00] =	vst v63  }
0xce: {  	_ =	swait.ge [sflag:s2], $0x4000  }
0xcf: {  	s10 =	sadd.s32 $0x1, s10;
	s29 =	rddreg [dreg:$0x11]  }
0xd0: {  	p0 =	sne.s32 s10, s29  }
.Ltmp1:
0xd1: {  	_ = 	snop;
	(pc) =	sbr.rel @p0 .LBB2_1-.Ltmp1, $3  }
0xd2: {  	_ =	sdelay $0x1  }
0xd3: {  	[sflag:s2] =	ssyncset.done $0x0  }
0xd4: {  	[sflag:s2] =	ssyncadd.s32 $0xFFFFC000  }
0xd5: {  	_ =	sfence.sel $0x180000  }
0xd6: {  	[bflag:$0x0] =	sbarrier.arrive $0xFFFF  }
0xd7: {  	_ =	strace $0x9000004D  }
0xd8: {  	s0 =	stileid.u32;
	[bflag:$0x2] =	sbarrier.arrive $0xFFFF  }
0xd9: {  	p0 =	sne.s32 s0, $0x0;
	s0 =	rddreg [dreg:$0x2]  }
0xda: {  	s0 =	sadd.s32 @!p0 $0x100000, s0  }
0xdb: {  	[sflag:s0] =	ssyncadd.tile.s32 @!p0 $0x1;
	_ =	shalt  }
.Lfunc_end2:
_tile_overlayer_lowered:
.L_overlay_start_2:
0xdc: {  	(tag) =	ssettag $0x2  }
0xdd: {  	s0 =	rddreg [dreg:$0x0];
	s2 =	stileid.u32  }
0xde: {  	s1 =	rddreg [dreg:$0x1];
	p0 =	sne.s32 s2, $0x0  }
0xdf: {  	s3 =	rddreg [dreg:$0x2];
	[bflag:$0x3] =	sbarrier.arrive $0xFFFF;
	s2 =	simm.s32 @!p0 $0x1C03  }
0xe0: {  	[timem:s3], [sflag:s2] =	dma.local @!p0 [hbm:s0], s1  }
0xe1: {  	s0 =	simm.s32 @!p0 $0x3  }
0xe2: {  	_ =	swait.ge @!p0 [sflag:s0], s1  }
0xe3: {  	s1 =	ssub.s32 @!p0 $0x0, s1;
	[sflag:s0] =	ssyncset.done @!p0 $0x0  }
0xe4: {  	[sflag:s0] =	ssyncadd.s32 @!p0 s1  }
0xe5: {  	[bflag:$0x3] =	sbarrier.arrive $0xFFFF  }
0xe6: {  	_ =	shalt  }

</sc_bundles>
